<compile_context>
chip_gen: v7x
topology: tpu7x:2x2x1
jax: 0.10.2.dev20260603
libtpu: 0.0.44.dev20260713+nightly
codegen_flags: <defaults>
</compile_context>

<pallas_src>
import functools

import jax
import jax.numpy as jnp
from jax import lax
from jax.experimental import pallas as pl
from jax.experimental.pallas import tpu as pltpu
from jax.experimental.pallas import tpu_sc as plsc

F32 = jnp.float32
NC, NS = 2, 16
NW = NC * NS
EC = 80


def _mesh():
    return plsc.VectorSubcoreMesh(core_axis_name="c", subcore_axis_name="s")


@functools.cache
def _sc_gather2(n_nodes, d, n_edges):
    per_w = n_edges // NW
    iters = per_w // EC

    @functools.partial(
        pl.kernel,
        out_type=[jax.ShapeDtypeStruct((n_edges, d), F32),
                  jax.ShapeDtypeStruct((n_edges, d), F32)],
        mesh=_mesh(),
        scratch_types=[
            pltpu.VMEM((iters, EC), jnp.int32),
            pltpu.VMEM((iters, EC), jnp.int32),
            pltpu.VMEM((2, EC, d), F32),
            pltpu.VMEM((2, EC, d), F32),
            pltpu.SemaphoreType.DMA((2,)),
            pltpu.SemaphoreType.DMA((2,)),
        ],
    )
    def k(table, src3, dst3, xi, xj, idxs, idxd, rows_i, rows_j, gsem, wsem):
        wid = lax.axis_index("s") * NC + lax.axis_index("c")
        base = wid * per_w
        pltpu.sync_copy(src3.at[wid], idxs)
        pltpu.sync_copy(dst3.at[wid], idxd)

        def gath(ch, slot):
            a = pltpu.make_async_copy(table.at[idxs.at[ch]], rows_i.at[slot],
                                      gsem.at[slot])
            b = pltpu.make_async_copy(table.at[idxd.at[ch]], rows_j.at[slot],
                                      gsem.at[slot])
            return a, b

        def wrt(ch, slot):
            a = pltpu.make_async_copy(rows_i.at[slot],
                                      xi.at[pl.ds(base + ch * EC, EC)],
                                      wsem.at[slot])
            b = pltpu.make_async_copy(rows_j.at[slot],
                                      xj.at[pl.ds(base + ch * EC, EC)],
                                      wsem.at[slot])
            return a, b

        a0, b0 = gath(0, 0)
        a0.start()
        b0.start()

        def body(kk, carry):
            s = lax.rem(kk, 2)
            ns = 1 - s

            @pl.when(kk >= 1)
            def _drain_writes():
                a, b = wrt(kk - 1, ns)
                a.wait()
                b.wait()

            @pl.when(kk + 1 < iters)
            def _next_gather():
                a, b = gath(kk + 1, ns)
                a.start()
                b.start()

            a, b = gath(kk, s)
            a.wait()
            b.wait()
            wa, wb = wrt(kk, s)
            wa.start()
            wb.start()
            return carry

        lax.fori_loop(0, iters, body, 0)
        a, b = wrt(iters - 1, (iters - 1) % 2)
        a.wait()
        b.wait()

    return k


@functools.cache
def _sc_scatter(n_nodes, dm, n_edges):
    per_w = n_edges // NW
    iters = per_w // EC
    nchunks = n_nodes // EC
    per_tile_chunks = (nchunks + NS - 1) // NS

    @functools.partial(
        pl.kernel,
        out_type=jax.ShapeDtypeStruct((2 * n_nodes, dm), F32),
        mesh=_mesh(),
        scratch_types=[
            pltpu.VMEM((iters, EC), jnp.int32),
            pltpu.VMEM((2, EC, dm), F32),
            pltpu.VMEM_SHARED((n_nodes, dm), F32),
            pltpu.SemaphoreType.DMA((2,)),
        ],
    )
    def k(msg, dst3, zeros, out, idx, rows, acc, lsem):
        cid = lax.axis_index("c")
        sid = lax.axis_index("s")
        wid = sid * NC + cid
        base = wid * per_w

        pltpu.sync_copy(zeros, rows.at[0])

        def zbody(m, carry):
            ch = m * NS + sid

            @pl.when(ch < nchunks)
            def _():
                pltpu.sync_copy(rows.at[0], acc.at[pl.ds(ch * EC, EC)])

            return carry

        lax.fori_loop(0, per_tile_chunks, zbody, 0)
        pltpu.sync_copy(dst3.at[wid], idx)
        plsc.subcore_barrier()

        def load(ch, slot):
            return pltpu.make_async_copy(msg.at[pl.ds(base + ch * EC, EC)],
                                         rows.at[slot], lsem.at[slot])

        load(0, 0).start()

        def body(kk, carry):
            s = lax.rem(kk, 2)
            ns = 1 - s
            load(kk, s).wait()

            @pl.when(kk + 1 < iters)
            def _next_load():
                load(kk + 1, ns).start()

            pltpu.sync_copy(rows.at[s], acc.at[idx.at[kk]], add=True)
            return carry

        lax.fori_loop(0, iters, body, 0)
        plsc.subcore_barrier()

        def dbody(m, carry):
            ch = m * NS + sid

            @pl.when(ch < nchunks)
            def _():
                pltpu.sync_copy(acc.at[pl.ds(ch * EC, EC)], rows.at[0])
                pltpu.sync_copy(rows.at[0],
                                out.at[pl.ds(cid * n_nodes + ch * EC, EC)])

            return carry

        lax.fori_loop(0, per_tile_chunks, dbody, 0)

    return k


def _dot(a, b):
    return lax.dot_general(a, b, (((1,), (0,)), ((), ())),
                           preferred_element_type=F32)


def _edge_call(xi, xj, ea2, wrelp, w1p, w2, w3, bf, wr, br, d_true):
    n_edges, d = xi.shape
    dm = d if wrelp is None else wrelp.shape[1]
    blk = 512
    grid = n_edges // blk
    use_w = wrelp is not None

    def body(*refs):
        if use_w:
            (xi_r, xj_r, ea_r, wrelp_r, w1_r, w2_r, w3_r, bf_r, wr_r, br_r,
             ean_r, msg_r) = refs
        else:
            (xi_r, xj_r, ea_r, w1_r, w2_r, w3_r, bf_r, wr_r, br_r,
             ean_r, msg_r) = refs
        xi_v = xi_r[...]
        ea_v = ea_r[...]
        dq = xi_v - xj_r[...]
        h = _dot(dq * dq, w1_r[...])
        h = h + xi_v[:, d_true - 1:d_true] * w2_r[...] + ea_v * w3_r[...] \
            + bf_r[...]
        h = jnp.maximum(h, 0.0)
        ean_r[...] = _dot(h, wr_r[...]) + br_r[...]
        g_v = _dot(xi_v, wrelp_r[...]) if use_w else xi_v
        msg_r[...] = g_v * ea_v

    nh = w1p.shape[1]
    full = lambda shape: pl.BlockSpec(shape, lambda i: (0, 0))
    espec = lambda w: pl.BlockSpec((blk, w), lambda i: (i, 0))
    in_specs = [espec(d), espec(d), espec(1)]
    args = [xi, xj, ea2]
    if use_w:
        in_specs.append(full(wrelp.shape))
        args.append(wrelp)
    in_specs += [full(w1p.shape), full((1, nh)), full((1, nh)),
                 full((1, nh)), full(wr.shape), full((1, 1))]
    args += [w1p, w2, w3, bf, wr, br]

    return pl.pallas_call(
        body,
        grid=(grid,),
        in_specs=in_specs,
        out_specs=[espec(1), espec(dm)],
        out_shape=[jax.ShapeDtypeStruct((n_edges, 1), F32),
                   jax.ShapeDtypeStruct((n_edges, dm), F32)],
    )(*args)


def _node_call(parts, x, wrel, wroot, brel, dm_true, relu, commute):
    n_nodes, d = x.shape
    dm = parts.shape[1]
    dout = wroot.shape[1]
    blk = 1000
    grid = n_nodes // blk

    def body(*refs):
        if commute:
            p0_r, p1_r, x_r, wroot_r, b_r, o_r = refs
            agg = (p0_r[...] + p1_r[...])[:, :dm_true]
        else:
            p0_r, p1_r, x_r, wrel_r, wroot_r, b_r, o_r = refs
            agg = _dot((p0_r[...] + p1_r[...])[:, :dm_true], wrel_r[...])
        t = agg + _dot(x_r[...], wroot_r[...]) + b_r[...]
        if relu:
            t = jnp.maximum(t, 0.0)
        o_r[...] = t

    full = lambda shape: pl.BlockSpec(shape, lambda i: (0, 0))
    in_specs = [pl.BlockSpec((blk, dm), lambda i: (i, 0)),
                pl.BlockSpec((blk, dm), lambda i, _g=grid: (i + _g, 0)),
                pl.BlockSpec((blk, d), lambda i: (i, 0))]
    args = [parts, parts, x]
    if not commute:
        in_specs.append(full(wrel.shape))
        args.append(wrel)
    in_specs += [full(wroot.shape), full((1, dout))]
    args += [wroot, brel.reshape(1, dout)]

    return pl.pallas_call(
        body,
        grid=(grid,),
        in_specs=in_specs,
        out_specs=pl.BlockSpec((blk, dout), lambda i: (i, 0)),
        out_shape=jax.ShapeDtypeStruct((n_nodes, dout), F32),
    )(*args)


def _edge_weights(fw, fb, rw, rb, d_true, dpad, nh):
    w1p = jnp.concatenate(
        [fw[:d_true - 1], jnp.zeros((dpad - d_true + 1, nh), F32)], axis=0)
    w2 = fw[d_true - 1:d_true]
    w3 = fw[d_true:d_true + 1]
    return w1p, w2, w3, fb.reshape(1, nh), rw, rb.reshape(1, 1)


def kernel(x, edge_index, edge_attr, c1_Wrel, c1_brel, c1_Wroot, c2_Wrel, c2_brel, c2_Wroot, c3_Wrel, c3_brel, c3_Wroot, c4_Wrel, c4_brel, c4_Wroot, f1_W, f1_b, r1_W, r1_b, f2_W, f2_b, r2_W, r2_b, f3_W, f3_b, r3_W, r3_b, f4_W, f4_b, r4_W, r4_b):
    n_nodes, _ = x.shape
    n_edges = edge_index.shape[1]
    src3 = edge_index[0].reshape(NW, -1, EC)
    dst3 = edge_index[1].reshape(NW, -1, EC)

    layers = [
        (c1_Wrel, c1_brel, c1_Wroot, f1_W, f1_b, r1_W, r1_b, True, False),
        (c2_Wrel, c2_brel, c2_Wroot, f2_W, f2_b, r2_W, r2_b, True, False),
        (c3_Wrel, c3_brel, c3_Wroot, f3_W, f3_b, r3_W, r3_b, True, True),
        (c4_Wrel, c4_brel, c4_Wroot, f4_W, f4_b, r4_W, r4_b, False, False),
    ]

    xc = x
    ea2 = edge_attr.reshape(n_edges, 1)
    for (wrel, brel, wroot, fw, fb, rw, rb, relu, commute) in layers:
        d = xc.shape[1]
        nh = fw.shape[1]
        dm = wrel.shape[1] if commute else d
        dpad = max(d, 128)
        xc_t = xc if d == dpad else jnp.pad(xc, ((0, 0), (0, dpad - d)))

        xi, xj = _sc_gather2(n_nodes, dpad, n_edges)(xc_t, src3, dst3)
        if commute:
            dmp = max(dm, 128)
            wrelp = jnp.pad(wrel, ((0, dpad - d), (0, dmp - dm)))
        else:
            wrelp = None
            dmp = dpad
        w1p, w2, w3, bf, wr, br = _edge_weights(fw, fb, rw, rb, d, dpad, nh)
        ean, msg = _edge_call(xi, xj, ea2, wrelp, w1p, w2, w3, bf, wr, br, d)
        parts = _sc_scatter(n_nodes, dmp, n_edges)(
            msg, dst3, jnp.zeros((EC, dmp), F32))
        xc = _node_call(parts, xc, wrel, wroot, brel, dm, relu, commute)
        ea2 = ean

    return xc, ea2.reshape(n_edges)

# --- scband reference (transcript-rebuilt; emitter-appended) ---
"""Pipeline reference for scband-gnn-46651934769467 (READ-ONLY COPY).

The authoritative reference and input builder live on the scoring server;
editing this copy changes nothing except your own understanding.
"""

import jax, jax.numpy as jnp
import numpy as np

N_NODES = 10000
N_EDGES = 320000
D_IN = 128

_PARAM_SHAPES = {
    "c1_Wrel": (128, 128), "c1_brel": (128,), "c1_Wroot": (128, 128),
    "c2_Wrel": (128, 256), "c2_brel": (256,), "c2_Wroot": (128, 256),
    "c3_Wrel": (256, 64), "c3_brel": (64,), "c3_Wroot": (256, 64),
    "c4_Wrel": (64, 124), "c4_brel": (124,), "c4_Wroot": (64, 124),
    "f1_W": (129, 64), "f1_b": (64,), "r1_W": (64, 1), "r1_b": (1,),
    "f2_W": (129, 128), "f2_b": (128,), "r2_W": (128, 1), "r2_b": (1,),
    "f3_W": (257, 64), "f3_b": (64,), "r3_W": (64, 1), "r3_b": (1,),
    "f4_W": (65, 32), "f4_b": (32,), "r4_W": (32, 1), "r4_b": (1,),
}

def setup_inputs(seed: int = 0):
    key = jax.random.key(seed)
    inp = {}
    inp["x"] = jax.random.normal(jax.random.fold_in(key, 0), (N_NODES, D_IN), dtype=jnp.float32)
    inp["edge_index"] = jax.random.randint(jax.random.fold_in(key, 1), (2, N_EDGES), 0, N_NODES, dtype=jnp.int32)
    inp["edge_attr"] = jax.random.uniform(jax.random.fold_in(key, 2), (N_EDGES,), dtype=jnp.float32)
    for i, (name, shape) in enumerate(_PARAM_SHAPES.items()):
        scale = 1.0 / float(np.sqrt(shape[0]))
        inp[name] = jax.random.uniform(jax.random.fold_in(key, 10 + i), shape, dtype=jnp.float32, minval=-scale, maxval=scale)
    return inp

def _gconv(x, ew, src, dst, Wrel, brel, Wroot):
    # PyG GraphConv: out[i] = lin_rel(sum_{e: dst(e)=i} w_e * x[src(e)]) + lin_root(x[i])
    msg = x[src] * ew[:, None]
    agg = jax.ops.segment_sum(msg, dst, num_segments=x.shape[0])
    return agg @ Wrel + brel + x @ Wroot

def _efwd(x, ea, src, dst, Wf, bf, Wr, br):
    x_i = x[src]
    x_j = x[dst]
    feat = jnp.concatenate([(x_i[:, :-1] - x_j[:, :-1]) ** 2, x_i[:, -1:], ea.reshape(-1, 1)], axis=1)
    h = jax.nn.relu(feat @ Wf + bf)
    return (h @ Wr + br).ravel()

def reference(x, edge_index, edge_attr, c1_Wrel, c1_brel, c1_Wroot, c2_Wrel, c2_brel, c2_Wroot, c3_Wrel, c3_brel, c3_Wroot, c4_Wrel, c4_brel, c4_Wroot, f1_W, f1_b, r1_W, r1_b, f2_W, f2_b, r2_W, r2_b, f3_W, f3_b, r3_W, r3_b, f4_W, f4_b, r4_W, r4_b):
    src, dst = edge_index[0], edge_index[1]
    x1 = jax.nn.relu(_gconv(x, edge_attr, src, dst, c1_Wrel, c1_brel, c1_Wroot))
    ea1 = _efwd(x, edge_attr, src, dst, f1_W, f1_b, r1_W, r1_b)
    x2 = jax.nn.relu(_gconv(x1, ea1, src, dst, c2_Wrel, c2_brel, c2_Wroot))
    ea2 = _efwd(x1, ea1, src, dst, f2_W, f2_b, r2_W, r2_b)
    x3 = jax.nn.relu(_gconv(x2, ea2, src, dst, c3_Wrel, c3_brel, c3_Wroot))
    ea3 = _efwd(x2, ea2, src, dst, f3_W, f3_b, r3_W, r3_b)
    x4 = _gconv(x3, ea3, src, dst, c4_Wrel, c4_brel, c4_Wroot)
    ea4 = _efwd(x3, ea3, src, dst, f4_W, f4_b, r4_W, r4_b)
    return (x4, ea4)

if __name__ == "__main__":
    import jax
    _d = setup_inputs()
    print(jax.jit(kernel)(*tuple(_d.values())))

</pallas_src>

<mosaic_0001>
#map = affine_map<(d0, d1) -> (0, 0)>
#map1 = affine_map<(d0, d1) -> (0, 0, 0)>
module attributes {stable_mosaic.version = 14 : i64} {
  func.func @k(%arg0: i32, %arg1: i32, %arg2: memref<10000x128xf32, #tpu.memory_space<hbm>>, %arg3: memref<32x125x80xi32, #tpu.memory_space<hbm>>, %arg4: memref<32x125x80xi32, #tpu.memory_space<hbm>>, %arg5: memref<320000x128xf32, #tpu.memory_space<hbm>>, %arg6: memref<320000x128xf32, #tpu.memory_space<hbm>>, %arg7: memref<125x80xi32, #tpu.memory_space<vmem>>, %arg8: memref<125x80xi32, #tpu.memory_space<vmem>>, %arg9: memref<2x80x128xf32, #tpu.memory_space<vmem>>, %arg10: memref<2x80x128xf32, #tpu.memory_space<vmem>>, %arg11: memref<2x!tpu.dma_semaphore, #tpu.memory_space<semaphore_mem>>, %arg12: memref<2x!tpu.dma_semaphore, #tpu.memory_space<semaphore_mem>>) attributes {dimension_semantics = [#tpu.dimension_semantics<core_parallel>, #tpu.dimension_semantics<subcore_parallel>], iteration_bounds = array<i64: 2, 16>, scalar_prefetch = 0 : i64, scratch_operands = 6 : i64, tpu.core_type = #tpu.core_type<sc_vector_subcore>, window_params = [{transform_indices = #map}, {transform_indices = #map1}, {transform_indices = #map1}, {transform_indices = #map}, {transform_indices = #map}]} {
    %mul3A = arith.constant 2 : i32
    %mul3A_0 = arith.muli %arg1, %mul3A : i32
    %add3A = arith.addi %mul3A_0, %arg0 : i32
    %mul3A_1 = arith.constant 10000 : i32
    %mul3A_2 = arith.muli %add3A, %mul3A_1 : i32
    "tpu.region"() ({
      %run_scoped3A = tpu.sem_alloc : memref<!tpu.dma_semaphore, #tpu.memory_space<semaphore_mem>>
      %dma_start3A_72 = arith.constant 0 : i32
      %dma_start3A_73 = arith.constant 0 : i32
      %dma_start3A_74 = tpu.memref_slice %arg3[%add3A, %dma_start3A_72, %dma_start3A_73] : memref<32x125x80xi32, #tpu.memory_space<hbm>> -> memref<1x125x80xi32, #tpu.memory_space<hbm>>
      %dma_start3A_75 = tpu.memref_squeeze %dma_start3A_74 : memref<1x125x80xi32, #tpu.memory_space<hbm>> -> memref<125x80xi32, #tpu.memory_space<hbm>>
      %dma_start3A_76 = arith.constant 0 : i32
      %dma_start3A_77 = arith.constant 0 : i32
      %dma_start3A_78 = tpu.memref_slice %arg3[%add3A, %dma_start3A_76, %dma_start3A_77] : memref<32x125x80xi32, #tpu.memory_space<hbm>> -> memref<1x125x80xi32, #tpu.memory_space<hbm>>
      %dma_start3A_79 = tpu.memref_squeeze %dma_start3A_78 : memref<1x125x80xi32, #tpu.memory_space<hbm>> -> memref<125x80xi32, #tpu.memory_space<hbm>>
      tpu.enqueue_dma source(%dma_start3A_79 : memref<125x80xi32, #tpu.memory_space<hbm>>) target(%arg7 : memref<125x80xi32, #tpu.memory_space<vmem>>) target_semaphore(%run_scoped3A : memref<!tpu.dma_semaphore, #tpu.memory_space<semaphore_mem>>)
      %dma_wait3A_80 = arith.constant 0 : i32
      %dma_wait3A_81 = arith.constant 0 : i32
      %dma_wait3A_82 = tpu.memref_slice %arg3[%add3A, %dma_wait3A_80, %dma_wait3A_81] : memref<32x125x80xi32, #tpu.memory_space<hbm>> -> memref<1x125x80xi32, #tpu.memory_space<hbm>>
      %dma_wait3A_83 = tpu.memref_squeeze %dma_wait3A_82 : memref<1x125x80xi32, #tpu.memory_space<hbm>> -> memref<125x80xi32, #tpu.memory_space<hbm>>
      %dma_wait3A_84 = arith.constant 0 : i32
      %dma_wait3A_85 = arith.constant 0 : i32
      %dma_wait3A_86 = tpu.memref_slice %arg3[%add3A, %dma_wait3A_84, %dma_wait3A_85] : memref<32x125x80xi32, #tpu.memory_space<hbm>> -> memref<1x125x80xi32, #tpu.memory_space<hbm>>
      %dma_wait3A_87 = tpu.memref_squeeze %dma_wait3A_86 : memref<1x125x80xi32, #tpu.memory_space<hbm>> -> memref<125x80xi32, #tpu.memory_space<hbm>>
      tpu.wait_dma2 semaphore(%run_scoped3A : memref<!tpu.dma_semaphore, #tpu.memory_space<semaphore_mem>>) src(%dma_wait3A_87 : memref<125x80xi32, #tpu.memory_space<hbm>>) dst(%arg7 : memref<125x80xi32, #tpu.memory_space<vmem>>)
      tpu.yield
    }) : () -> ()
    "tpu.region"() ({
      %run_scoped3A = tpu.sem_alloc : memref<!tpu.dma_semaphore, #tpu.memory_space<semaphore_mem>>
      %dma_start3A_72 = arith.constant 0 : i32
      %dma_start3A_73 = arith.constant 0 : i32
      %dma_start3A_74 = tpu.memref_slice %arg4[%add3A, %dma_start3A_72, %dma_start3A_73] : memref<32x125x80xi32, #tpu.memory_space<hbm>> -> memref<1x125x80xi32, #tpu.memory_space<hbm>>
      %dma_start3A_75 = tpu.memref_squeeze %dma_start3A_74 : memref<1x125x80xi32, #tpu.memory_space<hbm>> -> memref<125x80xi32, #tpu.memory_space<hbm>>
      %dma_start3A_76 = arith.constant 0 : i32
      %dma_start3A_77 = arith.constant 0 : i32
      %dma_start3A_78 = tpu.memref_slice %arg4[%add3A, %dma_start3A_76, %dma_start3A_77] : memref<32x125x80xi32, #tpu.memory_space<hbm>> -> memref<1x125x80xi32, #tpu.memory_space<hbm>>
      %dma_start3A_79 = tpu.memref_squeeze %dma_start3A_78 : memref<1x125x80xi32, #tpu.memory_space<hbm>> -> memref<125x80xi32, #tpu.memory_space<hbm>>
      tpu.enqueue_dma source(%dma_start3A_79 : memref<125x80xi32, #tpu.memory_space<hbm>>) target(%arg8 : memref<125x80xi32, #tpu.memory_space<vmem>>) target_semaphore(%run_scoped3A : memref<!tpu.dma_semaphore, #tpu.memory_space<semaphore_mem>>)
      %dma_wait3A_80 = arith.constant 0 : i32
      %dma_wait3A_81 = arith.constant 0 : i32
      %dma_wait3A_82 = tpu.memref_slice %arg4[%add3A, %dma_wait3A_80, %dma_wait3A_81] : memref<32x125x80xi32, #tpu.memory_space<hbm>> -> memref<1x125x80xi32, #tpu.memory_space<hbm>>
      %dma_wait3A_83 = tpu.memref_squeeze %dma_wait3A_82 : memref<1x125x80xi32, #tpu.memory_space<hbm>> -> memref<125x80xi32, #tpu.memory_space<hbm>>
      %dma_wait3A_84 = arith.constant 0 : i32
      %dma_wait3A_85 = arith.constant 0 : i32
      %dma_wait3A_86 = tpu.memref_slice %arg4[%add3A, %dma_wait3A_84, %dma_wait3A_85] : memref<32x125x80xi32, #tpu.memory_space<hbm>> -> memref<1x125x80xi32, #tpu.memory_space<hbm>>
      %dma_wait3A_87 = tpu.memref_squeeze %dma_wait3A_86 : memref<1x125x80xi32, #tpu.memory_space<hbm>> -> memref<125x80xi32, #tpu.memory_space<hbm>>
      tpu.wait_dma2 semaphore(%run_scoped3A : memref<!tpu.dma_semaphore, #tpu.memory_space<semaphore_mem>>) src(%dma_wait3A_87 : memref<125x80xi32, #tpu.memory_space<hbm>>) dst(%arg8 : memref<125x80xi32, #tpu.memory_space<vmem>>)
      tpu.yield
    }) : () -> ()
    %dma_start3A = arith.constant 0 : i32
    %dma_start3A_3 = arith.constant 0 : i32
    %dma_start3A_4 = arith.constant 0 : i32
    %dma_start3A_5 = arith.constant 0 : i32
    %dma_start3A_6 = arith.constant 0 : i32
    %dma_start3A_7 = tpu.memref_slice %arg9[%dma_start3A_3, %dma_start3A_5, %dma_start3A_6] : memref<2x80x128xf32, #tpu.memory_space<vmem>> -> memref<1x80x128xf32, #tpu.memory_space<vmem>>
    %dma_start3A_8 = tpu.memref_squeeze %dma_start3A_7 : memref<1x80x128xf32, #tpu.memory_space<vmem>> -> memref<80x128xf32, #tpu.memory_space<vmem>>
    %dma_start3A_9 = arith.constant 0 : i32
    %dma_start3A_10 = tpu.memref_slice %arg7[%dma_start3A, %dma_start3A_9] : memref<125x80xi32, #tpu.memory_space<vmem>> -> memref<1x80xi32, #tpu.memory_space<vmem>>
    %dma_start3A_11 = tpu.memref_squeeze %dma_start3A_10 : memref<1x80xi32, #tpu.memory_space<vmem>> -> memref<80xi32, #tpu.memory_space<vmem>>
    %dma_start3A_12 = arith.constant 0 : i32
    %dma_start3A_13 = arith.constant 0 : i32
    %dma_start3A_14 = tpu.memref_slice %arg2[%dma_start3A_12, %dma_start3A_13] : memref<10000x128xf32, #tpu.memory_space<hbm>> -> memref<10000x128xf32, #tpu.memory_space<hbm>>
    %dma_start3A_15 = tpu.memref_slice %arg11[%dma_start3A_4] : memref<2x!tpu.dma_semaphore, #tpu.memory_space<semaphore_mem>> -> memref<1x!tpu.dma_semaphore, #tpu.memory_space<semaphore_mem>>
    %dma_start3A_16 = tpu.memref_squeeze %dma_start3A_15 : memref<1x!tpu.dma_semaphore, #tpu.memory_space<semaphore_mem>> -> memref<!tpu.dma_semaphore, #tpu.memory_space<semaphore_mem>>
    tpu.enqueue_indirect_dma source(%dma_start3A_14 : memref<10000x128xf32, #tpu.memory_space<hbm>>) target(%dma_start3A_8 : memref<80x128xf32, #tpu.memory_space<vmem>>) offsets(%dma_start3A_11 : memref<80xi32, #tpu.memory_space<vmem>>) semaphore(%dma_start3A_16 : memref<!tpu.dma_semaphore, #tpu.memory_space<semaphore_mem>>)
    %dma_start3A_17 = arith.constant 0 : i32
    %dma_start3A_18 = arith.constant 0 : i32
    %dma_start3A_19 = arith.constant 0 : i32
    %dma_start3A_20 = arith.constant 0 : i32
    %dma_start3A_21 = arith.constant 0 : i32
    %dma_start3A_22 = tpu.memref_slice %arg10[%dma_start3A_18, %dma_start3A_20, %dma_start3A_21] : memref<2x80x128xf32, #tpu.memory_space<vmem>> -> memref<1x80x128xf32, #tpu.memory_space<vmem>>
    %dma_start3A_23 = tpu.memref_squeeze %dma_start3A_22 : memref<1x80x128xf32, #tpu.memory_space<vmem>> -> memref<80x128xf32, #tpu.memory_space<vmem>>
    %dma_start3A_24 = arith.constant 0 : i32
    %dma_start3A_25 = tpu.memref_slice %arg8[%dma_start3A_17, %dma_start3A_24] : memref<125x80xi32, #tpu.memory_space<vmem>> -> memref<1x80xi32, #tpu.memory_space<vmem>>
    %dma_start3A_26 = tpu.memref_squeeze %dma_start3A_25 : memref<1x80xi32, #tpu.memory_space<vmem>> -> memref<80xi32, #tpu.memory_space<vmem>>
    %dma_start3A_27 = arith.constant 0 : i32
    %dma_start3A_28 = arith.constant 0 : i32
    %dma_start3A_29 = tpu.memref_slice %arg2[%dma_start3A_27, %dma_start3A_28] : memref<10000x128xf32, #tpu.memory_space<hbm>> -> memref<10000x128xf32, #tpu.memory_space<hbm>>
    %dma_start3A_30 = tpu.memref_slice %arg11[%dma_start3A_19] : memref<2x!tpu.dma_semaphore, #tpu.memory_space<semaphore_mem>> -> memref<1x!tpu.dma_semaphore, #tpu.memory_space<semaphore_mem>>
    %dma_start3A_31 = tpu.memref_squeeze %dma_start3A_30 : memref<1x!tpu.dma_semaphore, #tpu.memory_space<semaphore_mem>> -> memref<!tpu.dma_semaphore, #tpu.memory_space<semaphore_mem>>
    tpu.enqueue_indirect_dma source(%dma_start3A_29 : memref<10000x128xf32, #tpu.memory_space<hbm>>) target(%dma_start3A_23 : memref<80x128xf32, #tpu.memory_space<vmem>>) offsets(%dma_start3A_26 : memref<80xi32, #tpu.memory_space<vmem>>) semaphore(%dma_start3A_31 : memref<!tpu.dma_semaphore, #tpu.memory_space<semaphore_mem>>)
    %scan3A = arith.constant 0 : i32
    %scan3A_32 = arith.constant 0 : i32
    %scan3A_33 = arith.constant 125 : i32
    %scan3A_34 = arith.addi %scan3A_32, %scan3A_33 : i32
    %scan3A_35 = arith.constant 1 : i32
    scf.for %scan3A_72 = %scan3A_32 to %scan3A_34 step %scan3A_35  : i32 {
      %rem3A = arith.constant 2 : i32
      %rem3A_73 = arith.remsi %scan3A_72, %rem3A : i32
      %sub3A = arith.constant 1 : i32
      %sub3A_74 = arith.subi %sub3A, %rem3A_73 : i32
      %ge3A = arith.constant 1 : i32
      %ge3A_75 = arith.cmpi sge, %scan3A_72, %ge3A : i32
      %convert_element_type3A = arith.extui %ge3A_75 : i1 to i32
      %cond3A = arith.constant 0 : i32
      %cond3A_76 = arith.cmpi ne, %convert_element_type3A, %cond3A : i32
      scf.if %cond3A_76 {
        %sub3A_141 = arith.constant 1 : i32
        %sub3A_142 = arith.subi %scan3A_72, %sub3A_141 : i32
        %mul3A_143 = arith.constant 80 : i32
        %mul3A_144 = arith.muli %sub3A_142, %mul3A_143 : i32
        %add3A_145 = arith.addi %mul3A_2, %mul3A_144 : i32
        %mul3A_146 = arith.constant 80 : i32
        %mul3A_147 = arith.muli %sub3A_142, %mul3A_146 : i32
        %add3A_148 = arith.addi %mul3A_2, %mul3A_147 : i32
        %dma_wait3A_149 = arith.constant 0 : i32
        %dma_wait3A_150 = arith.constant 0 : i32
        %dma_wait3A_151 = tpu.memref_slice %arg9[%sub3A_74, %dma_wait3A_149, %dma_wait3A_150] : memref<2x80x128xf32, #tpu.memory_space<vmem>> -> memref<1x80x128xf32, #tpu.memory_space<vmem>>
        %dma_wait3A_152 = tpu.memref_squeeze %dma_wait3A_151 : memref<1x80x128xf32, #tpu.memory_space<vmem>> -> memref<80x128xf32, #tpu.memory_space<vmem>>
        %dma_wait3A_153 = arith.constant 0 : i32
        %dma_wait3A_154 = tpu.memref_slice %arg5[%add3A_145, %dma_wait3A_153] : memref<320000x128xf32, #tpu.memory_space<hbm>> -> memref<80x128xf32, #tpu.memory_space<hbm>>
        %dma_wait3A_155 = tpu.memref_slice %arg12[%sub3A_74] : memref<2x!tpu.dma_semaphore, #tpu.memory_space<semaphore_mem>> -> memref<1x!tpu.dma_semaphore, #tpu.memory_space<semaphore_mem>>
        %dma_wait3A_156 = tpu.memref_squeeze %dma_wait3A_155 : memref<1x!tpu.dma_semaphore, #tpu.memory_space<semaphore_mem>> -> memref<!tpu.dma_semaphore, #tpu.memory_space<semaphore_mem>>
        %dma_wait3A_157 = arith.constant 0 : i32
        %dma_wait3A_158 = tpu.memref_slice %arg5[%add3A_145, %dma_wait3A_157] : memref<320000x128xf32, #tpu.memory_space<hbm>> -> memref<80x128xf32, #tpu.memory_space<hbm>>
        %dma_wait3A_159 = arith.constant 0 : i32
        %dma_wait3A_160 = arith.constant 0 : i32
        %dma_wait3A_161 = tpu.memref_slice %arg9[%sub3A_74, %dma_wait3A_159, %dma_wait3A_160] : memref<2x80x128xf32, #tpu.memory_space<vmem>> -> memref<1x80x128xf32, #tpu.memory_space<vmem>>
        %dma_wait3A_162 = tpu.memref_squeeze %dma_wait3A_161 : memref<1x80x128xf32, #tpu.memory_space<vmem>> -> memref<80x128xf32, #tpu.memory_space<vmem>>
        tpu.wait_dma2 semaphore(%dma_wait3A_156 : memref<!tpu.dma_semaphore, #tpu.memory_space<semaphore_mem>>) src(%dma_wait3A_162 : memref<80x128xf32, #tpu.memory_space<vmem>>) dst(%dma_wait3A_158 : memref<80x128xf32, #tpu.memory_space<hbm>>)
        %dma_wait3A_163 = arith.constant 0 : i32
        %dma_wait3A_164 = arith.constant 0 : i32
        %dma_wait3A_165 = tpu.memref_slice %arg10[%sub3A_74, %dma_wait3A_163, %dma_wait3A_164] : memref<2x80x128xf32, #tpu.memory_space<vmem>> -> memref<1x80x128xf32, #tpu.memory_space<vmem>>
        %dma_wait3A_166 = tpu.memref_squeeze %dma_wait3A_165 : memref<1x80x128xf32, #tpu.memory_space<vmem>> -> memref<80x128xf32, #tpu.memory_space<vmem>>
        %dma_wait3A_167 = arith.constant 0 : i32
        %dma_wait3A_168 = tpu.memref_slice %arg6[%add3A_148, %dma_wait3A_167] : memref<320000x128xf32, #tpu.memory_space<hbm>> -> memref<80x128xf32, #tpu.memory_space<hbm>>
        %dma_wait3A_169 = tpu.memref_slice %arg12[%sub3A_74] : memref<2x!tpu.dma_semaphore, #tpu.memory_space<semaphore_mem>> -> memref<1x!tpu.dma_semaphore, #tpu.memory_space<semaphore_mem>>
        %dma_wait3A_170 = tpu.memref_squeeze %dma_wait3A_169 : memref<1x!tpu.dma_semaphore, #tpu.memory_space<semaphore_mem>> -> memref<!tpu.dma_semaphore, #tpu.memory_space<semaphore_mem>>
        %dma_wait3A_171 = arith.constant 0 : i32
        %dma_wait3A_172 = tpu.memref_slice %arg6[%add3A_148, %dma_wait3A_171] : memref<320000x128xf32, #tpu.memory_space<hbm>> -> memref<80x128xf32, #tpu.memory_space<hbm>>
        %dma_wait3A_173 = arith.constant 0 : i32
        %dma_wait3A_174 = arith.constant 0 : i32
        %dma_wait3A_175 = tpu.memref_slice %arg10[%sub3A_74, %dma_wait3A_173, %dma_wait3A_174] : memref<2x80x128xf32, #tpu.memory_space<vmem>> -> memref<1x80x128xf32, #tpu.memory_space<vmem>>
        %dma_wait3A_176 = tpu.memref_squeeze %dma_wait3A_175 : memref<1x80x128xf32, #tpu.memory_space<vmem>> -> memref<80x128xf32, #tpu.memory_space<vmem>>
        tpu.wait_dma2 semaphore(%dma_wait3A_170 : memref<!tpu.dma_semaphore, #tpu.memory_space<semaphore_mem>>) src(%dma_wait3A_176 : memref<80x128xf32, #tpu.memory_space<vmem>>) dst(%dma_wait3A_172 : memref<80x128xf32, #tpu.memory_space<hbm>>)
      } else {
      }
      %add3A_77 = arith.constant 1 : i32
      %add3A_78 = arith.addi %scan3A_72, %add3A_77 : i32
      %lt3A = arith.constant 125 : i32
      %lt3A_79 = arith.cmpi slt, %add3A_78, %lt3A : i32
      %convert_element_type3A_80 = arith.extui %lt3A_79 : i1 to i32
      %cond3A_81 = arith.constant 0 : i32
      %cond3A_82 = arith.cmpi ne, %convert_element_type3A_80, %cond3A_81 : i32
      scf.if %cond3A_82 {
        %add3A_141 = arith.constant 1 : i32
        %add3A_142 = arith.addi %scan3A_72, %add3A_141 : i32
        %dma_start3A_143 = arith.constant 0 : i32
        %dma_start3A_144 = arith.constant 0 : i32
        %dma_start3A_145 = tpu.memref_slice %arg9[%sub3A_74, %dma_start3A_143, %dma_start3A_144] : memref<2x80x128xf32, #tpu.memory_space<vmem>> -> memref<1x80x128xf32, #tpu.memory_space<vmem>>
        %dma_start3A_146 = tpu.memref_squeeze %dma_start3A_145 : memref<1x80x128xf32, #tpu.memory_space<vmem>> -> memref<80x128xf32, #tpu.memory_space<vmem>>
        %dma_start3A_147 = arith.constant 0 : i32
        %dma_start3A_148 = tpu.memref_slice %arg7[%add3A_142, %dma_start3A_147] : memref<125x80xi32, #tpu.memory_space<vmem>> -> memref<1x80xi32, #tpu.memory_space<vmem>>
        %dma_start3A_149 = tpu.memref_squeeze %dma_start3A_148 : memref<1x80xi32, #tpu.memory_space<vmem>> -> memref<80xi32, #tpu.memory_space<vmem>>
        %dma_start3A_150 = arith.constant 0 : i32
        %dma_start3A_151 = arith.constant 0 : i32
        %dma_start3A_152 = tpu.memref_slice %arg2[%dma_start3A_150, %dma_start3A_151] : memref<10000x128xf32, #tpu.memory_space<hbm>> -> memref<10000x128xf32, #tpu.memory_space<hbm>>
        %dma_start3A_153 = tpu.memref_slice %arg11[%sub3A_74] : memref<2x!tpu.dma_semaphore, #tpu.memory_space<semaphore_mem>> -> memref<1x!tpu.dma_semaphore, #tpu.memory_space<semaphore_mem>>
        %dma_start3A_154 = tpu.memref_squeeze %dma_start3A_153 : memref<1x!tpu.dma_semaphore, #tpu.memory_space<semaphore_mem>> -> memref<!tpu.dma_semaphore, #tpu.memory_space<semaphore_mem>>
        tpu.enqueue_indirect_dma source(%dma_start3A_152 : memref<10000x128xf32, #tpu.memory_space<hbm>>) target(%dma_start3A_146 : memref<80x128xf32, #tpu.memory_space<vmem>>) offsets(%dma_start3A_149 : memref<80xi32, #tpu.memory_space<vmem>>) semaphore(%dma_start3A_154 : memref<!tpu.dma_semaphore, #tpu.memory_space<semaphore_mem>>)
        %dma_start3A_155 = arith.constant 0 : i32
        %dma_start3A_156 = arith.constant 0 : i32
        %dma_start3A_157 = tpu.memref_slice %arg10[%sub3A_74, %dma_start3A_155, %dma_start3A_156] : memref<2x80x128xf32, #tpu.memory_space<vmem>> -> memref<1x80x128xf32, #tpu.memory_space<vmem>>
        %dma_start3A_158 = tpu.memref_squeeze %dma_start3A_157 : memref<1x80x128xf32, #tpu.memory_space<vmem>> -> memref<80x128xf32, #tpu.memory_space<vmem>>
        %dma_start3A_159 = arith.constant 0 : i32
        %dma_start3A_160 = tpu.memref_slice %arg8[%add3A_142, %dma_start3A_159] : memref<125x80xi32, #tpu.memory_space<vmem>> -> memref<1x80xi32, #tpu.memory_space<vmem>>
        %dma_start3A_161 = tpu.memref_squeeze %dma_start3A_160 : memref<1x80xi32, #tpu.memory_space<vmem>> -> memref<80xi32, #tpu.memory_space<vmem>>
        %dma_start3A_162 = arith.constant 0 : i32
        %dma_start3A_163 = arith.constant 0 : i32
        %dma_start3A_164 = tpu.memref_slice %arg2[%dma_start3A_162, %dma_start3A_163] : memref<10000x128xf32, #tpu.memory_space<hbm>> -> memref<10000x128xf32, #tpu.memory_space<hbm>>
        %dma_start3A_165 = tpu.memref_slice %arg11[%sub3A_74] : memref<2x!tpu.dma_semaphore, #tpu.memory_space<semaphore_mem>> -> memref<1x!tpu.dma_semaphore, #tpu.memory_space<semaphore_mem>>
        %dma_start3A_166 = tpu.memref_squeeze %dma_start3A_165 : memref<1x!tpu.dma_semaphore, #tpu.memory_space<semaphore_mem>> -> memref<!tpu.dma_semaphore, #tpu.memory_space<semaphore_mem>>
        tpu.enqueue_indirect_dma source(%dma_start3A_164 : memref<10000x128xf32, #tpu.memory_space<hbm>>) target(%dma_start3A_158 : memref<80x128xf32, #tpu.memory_space<vmem>>) offsets(%dma_start3A_161 : memref<80xi32, #tpu.memory_space<vmem>>) semaphore(%dma_start3A_166 : memref<!tpu.dma_semaphore, #tpu.memory_space<semaphore_mem>>)
      } else {
      }
      %dma_wait3A_83 = arith.constant 0 : i32
      %dma_wait3A_84 = arith.constant 0 : i32
      %dma_wait3A_85 = tpu.memref_slice %arg9[%rem3A_73, %dma_wait3A_83, %dma_wait3A_84] : memref<2x80x128xf32, #tpu.memory_space<vmem>> -> memref<1x80x128xf32, #tpu.memory_space<vmem>>
      %dma_wait3A_86 = tpu.memref_squeeze %dma_wait3A_85 : memref<1x80x128xf32, #tpu.memory_space<vmem>> -> memref<80x128xf32, #tpu.memory_space<vmem>>
      %dma_wait3A_87 = arith.constant 0 : i32
      %dma_wait3A_88 = tpu.memref_slice %arg7[%scan3A_72, %dma_wait3A_87] : memref<125x80xi32, #tpu.memory_space<vmem>> -> memref<1x80xi32, #tpu.memory_space<vmem>>
      %dma_wait3A_89 = tpu.memref_squeeze %dma_wait3A_88 : memref<1x80xi32, #tpu.memory_space<vmem>> -> memref<80xi32, #tpu.memory_space<vmem>>
      %dma_wait3A_90 = arith.constant 0 : i32
      %dma_wait3A_91 = arith.constant 0 : i32
      %dma_wait3A_92 = tpu.memref_slice %arg2[%dma_wait3A_90, %dma_wait3A_91] : memref<10000x128xf32, #tpu.memory_space<hbm>> -> memref<10000x128xf32, #tpu.memory_space<hbm>>
      %dma_wait3A_93 = tpu.memref_slice %arg11[%rem3A_73] : memref<2x!tpu.dma_semaphore, #tpu.memory_space<semaphore_mem>> -> memref<1x!tpu.dma_semaphore, #tpu.memory_space<semaphore_mem>>
      %dma_wait3A_94 = tpu.memref_squeeze %dma_wait3A_93 : memref<1x!tpu.dma_semaphore, #tpu.memory_space<semaphore_mem>> -> memref<!tpu.dma_semaphore, #tpu.memory_space<semaphore_mem>>
      tpu.wait_indirect_dma semaphore(%dma_wait3A_94 : memref<!tpu.dma_semaphore, #tpu.memory_space<semaphore_mem>>) src(%dma_wait3A_92 : memref<10000x128xf32, #tpu.memory_space<hbm>>) dst(%dma_wait3A_86 : memref<80x128xf32, #tpu.memory_space<vmem>>)
      %dma_wait3A_95 = arith.constant 0 : i32
      %dma_wait3A_96 = arith.constant 0 : i32
      %dma_wait3A_97 = tpu.memref_slice %arg10[%rem3A_73, %dma_wait3A_95, %dma_wait3A_96] : memref<2x80x128xf32, #tpu.memory_space<vmem>> -> memref<1x80x128xf32, #tpu.memory_space<vmem>>
      %dma_wait3A_98 = tpu.memref_squeeze %dma_wait3A_97 : memref<1x80x128xf32, #tpu.memory_space<vmem>> -> memref<80x128xf32, #tpu.memory_space<vmem>>
      %dma_wait3A_99 = arith.constant 0 : i32
      %dma_wait3A_100 = tpu.memref_slice %arg8[%scan3A_72, %dma_wait3A_99] : memref<125x80xi32, #tpu.memory_space<vmem>> -> memref<1x80xi32, #tpu.memory_space<vmem>>
      %dma_wait3A_101 = tpu.memref_squeeze %dma_wait3A_100 : memref<1x80xi32, #tpu.memory_space<vmem>> -> memref<80xi32, #tpu.memory_space<vmem>>
      %dma_wait3A_102 = arith.constant 0 : i32
      %dma_wait3A_103 = arith.constant 0 : i32
      %dma_wait3A_104 = tpu.memref_slice %arg2[%dma_wait3A_102, %dma_wait3A_103] : memref<10000x128xf32, #tpu.memory_space<hbm>> -> memref<10000x128xf32, #tpu.memory_space<hbm>>
      %dma_wait3A_105 = tpu.memref_slice %arg11[%rem3A_73] : memref<2x!tpu.dma_semaphore, #tpu.memory_space<semaphore_mem>> -> memref<1x!tpu.dma_semaphore, #tpu.memory_space<semaphore_mem>>
      %dma_wait3A_106 = tpu.memref_squeeze %dma_wait3A_105 : memref<1x!tpu.dma_semaphore, #tpu.memory_space<semaphore_mem>> -> memref<!tpu.dma_semaphore, #tpu.memory_space<semaphore_mem>>
      tpu.wait_indirect_dma semaphore(%dma_wait3A_106 : memref<!tpu.dma_semaphore, #tpu.memory_space<semaphore_mem>>) src(%dma_wait3A_104 : memref<10000x128xf32, #tpu.memory_space<hbm>>) dst(%dma_wait3A_98 : memref<80x128xf32, #tpu.memory_space<vmem>>)
      %mul3A_107 = arith.constant 80 : i32
      %mul3A_108 = arith.muli %scan3A_72, %mul3A_107 : i32
      %add3A_109 = arith.addi %mul3A_2, %mul3A_108 : i32
      %mul3A_110 = arith.constant 80 : i32
      %mul3A_111 = arith.muli %scan3A_72, %mul3A_110 : i32
      %add3A_112 = arith.addi %mul3A_2, %mul3A_111 : i32
      %dma_start3A_113 = arith.constant 0 : i32
      %dma_start3A_114 = arith.constant 0 : i32
      %dma_start3A_115 = tpu.memref_slice %arg9[%rem3A_73, %dma_start3A_113, %dma_start3A_114] : memref<2x80x128xf32, #tpu.memory_space<vmem>> -> memref<1x80x128xf32, #tpu.memory_space<vmem>>
      %dma_start3A_116 = tpu.memref_squeeze %dma_start3A_115 : memref<1x80x128xf32, #tpu.memory_space<vmem>> -> memref<80x128xf32, #tpu.memory_space<vmem>>
      %dma_start3A_117 = arith.constant 0 : i32
      %dma_start3A_118 = tpu.memref_slice %arg5[%add3A_109, %dma_start3A_117] : memref<320000x128xf32, #tpu.memory_space<hbm>> -> memref<80x128xf32, #tpu.memory_space<hbm>>
      %dma_start3A_119 = tpu.memref_slice %arg12[%rem3A_73] : memref<2x!tpu.dma_semaphore, #tpu.memory_space<semaphore_mem>> -> memref<1x!tpu.dma_semaphore, #tpu.memory_space<semaphore_mem>>
      %dma_start3A_120 = tpu.memref_squeeze %dma_start3A_119 : memref<1x!tpu.dma_semaphore, #tpu.memory_space<semaphore_mem>> -> memref<!tpu.dma_semaphore, #tpu.memory_space<semaphore_mem>>
      %dma_start3A_121 = arith.constant 0 : i32
      %dma_start3A_122 = tpu.memref_slice %arg5[%add3A_109, %dma_start3A_121] : memref<320000x128xf32, #tpu.memory_space<hbm>> -> memref<80x128xf32, #tpu.memory_space<hbm>>
      %dma_start3A_123 = arith.constant 0 : i32
      %dma_start3A_124 = arith.constant 0 : i32
      %dma_start3A_125 = tpu.memref_slice %arg9[%rem3A_73, %dma_start3A_123, %dma_start3A_124] : memref<2x80x128xf32, #tpu.memory_space<vmem>> -> memref<1x80x128xf32, #tpu.memory_space<vmem>>
      %dma_start3A_126 = tpu.memref_squeeze %dma_start3A_125 : memref<1x80x128xf32, #tpu.memory_space<vmem>> -> memref<80x128xf32, #tpu.memory_space<vmem>>
      tpu.enqueue_dma source(%dma_start3A_126 : memref<80x128xf32, #tpu.memory_space<vmem>>) target(%dma_start3A_122 : memref<80x128xf32, #tpu.memory_space<hbm>>) target_semaphore(%dma_start3A_120 : memref<!tpu.dma_semaphore, #tpu.memory_space<semaphore_mem>>)
      %dma_start3A_127 = arith.constant 0 : i32
      %dma_start3A_128 = arith.constant 0 : i32
      %dma_start3A_129 = tpu.memref_slice %arg10[%rem3A_73, %dma_start3A_127, %dma_start3A_128] : memref<2x80x128xf32, #tpu.memory_space<vmem>> -> memref<1x80x128xf32, #tpu.memory_space<vmem>>
      %dma_start3A_130 = tpu.memref_squeeze %dma_start3A_129 : memref<1x80x128xf32, #tpu.memory_space<vmem>> -> memref<80x128xf32, #tpu.memory_space<vmem>>
      %dma_start3A_131 = arith.constant 0 : i32
      %dma_start3A_132 = tpu.memref_slice %arg6[%add3A_112, %dma_start3A_131] : memref<320000x128xf32, #tpu.memory_space<hbm>> -> memref<80x128xf32, #tpu.memory_space<hbm>>
      %dma_start3A_133 = tpu.memref_slice %arg12[%rem3A_73] : memref<2x!tpu.dma_semaphore, #tpu.memory_space<semaphore_mem>> -> memref<1x!tpu.dma_semaphore, #tpu.memory_space<semaphore_mem>>
      %dma_start3A_134 = tpu.memref_squeeze %dma_start3A_133 : memref<1x!tpu.dma_semaphore, #tpu.memory_space<semaphore_mem>> -> memref<!tpu.dma_semaphore, #tpu.memory_space<semaphore_mem>>
      %dma_start3A_135 = arith.constant 0 : i32
      %dma_start3A_136 = tpu.memref_slice %arg6[%add3A_112, %dma_start3A_135] : memref<320000x128xf32, #tpu.memory_space<hbm>> -> memref<80x128xf32, #tpu.memory_space<hbm>>
      %dma_start3A_137 = arith.constant 0 : i32
      %dma_start3A_138 = arith.constant 0 : i32
      %dma_start3A_139 = tpu.memref_slice %arg10[%rem3A_73, %dma_start3A_137, %dma_start3A_138] : memref<2x80x128xf32, #tpu.memory_space<vmem>> -> memref<1x80x128xf32, #tpu.memory_space<vmem>>
      %dma_start3A_140 = tpu.memref_squeeze %dma_start3A_139 : memref<1x80x128xf32, #tpu.memory_space<vmem>> -> memref<80x128xf32, #tpu.memory_space<vmem>>
      tpu.enqueue_dma source(%dma_start3A_140 : memref<80x128xf32, #tpu.memory_space<vmem>>) target(%dma_start3A_136 : memref<80x128xf32, #tpu.memory_space<hbm>>) target_semaphore(%dma_start3A_134 : memref<!tpu.dma_semaphore, #tpu.memory_space<semaphore_mem>>)
    }
    %scan3A_36 = arith.constant 125 : i32
    %add3A_37 = arith.constant 9920 : i32
    %add3A_38 = arith.addi %mul3A_2, %add3A_37 : i32
    %add3A_39 = arith.constant 9920 : i32
    %add3A_40 = arith.addi %mul3A_2, %add3A_39 : i32
    %dma_wait3A = arith.constant 0 : i32
    %dma_wait3A_41 = arith.constant 0 : i32
    %dma_wait3A_42 = arith.constant 0 : i32
    %dma_wait3A_43 = arith.constant 0 : i32
    %dma_wait3A_44 = tpu.memref_slice %arg9[%dma_wait3A, %dma_wait3A_42, %dma_wait3A_43] : memref<2x80x128xf32, #tpu.memory_space<vmem>> -> memref<1x80x128xf32, #tpu.memory_space<vmem>>
    %dma_wait3A_45 = tpu.memref_squeeze %dma_wait3A_44 : memref<1x80x128xf32, #tpu.memory_space<vmem>> -> memref<80x128xf32, #tpu.memory_space<vmem>>
    %dma_wait3A_46 = arith.constant 0 : i32
    %dma_wait3A_47 = tpu.memref_slice %arg5[%add3A_38, %dma_wait3A_46] : memref<320000x128xf32, #tpu.memory_space<hbm>> -> memref<80x128xf32, #tpu.memory_space<hbm>>
    %dma_wait3A_48 = tpu.memref_slice %arg12[%dma_wait3A_41] : memref<2x!tpu.dma_semaphore, #tpu.memory_space<semaphore_mem>> -> memref<1x!tpu.dma_semaphore, #tpu.memory_space<semaphore_mem>>
    %dma_wait3A_49 = tpu.memref_squeeze %dma_wait3A_48 : memref<1x!tpu.dma_semaphore, #tpu.memory_space<semaphore_mem>> -> memref<!tpu.dma_semaphore, #tpu.memory_space<semaphore_mem>>
    %dma_wait3A_50 = arith.constant 0 : i32
    %dma_wait3A_51 = tpu.memref_slice %arg5[%add3A_38, %dma_wait3A_50] : memref<320000x128xf32, #tpu.memory_space<hbm>> -> memref<80x128xf32, #tpu.memory_space<hbm>>
    %dma_wait3A_52 = arith.constant 0 : i32
    %dma_wait3A_53 = arith.constant 0 : i32
    %dma_wait3A_54 = tpu.memref_slice %arg9[%dma_wait3A, %dma_wait3A_52, %dma_wait3A_53] : memref<2x80x128xf32, #tpu.memory_space<vmem>> -> memref<1x80x128xf32, #tpu.memory_space<vmem>>
    %dma_wait3A_55 = tpu.memref_squeeze %dma_wait3A_54 : memref<1x80x128xf32, #tpu.memory_space<vmem>> -> memref<80x128xf32, #tpu.memory_space<vmem>>
    tpu.wait_dma2 semaphore(%dma_wait3A_49 : memref<!tpu.dma_semaphore, #tpu.memory_space<semaphore_mem>>) src(%dma_wait3A_55 : memref<80x128xf32, #tpu.memory_space<vmem>>) dst(%dma_wait3A_51 : memref<80x128xf32, #tpu.memory_space<hbm>>)
    %dma_wait3A_56 = arith.constant 0 : i32
    %dma_wait3A_57 = arith.constant 0 : i32
    %dma_wait3A_58 = arith.constant 0 : i32
    %dma_wait3A_59 = arith.constant 0 : i32
    %dma_wait3A_60 = tpu.memref_slice %arg10[%dma_wait3A_56, %dma_wait3A_58, %dma_wait3A_59] : memref<2x80x128xf32, #tpu.memory_space<vmem>> -> memref<1x80x128xf32, #tpu.memory_space<vmem>>
    %dma_wait3A_61 = tpu.memref_squeeze %dma_wait3A_60 : memref<1x80x128xf32, #tpu.memory_space<vmem>> -> memref<80x128xf32, #tpu.memory_space<vmem>>
    %dma_wait3A_62 = arith.constant 0 : i32
    %dma_wait3A_63 = tpu.memref_slice %arg6[%add3A_40, %dma_wait3A_62] : memref<320000x128xf32, #tpu.memory_space<hbm>> -> memref<80x128xf32, #tpu.memory_space<hbm>>
    %dma_wait3A_64 = tpu.memref_slice %arg12[%dma_wait3A_57] : memref<2x!tpu.dma_semaphore, #tpu.memory_space<semaphore_mem>> -> memref<1x!tpu.dma_semaphore, #tpu.memory_space<semaphore_mem>>
    %dma_wait3A_65 = tpu.memref_squeeze %dma_wait3A_64 : memref<1x!tpu.dma_semaphore, #tpu.memory_space<semaphore_mem>> -> memref<!tpu.dma_semaphore, #tpu.memory_space<semaphore_mem>>
    %dma_wait3A_66 = arith.constant 0 : i32
    %dma_wait3A_67 = tpu.memref_slice %arg6[%add3A_40, %dma_wait3A_66] : memref<320000x128xf32, #tpu.memory_space<hbm>> -> memref<80x128xf32, #tpu.memory_space<hbm>>
    %dma_wait3A_68 = arith.constant 0 : i32
    %dma_wait3A_69 = arith.constant 0 : i32
    %dma_wait3A_70 = tpu.memref_slice %arg10[%dma_wait3A_56, %dma_wait3A_68, %dma_wait3A_69] : memref<2x80x128xf32, #tpu.memory_space<vmem>> -> memref<1x80x128xf32, #tpu.memory_space<vmem>>
    %dma_wait3A_71 = tpu.memref_squeeze %dma_wait3A_70 : memref<1x80x128xf32, #tpu.memory_space<vmem>> -> memref<80x128xf32, #tpu.memory_space<vmem>>
    tpu.wait_dma2 semaphore(%dma_wait3A_65 : memref<!tpu.dma_semaphore, #tpu.memory_space<semaphore_mem>>) src(%dma_wait3A_71 : memref<80x128xf32, #tpu.memory_space<vmem>>) dst(%dma_wait3A_67 : memref<80x128xf32, #tpu.memory_space<hbm>>)
    return
  }
}

#map = affine_map<(d0, d1) -> (0, 0)>
#map1 = affine_map<(d0, d1) -> (0, 0, 0)>
module attributes {stable_mosaic.version = 14 : i64} {
  func.func @k(%arg0: i32, %arg1: i32, %arg2: memref<10000x128xf32, #tpu.memory_space<hbm>>, %arg3: memref<32x125x80xi32, #tpu.memory_space<hbm>>, %arg4: memref<32x125x80xi32, #tpu.memory_space<hbm>>, %arg5: memref<320000x128xf32, #tpu.memory_space<hbm>>, %arg6: memref<320000x128xf32, #tpu.memory_space<hbm>>, %arg7: memref<125x80xi32, #tpu.memory_space<vmem>>, %arg8: memref<125x80xi32, #tpu.memory_space<vmem>>, %arg9: memref<2x80x128xf32, #tpu.memory_space<vmem>>, %arg10: memref<2x80x128xf32, #tpu.memory_space<vmem>>, %arg11: memref<2x!tpu.dma_semaphore, #tpu.memory_space<semaphore_mem>>, %arg12: memref<2x!tpu.dma_semaphore, #tpu.memory_space<semaphore_mem>>) attributes {dimension_semantics = [#tpu.dimension_semantics<core_parallel>, #tpu.dimension_semantics<subcore_parallel>], iteration_bounds = array<i64: 2, 16>, scalar_prefetch = 0 : i64, scratch_operands = 6 : i64, tpu.core_type = #tpu.core_type<sc_vector_subcore>, window_params = [{transform_indices = #map}, {transform_indices = #map1}, {transform_indices = #map1}, {transform_indices = #map}, {transform_indices = #map}]} {
    %mul3A = arith.constant 2 : i32
    %mul3A_0 = arith.muli %arg1, %mul3A : i32
    %add3A = arith.addi %mul3A_0, %arg0 : i32
    %mul3A_1 = arith.constant 10000 : i32
    %mul3A_2 = arith.muli %add3A, %mul3A_1 : i32
    "tpu.region"() ({
      %run_scoped3A = tpu.sem_alloc : memref<!tpu.dma_semaphore, #tpu.memory_space<semaphore_mem>>
      %dma_start3A_72 = arith.constant 0 : i32
      %dma_start3A_73 = arith.constant 0 : i32
      %dma_start3A_74 = tpu.memref_slice %arg3[%add3A, %dma_start3A_72, %dma_start3A_73] : memref<32x125x80xi32, #tpu.memory_space<hbm>> -> memref<1x125x80xi32, #tpu.memory_space<hbm>>
      %dma_start3A_75 = tpu.memref_squeeze %dma_start3A_74 : memref<1x125x80xi32, #tpu.memory_space<hbm>> -> memref<125x80xi32, #tpu.memory_space<hbm>>
      %dma_start3A_76 = arith.constant 0 : i32
      %dma_start3A_77 = arith.constant 0 : i32
      %dma_start3A_78 = tpu.memref_slice %arg3[%add3A, %dma_start3A_76, %dma_start3A_77] : memref<32x125x80xi32, #tpu.memory_space<hbm>> -> memref<1x125x80xi32, #tpu.memory_space<hbm>>
      %dma_start3A_79 = tpu.memref_squeeze %dma_start3A_78 : memref<1x125x80xi32, #tpu.memory_space<hbm>> -> memref<125x80xi32, #tpu.memory_space<hbm>>
      tpu.enqueue_dma source(%dma_start3A_79 : memref<125x80xi32, #tpu.memory_space<hbm>>) target(%arg7 : memref<125x80xi32, #tpu.memory_space<vmem>>) target_semaphore(%run_scoped3A : memref<!tpu.dma_semaphore, #tpu.memory_space<semaphore_mem>>)
      %dma_wait3A_80 = arith.constant 0 : i32
      %dma_wait3A_81 = arith.constant 0 : i32
      %dma_wait3A_82 = tpu.memref_slice %arg3[%add3A, %dma_wait3A_80, %dma_wait3A_81] : memref<32x125x80xi32, #tpu.memory_space<hbm>> -> memref<1x125x80xi32, #tpu.memory_space<hbm>>
      %dma_wait3A_83 = tpu.memref_squeeze %dma_wait3A_82 : memref<1x125x80xi32, #tpu.memory_space<hbm>> -> memref<125x80xi32, #tpu.memory_space<hbm>>
      %dma_wait3A_84 = arith.constant 0 : i32
      %dma_wait3A_85 = arith.constant 0 : i32
      %dma_wait3A_86 = tpu.memref_slice %arg3[%add3A, %dma_wait3A_84, %dma_wait3A_85] : memref<32x125x80xi32, #tpu.memory_space<hbm>> -> memref<1x125x80xi32, #tpu.memory_space<hbm>>
      %dma_wait3A_87 = tpu.memref_squeeze %dma_wait3A_86 : memref<1x125x80xi32, #tpu.memory_space<hbm>> -> memref<125x80xi32, #tpu.memory_space<hbm>>
      tpu.wait_dma2 semaphore(%run_scoped3A : memref<!tpu.dma_semaphore, #tpu.memory_space<semaphore_mem>>) src(%dma_wait3A_87 : memref<125x80xi32, #tpu.memory_space<hbm>>) dst(%arg7 : memref<125x80xi32, #tpu.memory_space<vmem>>)
      tpu.yield
    }) : () -> ()
    "tpu.region"() ({
      %run_scoped3A = tpu.sem_alloc : memref<!tpu.dma_semaphore, #tpu.memory_space<semaphore_mem>>
      %dma_start3A_72 = arith.constant 0 : i32
      %dma_start3A_73 = arith.constant 0 : i32
      %dma_start3A_74 = tpu.memref_slice %arg4[%add3A, %dma_start3A_72, %dma_start3A_73] : memref<32x125x80xi32, #tpu.memory_space<hbm>> -> memref<1x125x80xi32, #tpu.memory_space<hbm>>
      %dma_start3A_75 = tpu.memref_squeeze %dma_start3A_74 : memref<1x125x80xi32, #tpu.memory_space<hbm>> -> memref<125x80xi32, #tpu.memory_space<hbm>>
      %dma_start3A_76 = arith.constant 0 : i32
      %dma_start3A_77 = arith.constant 0 : i32
      %dma_start3A_78 = tpu.memref_slice %arg4[%add3A, %dma_start3A_76, %dma_start3A_77] : memref<32x125x80xi32, #tpu.memory_space<hbm>> -> memref<1x125x80xi32, #tpu.memory_space<hbm>>
      %dma_start3A_79 = tpu.memref_squeeze %dma_start3A_78 : memref<1x125x80xi32, #tpu.memory_space<hbm>> -> memref<125x80xi32, #tpu.memory_space<hbm>>
      tpu.enqueue_dma source(%dma_start3A_79 : memref<125x80xi32, #tpu.memory_space<hbm>>) target(%arg8 : memref<125x80xi32, #tpu.memory_space<vmem>>) target_semaphore(%run_scoped3A : memref<!tpu.dma_semaphore, #tpu.memory_space<semaphore_mem>>)
      %dma_wait3A_80 = arith.constant 0 : i32
      %dma_wait3A_81 = arith.constant 0 : i32
      %dma_wait3A_82 = tpu.memref_slice %arg4[%add3A, %dma_wait3A_80, %dma_wait3A_81] : memref<32x125x80xi32, #tpu.memory_space<hbm>> -> memref<1x125x80xi32, #tpu.memory_space<hbm>>
      %dma_wait3A_83 = tpu.memref_squeeze %dma_wait3A_82 : memref<1x125x80xi32, #tpu.memory_space<hbm>> -> memref<125x80xi32, #tpu.memory_space<hbm>>
      %dma_wait3A_84 = arith.constant 0 : i32
      %dma_wait3A_85 = arith.constant 0 : i32
      %dma_wait3A_86 = tpu.memref_slice %arg4[%add3A, %dma_wait3A_84, %dma_wait3A_85] : memref<32x125x80xi32, #tpu.memory_space<hbm>> -> memref<1x125x80xi32, #tpu.memory_space<hbm>>
      %dma_wait3A_87 = tpu.memref_squeeze %dma_wait3A_86 : memref<1x125x80xi32, #tpu.memory_space<hbm>> -> memref<125x80xi32, #tpu.memory_space<hbm>>
      tpu.wait_dma2 semaphore(%run_scoped3A : memref<!tpu.dma_semaphore, #tpu.memory_space<semaphore_mem>>) src(%dma_wait3A_87 : memref<125x80xi32, #tpu.memory_space<hbm>>) dst(%arg8 : memref<125x80xi32, #tpu.memory_space<vmem>>)
      tpu.yield
    }) : () -> ()
    %dma_start3A = arith.constant 0 : i32
    %dma_start3A_3 = arith.constant 0 : i32
    %dma_start3A_4 = arith.constant 0 : i32
    %dma_start3A_5 = arith.constant 0 : i32
    %dma_start3A_6 = arith.constant 0 : i32
    %dma_start3A_7 = tpu.memref_slice %arg9[%dma_start3A_3, %dma_start3A_5, %dma_start3A_6] : memref<2x80x128xf32, #tpu.memory_space<vmem>> -> memref<1x80x128xf32, #tpu.memory_space<vmem>>
    %dma_start3A_8 = tpu.memref_squeeze %dma_start3A_7 : memref<1x80x128xf32, #tpu.memory_space<vmem>> -> memref<80x128xf32, #tpu.memory_space<vmem>>
    %dma_start3A_9 = arith.constant 0 : i32
    %dma_start3A_10 = tpu.memref_slice %arg7[%dma_start3A, %dma_start3A_9] : memref<125x80xi32, #tpu.memory_space<vmem>> -> memref<1x80xi32, #tpu.memory_space<vmem>>
    %dma_start3A_11 = tpu.memref_squeeze %dma_start3A_10 : memref<1x80xi32, #tpu.memory_space<vmem>> -> memref<80xi32, #tpu.memory_space<vmem>>
    %dma_start3A_12 = arith.constant 0 : i32
    %dma_start3A_13 = arith.constant 0 : i32
    %dma_start3A_14 = tpu.memref_slice %arg2[%dma_start3A_12, %dma_start3A_13] : memref<10000x128xf32, #tpu.memory_space<hbm>> -> memref<10000x128xf32, #tpu.memory_space<hbm>>
    %dma_start3A_15 = tpu.memref_slice %arg11[%dma_start3A_4] : memref<2x!tpu.dma_semaphore, #tpu.memory_space<semaphore_mem>> -> memref<1x!tpu.dma_semaphore, #tpu.memory_space<semaphore_mem>>
    %dma_start3A_16 = tpu.memref_squeeze %dma_start3A_15 : memref<1x!tpu.dma_semaphore, #tpu.memory_space<semaphore_mem>> -> memref<!tpu.dma_semaphore, #tpu.memory_space<semaphore_mem>>
    tpu.enqueue_indirect_dma source(%dma_start3A_14 : memref<10000x128xf32, #tpu.memory_space<hbm>>) target(%dma_start3A_8 : memref<80x128xf32, #tpu.memory_space<vmem>>) offsets(%dma_start3A_11 : memref<80xi32, #tpu.memory_space<vmem>>) semaphore(%dma_start3A_16 : memref<!tpu.dma_semaphore, #tpu.memory_space<semaphore_mem>>)
    %dma_start3A_17 = arith.constant 0 : i32
    %dma_start3A_18 = arith.constant 0 : i32
    %dma_start3A_19 = arith.constant 0 : i32
    %dma_start3A_20 = arith.constant 0 : i32
    %dma_start3A_21 = arith.constant 0 : i32
    %dma_start3A_22 = tpu.memref_slice %arg10[%dma_start3A_18, %dma_start3A_20, %dma_start3A_21] : memref<2x80x128xf32, #tpu.memory_space<vmem>> -> memref<1x80x128xf32, #tpu.memory_space<vmem>>
    %dma_start3A_23 = tpu.memref_squeeze %dma_start3A_22 : memref<1x80x128xf32, #tpu.memory_space<vmem>> -> memref<80x128xf32, #tpu.memory_space<vmem>>
    %dma_start3A_24 = arith.constant 0 : i32
    %dma_start3A_25 = tpu.memref_slice %arg8[%dma_start3A_17, %dma_start3A_24] : memref<125x80xi32, #tpu.memory_space<vmem>> -> memref<1x80xi32, #tpu.memory_space<vmem>>
    %dma_start3A_26 = tpu.memref_squeeze %dma_start3A_25 : memref<1x80xi32, #tpu.memory_space<vmem>> -> memref<80xi32, #tpu.memory_space<vmem>>
    %dma_start3A_27 = arith.constant 0 : i32
    %dma_start3A_28 = arith.constant 0 : i32
    %dma_start3A_29 = tpu.memref_slice %arg2[%dma_start3A_27, %dma_start3A_28] : memref<10000x128xf32, #tpu.memory_space<hbm>> -> memref<10000x128xf32, #tpu.memory_space<hbm>>
    %dma_start3A_30 = tpu.memref_slice %arg11[%dma_start3A_19] : memref<2x!tpu.dma_semaphore, #tpu.memory_space<semaphore_mem>> -> memref<1x!tpu.dma_semaphore, #tpu.memory_space<semaphore_mem>>
    %dma_start3A_31 = tpu.memref_squeeze %dma_start3A_30 : memref<1x!tpu.dma_semaphore, #tpu.memory_space<semaphore_mem>> -> memref<!tpu.dma_semaphore, #tpu.memory_space<semaphore_mem>>
    tpu.enqueue_indirect_dma source(%dma_start3A_29 : memref<10000x128xf32, #tpu.memory_space<hbm>>) target(%dma_start3A_23 : memref<80x128xf32, #tpu.memory_space<vmem>>) offsets(%dma_start3A_26 : memref<80xi32, #tpu.memory_space<vmem>>) semaphore(%dma_start3A_31 : memref<!tpu.dma_semaphore, #tpu.memory_space<semaphore_mem>>)
    %scan3A = arith.constant 0 : i32
    %scan3A_32 = arith.constant 0 : i32
    %scan3A_33 = arith.constant 125 : i32
    %scan3A_34 = arith.addi %scan3A_32, %scan3A_33 : i32
    %scan3A_35 = arith.constant 1 : i32
    scf.for %scan3A_72 = %scan3A_32 to %scan3A_34 step %scan3A_35  : i32 {
      %rem3A = arith.constant 2 : i32
      %rem3A_73 = arith.remsi %scan3A_72, %rem3A : i32
      %sub3A = arith.constant 1 : i32
      %sub3A_74 = arith.subi %sub3A, %rem3A_73 : i32
      %ge3A = arith.constant 1 : i32
      %ge3A_75 = arith.cmpi sge, %scan3A_72, %ge3A : i32
      %convert_element_type3A = arith.extui %ge3A_75 : i1 to i32
      %cond3A = arith.constant 0 : i32
      %cond3A_76 = arith.cmpi ne, %convert_element_type3A, %cond3A : i32
      scf.if %cond3A_76 {
        %sub3A_141 = arith.constant 1 : i32
        %sub3A_142 = arith.subi %scan3A_72, %sub3A_141 : i32
        %mul3A_143 = arith.constant 80 : i32
        %mul3A_144 = arith.muli %sub3A_142, %mul3A_143 : i32
        %add3A_145 = arith.addi %mul3A_2, %mul3A_144 : i32
        %mul3A_146 = arith.constant 80 : i32
        %mul3A_147 = arith.muli %sub3A_142, %mul3A_146 : i32
        %add3A_148 = arith.addi %mul3A_2, %mul3A_147 : i32
        %dma_wait3A_149 = arith.constant 0 : i32
        %dma_wait3A_150 = arith.constant 0 : i32
        %dma_wait3A_151 = tpu.memref_slice %arg9[%sub3A_74, %dma_wait3A_149, %dma_wait3A_150] : memref<2x80x128xf32, #tpu.memory_space<vmem>> -> memref<1x80x128xf32, #tpu.memory_space<vmem>>
        %dma_wait3A_152 = tpu.memref_squeeze %dma_wait3A_151 : memref<1x80x128xf32, #tpu.memory_space<vmem>> -> memref<80x128xf32, #tpu.memory_space<vmem>>
        %dma_wait3A_153 = arith.constant 0 : i32
        %dma_wait3A_154 = tpu.memref_slice %arg5[%add3A_145, %dma_wait3A_153] : memref<320000x128xf32, #tpu.memory_space<hbm>> -> memref<80x128xf32, #tpu.memory_space<hbm>>
        %dma_wait3A_155 = tpu.memref_slice %arg12[%sub3A_74] : memref<2x!tpu.dma_semaphore, #tpu.memory_space<semaphore_mem>> -> memref<1x!tpu.dma_semaphore, #tpu.memory_space<semaphore_mem>>
        %dma_wait3A_156 = tpu.memref_squeeze %dma_wait3A_155 : memref<1x!tpu.dma_semaphore, #tpu.memory_space<semaphore_mem>> -> memref<!tpu.dma_semaphore, #tpu.memory_space<semaphore_mem>>
        %dma_wait3A_157 = arith.constant 0 : i32
        %dma_wait3A_158 = tpu.memref_slice %arg5[%add3A_145, %dma_wait3A_157] : memref<320000x128xf32, #tpu.memory_space<hbm>> -> memref<80x128xf32, #tpu.memory_space<hbm>>
        %dma_wait3A_159 = arith.constant 0 : i32
        %dma_wait3A_160 = arith.constant 0 : i32
        %dma_wait3A_161 = tpu.memref_slice %arg9[%sub3A_74, %dma_wait3A_159, %dma_wait3A_160] : memref<2x80x128xf32, #tpu.memory_space<vmem>> -> memref<1x80x128xf32, #tpu.memory_space<vmem>>
        %dma_wait3A_162 = tpu.memref_squeeze %dma_wait3A_161 : memref<1x80x128xf32, #tpu.memory_space<vmem>> -> memref<80x128xf32, #tpu.memory_space<vmem>>
        tpu.wait_dma2 semaphore(%dma_wait3A_156 : memref<!tpu.dma_semaphore, #tpu.memory_space<semaphore_mem>>) src(%dma_wait3A_162 : memref<80x128xf32, #tpu.memory_space<vmem>>) dst(%dma_wait3A_158 : memref<80x128xf32, #tpu.memory_space<hbm>>)
        %dma_wait3A_163 = arith.constant 0 : i32
        %dma_wait3A_164 = arith.constant 0 : i32
        %dma_wait3A_165 = tpu.memref_slice %arg10[%sub3A_74, %dma_wait3A_163, %dma_wait3A_164] : memref<2x80x128xf32, #tpu.memory_space<vmem>> -> memref<1x80x128xf32, #tpu.memory_space<vmem>>
        %dma_wait3A_166 = tpu.memref_squeeze %dma_wait3A_165 : memref<1x80x128xf32, #tpu.memory_space<vmem>> -> memref<80x128xf32, #tpu.memory_space<vmem>>
        %dma_wait3A_167 = arith.constant 0 : i32
        %dma_wait3A_168 = tpu.memref_slice %arg6[%add3A_148, %dma_wait3A_167] : memref<320000x128xf32, #tpu.memory_space<hbm>> -> memref<80x128xf32, #tpu.memory_space<hbm>>
        %dma_wait3A_169 = tpu.memref_slice %arg12[%sub3A_74] : memref<2x!tpu.dma_semaphore, #tpu.memory_space<semaphore_mem>> -> memref<1x!tpu.dma_semaphore, #tpu.memory_space<semaphore_mem>>
        %dma_wait3A_170 = tpu.memref_squeeze %dma_wait3A_169 : memref<1x!tpu.dma_semaphore, #tpu.memory_space<semaphore_mem>> -> memref<!tpu.dma_semaphore, #tpu.memory_space<semaphore_mem>>
        %dma_wait3A_171 = arith.constant 0 : i32
        %dma_wait3A_172 = tpu.memref_slice %arg6[%add3A_148, %dma_wait3A_171] : memref<320000x128xf32, #tpu.memory_space<hbm>> -> memref<80x128xf32, #tpu.memory_space<hbm>>
        %dma_wait3A_173 = arith.constant 0 : i32
        %dma_wait3A_174 = arith.constant 0 : i32
        %dma_wait3A_175 = tpu.memref_slice %arg10[%sub3A_74, %dma_wait3A_173, %dma_wait3A_174] : memref<2x80x128xf32, #tpu.memory_space<vmem>> -> memref<1x80x128xf32, #tpu.memory_space<vmem>>
        %dma_wait3A_176 = tpu.memref_squeeze %dma_wait3A_175 : memref<1x80x128xf32, #tpu.memory_space<vmem>> -> memref<80x128xf32, #tpu.memory_space<vmem>>
        tpu.wait_dma2 semaphore(%dma_wait3A_170 : memref<!tpu.dma_semaphore, #tpu.memory_space<semaphore_mem>>) src(%dma_wait3A_176 : memref<80x128xf32, #tpu.memory_space<vmem>>) dst(%dma_wait3A_172 : memref<80x128xf32, #tpu.memory_space<hbm>>)
      } else {
      }
      %add3A_77 = arith.constant 1 : i32
      %add3A_78 = arith.addi %scan3A_72, %add3A_77 : i32
      %lt3A = arith.constant 125 : i32
      %lt3A_79 = arith.cmpi slt, %add3A_78, %lt3A : i32
      %convert_element_type3A_80 = arith.extui %lt3A_79 : i1 to i32
      %cond3A_81 = arith.constant 0 : i32
      %cond3A_82 = arith.cmpi ne, %convert_element_type3A_80, %cond3A_81 : i32
      scf.if %cond3A_82 {
        %add3A_141 = arith.constant 1 : i32
        %add3A_142 = arith.addi %scan3A_72, %add3A_141 : i32
        %dma_start3A_143 = arith.constant 0 : i32
        %dma_start3A_144 = arith.constant 0 : i32
        %dma_start3A_145 = tpu.memref_slice %arg9[%sub3A_74, %dma_start3A_143, %dma_start3A_144] : memref<2x80x128xf32, #tpu.memory_space<vmem>> -> memref<1x80x128xf32, #tpu.memory_space<vmem>>
        %dma_start3A_146 = tpu.memref_squeeze %dma_start3A_145 : memref<1x80x128xf32, #tpu.memory_space<vmem>> -> memref<80x128xf32, #tpu.memory_space<vmem>>
        %dma_start3A_147 = arith.constant 0 : i32
        %dma_start3A_148 = tpu.memref_slice %arg7[%add3A_142, %dma_start3A_147] : memref<125x80xi32, #tpu.memory_space<vmem>> -> memref<1x80xi32, #tpu.memory_space<vmem>>
        %dma_start3A_149 = tpu.memref_squeeze %dma_start3A_148 : memref<1x80xi32, #tpu.memory_space<vmem>> -> memref<80xi32, #tpu.memory_space<vmem>>
        %dma_start3A_150 = arith.constant 0 : i32
        %dma_start3A_151 = arith.constant 0 : i32
        %dma_start3A_152 = tpu.memref_slice %arg2[%dma_start3A_150, %dma_start3A_151] : memref<10000x128xf32, #tpu.memory_space<hbm>> -> memref<10000x128xf32, #tpu.memory_space<hbm>>
        %dma_start3A_153 = tpu.memref_slice %arg11[%sub3A_74] : memref<2x!tpu.dma_semaphore, #tpu.memory_space<semaphore_mem>> -> memref<1x!tpu.dma_semaphore, #tpu.memory_space<semaphore_mem>>
        %dma_start3A_154 = tpu.memref_squeeze %dma_start3A_153 : memref<1x!tpu.dma_semaphore, #tpu.memory_space<semaphore_mem>> -> memref<!tpu.dma_semaphore, #tpu.memory_space<semaphore_mem>>
        tpu.enqueue_indirect_dma source(%dma_start3A_152 : memref<10000x128xf32, #tpu.memory_space<hbm>>) target(%dma_start3A_146 : memref<80x128xf32, #tpu.memory_space<vmem>>) offsets(%dma_start3A_149 : memref<80xi32, #tpu.memory_space<vmem>>) semaphore(%dma_start3A_154 : memref<!tpu.dma_semaphore, #tpu.memory_space<semaphore_mem>>)
        %dma_start3A_155 = arith.constant 0 : i32
        %dma_start3A_156 = arith.constant 0 : i32
        %dma_start3A_157 = tpu.memref_slice %arg10[%sub3A_74, %dma_start3A_155, %dma_start3A_156] : memref<2x80x128xf32, #tpu.memory_space<vmem>> -> memref<1x80x128xf32, #tpu.memory_space<vmem>>
        %dma_start3A_158 = tpu.memref_squeeze %dma_start3A_157 : memref<1x80x128xf32, #tpu.memory_space<vmem>> -> memref<80x128xf32, #tpu.memory_space<vmem>>
        %dma_start3A_159 = arith.constant 0 : i32
        %dma_start3A_160 = tpu.memref_slice %arg8[%add3A_142, %dma_start3A_159] : memref<125x80xi32, #tpu.memory_space<vmem>> -> memref<1x80xi32, #tpu.memory_space<vmem>>
        %dma_start3A_161 = tpu.memref_squeeze %dma_start3A_160 : memref<1x80xi32, #tpu.memory_space<vmem>> -> memref<80xi32, #tpu.memory_space<vmem>>
        %dma_start3A_162 = arith.constant 0 : i32
        %dma_start3A_163 = arith.constant 0 : i32
        %dma_start3A_164 = tpu.memref_slice %arg2[%dma_start3A_162, %dma_start3A_163] : memref<10000x128xf32, #tpu.memory_space<hbm>> -> memref<10000x128xf32, #tpu.memory_space<hbm>>
        %dma_start3A_165 = tpu.memref_slice %arg11[%sub3A_74] : memref<2x!tpu.dma_semaphore, #tpu.memory_space<semaphore_mem>> -> memref<1x!tpu.dma_semaphore, #tpu.memory_space<semaphore_mem>>
        %dma_start3A_166 = tpu.memref_squeeze %dma_start3A_165 : memref<1x!tpu.dma_semaphore, #tpu.memory_space<semaphore_mem>> -> memref<!tpu.dma_semaphore, #tpu.memory_space<semaphore_mem>>
        tpu.enqueue_indirect_dma source(%dma_start3A_164 : memref<10000x128xf32, #tpu.memory_space<hbm>>) target(%dma_start3A_158 : memref<80x128xf32, #tpu.memory_space<vmem>>) offsets(%dma_start3A_161 : memref<80xi32, #tpu.memory_space<vmem>>) semaphore(%dma_start3A_166 : memref<!tpu.dma_semaphore, #tpu.memory_space<semaphore_mem>>)
      } else {
      }
      %dma_wait3A_83 = arith.constant 0 : i32
      %dma_wait3A_84 = arith.constant 0 : i32
      %dma_wait3A_85 = tpu.memref_slice %arg9[%rem3A_73, %dma_wait3A_83, %dma_wait3A_84] : memref<2x80x128xf32, #tpu.memory_space<vmem>> -> memref<1x80x128xf32, #tpu.memory_space<vmem>>
      %dma_wait3A_86 = tpu.memref_squeeze %dma_wait3A_85 : memref<1x80x128xf32, #tpu.memory_space<vmem>> -> memref<80x128xf32, #tpu.memory_space<vmem>>
      %dma_wait3A_87 = arith.constant 0 : i32
      %dma_wait3A_88 = tpu.memref_slice %arg7[%scan3A_72, %dma_wait3A_87] : memref<125x80xi32, #tpu.memory_space<vmem>> -> memref<1x80xi32, #tpu.memory_space<vmem>>
      %dma_wait3A_89 = tpu.memref_squeeze %dma_wait3A_88 : memref<1x80xi32, #tpu.memory_space<vmem>> -> memref<80xi32, #tpu.memory_space<vmem>>
      %dma_wait3A_90 = arith.constant 0 : i32
      %dma_wait3A_91 = arith.constant 0 : i32
      %dma_wait3A_92 = tpu.memref_slice %arg2[%dma_wait3A_90, %dma_wait3A_91] : memref<10000x128xf32, #tpu.memory_space<hbm>> -> memref<10000x128xf32, #tpu.memory_space<hbm>>
      %dma_wait3A_93 = tpu.memref_slice %arg11[%rem3A_73] : memref<2x!tpu.dma_semaphore, #tpu.memory_space<semaphore_mem>> -> memref<1x!tpu.dma_semaphore, #tpu.memory_space<semaphore_mem>>
      %dma_wait3A_94 = tpu.memref_squeeze %dma_wait3A_93 : memref<1x!tpu.dma_semaphore, #tpu.memory_space<semaphore_mem>> -> memref<!tpu.dma_semaphore, #tpu.memory_space<semaphore_mem>>
      tpu.wait_indirect_dma semaphore(%dma_wait3A_94 : memref<!tpu.dma_semaphore, #tpu.memory_space<semaphore_mem>>) src(%dma_wait3A_92 : memref<10000x128xf32, #tpu.memory_space<hbm>>) dst(%dma_wait3A_86 : memref<80x128xf32, #tpu.memory_space<vmem>>)
      %dma_wait3A_95 = arith.constant 0 : i32
      %dma_wait3A_96 = arith.constant 0 : i32
      %dma_wait3A_97 = tpu.memref_slice %arg10[%rem3A_73, %dma_wait3A_95, %dma_wait3A_96] : memref<2x80x128xf32, #tpu.memory_space<vmem>> -> memref<1x80x128xf32, #tpu.memory_space<vmem>>
      %dma_wait3A_98 = tpu.memref_squeeze %dma_wait3A_97 : memref<1x80x128xf32, #tpu.memory_space<vmem>> -> memref<80x128xf32, #tpu.memory_space<vmem>>
      %dma_wait3A_99 = arith.constant 0 : i32
      %dma_wait3A_100 = tpu.memref_slice %arg8[%scan3A_72, %dma_wait3A_99] : memref<125x80xi32, #tpu.memory_space<vmem>> -> memref<1x80xi32, #tpu.memory_space<vmem>>
      %dma_wait3A_101 = tpu.memref_squeeze %dma_wait3A_100 : memref<1x80xi32, #tpu.memory_space<vmem>> -> memref<80xi32, #tpu.memory_space<vmem>>
      %dma_wait3A_102 = arith.constant 0 : i32
      %dma_wait3A_103 = arith.constant 0 : i32
      %dma_wait3A_104 = tpu.memref_slice %arg2[%dma_wait3A_102, %dma_wait3A_103] : memref<10000x128xf32, #tpu.memory_space<hbm>> -> memref<10000x128xf32, #tpu.memory_space<hbm>>
      %dma_wait3A_105 = tpu.memref_slice %arg11[%rem3A_73] : memref<2x!tpu.dma_semaphore, #tpu.memory_space<semaphore_mem>> -> memref<1x!tpu.dma_semaphore, #tpu.memory_space<semaphore_mem>>
      %dma_wait3A_106 = tpu.memref_squeeze %dma_wait3A_105 : memref<1x!tpu.dma_semaphore, #tpu.memory_space<semaphore_mem>> -> memref<!tpu.dma_semaphore, #tpu.memory_space<semaphore_mem>>
      tpu.wait_indirect_dma semaphore(%dma_wait3A_106 : memref<!tpu.dma_semaphore, #tpu.memory_space<semaphore_mem>>) src(%dma_wait3A_104 : memref<10000x128xf32, #tpu.memory_space<hbm>>) dst(%dma_wait3A_98 : memref<80x128xf32, #tpu.memory_space<vmem>>)
      %mul3A_107 = arith.constant 80 : i32
      %mul3A_108 = arith.muli %scan3A_72, %mul3A_107 : i32
      %add3A_109 = arith.addi %mul3A_2, %mul3A_108 : i32
      %mul3A_110 = arith.constant 80 : i32
      %mul3A_111 = arith.muli %scan3A_72, %mul3A_110 : i32
      %add3A_112 = arith.addi %mul3A_2, %mul3A_111 : i32
      %dma_start3A_113 = arith.constant 0 : i32
      %dma_start3A_114 = arith.constant 0 : i32
      %dma_start3A_115 = tpu.memref_slice %arg9[%rem3A_73, %dma_start3A_113, %dma_start3A_114] : memref<2x80x128xf32, #tpu.memory_space<vmem>> -> memref<1x80x128xf32, #tpu.memory_space<vmem>>
      %dma_start3A_116 = tpu.memref_squeeze %dma_start3A_115 : memref<1x80x128xf32, #tpu.memory_space<vmem>> -> memref<80x128xf32, #tpu.memory_space<vmem>>
      %dma_start3A_117 = arith.constant 0 : i32
      %dma_start3A_118 = tpu.memref_slice %arg5[%add3A_109, %dma_start3A_117] : memref<320000x128xf32, #tpu.memory_space<hbm>> -> memref<80x128xf32, #tpu.memory_space<hbm>>
      %dma_start3A_119 = tpu.memref_slice %arg12[%rem3A_73] : memref<2x!tpu.dma_semaphore, #tpu.memory_space<semaphore_mem>> -> memref<1x!tpu.dma_semaphore, #tpu.memory_space<semaphore_mem>>
      %dma_start3A_120 = tpu.memref_squeeze %dma_start3A_119 : memref<1x!tpu.dma_semaphore, #tpu.memory_space<semaphore_mem>> -> memref<!tpu.dma_semaphore, #tpu.memory_space<semaphore_mem>>
      %dma_start3A_121 = arith.constant 0 : i32
      %dma_start3A_122 = tpu.memref_slice %arg5[%add3A_109, %dma_start3A_121] : memref<320000x128xf32, #tpu.memory_space<hbm>> -> memref<80x128xf32, #tpu.memory_space<hbm>>
      %dma_start3A_123 = arith.constant 0 : i32
      %dma_start3A_124 = arith.constant 0 : i32
      %dma_start3A_125 = tpu.memref_slice %arg9[%rem3A_73, %dma_start3A_123, %dma_start3A_124] : memref<2x80x128xf32, #tpu.memory_space<vmem>> -> memref<1x80x128xf32, #tpu.memory_space<vmem>>
      %dma_start3A_126 = tpu.memref_squeeze %dma_start3A_125 : memref<1x80x128xf32, #tpu.memory_space<vmem>> -> memref<80x128xf32, #tpu.memory_space<vmem>>
      tpu.enqueue_dma source(%dma_start3A_126 : memref<80x128xf32, #tpu.memory_space<vmem>>) target(%dma_start3A_122 : memref<80x128xf32, #tpu.memory_space<hbm>>) target_semaphore(%dma_start3A_120 : memref<!tpu.dma_semaphore, #tpu.memory_space<semaphore_mem>>)
      %dma_start3A_127 = arith.constant 0 : i32
      %dma_start3A_128 = arith.constant 0 : i32
      %dma_start3A_129 = tpu.memref_slice %arg10[%rem3A_73, %dma_start3A_127, %dma_start3A_128] : memref<2x80x128xf32, #tpu.memory_space<vmem>> -> memref<1x80x128xf32, #tpu.memory_space<vmem>>
      %dma_start3A_130 = tpu.memref_squeeze %dma_start3A_129 : memref<1x80x128xf32, #tpu.memory_space<vmem>> -> memref<80x128xf32, #tpu.memory_space<vmem>>
      %dma_start3A_131 = arith.constant 0 : i32
      %dma_start3A_132 = tpu.memref_slice %arg6[%add3A_112, %dma_start3A_131] : memref<320000x128xf32, #tpu.memory_space<hbm>> -> memref<80x128xf32, #tpu.memory_space<hbm>>
      %dma_start3A_133 = tpu.memref_slice %arg12[%rem3A_73] : memref<2x!tpu.dma_semaphore, #tpu.memory_space<semaphore_mem>> -> memref<1x!tpu.dma_semaphore, #tpu.memory_space<semaphore_mem>>
      %dma_start3A_134 = tpu.memref_squeeze %dma_start3A_133 : memref<1x!tpu.dma_semaphore, #tpu.memory_space<semaphore_mem>> -> memref<!tpu.dma_semaphore, #tpu.memory_space<semaphore_mem>>
      %dma_start3A_135 = arith.constant 0 : i32
      %dma_start3A_136 = tpu.memref_slice %arg6[%add3A_112, %dma_start3A_135] : memref<320000x128xf32, #tpu.memory_space<hbm>> -> memref<80x128xf32, #tpu.memory_space<hbm>>
      %dma_start3A_137 = arith.constant 0 : i32
      %dma_start3A_138 = arith.constant 0 : i32
      %dma_start3A_139 = tpu.memref_slice %arg10[%rem3A_73, %dma_start3A_137, %dma_start3A_138] : memref<2x80x128xf32, #tpu.memory_space<vmem>> -> memref<1x80x128xf32, #tpu.memory_space<vmem>>
      %dma_start3A_140 = tpu.memref_squeeze %dma_start3A_139 : memref<1x80x128xf32, #tpu.memory_space<vmem>> -> memref<80x128xf32, #tpu.memory_space<vmem>>
      tpu.enqueue_dma source(%dma_start3A_140 : memref<80x128xf32, #tpu.memory_space<vmem>>) target(%dma_start3A_136 : memref<80x128xf32, #tpu.memory_space<hbm>>) target_semaphore(%dma_start3A_134 : memref<!tpu.dma_semaphore, #tpu.memory_space<semaphore_mem>>)
    }
    %scan3A_36 = arith.constant 125 : i32
    %add3A_37 = arith.constant 9920 : i32
    %add3A_38 = arith.addi %mul3A_2, %add3A_37 : i32
    %add3A_39 = arith.constant 9920 : i32
    %add3A_40 = arith.addi %mul3A_2, %add3A_39 : i32
    %dma_wait3A = arith.constant 0 : i32
    %dma_wait3A_41 = arith.constant 0 : i32
    %dma_wait3A_42 = arith.constant 0 : i32
    %dma_wait3A_43 = arith.constant 0 : i32
    %dma_wait3A_44 = tpu.memref_slice %arg9[%dma_wait3A, %dma_wait3A_42, %dma_wait3A_43] : memref<2x80x128xf32, #tpu.memory_space<vmem>> -> memref<1x80x128xf32, #tpu.memory_space<vmem>>
    %dma_wait3A_45 = tpu.memref_squeeze %dma_wait3A_44 : memref<1x80x128xf32, #tpu.memory_space<vmem>> -> memref<80x128xf32, #tpu.memory_space<vmem>>
    %dma_wait3A_46 = arith.constant 0 : i32
    %dma_wait3A_47 = tpu.memref_slice %arg5[%add3A_38, %dma_wait3A_46] : memref<320000x128xf32, #tpu.memory_space<hbm>> -> memref<80x128xf32, #tpu.memory_space<hbm>>
    %dma_wait3A_48 = tpu.memref_slice %arg12[%dma_wait3A_41] : memref<2x!tpu.dma_semaphore, #tpu.memory_space<semaphore_mem>> -> memref<1x!tpu.dma_semaphore, #tpu.memory_space<semaphore_mem>>
    %dma_wait3A_49 = tpu.memref_squeeze %dma_wait3A_48 : memref<1x!tpu.dma_semaphore, #tpu.memory_space<semaphore_mem>> -> memref<!tpu.dma_semaphore, #tpu.memory_space<semaphore_mem>>
    %dma_wait3A_50 = arith.constant 0 : i32
    %dma_wait3A_51 = tpu.memref_slice %arg5[%add3A_38, %dma_wait3A_50] : memref<320000x128xf32, #tpu.memory_space<hbm>> -> memref<80x128xf32, #tpu.memory_space<hbm>>
    %dma_wait3A_52 = arith.constant 0 : i32
    %dma_wait3A_53 = arith.constant 0 : i32
    %dma_wait3A_54 = tpu.memref_slice %arg9[%dma_wait3A, %dma_wait3A_52, %dma_wait3A_53] : memref<2x80x128xf32, #tpu.memory_space<vmem>> -> memref<1x80x128xf32, #tpu.memory_space<vmem>>
    %dma_wait3A_55 = tpu.memref_squeeze %dma_wait3A_54 : memref<1x80x128xf32, #tpu.memory_space<vmem>> -> memref<80x128xf32, #tpu.memory_space<vmem>>
    tpu.wait_dma2 semaphore(%dma_wait3A_49 : memref<!tpu.dma_semaphore, #tpu.memory_space<semaphore_mem>>) src(%dma_wait3A_55 : memref<80x128xf32, #tpu.memory_space<vmem>>) dst(%dma_wait3A_51 : memref<80x128xf32, #tpu.memory_space<hbm>>)
    %dma_wait3A_56 = arith.constant 0 : i32
    %dma_wait3A_57 = arith.constant 0 : i32
    %dma_wait3A_58 = arith.constant 0 : i32
    %dma_wait3A_59 = arith.constant 0 : i32
    %dma_wait3A_60 = tpu.memref_slice %arg10[%dma_wait3A_56, %dma_wait3A_58, %dma_wait3A_59] : memref<2x80x128xf32, #tpu.memory_space<vmem>> -> memref<1x80x128xf32, #tpu.memory_space<vmem>>
    %dma_wait3A_61 = tpu.memref_squeeze %dma_wait3A_60 : memref<1x80x128xf32, #tpu.memory_space<vmem>> -> memref<80x128xf32, #tpu.memory_space<vmem>>
    %dma_wait3A_62 = arith.constant 0 : i32
    %dma_wait3A_63 = tpu.memref_slice %arg6[%add3A_40, %dma_wait3A_62] : memref<320000x128xf32, #tpu.memory_space<hbm>> -> memref<80x128xf32, #tpu.memory_space<hbm>>
    %dma_wait3A_64 = tpu.memref_slice %arg12[%dma_wait3A_57] : memref<2x!tpu.dma_semaphore, #tpu.memory_space<semaphore_mem>> -> memref<1x!tpu.dma_semaphore, #tpu.memory_space<semaphore_mem>>
    %dma_wait3A_65 = tpu.memref_squeeze %dma_wait3A_64 : memref<1x!tpu.dma_semaphore, #tpu.memory_space<semaphore_mem>> -> memref<!tpu.dma_semaphore, #tpu.memory_space<semaphore_mem>>
    %dma_wait3A_66 = arith.constant 0 : i32
    %dma_wait3A_67 = tpu.memref_slice %arg6[%add3A_40, %dma_wait3A_66] : memref<320000x128xf32, #tpu.memory_space<hbm>> -> memref<80x128xf32, #tpu.memory_space<hbm>>
    %dma_wait3A_68 = arith.constant 0 : i32
    %dma_wait3A_69 = arith.constant 0 : i32
    %dma_wait3A_70 = tpu.memref_slice %arg10[%dma_wait3A_56, %dma_wait3A_68, %dma_wait3A_69] : memref<2x80x128xf32, #tpu.memory_space<vmem>> -> memref<1x80x128xf32, #tpu.memory_space<vmem>>
    %dma_wait3A_71 = tpu.memref_squeeze %dma_wait3A_70 : memref<1x80x128xf32, #tpu.memory_space<vmem>> -> memref<80x128xf32, #tpu.memory_space<vmem>>
    tpu.wait_dma2 semaphore(%dma_wait3A_65 : memref<!tpu.dma_semaphore, #tpu.memory_space<semaphore_mem>>) src(%dma_wait3A_71 : memref<80x128xf32, #tpu.memory_space<vmem>>) dst(%dma_wait3A_67 : memref<80x128xf32, #tpu.memory_space<hbm>>)
    return
  }
}

#map = affine_map<(d0, d1) -> (0, 0)>
#map1 = affine_map<(d0, d1) -> (0, 0, 0)>
module attributes {stable_mosaic.version = 14 : i64} {
  func.func @k(%arg0: i32, %arg1: i32, %arg2: memref<320000x128xf32, #tpu.memory_space<hbm>>, %arg3: memref<32x125x80xi32, #tpu.memory_space<hbm>>, %arg4: memref<80x128xf32, #tpu.memory_space<hbm>>, %arg5: memref<20000x128xf32, #tpu.memory_space<hbm>>, %arg6: memref<125x80xi32, #tpu.memory_space<vmem>>, %arg7: memref<2x80x128xf32, #tpu.memory_space<vmem>>, %arg8: memref<10000x128xf32, #tpu.memory_space<vmem_shared>>, %arg9: memref<2x!tpu.dma_semaphore, #tpu.memory_space<semaphore_mem>>) attributes {dimension_semantics = [#tpu.dimension_semantics<core_parallel>, #tpu.dimension_semantics<subcore_parallel>], iteration_bounds = array<i64: 2, 16>, scalar_prefetch = 0 : i64, scratch_operands = 4 : i64, tpu.core_type = #tpu.core_type<sc_vector_subcore>, window_params = [{transform_indices = #map}, {transform_indices = #map1}, {transform_indices = #map}, {transform_indices = #map}]} {
    %mul3A = arith.constant 2 : i32
    %mul3A_0 = arith.muli %arg1, %mul3A : i32
    %add3A = arith.addi %mul3A_0, %arg0 : i32
    %mul3A_1 = arith.constant 10000 : i32
    %mul3A_2 = arith.muli %add3A, %mul3A_1 : i32
    %run_scoped3A = arith.constant 0 : i32
    "tpu.region"() ({
      %run_scoped3A_38 = tpu.sem_alloc : memref<!tpu.dma_semaphore, #tpu.memory_space<semaphore_mem>>
      %dma_start3A_39 = arith.constant 0 : i32
      %dma_start3A_40 = arith.constant 0 : i32
      %dma_start3A_41 = tpu.memref_slice %arg7[%run_scoped3A, %dma_start3A_39, %dma_start3A_40] : memref<2x80x128xf32, #tpu.memory_space<vmem>> -> memref<1x80x128xf32, #tpu.memory_space<vmem>>
      %dma_start3A_42 = tpu.memref_squeeze %dma_start3A_41 : memref<1x80x128xf32, #tpu.memory_space<vmem>> -> memref<80x128xf32, #tpu.memory_space<vmem>>
      %dma_start3A_43 = arith.constant 0 : i32
      %dma_start3A_44 = arith.constant 0 : i32
      %dma_start3A_45 = tpu.memref_slice %arg7[%run_scoped3A, %dma_start3A_43, %dma_start3A_44] : memref<2x80x128xf32, #tpu.memory_space<vmem>> -> memref<1x80x128xf32, #tpu.memory_space<vmem>>
      %dma_start3A_46 = tpu.memref_squeeze %dma_start3A_45 : memref<1x80x128xf32, #tpu.memory_space<vmem>> -> memref<80x128xf32, #tpu.memory_space<vmem>>
      tpu.enqueue_dma source(%arg4 : memref<80x128xf32, #tpu.memory_space<hbm>>) target(%dma_start3A_46 : memref<80x128xf32, #tpu.memory_space<vmem>>) target_semaphore(%run_scoped3A_38 : memref<!tpu.dma_semaphore, #tpu.memory_space<semaphore_mem>>)
      %dma_wait3A = arith.constant 0 : i32
      %dma_wait3A_47 = arith.constant 0 : i32
      %dma_wait3A_48 = tpu.memref_slice %arg7[%run_scoped3A, %dma_wait3A, %dma_wait3A_47] : memref<2x80x128xf32, #tpu.memory_space<vmem>> -> memref<1x80x128xf32, #tpu.memory_space<vmem>>
      %dma_wait3A_49 = tpu.memref_squeeze %dma_wait3A_48 : memref<1x80x128xf32, #tpu.memory_space<vmem>> -> memref<80x128xf32, #tpu.memory_space<vmem>>
      %dma_wait3A_50 = arith.constant 0 : i32
      %dma_wait3A_51 = arith.constant 0 : i32
      %dma_wait3A_52 = tpu.memref_slice %arg7[%run_scoped3A, %dma_wait3A_50, %dma_wait3A_51] : memref<2x80x128xf32, #tpu.memory_space<vmem>> -> memref<1x80x128xf32, #tpu.memory_space<vmem>>
      %dma_wait3A_53 = tpu.memref_squeeze %dma_wait3A_52 : memref<1x80x128xf32, #tpu.memory_space<vmem>> -> memref<80x128xf32, #tpu.memory_space<vmem>>
      tpu.wait_dma2 semaphore(%run_scoped3A_38 : memref<!tpu.dma_semaphore, #tpu.memory_space<semaphore_mem>>) src(%arg4 : memref<80x128xf32, #tpu.memory_space<hbm>>) dst(%dma_wait3A_53 : memref<80x128xf32, #tpu.memory_space<vmem>>)
      tpu.yield
    }) : () -> ()
    %scan3A = arith.constant 0 : i32
    %scan3A_3 = arith.constant 0 : i32
    %scan3A_4 = arith.constant 8 : i32
    %scan3A_5 = arith.addi %scan3A_3, %scan3A_4 : i32
    %scan3A_6 = arith.constant 1 : i32
    scf.for %scan3A_38 = %scan3A_3 to %scan3A_5 step %scan3A_6  : i32 {
      %mul3A_39 = arith.constant 16 : i32
      %mul3A_40 = arith.muli %scan3A_38, %mul3A_39 : i32
      %add3A_41 = arith.addi %mul3A_40, %arg1 : i32
      %lt3A = arith.constant 125 : i32
      %lt3A_42 = arith.cmpi slt, %add3A_41, %lt3A : i32
      %convert_element_type3A = arith.extui %lt3A_42 : i1 to i32
      %cond3A = arith.constant 0 : i32
      %cond3A_43 = arith.cmpi ne, %convert_element_type3A, %cond3A : i32
      scf.if %cond3A_43 {
        %mul3A_44 = arith.constant 80 : i32
        %mul3A_45 = arith.muli %add3A_41, %mul3A_44 : i32
        %run_scoped3A_46 = arith.constant 0 : i32
        "tpu.region"() ({
          %run_scoped3A_47 = tpu.sem_alloc : memref<!tpu.dma_semaphore, #tpu.memory_space<semaphore_mem>>
          %dma_start3A_48 = arith.constant 0 : i32
          %dma_start3A_49 = arith.constant 0 : i32
          %dma_start3A_50 = tpu.memref_slice %arg7[%run_scoped3A_46, %dma_start3A_48, %dma_start3A_49] : memref<2x80x128xf32, #tpu.memory_space<vmem>> -> memref<1x80x128xf32, #tpu.memory_space<vmem>>
          %dma_start3A_51 = tpu.memref_squeeze %dma_start3A_50 : memref<1x80x128xf32, #tpu.memory_space<vmem>> -> memref<80x128xf32, #tpu.memory_space<vmem>>
          %dma_start3A_52 = arith.constant 0 : i32
          %dma_start3A_53 = tpu.memref_slice %arg8[%mul3A_45, %dma_start3A_52] : memref<10000x128xf32, #tpu.memory_space<vmem_shared>> -> memref<80x128xf32, #tpu.memory_space<vmem_shared>>
          %dma_start3A_54 = arith.constant 0 : i32
          %dma_start3A_55 = tpu.memref_slice %arg8[%mul3A_45, %dma_start3A_54] : memref<10000x128xf32, #tpu.memory_space<vmem_shared>> -> memref<80x128xf32, #tpu.memory_space<vmem_shared>>
          %dma_start3A_56 = arith.constant 0 : i32
          %dma_start3A_57 = arith.constant 0 : i32
          %dma_start3A_58 = tpu.memref_slice %arg7[%run_scoped3A_46, %dma_start3A_56, %dma_start3A_57] : memref<2x80x128xf32, #tpu.memory_space<vmem>> -> memref<1x80x128xf32, #tpu.memory_space<vmem>>
          %dma_start3A_59 = tpu.memref_squeeze %dma_start3A_58 : memref<1x80x128xf32, #tpu.memory_space<vmem>> -> memref<80x128xf32, #tpu.memory_space<vmem>>
          tpu.enqueue_dma source(%dma_start3A_59 : memref<80x128xf32, #tpu.memory_space<vmem>>) target(%dma_start3A_55 : memref<80x128xf32, #tpu.memory_space<vmem_shared>>) target_semaphore(%run_scoped3A_47 : memref<!tpu.dma_semaphore, #tpu.memory_space<semaphore_mem>>)
          %dma_wait3A = arith.constant 0 : i32
          %dma_wait3A_60 = arith.constant 0 : i32
          %dma_wait3A_61 = tpu.memref_slice %arg7[%run_scoped3A_46, %dma_wait3A, %dma_wait3A_60] : memref<2x80x128xf32, #tpu.memory_space<vmem>> -> memref<1x80x128xf32, #tpu.memory_space<vmem>>
          %dma_wait3A_62 = tpu.memref_squeeze %dma_wait3A_61 : memref<1x80x128xf32, #tpu.memory_space<vmem>> -> memref<80x128xf32, #tpu.memory_space<vmem>>
          %dma_wait3A_63 = arith.constant 0 : i32
          %dma_wait3A_64 = tpu.memref_slice %arg8[%mul3A_45, %dma_wait3A_63] : memref<10000x128xf32, #tpu.memory_space<vmem_shared>> -> memref<80x128xf32, #tpu.memory_space<vmem_shared>>
          %dma_wait3A_65 = arith.constant 0 : i32
          %dma_wait3A_66 = tpu.memref_slice %arg8[%mul3A_45, %dma_wait3A_65] : memref<10000x128xf32, #tpu.memory_space<vmem_shared>> -> memref<80x128xf32, #tpu.memory_space<vmem_shared>>
          %dma_wait3A_67 = arith.constant 0 : i32
          %dma_wait3A_68 = arith.constant 0 : i32
          %dma_wait3A_69 = tpu.memref_slice %arg7[%run_scoped3A_46, %dma_wait3A_67, %dma_wait3A_68] : memref<2x80x128xf32, #tpu.memory_space<vmem>> -> memref<1x80x128xf32, #tpu.memory_space<vmem>>
          %dma_wait3A_70 = tpu.memref_squeeze %dma_wait3A_69 : memref<1x80x128xf32, #tpu.memory_space<vmem>> -> memref<80x128xf32, #tpu.memory_space<vmem>>
          tpu.wait_dma2 semaphore(%run_scoped3A_47 : memref<!tpu.dma_semaphore, #tpu.memory_space<semaphore_mem>>) src(%dma_wait3A_70 : memref<80x128xf32, #tpu.memory_space<vmem>>) dst(%dma_wait3A_66 : memref<80x128xf32, #tpu.memory_space<vmem_shared>>)
          tpu.yield
        }) : () -> ()
      } else {
      }
    }
    %scan3A_7 = arith.constant 8 : i32
    "tpu.region"() ({
      %run_scoped3A_38 = tpu.sem_alloc : memref<!tpu.dma_semaphore, #tpu.memory_space<semaphore_mem>>
      %dma_start3A_39 = arith.constant 0 : i32
      %dma_start3A_40 = arith.constant 0 : i32
      %dma_start3A_41 = tpu.memref_slice %arg3[%add3A, %dma_start3A_39, %dma_start3A_40] : memref<32x125x80xi32, #tpu.memory_space<hbm>> -> memref<1x125x80xi32, #tpu.memory_space<hbm>>
      %dma_start3A_42 = tpu.memref_squeeze %dma_start3A_41 : memref<1x125x80xi32, #tpu.memory_space<hbm>> -> memref<125x80xi32, #tpu.memory_space<hbm>>
      %dma_start3A_43 = arith.constant 0 : i32
      %dma_start3A_44 = arith.constant 0 : i32
      %dma_start3A_45 = tpu.memref_slice %arg3[%add3A, %dma_start3A_43, %dma_start3A_44] : memref<32x125x80xi32, #tpu.memory_space<hbm>> -> memref<1x125x80xi32, #tpu.memory_space<hbm>>
      %dma_start3A_46 = tpu.memref_squeeze %dma_start3A_45 : memref<1x125x80xi32, #tpu.memory_space<hbm>> -> memref<125x80xi32, #tpu.memory_space<hbm>>
      tpu.enqueue_dma source(%dma_start3A_46 : memref<125x80xi32, #tpu.memory_space<hbm>>) target(%arg6 : memref<125x80xi32, #tpu.memory_space<vmem>>) target_semaphore(%run_scoped3A_38 : memref<!tpu.dma_semaphore, #tpu.memory_space<semaphore_mem>>)
      %dma_wait3A = arith.constant 0 : i32
      %dma_wait3A_47 = arith.constant 0 : i32
      %dma_wait3A_48 = tpu.memref_slice %arg3[%add3A, %dma_wait3A, %dma_wait3A_47] : memref<32x125x80xi32, #tpu.memory_space<hbm>> -> memref<1x125x80xi32, #tpu.memory_space<hbm>>
      %dma_wait3A_49 = tpu.memref_squeeze %dma_wait3A_48 : memref<1x125x80xi32, #tpu.memory_space<hbm>> -> memref<125x80xi32, #tpu.memory_space<hbm>>
      %dma_wait3A_50 = arith.constant 0 : i32
      %dma_wait3A_51 = arith.constant 0 : i32
      %dma_wait3A_52 = tpu.memref_slice %arg3[%add3A, %dma_wait3A_50, %dma_wait3A_51] : memref<32x125x80xi32, #tpu.memory_space<hbm>> -> memref<1x125x80xi32, #tpu.memory_space<hbm>>
      %dma_wait3A_53 = tpu.memref_squeeze %dma_wait3A_52 : memref<1x125x80xi32, #tpu.memory_space<hbm>> -> memref<125x80xi32, #tpu.memory_space<hbm>>
      tpu.wait_dma2 semaphore(%run_scoped3A_38 : memref<!tpu.dma_semaphore, #tpu.memory_space<semaphore_mem>>) src(%dma_wait3A_53 : memref<125x80xi32, #tpu.memory_space<hbm>>) dst(%arg6 : memref<125x80xi32, #tpu.memory_space<vmem>>)
      tpu.yield
    }) : () -> ()
    %barrier3A = arith.constant 0 : index
    tpu.barrier barrier_id(%barrier3A)
    %add3A_8 = arith.constant 0 : i32
    %add3A_9 = arith.addi %mul3A_2, %add3A_8 : i32
    %dma_start3A = arith.constant 0 : i32
    %dma_start3A_10 = arith.constant 0 : i32
    %dma_start3A_11 = arith.constant 0 : i32
    %dma_start3A_12 = arith.constant 0 : i32
    %dma_start3A_13 = tpu.memref_slice %arg7[%dma_start3A, %dma_start3A_11, %dma_start3A_12] : memref<2x80x128xf32, #tpu.memory_space<vmem>> -> memref<1x80x128xf32, #tpu.memory_space<vmem>>
    %dma_start3A_14 = tpu.memref_squeeze %dma_start3A_13 : memref<1x80x128xf32, #tpu.memory_space<vmem>> -> memref<80x128xf32, #tpu.memory_space<vmem>>
    %dma_start3A_15 = arith.constant 0 : i32
    %dma_start3A_16 = tpu.memref_slice %arg2[%add3A_9, %dma_start3A_15] : memref<320000x128xf32, #tpu.memory_space<hbm>> -> memref<80x128xf32, #tpu.memory_space<hbm>>
    %dma_start3A_17 = tpu.memref_slice %arg9[%dma_start3A_10] : memref<2x!tpu.dma_semaphore, #tpu.memory_space<semaphore_mem>> -> memref<1x!tpu.dma_semaphore, #tpu.memory_space<semaphore_mem>>
    %dma_start3A_18 = tpu.memref_squeeze %dma_start3A_17 : memref<1x!tpu.dma_semaphore, #tpu.memory_space<semaphore_mem>> -> memref<!tpu.dma_semaphore, #tpu.memory_space<semaphore_mem>>
    %dma_start3A_19 = arith.constant 0 : i32
    %dma_start3A_20 = arith.constant 0 : i32
    %dma_start3A_21 = tpu.memref_slice %arg7[%dma_start3A, %dma_start3A_19, %dma_start3A_20] : memref<2x80x128xf32, #tpu.memory_space<vmem>> -> memref<1x80x128xf32, #tpu.memory_space<vmem>>
    %dma_start3A_22 = tpu.memref_squeeze %dma_start3A_21 : memref<1x80x128xf32, #tpu.memory_space<vmem>> -> memref<80x128xf32, #tpu.memory_space<vmem>>
    %dma_start3A_23 = arith.constant 0 : i32
    %dma_start3A_24 = tpu.memref_slice %arg2[%add3A_9, %dma_start3A_23] : memref<320000x128xf32, #tpu.memory_space<hbm>> -> memref<80x128xf32, #tpu.memory_space<hbm>>
    tpu.enqueue_dma source(%dma_start3A_24 : memref<80x128xf32, #tpu.memory_space<hbm>>) target(%dma_start3A_22 : memref<80x128xf32, #tpu.memory_space<vmem>>) target_semaphore(%dma_start3A_18 : memref<!tpu.dma_semaphore, #tpu.memory_space<semaphore_mem>>)
    %scan3A_25 = arith.constant 0 : i32
    %scan3A_26 = arith.constant 0 : i32
    %scan3A_27 = arith.constant 125 : i32
    %scan3A_28 = arith.addi %scan3A_26, %scan3A_27 : i32
    %scan3A_29 = arith.constant 1 : i32
    scf.for %scan3A_38 = %scan3A_26 to %scan3A_28 step %scan3A_29  : i32 {
      %rem3A = arith.constant 2 : i32
      %rem3A_39 = arith.remsi %scan3A_38, %rem3A : i32
      %sub3A = arith.constant 1 : i32
      %sub3A_40 = arith.subi %sub3A, %rem3A_39 : i32
      %mul3A_41 = arith.constant 80 : i32
      %mul3A_42 = arith.muli %scan3A_38, %mul3A_41 : i32
      %add3A_43 = arith.addi %mul3A_2, %mul3A_42 : i32
      %dma_wait3A = arith.constant 0 : i32
      %dma_wait3A_44 = arith.constant 0 : i32
      %dma_wait3A_45 = tpu.memref_slice %arg7[%rem3A_39, %dma_wait3A, %dma_wait3A_44] : memref<2x80x128xf32, #tpu.memory_space<vmem>> -> memref<1x80x128xf32, #tpu.memory_space<vmem>>
      %dma_wait3A_46 = tpu.memref_squeeze %dma_wait3A_45 : memref<1x80x128xf32, #tpu.memory_space<vmem>> -> memref<80x128xf32, #tpu.memory_space<vmem>>
      %dma_wait3A_47 = arith.constant 0 : i32
      %dma_wait3A_48 = tpu.memref_slice %arg2[%add3A_43, %dma_wait3A_47] : memref<320000x128xf32, #tpu.memory_space<hbm>> -> memref<80x128xf32, #tpu.memory_space<hbm>>
      %dma_wait3A_49 = tpu.memref_slice %arg9[%rem3A_39] : memref<2x!tpu.dma_semaphore, #tpu.memory_space<semaphore_mem>> -> memref<1x!tpu.dma_semaphore, #tpu.memory_space<semaphore_mem>>
      %dma_wait3A_50 = tpu.memref_squeeze %dma_wait3A_49 : memref<1x!tpu.dma_semaphore, #tpu.memory_space<semaphore_mem>> -> memref<!tpu.dma_semaphore, #tpu.memory_space<semaphore_mem>>
      %dma_wait3A_51 = arith.constant 0 : i32
      %dma_wait3A_52 = arith.constant 0 : i32
      %dma_wait3A_53 = tpu.memref_slice %arg7[%rem3A_39, %dma_wait3A_51, %dma_wait3A_52] : memref<2x80x128xf32, #tpu.memory_space<vmem>> -> memref<1x80x128xf32, #tpu.memory_space<vmem>>
      %dma_wait3A_54 = tpu.memref_squeeze %dma_wait3A_53 : memref<1x80x128xf32, #tpu.memory_space<vmem>> -> memref<80x128xf32, #tpu.memory_space<vmem>>
      %dma_wait3A_55 = arith.constant 0 : i32
      %dma_wait3A_56 = tpu.memref_slice %arg2[%add3A_43, %dma_wait3A_55] : memref<320000x128xf32, #tpu.memory_space<hbm>> -> memref<80x128xf32, #tpu.memory_space<hbm>>
      tpu.wait_dma2 semaphore(%dma_wait3A_50 : memref<!tpu.dma_semaphore, #tpu.memory_space<semaphore_mem>>) src(%dma_wait3A_56 : memref<80x128xf32, #tpu.memory_space<hbm>>) dst(%dma_wait3A_54 : memref<80x128xf32, #tpu.memory_space<vmem>>)
      %add3A_57 = arith.constant 1 : i32
      %add3A_58 = arith.addi %scan3A_38, %add3A_57 : i32
      %lt3A = arith.constant 125 : i32
      %lt3A_59 = arith.cmpi slt, %add3A_58, %lt3A : i32
      %convert_element_type3A = arith.extui %lt3A_59 : i1 to i32
      %cond3A = arith.constant 0 : i32
      %cond3A_60 = arith.cmpi ne, %convert_element_type3A, %cond3A : i32
      scf.if %cond3A_60 {
        %add3A_61 = arith.constant 1 : i32
        %add3A_62 = arith.addi %scan3A_38, %add3A_61 : i32
        %mul3A_63 = arith.constant 80 : i32
        %mul3A_64 = arith.muli %add3A_62, %mul3A_63 : i32
        %add3A_65 = arith.addi %mul3A_2, %mul3A_64 : i32
        %dma_start3A_66 = arith.constant 0 : i32
        %dma_start3A_67 = arith.constant 0 : i32
        %dma_start3A_68 = tpu.memref_slice %arg7[%sub3A_40, %dma_start3A_66, %dma_start3A_67] : memref<2x80x128xf32, #tpu.memory_space<vmem>> -> memref<1x80x128xf32, #tpu.memory_space<vmem>>
        %dma_start3A_69 = tpu.memref_squeeze %dma_start3A_68 : memref<1x80x128xf32, #tpu.memory_space<vmem>> -> memref<80x128xf32, #tpu.memory_space<vmem>>
        %dma_start3A_70 = arith.constant 0 : i32
        %dma_start3A_71 = tpu.memref_slice %arg2[%add3A_65, %dma_start3A_70] : memref<320000x128xf32, #tpu.memory_space<hbm>> -> memref<80x128xf32, #tpu.memory_space<hbm>>
        %dma_start3A_72 = tpu.memref_slice %arg9[%sub3A_40] : memref<2x!tpu.dma_semaphore, #tpu.memory_space<semaphore_mem>> -> memref<1x!tpu.dma_semaphore, #tpu.memory_space<semaphore_mem>>
        %dma_start3A_73 = tpu.memref_squeeze %dma_start3A_72 : memref<1x!tpu.dma_semaphore, #tpu.memory_space<semaphore_mem>> -> memref<!tpu.dma_semaphore, #tpu.memory_space<semaphore_mem>>
        %dma_start3A_74 = arith.constant 0 : i32
        %dma_start3A_75 = arith.constant 0 : i32
        %dma_start3A_76 = tpu.memref_slice %arg7[%sub3A_40, %dma_start3A_74, %dma_start3A_75] : memref<2x80x128xf32, #tpu.memory_space<vmem>> -> memref<1x80x128xf32, #tpu.memory_space<vmem>>
        %dma_start3A_77 = tpu.memref_squeeze %dma_start3A_76 : memref<1x80x128xf32, #tpu.memory_space<vmem>> -> memref<80x128xf32, #tpu.memory_space<vmem>>
        %dma_start3A_78 = arith.constant 0 : i32
        %dma_start3A_79 = tpu.memref_slice %arg2[%add3A_65, %dma_start3A_78] : memref<320000x128xf32, #tpu.memory_space<hbm>> -> memref<80x128xf32, #tpu.memory_space<hbm>>
        tpu.enqueue_dma source(%dma_start3A_79 : memref<80x128xf32, #tpu.memory_space<hbm>>) target(%dma_start3A_77 : memref<80x128xf32, #tpu.memory_space<vmem>>) target_semaphore(%dma_start3A_73 : memref<!tpu.dma_semaphore, #tpu.memory_space<semaphore_mem>>)
      } else {
      }
      "tpu.region"() ({
        %run_scoped3A_61 = tpu.sem_alloc : memref<!tpu.dma_semaphore, #tpu.memory_space<semaphore_mem>>
        %dma_start3A_62 = arith.constant 0 : i32
        %dma_start3A_63 = arith.constant 0 : i32
        %dma_start3A_64 = tpu.memref_slice %arg7[%rem3A_39, %dma_start3A_62, %dma_start3A_63] : memref<2x80x128xf32, #tpu.memory_space<vmem>> -> memref<1x80x128xf32, #tpu.memory_space<vmem>>
        %dma_start3A_65 = tpu.memref_squeeze %dma_start3A_64 : memref<1x80x128xf32, #tpu.memory_space<vmem>> -> memref<80x128xf32, #tpu.memory_space<vmem>>
        %dma_start3A_66 = arith.constant 0 : i32
        %dma_start3A_67 = tpu.memref_slice %arg6[%scan3A_38, %dma_start3A_66] : memref<125x80xi32, #tpu.memory_space<vmem>> -> memref<1x80xi32, #tpu.memory_space<vmem>>
        %dma_start3A_68 = tpu.memref_squeeze %dma_start3A_67 : memref<1x80xi32, #tpu.memory_space<vmem>> -> memref<80xi32, #tpu.memory_space<vmem>>
        %dma_start3A_69 = arith.constant 0 : i32
        %dma_start3A_70 = arith.constant 0 : i32
        %dma_start3A_71 = tpu.memref_slice %arg8[%dma_start3A_69, %dma_start3A_70] : memref<10000x128xf32, #tpu.memory_space<vmem_shared>> -> memref<10000x128xf32, #tpu.memory_space<vmem_shared>>
        tpu.enqueue_indirect_dma source(%dma_start3A_65 : memref<80x128xf32, #tpu.memory_space<vmem>>) target(%dma_start3A_71 : memref<10000x128xf32, #tpu.memory_space<vmem_shared>>) offsets(%dma_start3A_68 : memref<80xi32, #tpu.memory_space<vmem>>) semaphore(%run_scoped3A_61 : memref<!tpu.dma_semaphore, #tpu.memory_space<semaphore_mem>>) {add = true}
        %dma_wait3A_72 = arith.constant 0 : i32
        %dma_wait3A_73 = arith.constant 0 : i32
        %dma_wait3A_74 = tpu.memref_slice %arg7[%rem3A_39, %dma_wait3A_72, %dma_wait3A_73] : memref<2x80x128xf32, #tpu.memory_space<vmem>> -> memref<1x80x128xf32, #tpu.memory_space<vmem>>
        %dma_wait3A_75 = tpu.memref_squeeze %dma_wait3A_74 : memref<1x80x128xf32, #tpu.memory_space<vmem>> -> memref<80x128xf32, #tpu.memory_space<vmem>>
        %dma_wait3A_76 = arith.constant 0 : i32
        %dma_wait3A_77 = tpu.memref_slice %arg6[%scan3A_38, %dma_wait3A_76] : memref<125x80xi32, #tpu.memory_space<vmem>> -> memref<1x80xi32, #tpu.memory_space<vmem>>
        %dma_wait3A_78 = tpu.memref_squeeze %dma_wait3A_77 : memref<1x80xi32, #tpu.memory_space<vmem>> -> memref<80xi32, #tpu.memory_space<vmem>>
        %dma_wait3A_79 = arith.constant 0 : i32
        %dma_wait3A_80 = arith.constant 0 : i32
        %dma_wait3A_81 = tpu.memref_slice %arg8[%dma_wait3A_79, %dma_wait3A_80] : memref<10000x128xf32, #tpu.memory_space<vmem_shared>> -> memref<10000x128xf32, #tpu.memory_space<vmem_shared>>
        tpu.wait_indirect_dma semaphore(%run_scoped3A_61 : memref<!tpu.dma_semaphore, #tpu.memory_space<semaphore_mem>>) src(%dma_wait3A_75 : memref<80x128xf32, #tpu.memory_space<vmem>>) dst(%dma_wait3A_81 : memref<10000x128xf32, #tpu.memory_space<vmem_shared>>)
        tpu.yield
      }) : () -> ()
    }
    %scan3A_30 = arith.constant 125 : i32
    %barrier3A_31 = arith.constant 0 : index
    tpu.barrier barrier_id(%barrier3A_31)
    %scan3A_32 = arith.constant 0 : i32
    %scan3A_33 = arith.constant 0 : i32
    %scan3A_34 = arith.constant 8 : i32
    %scan3A_35 = arith.addi %scan3A_33, %scan3A_34 : i32
    %scan3A_36 = arith.constant 1 : i32
    scf.for %scan3A_38 = %scan3A_33 to %scan3A_35 step %scan3A_36  : i32 {
      %mul3A_39 = arith.constant 16 : i32
      %mul3A_40 = arith.muli %scan3A_38, %mul3A_39 : i32
      %add3A_41 = arith.addi %mul3A_40, %arg1 : i32
      %lt3A = arith.constant 125 : i32
      %lt3A_42 = arith.cmpi slt, %add3A_41, %lt3A : i32
      %convert_element_type3A = arith.extui %lt3A_42 : i1 to i32
      %cond3A = arith.constant 0 : i32
      %cond3A_43 = arith.cmpi ne, %convert_element_type3A, %cond3A : i32
      scf.if %cond3A_43 {
        %mul3A_44 = arith.constant 80 : i32
        %mul3A_45 = arith.muli %add3A_41, %mul3A_44 : i32
        %run_scoped3A_46 = arith.constant 0 : i32
        "tpu.region"() ({
          %run_scoped3A_53 = tpu.sem_alloc : memref<!tpu.dma_semaphore, #tpu.memory_space<semaphore_mem>>
          %dma_start3A_54 = arith.constant 0 : i32
          %dma_start3A_55 = arith.constant 0 : i32
          %dma_start3A_56 = tpu.memref_slice %arg7[%run_scoped3A_46, %dma_start3A_54, %dma_start3A_55] : memref<2x80x128xf32, #tpu.memory_space<vmem>> -> memref<1x80x128xf32, #tpu.memory_space<vmem>>
          %dma_start3A_57 = tpu.memref_squeeze %dma_start3A_56 : memref<1x80x128xf32, #tpu.memory_space<vmem>> -> memref<80x128xf32, #tpu.memory_space<vmem>>
          %dma_start3A_58 = arith.constant 0 : i32
          %dma_start3A_59 = tpu.memref_slice %arg8[%mul3A_45, %dma_start3A_58] : memref<10000x128xf32, #tpu.memory_space<vmem_shared>> -> memref<80x128xf32, #tpu.memory_space<vmem_shared>>
          %dma_start3A_60 = arith.constant 0 : i32
          %dma_start3A_61 = arith.constant 0 : i32
          %dma_start3A_62 = tpu.memref_slice %arg7[%run_scoped3A_46, %dma_start3A_60, %dma_start3A_61] : memref<2x80x128xf32, #tpu.memory_space<vmem>> -> memref<1x80x128xf32, #tpu.memory_space<vmem>>
          %dma_start3A_63 = tpu.memref_squeeze %dma_start3A_62 : memref<1x80x128xf32, #tpu.memory_space<vmem>> -> memref<80x128xf32, #tpu.memory_space<vmem>>
          %dma_start3A_64 = arith.constant 0 : i32
          %dma_start3A_65 = tpu.memref_slice %arg8[%mul3A_45, %dma_start3A_64] : memref<10000x128xf32, #tpu.memory_space<vmem_shared>> -> memref<80x128xf32, #tpu.memory_space<vmem_shared>>
          tpu.enqueue_dma source(%dma_start3A_65 : memref<80x128xf32, #tpu.memory_space<vmem_shared>>) target(%dma_start3A_63 : memref<80x128xf32, #tpu.memory_space<vmem>>) target_semaphore(%run_scoped3A_53 : memref<!tpu.dma_semaphore, #tpu.memory_space<semaphore_mem>>)
          %dma_wait3A = arith.constant 0 : i32
          %dma_wait3A_66 = arith.constant 0 : i32
          %dma_wait3A_67 = tpu.memref_slice %arg7[%run_scoped3A_46, %dma_wait3A, %dma_wait3A_66] : memref<2x80x128xf32, #tpu.memory_space<vmem>> -> memref<1x80x128xf32, #tpu.memory_space<vmem>>
          %dma_wait3A_68 = tpu.memref_squeeze %dma_wait3A_67 : memref<1x80x128xf32, #tpu.memory_space<vmem>> -> memref<80x128xf32, #tpu.memory_space<vmem>>
          %dma_wait3A_69 = arith.constant 0 : i32
          %dma_wait3A_70 = tpu.memref_slice %arg8[%mul3A_45, %dma_wait3A_69] : memref<10000x128xf32, #tpu.memory_space<vmem_shared>> -> memref<80x128xf32, #tpu.memory_space<vmem_shared>>
          %dma_wait3A_71 = arith.constant 0 : i32
          %dma_wait3A_72 = arith.constant 0 : i32
          %dma_wait3A_73 = tpu.memref_slice %arg7[%run_scoped3A_46, %dma_wait3A_71, %dma_wait3A_72] : memref<2x80x128xf32, #tpu.memory_space<vmem>> -> memref<1x80x128xf32, #tpu.memory_space<vmem>>
          %dma_wait3A_74 = tpu.memref_squeeze %dma_wait3A_73 : memref<1x80x128xf32, #tpu.memory_space<vmem>> -> memref<80x128xf32, #tpu.memory_space<vmem>>
          %dma_wait3A_75 = arith.constant 0 : i32
          %dma_wait3A_76 = tpu.memref_slice %arg8[%mul3A_45, %dma_wait3A_75] : memref<10000x128xf32, #tpu.memory_space<vmem_shared>> -> memref<80x128xf32, #tpu.memory_space<vmem_shared>>
          tpu.wait_dma2 semaphore(%run_scoped3A_53 : memref<!tpu.dma_semaphore, #tpu.memory_space<semaphore_mem>>) src(%dma_wait3A_76 : memref<80x128xf32, #tpu.memory_space<vmem_shared>>) dst(%dma_wait3A_74 : memref<80x128xf32, #tpu.memory_space<vmem>>)
          tpu.yield
        }) : () -> ()
        %mul3A_47 = arith.constant 10000 : i32
        %mul3A_48 = arith.muli %arg0, %mul3A_47 : i32
        %mul3A_49 = arith.constant 80 : i32
        %mul3A_50 = arith.muli %add3A_41, %mul3A_49 : i32
        %add3A_51 = arith.addi %mul3A_48, %mul3A_50 : i32
        %run_scoped3A_52 = arith.constant 0 : i32
        "tpu.region"() ({
          %run_scoped3A_53 = tpu.sem_alloc : memref<!tpu.dma_semaphore, #tpu.memory_space<semaphore_mem>>
          %dma_start3A_54 = arith.constant 0 : i32
          %dma_start3A_55 = arith.constant 0 : i32
          %dma_start3A_56 = tpu.memref_slice %arg7[%run_scoped3A_52, %dma_start3A_54, %dma_start3A_55] : memref<2x80x128xf32, #tpu.memory_space<vmem>> -> memref<1x80x128xf32, #tpu.memory_space<vmem>>
          %dma_start3A_57 = tpu.memref_squeeze %dma_start3A_56 : memref<1x80x128xf32, #tpu.memory_space<vmem>> -> memref<80x128xf32, #tpu.memory_space<vmem>>
          %dma_start3A_58 = arith.constant 0 : i32
          %dma_start3A_59 = tpu.memref_slice %arg5[%add3A_51, %dma_start3A_58] : memref<20000x128xf32, #tpu.memory_space<hbm>> -> memref<80x128xf32, #tpu.memory_space<hbm>>
          %dma_start3A_60 = arith.constant 0 : i32
          %dma_start3A_61 = tpu.memref_slice %arg5[%add3A_51, %dma_start3A_60] : memref<20000x128xf32, #tpu.memory_space<hbm>> -> memref<80x128xf32, #tpu.memory_space<hbm>>
          %dma_start3A_62 = arith.constant 0 : i32
          %dma_start3A_63 = arith.constant 0 : i32
          %dma_start3A_64 = tpu.memref_slice %arg7[%run_scoped3A_52, %dma_start3A_62, %dma_start3A_63] : memref<2x80x128xf32, #tpu.memory_space<vmem>> -> memref<1x80x128xf32, #tpu.memory_space<vmem>>
          %dma_start3A_65 = tpu.memref_squeeze %dma_start3A_64 : memref<1x80x128xf32, #tpu.memory_space<vmem>> -> memref<80x128xf32, #tpu.memory_space<vmem>>
          tpu.enqueue_dma source(%dma_start3A_65 : memref<80x128xf32, #tpu.memory_space<vmem>>) target(%dma_start3A_61 : memref<80x128xf32, #tpu.memory_space<hbm>>) target_semaphore(%run_scoped3A_53 : memref<!tpu.dma_semaphore, #tpu.memory_space<semaphore_mem>>)
          %dma_wait3A = arith.constant 0 : i32
          %dma_wait3A_66 = arith.constant 0 : i32
          %dma_wait3A_67 = tpu.memref_slice %arg7[%run_scoped3A_52, %dma_wait3A, %dma_wait3A_66] : memref<2x80x128xf32, #tpu.memory_space<vmem>> -> memref<1x80x128xf32, #tpu.memory_space<vmem>>
          %dma_wait3A_68 = tpu.memref_squeeze %dma_wait3A_67 : memref<1x80x128xf32, #tpu.memory_space<vmem>> -> memref<80x128xf32, #tpu.memory_space<vmem>>
          %dma_wait3A_69 = arith.constant 0 : i32
          %dma_wait3A_70 = tpu.memref_slice %arg5[%add3A_51, %dma_wait3A_69] : memref<20000x128xf32, #tpu.memory_space<hbm>> -> memref<80x128xf32, #tpu.memory_space<hbm>>
          %dma_wait3A_71 = arith.constant 0 : i32
          %dma_wait3A_72 = tpu.memref_slice %arg5[%add3A_51, %dma_wait3A_71] : memref<20000x128xf32, #tpu.memory_space<hbm>> -> memref<80x128xf32, #tpu.memory_space<hbm>>
          %dma_wait3A_73 = arith.constant 0 : i32
          %dma_wait3A_74 = arith.constant 0 : i32
          %dma_wait3A_75 = tpu.memref_slice %arg7[%run_scoped3A_52, %dma_wait3A_73, %dma_wait3A_74] : memref<2x80x128xf32, #tpu.memory_space<vmem>> -> memref<1x80x128xf32, #tpu.memory_space<vmem>>
          %dma_wait3A_76 = tpu.memref_squeeze %dma_wait3A_75 : memref<1x80x128xf32, #tpu.memory_space<vmem>> -> memref<80x128xf32, #tpu.memory_space<vmem>>
          tpu.wait_dma2 semaphore(%run_scoped3A_53 : memref<!tpu.dma_semaphore, #tpu.memory_space<semaphore_mem>>) src(%dma_wait3A_76 : memref<80x128xf32, #tpu.memory_space<vmem>>) dst(%dma_wait3A_72 : memref<80x128xf32, #tpu.memory_space<hbm>>)
          tpu.yield
        }) : () -> ()
      } else {
      }
    }
    %scan3A_37 = arith.constant 8 : i32
    return
  }
}

#map = affine_map<(d0, d1) -> (0, 0)>
#map1 = affine_map<(d0, d1) -> (0, 0, 0)>
module attributes {stable_mosaic.version = 14 : i64} {
  func.func @k(%arg0: i32, %arg1: i32, %arg2: memref<320000x128xf32, #tpu.memory_space<hbm>>, %arg3: memref<32x125x80xi32, #tpu.memory_space<hbm>>, %arg4: memref<80x128xf32, #tpu.memory_space<hbm>>, %arg5: memref<20000x128xf32, #tpu.memory_space<hbm>>, %arg6: memref<125x80xi32, #tpu.memory_space<vmem>>, %arg7: memref<2x80x128xf32, #tpu.memory_space<vmem>>, %arg8: memref<10000x128xf32, #tpu.memory_space<vmem_shared>>, %arg9: memref<2x!tpu.dma_semaphore, #tpu.memory_space<semaphore_mem>>) attributes {dimension_semantics = [#tpu.dimension_semantics<core_parallel>, #tpu.dimension_semantics<subcore_parallel>], iteration_bounds = array<i64: 2, 16>, scalar_prefetch = 0 : i64, scratch_operands = 4 : i64, tpu.core_type = #tpu.core_type<sc_vector_subcore>, window_params = [{transform_indices = #map}, {transform_indices = #map1}, {transform_indices = #map}, {transform_indices = #map}]} {
    %mul3A = arith.constant 2 : i32
    %mul3A_0 = arith.muli %arg1, %mul3A : i32
    %add3A = arith.addi %mul3A_0, %arg0 : i32
    %mul3A_1 = arith.constant 10000 : i32
    %mul3A_2 = arith.muli %add3A, %mul3A_1 : i32
    %run_scoped3A = arith.constant 0 : i32
    "tpu.region"() ({
      %run_scoped3A_38 = tpu.sem_alloc : memref<!tpu.dma_semaphore, #tpu.memory_space<semaphore_mem>>
      %dma_start3A_39 = arith.constant 0 : i32
      %dma_start3A_40 = arith.constant 0 : i32
      %dma_start3A_41 = tpu.memref_slice %arg7[%run_scoped3A, %dma_start3A_39, %dma_start3A_40] : memref<2x80x128xf32, #tpu.memory_space<vmem>> -> memref<1x80x128xf32, #tpu.memory_space<vmem>>
      %dma_start3A_42 = tpu.memref_squeeze %dma_start3A_41 : memref<1x80x128xf32, #tpu.memory_space<vmem>> -> memref<80x128xf32, #tpu.memory_space<vmem>>
      %dma_start3A_43 = arith.constant 0 : i32
      %dma_start3A_44 = arith.constant 0 : i32
      %dma_start3A_45 = tpu.memref_slice %arg7[%run_scoped3A, %dma_start3A_43, %dma_start3A_44] : memref<2x80x128xf32, #tpu.memory_space<vmem>> -> memref<1x80x128xf32, #tpu.memory_space<vmem>>
      %dma_start3A_46 = tpu.memref_squeeze %dma_start3A_45 : memref<1x80x128xf32, #tpu.memory_space<vmem>> -> memref<80x128xf32, #tpu.memory_space<vmem>>
      tpu.enqueue_dma source(%arg4 : memref<80x128xf32, #tpu.memory_space<hbm>>) target(%dma_start3A_46 : memref<80x128xf32, #tpu.memory_space<vmem>>) target_semaphore(%run_scoped3A_38 : memref<!tpu.dma_semaphore, #tpu.memory_space<semaphore_mem>>)
      %dma_wait3A = arith.constant 0 : i32
      %dma_wait3A_47 = arith.constant 0 : i32
      %dma_wait3A_48 = tpu.memref_slice %arg7[%run_scoped3A, %dma_wait3A, %dma_wait3A_47] : memref<2x80x128xf32, #tpu.memory_space<vmem>> -> memref<1x80x128xf32, #tpu.memory_space<vmem>>
      %dma_wait3A_49 = tpu.memref_squeeze %dma_wait3A_48 : memref<1x80x128xf32, #tpu.memory_space<vmem>> -> memref<80x128xf32, #tpu.memory_space<vmem>>
      %dma_wait3A_50 = arith.constant 0 : i32
      %dma_wait3A_51 = arith.constant 0 : i32
      %dma_wait3A_52 = tpu.memref_slice %arg7[%run_scoped3A, %dma_wait3A_50, %dma_wait3A_51] : memref<2x80x128xf32, #tpu.memory_space<vmem>> -> memref<1x80x128xf32, #tpu.memory_space<vmem>>
      %dma_wait3A_53 = tpu.memref_squeeze %dma_wait3A_52 : memref<1x80x128xf32, #tpu.memory_space<vmem>> -> memref<80x128xf32, #tpu.memory_space<vmem>>
      tpu.wait_dma2 semaphore(%run_scoped3A_38 : memref<!tpu.dma_semaphore, #tpu.memory_space<semaphore_mem>>) src(%arg4 : memref<80x128xf32, #tpu.memory_space<hbm>>) dst(%dma_wait3A_53 : memref<80x128xf32, #tpu.memory_space<vmem>>)
      tpu.yield
    }) : () -> ()
    %scan3A = arith.constant 0 : i32
    %scan3A_3 = arith.constant 0 : i32
    %scan3A_4 = arith.constant 8 : i32
    %scan3A_5 = arith.addi %scan3A_3, %scan3A_4 : i32
    %scan3A_6 = arith.constant 1 : i32
    scf.for %scan3A_38 = %scan3A_3 to %scan3A_5 step %scan3A_6  : i32 {
      %mul3A_39 = arith.constant 16 : i32
      %mul3A_40 = arith.muli %scan3A_38, %mul3A_39 : i32
      %add3A_41 = arith.addi %mul3A_40, %arg1 : i32
      %lt3A = arith.constant 125 : i32
      %lt3A_42 = arith.cmpi slt, %add3A_41, %lt3A : i32
      %convert_element_type3A = arith.extui %lt3A_42 : i1 to i32
      %cond3A = arith.constant 0 : i32
      %cond3A_43 = arith.cmpi ne, %convert_element_type3A, %cond3A : i32
      scf.if %cond3A_43 {
        %mul3A_44 = arith.constant 80 : i32
        %mul3A_45 = arith.muli %add3A_41, %mul3A_44 : i32
        %run_scoped3A_46 = arith.constant 0 : i32
        "tpu.region"() ({
          %run_scoped3A_47 = tpu.sem_alloc : memref<!tpu.dma_semaphore, #tpu.memory_space<semaphore_mem>>
          %dma_start3A_48 = arith.constant 0 : i32
          %dma_start3A_49 = arith.constant 0 : i32
          %dma_start3A_50 = tpu.memref_slice %arg7[%run_scoped3A_46, %dma_start3A_48, %dma_start3A_49] : memref<2x80x128xf32, #tpu.memory_space<vmem>> -> memref<1x80x128xf32, #tpu.memory_space<vmem>>
          %dma_start3A_51 = tpu.memref_squeeze %dma_start3A_50 : memref<1x80x128xf32, #tpu.memory_space<vmem>> -> memref<80x128xf32, #tpu.memory_space<vmem>>
          %dma_start3A_52 = arith.constant 0 : i32
          %dma_start3A_53 = tpu.memref_slice %arg8[%mul3A_45, %dma_start3A_52] : memref<10000x128xf32, #tpu.memory_space<vmem_shared>> -> memref<80x128xf32, #tpu.memory_space<vmem_shared>>
          %dma_start3A_54 = arith.constant 0 : i32
          %dma_start3A_55 = tpu.memref_slice %arg8[%mul3A_45, %dma_start3A_54] : memref<10000x128xf32, #tpu.memory_space<vmem_shared>> -> memref<80x128xf32, #tpu.memory_space<vmem_shared>>
          %dma_start3A_56 = arith.constant 0 : i32
          %dma_start3A_57 = arith.constant 0 : i32
          %dma_start3A_58 = tpu.memref_slice %arg7[%run_scoped3A_46, %dma_start3A_56, %dma_start3A_57] : memref<2x80x128xf32, #tpu.memory_space<vmem>> -> memref<1x80x128xf32, #tpu.memory_space<vmem>>
          %dma_start3A_59 = tpu.memref_squeeze %dma_start3A_58 : memref<1x80x128xf32, #tpu.memory_space<vmem>> -> memref<80x128xf32, #tpu.memory_space<vmem>>
          tpu.enqueue_dma source(%dma_start3A_59 : memref<80x128xf32, #tpu.memory_space<vmem>>) target(%dma_start3A_55 : memref<80x128xf32, #tpu.memory_space<vmem_shared>>) target_semaphore(%run_scoped3A_47 : memref<!tpu.dma_semaphore, #tpu.memory_space<semaphore_mem>>)
          %dma_wait3A = arith.constant 0 : i32
          %dma_wait3A_60 = arith.constant 0 : i32
          %dma_wait3A_61 = tpu.memref_slice %arg7[%run_scoped3A_46, %dma_wait3A, %dma_wait3A_60] : memref<2x80x128xf32, #tpu.memory_space<vmem>> -> memref<1x80x128xf32, #tpu.memory_space<vmem>>
          %dma_wait3A_62 = tpu.memref_squeeze %dma_wait3A_61 : memref<1x80x128xf32, #tpu.memory_space<vmem>> -> memref<80x128xf32, #tpu.memory_space<vmem>>
          %dma_wait3A_63 = arith.constant 0 : i32
          %dma_wait3A_64 = tpu.memref_slice %arg8[%mul3A_45, %dma_wait3A_63] : memref<10000x128xf32, #tpu.memory_space<vmem_shared>> -> memref<80x128xf32, #tpu.memory_space<vmem_shared>>
          %dma_wait3A_65 = arith.constant 0 : i32
          %dma_wait3A_66 = tpu.memref_slice %arg8[%mul3A_45, %dma_wait3A_65] : memref<10000x128xf32, #tpu.memory_space<vmem_shared>> -> memref<80x128xf32, #tpu.memory_space<vmem_shared>>
          %dma_wait3A_67 = arith.constant 0 : i32
          %dma_wait3A_68 = arith.constant 0 : i32
          %dma_wait3A_69 = tpu.memref_slice %arg7[%run_scoped3A_46, %dma_wait3A_67, %dma_wait3A_68] : memref<2x80x128xf32, #tpu.memory_space<vmem>> -> memref<1x80x128xf32, #tpu.memory_space<vmem>>
          %dma_wait3A_70 = tpu.memref_squeeze %dma_wait3A_69 : memref<1x80x128xf32, #tpu.memory_space<vmem>> -> memref<80x128xf32, #tpu.memory_space<vmem>>
          tpu.wait_dma2 semaphore(%run_scoped3A_47 : memref<!tpu.dma_semaphore, #tpu.memory_space<semaphore_mem>>) src(%dma_wait3A_70 : memref<80x128xf32, #tpu.memory_space<vmem>>) dst(%dma_wait3A_66 : memref<80x128xf32, #tpu.memory_space<vmem_shared>>)
          tpu.yield
        }) : () -> ()
      } else {
      }
    }
    %scan3A_7 = arith.constant 8 : i32
    "tpu.region"() ({
      %run_scoped3A_38 = tpu.sem_alloc : memref<!tpu.dma_semaphore, #tpu.memory_space<semaphore_mem>>
      %dma_start3A_39 = arith.constant 0 : i32
      %dma_start3A_40 = arith.constant 0 : i32
      %dma_start3A_41 = tpu.memref_slice %arg3[%add3A, %dma_start3A_39, %dma_start3A_40] : memref<32x125x80xi32, #tpu.memory_space<hbm>> -> memref<1x125x80xi32, #tpu.memory_space<hbm>>
      %dma_start3A_42 = tpu.memref_squeeze %dma_start3A_41 : memref<1x125x80xi32, #tpu.memory_space<hbm>> -> memref<125x80xi32, #tpu.memory_space<hbm>>
      %dma_start3A_43 = arith.constant 0 : i32
      %dma_start3A_44 = arith.constant 0 : i32
      %dma_start3A_45 = tpu.memref_slice %arg3[%add3A, %dma_start3A_43, %dma_start3A_44] : memref<32x125x80xi32, #tpu.memory_space<hbm>> -> memref<1x125x80xi32, #tpu.memory_space<hbm>>
      %dma_start3A_46 = tpu.memref_squeeze %dma_start3A_45 : memref<1x125x80xi32, #tpu.memory_space<hbm>> -> memref<125x80xi32, #tpu.memory_space<hbm>>
      tpu.enqueue_dma source(%dma_start3A_46 : memref<125x80xi32, #tpu.memory_space<hbm>>) target(%arg6 : memref<125x80xi32, #tpu.memory_space<vmem>>) target_semaphore(%run_scoped3A_38 : memref<!tpu.dma_semaphore, #tpu.memory_space<semaphore_mem>>)
      %dma_wait3A = arith.constant 0 : i32
      %dma_wait3A_47 = arith.constant 0 : i32
      %dma_wait3A_48 = tpu.memref_slice %arg3[%add3A, %dma_wait3A, %dma_wait3A_47] : memref<32x125x80xi32, #tpu.memory_space<hbm>> -> memref<1x125x80xi32, #tpu.memory_space<hbm>>
      %dma_wait3A_49 = tpu.memref_squeeze %dma_wait3A_48 : memref<1x125x80xi32, #tpu.memory_space<hbm>> -> memref<125x80xi32, #tpu.memory_space<hbm>>
      %dma_wait3A_50 = arith.constant 0 : i32
      %dma_wait3A_51 = arith.constant 0 : i32
      %dma_wait3A_52 = tpu.memref_slice %arg3[%add3A, %dma_wait3A_50, %dma_wait3A_51] : memref<32x125x80xi32, #tpu.memory_space<hbm>> -> memref<1x125x80xi32, #tpu.memory_space<hbm>>
      %dma_wait3A_53 = tpu.memref_squeeze %dma_wait3A_52 : memref<1x125x80xi32, #tpu.memory_space<hbm>> -> memref<125x80xi32, #tpu.memory_space<hbm>>
      tpu.wait_dma2 semaphore(%run_scoped3A_38 : memref<!tpu.dma_semaphore, #tpu.memory_space<semaphore_mem>>) src(%dma_wait3A_53 : memref<125x80xi32, #tpu.memory_space<hbm>>) dst(%arg6 : memref<125x80xi32, #tpu.memory_space<vmem>>)
      tpu.yield
    }) : () -> ()
    %barrier3A = arith.constant 0 : index
    tpu.barrier barrier_id(%barrier3A)
    %add3A_8 = arith.constant 0 : i32
    %add3A_9 = arith.addi %mul3A_2, %add3A_8 : i32
    %dma_start3A = arith.constant 0 : i32
    %dma_start3A_10 = arith.constant 0 : i32
    %dma_start3A_11 = arith.constant 0 : i32
    %dma_start3A_12 = arith.constant 0 : i32
    %dma_start3A_13 = tpu.memref_slice %arg7[%dma_start3A, %dma_start3A_11, %dma_start3A_12] : memref<2x80x128xf32, #tpu.memory_space<vmem>> -> memref<1x80x128xf32, #tpu.memory_space<vmem>>
    %dma_start3A_14 = tpu.memref_squeeze %dma_start3A_13 : memref<1x80x128xf32, #tpu.memory_space<vmem>> -> memref<80x128xf32, #tpu.memory_space<vmem>>
    %dma_start3A_15 = arith.constant 0 : i32
    %dma_start3A_16 = tpu.memref_slice %arg2[%add3A_9, %dma_start3A_15] : memref<320000x128xf32, #tpu.memory_space<hbm>> -> memref<80x128xf32, #tpu.memory_space<hbm>>
    %dma_start3A_17 = tpu.memref_slice %arg9[%dma_start3A_10] : memref<2x!tpu.dma_semaphore, #tpu.memory_space<semaphore_mem>> -> memref<1x!tpu.dma_semaphore, #tpu.memory_space<semaphore_mem>>
    %dma_start3A_18 = tpu.memref_squeeze %dma_start3A_17 : memref<1x!tpu.dma_semaphore, #tpu.memory_space<semaphore_mem>> -> memref<!tpu.dma_semaphore, #tpu.memory_space<semaphore_mem>>
    %dma_start3A_19 = arith.constant 0 : i32
    %dma_start3A_20 = arith.constant 0 : i32
    %dma_start3A_21 = tpu.memref_slice %arg7[%dma_start3A, %dma_start3A_19, %dma_start3A_20] : memref<2x80x128xf32, #tpu.memory_space<vmem>> -> memref<1x80x128xf32, #tpu.memory_space<vmem>>
    %dma_start3A_22 = tpu.memref_squeeze %dma_start3A_21 : memref<1x80x128xf32, #tpu.memory_space<vmem>> -> memref<80x128xf32, #tpu.memory_space<vmem>>
    %dma_start3A_23 = arith.constant 0 : i32
    %dma_start3A_24 = tpu.memref_slice %arg2[%add3A_9, %dma_start3A_23] : memref<320000x128xf32, #tpu.memory_space<hbm>> -> memref<80x128xf32, #tpu.memory_space<hbm>>
    tpu.enqueue_dma source(%dma_start3A_24 : memref<80x128xf32, #tpu.memory_space<hbm>>) target(%dma_start3A_22 : memref<80x128xf32, #tpu.memory_space<vmem>>) target_semaphore(%dma_start3A_18 : memref<!tpu.dma_semaphore, #tpu.memory_space<semaphore_mem>>)
    %scan3A_25 = arith.constant 0 : i32
    %scan3A_26 = arith.constant 0 : i32
    %scan3A_27 = arith.constant 125 : i32
    %scan3A_28 = arith.addi %scan3A_26, %scan3A_27 : i32
    %scan3A_29 = arith.constant 1 : i32
    scf.for %scan3A_38 = %scan3A_26 to %scan3A_28 step %scan3A_29  : i32 {
      %rem3A = arith.constant 2 : i32
      %rem3A_39 = arith.remsi %scan3A_38, %rem3A : i32
      %sub3A = arith.constant 1 : i32
      %sub3A_40 = arith.subi %sub3A, %rem3A_39 : i32
      %mul3A_41 = arith.constant 80 : i32
      %mul3A_42 = arith.muli %scan3A_38, %mul3A_41 : i32
      %add3A_43 = arith.addi %mul3A_2, %mul3A_42 : i32
      %dma_wait3A = arith.constant 0 : i32
      %dma_wait3A_44 = arith.constant 0 : i32
      %dma_wait3A_45 = tpu.memref_slice %arg7[%rem3A_39, %dma_wait3A, %dma_wait3A_44] : memref<2x80x128xf32, #tpu.memory_space<vmem>> -> memref<1x80x128xf32, #tpu.memory_space<vmem>>
      %dma_wait3A_46 = tpu.memref_squeeze %dma_wait3A_45 : memref<1x80x128xf32, #tpu.memory_space<vmem>> -> memref<80x128xf32, #tpu.memory_space<vmem>>
      %dma_wait3A_47 = arith.constant 0 : i32
      %dma_wait3A_48 = tpu.memref_slice %arg2[%add3A_43, %dma_wait3A_47] : memref<320000x128xf32, #tpu.memory_space<hbm>> -> memref<80x128xf32, #tpu.memory_space<hbm>>
      %dma_wait3A_49 = tpu.memref_slice %arg9[%rem3A_39] : memref<2x!tpu.dma_semaphore, #tpu.memory_space<semaphore_mem>> -> memref<1x!tpu.dma_semaphore, #tpu.memory_space<semaphore_mem>>
      %dma_wait3A_50 = tpu.memref_squeeze %dma_wait3A_49 : memref<1x!tpu.dma_semaphore, #tpu.memory_space<semaphore_mem>> -> memref<!tpu.dma_semaphore, #tpu.memory_space<semaphore_mem>>
      %dma_wait3A_51 = arith.constant 0 : i32
      %dma_wait3A_52 = arith.constant 0 : i32
      %dma_wait3A_53 = tpu.memref_slice %arg7[%rem3A_39, %dma_wait3A_51, %dma_wait3A_52] : memref<2x80x128xf32, #tpu.memory_space<vmem>> -> memref<1x80x128xf32, #tpu.memory_space<vmem>>
      %dma_wait3A_54 = tpu.memref_squeeze %dma_wait3A_53 : memref<1x80x128xf32, #tpu.memory_space<vmem>> -> memref<80x128xf32, #tpu.memory_space<vmem>>
      %dma_wait3A_55 = arith.constant 0 : i32
      %dma_wait3A_56 = tpu.memref_slice %arg2[%add3A_43, %dma_wait3A_55] : memref<320000x128xf32, #tpu.memory_space<hbm>> -> memref<80x128xf32, #tpu.memory_space<hbm>>
      tpu.wait_dma2 semaphore(%dma_wait3A_50 : memref<!tpu.dma_semaphore, #tpu.memory_space<semaphore_mem>>) src(%dma_wait3A_56 : memref<80x128xf32, #tpu.memory_space<hbm>>) dst(%dma_wait3A_54 : memref<80x128xf32, #tpu.memory_space<vmem>>)
      %add3A_57 = arith.constant 1 : i32
      %add3A_58 = arith.addi %scan3A_38, %add3A_57 : i32
      %lt3A = arith.constant 125 : i32
      %lt3A_59 = arith.cmpi slt, %add3A_58, %lt3A : i32
      %convert_element_type3A = arith.extui %lt3A_59 : i1 to i32
      %cond3A = arith.constant 0 : i32
      %cond3A_60 = arith.cmpi ne, %convert_element_type3A, %cond3A : i32
      scf.if %cond3A_60 {
        %add3A_61 = arith.constant 1 : i32
        %add3A_62 = arith.addi %scan3A_38, %add3A_61 : i32
        %mul3A_63 = arith.constant 80 : i32
        %mul3A_64 = arith.muli %add3A_62, %mul3A_63 : i32
        %add3A_65 = arith.addi %mul3A_2, %mul3A_64 : i32
        %dma_start3A_66 = arith.constant 0 : i32
        %dma_start3A_67 = arith.constant 0 : i32
        %dma_start3A_68 = tpu.memref_slice %arg7[%sub3A_40, %dma_start3A_66, %dma_start3A_67] : memref<2x80x128xf32, #tpu.memory_space<vmem>> -> memref<1x80x128xf32, #tpu.memory_space<vmem>>
        %dma_start3A_69 = tpu.memref_squeeze %dma_start3A_68 : memref<1x80x128xf32, #tpu.memory_space<vmem>> -> memref<80x128xf32, #tpu.memory_space<vmem>>
        %dma_start3A_70 = arith.constant 0 : i32
        %dma_start3A_71 = tpu.memref_slice %arg2[%add3A_65, %dma_start3A_70] : memref<320000x128xf32, #tpu.memory_space<hbm>> -> memref<80x128xf32, #tpu.memory_space<hbm>>
        %dma_start3A_72 = tpu.memref_slice %arg9[%sub3A_40] : memref<2x!tpu.dma_semaphore, #tpu.memory_space<semaphore_mem>> -> memref<1x!tpu.dma_semaphore, #tpu.memory_space<semaphore_mem>>
        %dma_start3A_73 = tpu.memref_squeeze %dma_start3A_72 : memref<1x!tpu.dma_semaphore, #tpu.memory_space<semaphore_mem>> -> memref<!tpu.dma_semaphore, #tpu.memory_space<semaphore_mem>>
        %dma_start3A_74 = arith.constant 0 : i32
        %dma_start3A_75 = arith.constant 0 : i32
        %dma_start3A_76 = tpu.memref_slice %arg7[%sub3A_40, %dma_start3A_74, %dma_start3A_75] : memref<2x80x128xf32, #tpu.memory_space<vmem>> -> memref<1x80x128xf32, #tpu.memory_space<vmem>>
        %dma_start3A_77 = tpu.memref_squeeze %dma_start3A_76 : memref<1x80x128xf32, #tpu.memory_space<vmem>> -> memref<80x128xf32, #tpu.memory_space<vmem>>
        %dma_start3A_78 = arith.constant 0 : i32
        %dma_start3A_79 = tpu.memref_slice %arg2[%add3A_65, %dma_start3A_78] : memref<320000x128xf32, #tpu.memory_space<hbm>> -> memref<80x128xf32, #tpu.memory_space<hbm>>
        tpu.enqueue_dma source(%dma_start3A_79 : memref<80x128xf32, #tpu.memory_space<hbm>>) target(%dma_start3A_77 : memref<80x128xf32, #tpu.memory_space<vmem>>) target_semaphore(%dma_start3A_73 : memref<!tpu.dma_semaphore, #tpu.memory_space<semaphore_mem>>)
      } else {
      }
      "tpu.region"() ({
        %run_scoped3A_61 = tpu.sem_alloc : memref<!tpu.dma_semaphore, #tpu.memory_space<semaphore_mem>>
        %dma_start3A_62 = arith.constant 0 : i32
        %dma_start3A_63 = arith.constant 0 : i32
        %dma_start3A_64 = tpu.memref_slice %arg7[%rem3A_39, %dma_start3A_62, %dma_start3A_63] : memref<2x80x128xf32, #tpu.memory_space<vmem>> -> memref<1x80x128xf32, #tpu.memory_space<vmem>>
        %dma_start3A_65 = tpu.memref_squeeze %dma_start3A_64 : memref<1x80x128xf32, #tpu.memory_space<vmem>> -> memref<80x128xf32, #tpu.memory_space<vmem>>
        %dma_start3A_66 = arith.constant 0 : i32
        %dma_start3A_67 = tpu.memref_slice %arg6[%scan3A_38, %dma_start3A_66] : memref<125x80xi32, #tpu.memory_space<vmem>> -> memref<1x80xi32, #tpu.memory_space<vmem>>
        %dma_start3A_68 = tpu.memref_squeeze %dma_start3A_67 : memref<1x80xi32, #tpu.memory_space<vmem>> -> memref<80xi32, #tpu.memory_space<vmem>>
        %dma_start3A_69 = arith.constant 0 : i32
        %dma_start3A_70 = arith.constant 0 : i32
        %dma_start3A_71 = tpu.memref_slice %arg8[%dma_start3A_69, %dma_start3A_70] : memref<10000x128xf32, #tpu.memory_space<vmem_shared>> -> memref<10000x128xf32, #tpu.memory_space<vmem_shared>>
        tpu.enqueue_indirect_dma source(%dma_start3A_65 : memref<80x128xf32, #tpu.memory_space<vmem>>) target(%dma_start3A_71 : memref<10000x128xf32, #tpu.memory_space<vmem_shared>>) offsets(%dma_start3A_68 : memref<80xi32, #tpu.memory_space<vmem>>) semaphore(%run_scoped3A_61 : memref<!tpu.dma_semaphore, #tpu.memory_space<semaphore_mem>>) {add = true}
        %dma_wait3A_72 = arith.constant 0 : i32
        %dma_wait3A_73 = arith.constant 0 : i32
        %dma_wait3A_74 = tpu.memref_slice %arg7[%rem3A_39, %dma_wait3A_72, %dma_wait3A_73] : memref<2x80x128xf32, #tpu.memory_space<vmem>> -> memref<1x80x128xf32, #tpu.memory_space<vmem>>
        %dma_wait3A_75 = tpu.memref_squeeze %dma_wait3A_74 : memref<1x80x128xf32, #tpu.memory_space<vmem>> -> memref<80x128xf32, #tpu.memory_space<vmem>>
        %dma_wait3A_76 = arith.constant 0 : i32
        %dma_wait3A_77 = tpu.memref_slice %arg6[%scan3A_38, %dma_wait3A_76] : memref<125x80xi32, #tpu.memory_space<vmem>> -> memref<1x80xi32, #tpu.memory_space<vmem>>
        %dma_wait3A_78 = tpu.memref_squeeze %dma_wait3A_77 : memref<1x80xi32, #tpu.memory_space<vmem>> -> memref<80xi32, #tpu.memory_space<vmem>>
        %dma_wait3A_79 = arith.constant 0 : i32
        %dma_wait3A_80 = arith.constant 0 : i32
        %dma_wait3A_81 = tpu.memref_slice %arg8[%dma_wait3A_79, %dma_wait3A_80] : memref<10000x128xf32, #tpu.memory_space<vmem_shared>> -> memref<10000x128xf32, #tpu.memory_space<vmem_shared>>
        tpu.wait_indirect_dma semaphore(%run_scoped3A_61 : memref<!tpu.dma_semaphore, #tpu.memory_space<semaphore_mem>>) src(%dma_wait3A_75 : memref<80x128xf32, #tpu.memory_space<vmem>>) dst(%dma_wait3A_81 : memref<10000x128xf32, #tpu.memory_space<vmem_shared>>)
        tpu.yield
      }) : () -> ()
    }
    %scan3A_30 = arith.constant 125 : i32
    %barrier3A_31 = arith.constant 0 : index
    tpu.barrier barrier_id(%barrier3A_31)
    %scan3A_32 = arith.constant 0 : i32
    %scan3A_33 = arith.constant 0 : i32
    %scan3A_34 = arith.constant 8 : i32
    %scan3A_35 = arith.addi %scan3A_33, %scan3A_34 : i32
    %scan3A_36 = arith.constant 1 : i32
    scf.for %scan3A_38 = %scan3A_33 to %scan3A_35 step %scan3A_36  : i32 {
      %mul3A_39 = arith.constant 16 : i32
      %mul3A_40 = arith.muli %scan3A_38, %mul3A_39 : i32
      %add3A_41 = arith.addi %mul3A_40, %arg1 : i32
      %lt3A = arith.constant 125 : i32
      %lt3A_42 = arith.cmpi slt, %add3A_41, %lt3A : i32
      %convert_element_type3A = arith.extui %lt3A_42 : i1 to i32
      %cond3A = arith.constant 0 : i32
      %cond3A_43 = arith.cmpi ne, %convert_element_type3A, %cond3A : i32
      scf.if %cond3A_43 {
        %mul3A_44 = arith.constant 80 : i32
        %mul3A_45 = arith.muli %add3A_41, %mul3A_44 : i32
        %run_scoped3A_46 = arith.constant 0 : i32
        "tpu.region"() ({
          %run_scoped3A_53 = tpu.sem_alloc : memref<!tpu.dma_semaphore, #tpu.memory_space<semaphore_mem>>
          %dma_start3A_54 = arith.constant 0 : i32
          %dma_start3A_55 = arith.constant 0 : i32
          %dma_start3A_56 = tpu.memref_slice %arg7[%run_scoped3A_46, %dma_start3A_54, %dma_start3A_55] : memref<2x80x128xf32, #tpu.memory_space<vmem>> -> memref<1x80x128xf32, #tpu.memory_space<vmem>>
          %dma_start3A_57 = tpu.memref_squeeze %dma_start3A_56 : memref<1x80x128xf32, #tpu.memory_space<vmem>> -> memref<80x128xf32, #tpu.memory_space<vmem>>
          %dma_start3A_58 = arith.constant 0 : i32
          %dma_start3A_59 = tpu.memref_slice %arg8[%mul3A_45, %dma_start3A_58] : memref<10000x128xf32, #tpu.memory_space<vmem_shared>> -> memref<80x128xf32, #tpu.memory_space<vmem_shared>>
          %dma_start3A_60 = arith.constant 0 : i32
          %dma_start3A_61 = arith.constant 0 : i32
          %dma_start3A_62 = tpu.memref_slice %arg7[%run_scoped3A_46, %dma_start3A_60, %dma_start3A_61] : memref<2x80x128xf32, #tpu.memory_space<vmem>> -> memref<1x80x128xf32, #tpu.memory_space<vmem>>
          %dma_start3A_63 = tpu.memref_squeeze %dma_start3A_62 : memref<1x80x128xf32, #tpu.memory_space<vmem>> -> memref<80x128xf32, #tpu.memory_space<vmem>>
          %dma_start3A_64 = arith.constant 0 : i32
          %dma_start3A_65 = tpu.memref_slice %arg8[%mul3A_45, %dma_start3A_64] : memref<10000x128xf32, #tpu.memory_space<vmem_shared>> -> memref<80x128xf32, #tpu.memory_space<vmem_shared>>
          tpu.enqueue_dma source(%dma_start3A_65 : memref<80x128xf32, #tpu.memory_space<vmem_shared>>) target(%dma_start3A_63 : memref<80x128xf32, #tpu.memory_space<vmem>>) target_semaphore(%run_scoped3A_53 : memref<!tpu.dma_semaphore, #tpu.memory_space<semaphore_mem>>)
          %dma_wait3A = arith.constant 0 : i32
          %dma_wait3A_66 = arith.constant 0 : i32
          %dma_wait3A_67 = tpu.memref_slice %arg7[%run_scoped3A_46, %dma_wait3A, %dma_wait3A_66] : memref<2x80x128xf32, #tpu.memory_space<vmem>> -> memref<1x80x128xf32, #tpu.memory_space<vmem>>
          %dma_wait3A_68 = tpu.memref_squeeze %dma_wait3A_67 : memref<1x80x128xf32, #tpu.memory_space<vmem>> -> memref<80x128xf32, #tpu.memory_space<vmem>>
          %dma_wait3A_69 = arith.constant 0 : i32
          %dma_wait3A_70 = tpu.memref_slice %arg8[%mul3A_45, %dma_wait3A_69] : memref<10000x128xf32, #tpu.memory_space<vmem_shared>> -> memref<80x128xf32, #tpu.memory_space<vmem_shared>>
          %dma_wait3A_71 = arith.constant 0 : i32
          %dma_wait3A_72 = arith.constant 0 : i32
          %dma_wait3A_73 = tpu.memref_slice %arg7[%run_scoped3A_46, %dma_wait3A_71, %dma_wait3A_72] : memref<2x80x128xf32, #tpu.memory_space<vmem>> -> memref<1x80x128xf32, #tpu.memory_space<vmem>>
          %dma_wait3A_74 = tpu.memref_squeeze %dma_wait3A_73 : memref<1x80x128xf32, #tpu.memory_space<vmem>> -> memref<80x128xf32, #tpu.memory_space<vmem>>
          %dma_wait3A_75 = arith.constant 0 : i32
          %dma_wait3A_76 = tpu.memref_slice %arg8[%mul3A_45, %dma_wait3A_75] : memref<10000x128xf32, #tpu.memory_space<vmem_shared>> -> memref<80x128xf32, #tpu.memory_space<vmem_shared>>
          tpu.wait_dma2 semaphore(%run_scoped3A_53 : memref<!tpu.dma_semaphore, #tpu.memory_space<semaphore_mem>>) src(%dma_wait3A_76 : memref<80x128xf32, #tpu.memory_space<vmem_shared>>) dst(%dma_wait3A_74 : memref<80x128xf32, #tpu.memory_space<vmem>>)
          tpu.yield
        }) : () -> ()
        %mul3A_47 = arith.constant 10000 : i32
        %mul3A_48 = arith.muli %arg0, %mul3A_47 : i32
        %mul3A_49 = arith.constant 80 : i32
        %mul3A_50 = arith.muli %add3A_41, %mul3A_49 : i32
        %add3A_51 = arith.addi %mul3A_48, %mul3A_50 : i32
        %run_scoped3A_52 = arith.constant 0 : i32
        "tpu.region"() ({
          %run_scoped3A_53 = tpu.sem_alloc : memref<!tpu.dma_semaphore, #tpu.memory_space<semaphore_mem>>
          %dma_start3A_54 = arith.constant 0 : i32
          %dma_start3A_55 = arith.constant 0 : i32
          %dma_start3A_56 = tpu.memref_slice %arg7[%run_scoped3A_52, %dma_start3A_54, %dma_start3A_55] : memref<2x80x128xf32, #tpu.memory_space<vmem>> -> memref<1x80x128xf32, #tpu.memory_space<vmem>>
          %dma_start3A_57 = tpu.memref_squeeze %dma_start3A_56 : memref<1x80x128xf32, #tpu.memory_space<vmem>> -> memref<80x128xf32, #tpu.memory_space<vmem>>
          %dma_start3A_58 = arith.constant 0 : i32
          %dma_start3A_59 = tpu.memref_slice %arg5[%add3A_51, %dma_start3A_58] : memref<20000x128xf32, #tpu.memory_space<hbm>> -> memref<80x128xf32, #tpu.memory_space<hbm>>
          %dma_start3A_60 = arith.constant 0 : i32
          %dma_start3A_61 = tpu.memref_slice %arg5[%add3A_51, %dma_start3A_60] : memref<20000x128xf32, #tpu.memory_space<hbm>> -> memref<80x128xf32, #tpu.memory_space<hbm>>
          %dma_start3A_62 = arith.constant 0 : i32
          %dma_start3A_63 = arith.constant 0 : i32
          %dma_start3A_64 = tpu.memref_slice %arg7[%run_scoped3A_52, %dma_start3A_62, %dma_start3A_63] : memref<2x80x128xf32, #tpu.memory_space<vmem>> -> memref<1x80x128xf32, #tpu.memory_space<vmem>>
          %dma_start3A_65 = tpu.memref_squeeze %dma_start3A_64 : memref<1x80x128xf32, #tpu.memory_space<vmem>> -> memref<80x128xf32, #tpu.memory_space<vmem>>
          tpu.enqueue_dma source(%dma_start3A_65 : memref<80x128xf32, #tpu.memory_space<vmem>>) target(%dma_start3A_61 : memref<80x128xf32, #tpu.memory_space<hbm>>) target_semaphore(%run_scoped3A_53 : memref<!tpu.dma_semaphore, #tpu.memory_space<semaphore_mem>>)
          %dma_wait3A = arith.constant 0 : i32
          %dma_wait3A_66 = arith.constant 0 : i32
          %dma_wait3A_67 = tpu.memref_slice %arg7[%run_scoped3A_52, %dma_wait3A, %dma_wait3A_66] : memref<2x80x128xf32, #tpu.memory_space<vmem>> -> memref<1x80x128xf32, #tpu.memory_space<vmem>>
          %dma_wait3A_68 = tpu.memref_squeeze %dma_wait3A_67 : memref<1x80x128xf32, #tpu.memory_space<vmem>> -> memref<80x128xf32, #tpu.memory_space<vmem>>
          %dma_wait3A_69 = arith.constant 0 : i32
          %dma_wait3A_70 = tpu.memref_slice %arg5[%add3A_51, %dma_wait3A_69] : memref<20000x128xf32, #tpu.memory_space<hbm>> -> memref<80x128xf32, #tpu.memory_space<hbm>>
          %dma_wait3A_71 = arith.constant 0 : i32
          %dma_wait3A_72 = tpu.memref_slice %arg5[%add3A_51, %dma_wait3A_71] : memref<20000x128xf32, #tpu.memory_space<hbm>> -> memref<80x128xf32, #tpu.memory_space<hbm>>
          %dma_wait3A_73 = arith.constant 0 : i32
          %dma_wait3A_74 = arith.constant 0 : i32
          %dma_wait3A_75 = tpu.memref_slice %arg7[%run_scoped3A_52, %dma_wait3A_73, %dma_wait3A_74] : memref<2x80x128xf32, #tpu.memory_space<vmem>> -> memref<1x80x128xf32, #tpu.memory_space<vmem>>
          %dma_wait3A_76 = tpu.memref_squeeze %dma_wait3A_75 : memref<1x80x128xf32, #tpu.memory_space<vmem>> -> memref<80x128xf32, #tpu.memory_space<vmem>>
          tpu.wait_dma2 semaphore(%run_scoped3A_53 : memref<!tpu.dma_semaphore, #tpu.memory_space<semaphore_mem>>) src(%dma_wait3A_76 : memref<80x128xf32, #tpu.memory_space<vmem>>) dst(%dma_wait3A_72 : memref<80x128xf32, #tpu.memory_space<hbm>>)
          tpu.yield
        }) : () -> ()
      } else {
      }
    }
    %scan3A_37 = arith.constant 8 : i32
    return
  }
}

#map = affine_map<(d0, d1) -> (0, 0)>
#map1 = affine_map<(d0, d1) -> (0, 0, 0)>
module attributes {stable_mosaic.version = 14 : i64} {
  func.func @k(%arg0: i32, %arg1: i32, %arg2: memref<10000x256xf32, #tpu.memory_space<hbm>>, %arg3: memref<32x125x80xi32, #tpu.memory_space<hbm>>, %arg4: memref<32x125x80xi32, #tpu.memory_space<hbm>>, %arg5: memref<320000x256xf32, #tpu.memory_space<hbm>>, %arg6: memref<320000x256xf32, #tpu.memory_space<hbm>>, %arg7: memref<125x80xi32, #tpu.memory_space<vmem>>, %arg8: memref<125x80xi32, #tpu.memory_space<vmem>>, %arg9: memref<2x80x256xf32, #tpu.memory_space<vmem>>, %arg10: memref<2x80x256xf32, #tpu.memory_space<vmem>>, %arg11: memref<2x!tpu.dma_semaphore, #tpu.memory_space<semaphore_mem>>, %arg12: memref<2x!tpu.dma_semaphore, #tpu.memory_space<semaphore_mem>>) attributes {dimension_semantics = [#tpu.dimension_semantics<core_parallel>, #tpu.dimension_semantics<subcore_parallel>], iteration_bounds = array<i64: 2, 16>, scalar_prefetch = 0 : i64, scratch_operands = 6 : i64, tpu.core_type = #tpu.core_type<sc_vector_subcore>, window_params = [{transform_indices = #map}, {transform_indices = #map1}, {transform_indices = #map1}, {transform_indices = #map}, {transform_indices = #map}]} {
    %mul3A = arith.constant 2 : i32
    %mul3A_0 = arith.muli %arg1, %mul3A : i32
    %add3A = arith.addi %mul3A_0, %arg0 : i32
    %mul3A_1 = arith.constant 10000 : i32
    %mul3A_2 = arith.muli %add3A, %mul3A_1 : i32
    "tpu.region"() ({
      %run_scoped3A = tpu.sem_alloc : memref<!tpu.dma_semaphore, #tpu.memory_space<semaphore_mem>>
      %dma_start3A_72 = arith.constant 0 : i32
      %dma_start3A_73 = arith.constant 0 : i32
      %dma_start3A_74 = tpu.memref_slice %arg3[%add3A, %dma_start3A_72, %dma_start3A_73] : memref<32x125x80xi32, #tpu.memory_space<hbm>> -> memref<1x125x80xi32, #tpu.memory_space<hbm>>
      %dma_start3A_75 = tpu.memref_squeeze %dma_start3A_74 : memref<1x125x80xi32, #tpu.memory_space<hbm>> -> memref<125x80xi32, #tpu.memory_space<hbm>>
      %dma_start3A_76 = arith.constant 0 : i32
      %dma_start3A_77 = arith.constant 0 : i32
      %dma_start3A_78 = tpu.memref_slice %arg3[%add3A, %dma_start3A_76, %dma_start3A_77] : memref<32x125x80xi32, #tpu.memory_space<hbm>> -> memref<1x125x80xi32, #tpu.memory_space<hbm>>
      %dma_start3A_79 = tpu.memref_squeeze %dma_start3A_78 : memref<1x125x80xi32, #tpu.memory_space<hbm>> -> memref<125x80xi32, #tpu.memory_space<hbm>>
      tpu.enqueue_dma source(%dma_start3A_79 : memref<125x80xi32, #tpu.memory_space<hbm>>) target(%arg7 : memref<125x80xi32, #tpu.memory_space<vmem>>) target_semaphore(%run_scoped3A : memref<!tpu.dma_semaphore, #tpu.memory_space<semaphore_mem>>)
      %dma_wait3A_80 = arith.constant 0 : i32
      %dma_wait3A_81 = arith.constant 0 : i32
      %dma_wait3A_82 = tpu.memref_slice %arg3[%add3A, %dma_wait3A_80, %dma_wait3A_81] : memref<32x125x80xi32, #tpu.memory_space<hbm>> -> memref<1x125x80xi32, #tpu.memory_space<hbm>>
      %dma_wait3A_83 = tpu.memref_squeeze %dma_wait3A_82 : memref<1x125x80xi32, #tpu.memory_space<hbm>> -> memref<125x80xi32, #tpu.memory_space<hbm>>
      %dma_wait3A_84 = arith.constant 0 : i32
      %dma_wait3A_85 = arith.constant 0 : i32
      %dma_wait3A_86 = tpu.memref_slice %arg3[%add3A, %dma_wait3A_84, %dma_wait3A_85] : memref<32x125x80xi32, #tpu.memory_space<hbm>> -> memref<1x125x80xi32, #tpu.memory_space<hbm>>
      %dma_wait3A_87 = tpu.memref_squeeze %dma_wait3A_86 : memref<1x125x80xi32, #tpu.memory_space<hbm>> -> memref<125x80xi32, #tpu.memory_space<hbm>>
      tpu.wait_dma2 semaphore(%run_scoped3A : memref<!tpu.dma_semaphore, #tpu.memory_space<semaphore_mem>>) src(%dma_wait3A_87 : memref<125x80xi32, #tpu.memory_space<hbm>>) dst(%arg7 : memref<125x80xi32, #tpu.memory_space<vmem>>)
      tpu.yield
    }) : () -> ()
    "tpu.region"() ({
      %run_scoped3A = tpu.sem_alloc : memref<!tpu.dma_semaphore, #tpu.memory_space<semaphore_mem>>
      %dma_start3A_72 = arith.constant 0 : i32
      %dma_start3A_73 = arith.constant 0 : i32
      %dma_start3A_74 = tpu.memref_slice %arg4[%add3A, %dma_start3A_72, %dma_start3A_73] : memref<32x125x80xi32, #tpu.memory_space<hbm>> -> memref<1x125x80xi32, #tpu.memory_space<hbm>>
      %dma_start3A_75 = tpu.memref_squeeze %dma_start3A_74 : memref<1x125x80xi32, #tpu.memory_space<hbm>> -> memref<125x80xi32, #tpu.memory_space<hbm>>
      %dma_start3A_76 = arith.constant 0 : i32
      %dma_start3A_77 = arith.constant 0 : i32
      %dma_start3A_78 = tpu.memref_slice %arg4[%add3A, %dma_start3A_76, %dma_start3A_77] : memref<32x125x80xi32, #tpu.memory_space<hbm>> -> memref<1x125x80xi32, #tpu.memory_space<hbm>>
      %dma_start3A_79 = tpu.memref_squeeze %dma_start3A_78 : memref<1x125x80xi32, #tpu.memory_space<hbm>> -> memref<125x80xi32, #tpu.memory_space<hbm>>
      tpu.enqueue_dma source(%dma_start3A_79 : memref<125x80xi32, #tpu.memory_space<hbm>>) target(%arg8 : memref<125x80xi32, #tpu.memory_space<vmem>>) target_semaphore(%run_scoped3A : memref<!tpu.dma_semaphore, #tpu.memory_space<semaphore_mem>>)
      %dma_wait3A_80 = arith.constant 0 : i32
      %dma_wait3A_81 = arith.constant 0 : i32
      %dma_wait3A_82 = tpu.memref_slice %arg4[%add3A, %dma_wait3A_80, %dma_wait3A_81] : memref<32x125x80xi32, #tpu.memory_space<hbm>> -> memref<1x125x80xi32, #tpu.memory_space<hbm>>
      %dma_wait3A_83 = tpu.memref_squeeze %dma_wait3A_82 : memref<1x125x80xi32, #tpu.memory_space<hbm>> -> memref<125x80xi32, #tpu.memory_space<hbm>>
      %dma_wait3A_84 = arith.constant 0 : i32
      %dma_wait3A_85 = arith.constant 0 : i32
      %dma_wait3A_86 = tpu.memref_slice %arg4[%add3A, %dma_wait3A_84, %dma_wait3A_85] : memref<32x125x80xi32, #tpu.memory_space<hbm>> -> memref<1x125x80xi32, #tpu.memory_space<hbm>>
      %dma_wait3A_87 = tpu.memref_squeeze %dma_wait3A_86 : memref<1x125x80xi32, #tpu.memory_space<hbm>> -> memref<125x80xi32, #tpu.memory_space<hbm>>
      tpu.wait_dma2 semaphore(%run_scoped3A : memref<!tpu.dma_semaphore, #tpu.memory_space<semaphore_mem>>) src(%dma_wait3A_87 : memref<125x80xi32, #tpu.memory_space<hbm>>) dst(%arg8 : memref<125x80xi32, #tpu.memory_space<vmem>>)
      tpu.yield
    }) : () -> ()
    %dma_start3A = arith.constant 0 : i32
    %dma_start3A_3 = arith.constant 0 : i32
    %dma_start3A_4 = arith.constant 0 : i32
    %dma_start3A_5 = arith.constant 0 : i32
    %dma_start3A_6 = arith.constant 0 : i32
    %dma_start3A_7 = tpu.memref_slice %arg9[%dma_start3A_3, %dma_start3A_5, %dma_start3A_6] : memref<2x80x256xf32, #tpu.memory_space<vmem>> -> memref<1x80x256xf32, #tpu.memory_space<vmem>>
    %dma_start3A_8 = tpu.memref_squeeze %dma_start3A_7 : memref<1x80x256xf32, #tpu.memory_space<vmem>> -> memref<80x256xf32, #tpu.memory_space<vmem>>
    %dma_start3A_9 = arith.constant 0 : i32
    %dma_start3A_10 = tpu.memref_slice %arg7[%dma_start3A, %dma_start3A_9] : memref<125x80xi32, #tpu.memory_space<vmem>> -> memref<1x80xi32, #tpu.memory_space<vmem>>
    %dma_start3A_11 = tpu.memref_squeeze %dma_start3A_10 : memref<1x80xi32, #tpu.memory_space<vmem>> -> memref<80xi32, #tpu.memory_space<vmem>>
    %dma_start3A_12 = arith.constant 0 : i32
    %dma_start3A_13 = arith.constant 0 : i32
    %dma_start3A_14 = tpu.memref_slice %arg2[%dma_start3A_12, %dma_start3A_13] : memref<10000x256xf32, #tpu.memory_space<hbm>> -> memref<10000x256xf32, #tpu.memory_space<hbm>>
    %dma_start3A_15 = tpu.memref_slice %arg11[%dma_start3A_4] : memref<2x!tpu.dma_semaphore, #tpu.memory_space<semaphore_mem>> -> memref<1x!tpu.dma_semaphore, #tpu.memory_space<semaphore_mem>>
    %dma_start3A_16 = tpu.memref_squeeze %dma_start3A_15 : memref<1x!tpu.dma_semaphore, #tpu.memory_space<semaphore_mem>> -> memref<!tpu.dma_semaphore, #tpu.memory_space<semaphore_mem>>
    tpu.enqueue_indirect_dma source(%dma_start3A_14 : memref<10000x256xf32, #tpu.memory_space<hbm>>) target(%dma_start3A_8 : memref<80x256xf32, #tpu.memory_space<vmem>>) offsets(%dma_start3A_11 : memref<80xi32, #tpu.memory_space<vmem>>) semaphore(%dma_start3A_16 : memref<!tpu.dma_semaphore, #tpu.memory_space<semaphore_mem>>)
    %dma_start3A_17 = arith.constant 0 : i32
    %dma_start3A_18 = arith.constant 0 : i32
    %dma_start3A_19 = arith.constant 0 : i32
    %dma_start3A_20 = arith.constant 0 : i32
    %dma_start3A_21 = arith.constant 0 : i32
    %dma_start3A_22 = tpu.memref_slice %arg10[%dma_start3A_18, %dma_start3A_20, %dma_start3A_21] : memref<2x80x256xf32, #tpu.memory_space<vmem>> -> memref<1x80x256xf32, #tpu.memory_space<vmem>>
    %dma_start3A_23 = tpu.memref_squeeze %dma_start3A_22 : memref<1x80x256xf32, #tpu.memory_space<vmem>> -> memref<80x256xf32, #tpu.memory_space<vmem>>
    %dma_start3A_24 = arith.constant 0 : i32
    %dma_start3A_25 = tpu.memref_slice %arg8[%dma_start3A_17, %dma_start3A_24] : memref<125x80xi32, #tpu.memory_space<vmem>> -> memref<1x80xi32, #tpu.memory_space<vmem>>
    %dma_start3A_26 = tpu.memref_squeeze %dma_start3A_25 : memref<1x80xi32, #tpu.memory_space<vmem>> -> memref<80xi32, #tpu.memory_space<vmem>>
    %dma_start3A_27 = arith.constant 0 : i32
    %dma_start3A_28 = arith.constant 0 : i32
    %dma_start3A_29 = tpu.memref_slice %arg2[%dma_start3A_27, %dma_start3A_28] : memref<10000x256xf32, #tpu.memory_space<hbm>> -> memref<10000x256xf32, #tpu.memory_space<hbm>>
    %dma_start3A_30 = tpu.memref_slice %arg11[%dma_start3A_19] : memref<2x!tpu.dma_semaphore, #tpu.memory_space<semaphore_mem>> -> memref<1x!tpu.dma_semaphore, #tpu.memory_space<semaphore_mem>>
    %dma_start3A_31 = tpu.memref_squeeze %dma_start3A_30 : memref<1x!tpu.dma_semaphore, #tpu.memory_space<semaphore_mem>> -> memref<!tpu.dma_semaphore, #tpu.memory_space<semaphore_mem>>
    tpu.enqueue_indirect_dma source(%dma_start3A_29 : memref<10000x256xf32, #tpu.memory_space<hbm>>) target(%dma_start3A_23 : memref<80x256xf32, #tpu.memory_space<vmem>>) offsets(%dma_start3A_26 : memref<80xi32, #tpu.memory_space<vmem>>) semaphore(%dma_start3A_31 : memref<!tpu.dma_semaphore, #tpu.memory_space<semaphore_mem>>)
    %scan3A = arith.constant 0 : i32
    %scan3A_32 = arith.constant 0 : i32
    %scan3A_33 = arith.constant 125 : i32
    %scan3A_34 = arith.addi %scan3A_32, %scan3A_33 : i32
    %scan3A_35 = arith.constant 1 : i32
    scf.for %scan3A_72 = %scan3A_32 to %scan3A_34 step %scan3A_35  : i32 {
      %rem3A = arith.constant 2 : i32
      %rem3A_73 = arith.remsi %scan3A_72, %rem3A : i32
      %sub3A = arith.constant 1 : i32
      %sub3A_74 = arith.subi %sub3A, %rem3A_73 : i32
      %ge3A = arith.constant 1 : i32
      %ge3A_75 = arith.cmpi sge, %scan3A_72, %ge3A : i32
      %convert_element_type3A = arith.extui %ge3A_75 : i1 to i32
      %cond3A = arith.constant 0 : i32
      %cond3A_76 = arith.cmpi ne, %convert_element_type3A, %cond3A : i32
      scf.if %cond3A_76 {
        %sub3A_141 = arith.constant 1 : i32
        %sub3A_142 = arith.subi %scan3A_72, %sub3A_141 : i32
        %mul3A_143 = arith.constant 80 : i32
        %mul3A_144 = arith.muli %sub3A_142, %mul3A_143 : i32
        %add3A_145 = arith.addi %mul3A_2, %mul3A_144 : i32
        %mul3A_146 = arith.constant 80 : i32
        %mul3A_147 = arith.muli %sub3A_142, %mul3A_146 : i32
        %add3A_148 = arith.addi %mul3A_2, %mul3A_147 : i32
        %dma_wait3A_149 = arith.constant 0 : i32
        %dma_wait3A_150 = arith.constant 0 : i32
        %dma_wait3A_151 = tpu.memref_slice %arg9[%sub3A_74, %dma_wait3A_149, %dma_wait3A_150] : memref<2x80x256xf32, #tpu.memory_space<vmem>> -> memref<1x80x256xf32, #tpu.memory_space<vmem>>
        %dma_wait3A_152 = tpu.memref_squeeze %dma_wait3A_151 : memref<1x80x256xf32, #tpu.memory_space<vmem>> -> memref<80x256xf32, #tpu.memory_space<vmem>>
        %dma_wait3A_153 = arith.constant 0 : i32
        %dma_wait3A_154 = tpu.memref_slice %arg5[%add3A_145, %dma_wait3A_153] : memref<320000x256xf32, #tpu.memory_space<hbm>> -> memref<80x256xf32, #tpu.memory_space<hbm>>
        %dma_wait3A_155 = tpu.memref_slice %arg12[%sub3A_74] : memref<2x!tpu.dma_semaphore, #tpu.memory_space<semaphore_mem>> -> memref<1x!tpu.dma_semaphore, #tpu.memory_space<semaphore_mem>>
        %dma_wait3A_156 = tpu.memref_squeeze %dma_wait3A_155 : memref<1x!tpu.dma_semaphore, #tpu.memory_space<semaphore_mem>> -> memref<!tpu.dma_semaphore, #tpu.memory_space<semaphore_mem>>
        %dma_wait3A_157 = arith.constant 0 : i32
        %dma_wait3A_158 = tpu.memref_slice %arg5[%add3A_145, %dma_wait3A_157] : memref<320000x256xf32, #tpu.memory_space<hbm>> -> memref<80x256xf32, #tpu.memory_space<hbm>>
        %dma_wait3A_159 = arith.constant 0 : i32
        %dma_wait3A_160 = arith.constant 0 : i32
        %dma_wait3A_161 = tpu.memref_slice %arg9[%sub3A_74, %dma_wait3A_159, %dma_wait3A_160] : memref<2x80x256xf32, #tpu.memory_space<vmem>> -> memref<1x80x256xf32, #tpu.memory_space<vmem>>
        %dma_wait3A_162 = tpu.memref_squeeze %dma_wait3A_161 : memref<1x80x256xf32, #tpu.memory_space<vmem>> -> memref<80x256xf32, #tpu.memory_space<vmem>>
        tpu.wait_dma2 semaphore(%dma_wait3A_156 : memref<!tpu.dma_semaphore, #tpu.memory_space<semaphore_mem>>) src(%dma_wait3A_162 : memref<80x256xf32, #tpu.memory_space<vmem>>) dst(%dma_wait3A_158 : memref<80x256xf32, #tpu.memory_space<hbm>>)
        %dma_wait3A_163 = arith.constant 0 : i32
        %dma_wait3A_164 = arith.constant 0 : i32
        %dma_wait3A_165 = tpu.memref_slice %arg10[%sub3A_74, %dma_wait3A_163, %dma_wait3A_164] : memref<2x80x256xf32, #tpu.memory_space<vmem>> -> memref<1x80x256xf32, #tpu.memory_space<vmem>>
        %dma_wait3A_166 = tpu.memref_squeeze %dma_wait3A_165 : memref<1x80x256xf32, #tpu.memory_space<vmem>> -> memref<80x256xf32, #tpu.memory_space<vmem>>
        %dma_wait3A_167 = arith.constant 0 : i32
        %dma_wait3A_168 = tpu.memref_slice %arg6[%add3A_148, %dma_wait3A_167] : memref<320000x256xf32, #tpu.memory_space<hbm>> -> memref<80x256xf32, #tpu.memory_space<hbm>>
        %dma_wait3A_169 = tpu.memref_slice %arg12[%sub3A_74] : memref<2x!tpu.dma_semaphore, #tpu.memory_space<semaphore_mem>> -> memref<1x!tpu.dma_semaphore, #tpu.memory_space<semaphore_mem>>
        %dma_wait3A_170 = tpu.memref_squeeze %dma_wait3A_169 : memref<1x!tpu.dma_semaphore, #tpu.memory_space<semaphore_mem>> -> memref<!tpu.dma_semaphore, #tpu.memory_space<semaphore_mem>>
        %dma_wait3A_171 = arith.constant 0 : i32
        %dma_wait3A_172 = tpu.memref_slice %arg6[%add3A_148, %dma_wait3A_171] : memref<320000x256xf32, #tpu.memory_space<hbm>> -> memref<80x256xf32, #tpu.memory_space<hbm>>
        %dma_wait3A_173 = arith.constant 0 : i32
        %dma_wait3A_174 = arith.constant 0 : i32
        %dma_wait3A_175 = tpu.memref_slice %arg10[%sub3A_74, %dma_wait3A_173, %dma_wait3A_174] : memref<2x80x256xf32, #tpu.memory_space<vmem>> -> memref<1x80x256xf32, #tpu.memory_space<vmem>>
        %dma_wait3A_176 = tpu.memref_squeeze %dma_wait3A_175 : memref<1x80x256xf32, #tpu.memory_space<vmem>> -> memref<80x256xf32, #tpu.memory_space<vmem>>
        tpu.wait_dma2 semaphore(%dma_wait3A_170 : memref<!tpu.dma_semaphore, #tpu.memory_space<semaphore_mem>>) src(%dma_wait3A_176 : memref<80x256xf32, #tpu.memory_space<vmem>>) dst(%dma_wait3A_172 : memref<80x256xf32, #tpu.memory_space<hbm>>)
      } else {
      }
      %add3A_77 = arith.constant 1 : i32
      %add3A_78 = arith.addi %scan3A_72, %add3A_77 : i32
      %lt3A = arith.constant 125 : i32
      %lt3A_79 = arith.cmpi slt, %add3A_78, %lt3A : i32
      %convert_element_type3A_80 = arith.extui %lt3A_79 : i1 to i32
      %cond3A_81 = arith.constant 0 : i32
      %cond3A_82 = arith.cmpi ne, %convert_element_type3A_80, %cond3A_81 : i32
      scf.if %cond3A_82 {
        %add3A_141 = arith.constant 1 : i32
        %add3A_142 = arith.addi %scan3A_72, %add3A_141 : i32
        %dma_start3A_143 = arith.constant 0 : i32
        %dma_start3A_144 = arith.constant 0 : i32
        %dma_start3A_145 = tpu.memref_slice %arg9[%sub3A_74, %dma_start3A_143, %dma_start3A_144] : memref<2x80x256xf32, #tpu.memory_space<vmem>> -> memref<1x80x256xf32, #tpu.memory_space<vmem>>
        %dma_start3A_146 = tpu.memref_squeeze %dma_start3A_145 : memref<1x80x256xf32, #tpu.memory_space<vmem>> -> memref<80x256xf32, #tpu.memory_space<vmem>>
        %dma_start3A_147 = arith.constant 0 : i32
        %dma_start3A_148 = tpu.memref_slice %arg7[%add3A_142, %dma_start3A_147] : memref<125x80xi32, #tpu.memory_space<vmem>> -> memref<1x80xi32, #tpu.memory_space<vmem>>
        %dma_start3A_149 = tpu.memref_squeeze %dma_start3A_148 : memref<1x80xi32, #tpu.memory_space<vmem>> -> memref<80xi32, #tpu.memory_space<vmem>>
        %dma_start3A_150 = arith.constant 0 : i32
        %dma_start3A_151 = arith.constant 0 : i32
        %dma_start3A_152 = tpu.memref_slice %arg2[%dma_start3A_150, %dma_start3A_151] : memref<10000x256xf32, #tpu.memory_space<hbm>> -> memref<10000x256xf32, #tpu.memory_space<hbm>>
        %dma_start3A_153 = tpu.memref_slice %arg11[%sub3A_74] : memref<2x!tpu.dma_semaphore, #tpu.memory_space<semaphore_mem>> -> memref<1x!tpu.dma_semaphore, #tpu.memory_space<semaphore_mem>>
        %dma_start3A_154 = tpu.memref_squeeze %dma_start3A_153 : memref<1x!tpu.dma_semaphore, #tpu.memory_space<semaphore_mem>> -> memref<!tpu.dma_semaphore, #tpu.memory_space<semaphore_mem>>
        tpu.enqueue_indirect_dma source(%dma_start3A_152 : memref<10000x256xf32, #tpu.memory_space<hbm>>) target(%dma_start3A_146 : memref<80x256xf32, #tpu.memory_space<vmem>>) offsets(%dma_start3A_149 : memref<80xi32, #tpu.memory_space<vmem>>) semaphore(%dma_start3A_154 : memref<!tpu.dma_semaphore, #tpu.memory_space<semaphore_mem>>)
        %dma_start3A_155 = arith.constant 0 : i32
        %dma_start3A_156 = arith.constant 0 : i32
        %dma_start3A_157 = tpu.memref_slice %arg10[%sub3A_74, %dma_start3A_155, %dma_start3A_156] : memref<2x80x256xf32, #tpu.memory_space<vmem>> -> memref<1x80x256xf32, #tpu.memory_space<vmem>>
        %dma_start3A_158 = tpu.memref_squeeze %dma_start3A_157 : memref<1x80x256xf32, #tpu.memory_space<vmem>> -> memref<80x256xf32, #tpu.memory_space<vmem>>
        %dma_start3A_159 = arith.constant 0 : i32
        %dma_start3A_160 = tpu.memref_slice %arg8[%add3A_142, %dma_start3A_159] : memref<125x80xi32, #tpu.memory_space<vmem>> -> memref<1x80xi32, #tpu.memory_space<vmem>>
        %dma_start3A_161 = tpu.memref_squeeze %dma_start3A_160 : memref<1x80xi32, #tpu.memory_space<vmem>> -> memref<80xi32, #tpu.memory_space<vmem>>
        %dma_start3A_162 = arith.constant 0 : i32
        %dma_start3A_163 = arith.constant 0 : i32
        %dma_start3A_164 = tpu.memref_slice %arg2[%dma_start3A_162, %dma_start3A_163] : memref<10000x256xf32, #tpu.memory_space<hbm>> -> memref<10000x256xf32, #tpu.memory_space<hbm>>
        %dma_start3A_165 = tpu.memref_slice %arg11[%sub3A_74] : memref<2x!tpu.dma_semaphore, #tpu.memory_space<semaphore_mem>> -> memref<1x!tpu.dma_semaphore, #tpu.memory_space<semaphore_mem>>
        %dma_start3A_166 = tpu.memref_squeeze %dma_start3A_165 : memref<1x!tpu.dma_semaphore, #tpu.memory_space<semaphore_mem>> -> memref<!tpu.dma_semaphore, #tpu.memory_space<semaphore_mem>>
        tpu.enqueue_indirect_dma source(%dma_start3A_164 : memref<10000x256xf32, #tpu.memory_space<hbm>>) target(%dma_start3A_158 : memref<80x256xf32, #tpu.memory_space<vmem>>) offsets(%dma_start3A_161 : memref<80xi32, #tpu.memory_space<vmem>>) semaphore(%dma_start3A_166 : memref<!tpu.dma_semaphore, #tpu.memory_space<semaphore_mem>>)
      } else {
      }
      %dma_wait3A_83 = arith.constant 0 : i32
      %dma_wait3A_84 = arith.constant 0 : i32
      %dma_wait3A_85 = tpu.memref_slice %arg9[%rem3A_73, %dma_wait3A_83, %dma_wait3A_84] : memref<2x80x256xf32, #tpu.memory_space<vmem>> -> memref<1x80x256xf32, #tpu.memory_space<vmem>>
      %dma_wait3A_86 = tpu.memref_squeeze %dma_wait3A_85 : memref<1x80x256xf32, #tpu.memory_space<vmem>> -> memref<80x256xf32, #tpu.memory_space<vmem>>
      %dma_wait3A_87 = arith.constant 0 : i32
      %dma_wait3A_88 = tpu.memref_slice %arg7[%scan3A_72, %dma_wait3A_87] : memref<125x80xi32, #tpu.memory_space<vmem>> -> memref<1x80xi32, #tpu.memory_space<vmem>>
      %dma_wait3A_89 = tpu.memref_squeeze %dma_wait3A_88 : memref<1x80xi32, #tpu.memory_space<vmem>> -> memref<80xi32, #tpu.memory_space<vmem>>
      %dma_wait3A_90 = arith.constant 0 : i32
      %dma_wait3A_91 = arith.constant 0 : i32
      %dma_wait3A_92 = tpu.memref_slice %arg2[%dma_wait3A_90, %dma_wait3A_91] : memref<10000x256xf32, #tpu.memory_space<hbm>> -> memref<10000x256xf32, #tpu.memory_space<hbm>>
      %dma_wait3A_93 = tpu.memref_slice %arg11[%rem3A_73] : memref<2x!tpu.dma_semaphore, #tpu.memory_space<semaphore_mem>> -> memref<1x!tpu.dma_semaphore, #tpu.memory_space<semaphore_mem>>
      %dma_wait3A_94 = tpu.memref_squeeze %dma_wait3A_93 : memref<1x!tpu.dma_semaphore, #tpu.memory_space<semaphore_mem>> -> memref<!tpu.dma_semaphore, #tpu.memory_space<semaphore_mem>>
      tpu.wait_indirect_dma semaphore(%dma_wait3A_94 : memref<!tpu.dma_semaphore, #tpu.memory_space<semaphore_mem>>) src(%dma_wait3A_92 : memref<10000x256xf32, #tpu.memory_space<hbm>>) dst(%dma_wait3A_86 : memref<80x256xf32, #tpu.memory_space<vmem>>)
      %dma_wait3A_95 = arith.constant 0 : i32
      %dma_wait3A_96 = arith.constant 0 : i32
      %dma_wait3A_97 = tpu.memref_slice %arg10[%rem3A_73, %dma_wait3A_95, %dma_wait3A_96] : memref<2x80x256xf32, #tpu.memory_space<vmem>> -> memref<1x80x256xf32, #tpu.memory_space<vmem>>
      %dma_wait3A_98 = tpu.memref_squeeze %dma_wait3A_97 : memref<1x80x256xf32, #tpu.memory_space<vmem>> -> memref<80x256xf32, #tpu.memory_space<vmem>>
      %dma_wait3A_99 = arith.constant 0 : i32
      %dma_wait3A_100 = tpu.memref_slice %arg8[%scan3A_72, %dma_wait3A_99] : memref<125x80xi32, #tpu.memory_space<vmem>> -> memref<1x80xi32, #tpu.memory_space<vmem>>
      %dma_wait3A_101 = tpu.memref_squeeze %dma_wait3A_100 : memref<1x80xi32, #tpu.memory_space<vmem>> -> memref<80xi32, #tpu.memory_space<vmem>>
      %dma_wait3A_102 = arith.constant 0 : i32
      %dma_wait3A_103 = arith.constant 0 : i32
      %dma_wait3A_104 = tpu.memref_slice %arg2[%dma_wait3A_102, %dma_wait3A_103] : memref<10000x256xf32, #tpu.memory_space<hbm>> -> memref<10000x256xf32, #tpu.memory_space<hbm>>
      %dma_wait3A_105 = tpu.memref_slice %arg11[%rem3A_73] : memref<2x!tpu.dma_semaphore, #tpu.memory_space<semaphore_mem>> -> memref<1x!tpu.dma_semaphore, #tpu.memory_space<semaphore_mem>>
      %dma_wait3A_106 = tpu.memref_squeeze %dma_wait3A_105 : memref<1x!tpu.dma_semaphore, #tpu.memory_space<semaphore_mem>> -> memref<!tpu.dma_semaphore, #tpu.memory_space<semaphore_mem>>
      tpu.wait_indirect_dma semaphore(%dma_wait3A_106 : memref<!tpu.dma_semaphore, #tpu.memory_space<semaphore_mem>>) src(%dma_wait3A_104 : memref<10000x256xf32, #tpu.memory_space<hbm>>) dst(%dma_wait3A_98 : memref<80x256xf32, #tpu.memory_space<vmem>>)
      %mul3A_107 = arith.constant 80 : i32
      %mul3A_108 = arith.muli %scan3A_72, %mul3A_107 : i32
      %add3A_109 = arith.addi %mul3A_2, %mul3A_108 : i32
      %mul3A_110 = arith.constant 80 : i32
      %mul3A_111 = arith.muli %scan3A_72, %mul3A_110 : i32
      %add3A_112 = arith.addi %mul3A_2, %mul3A_111 : i32
      %dma_start3A_113 = arith.constant 0 : i32
      %dma_start3A_114 = arith.constant 0 : i32
      %dma_start3A_115 = tpu.memref_slice %arg9[%rem3A_73, %dma_start3A_113, %dma_start3A_114] : memref<2x80x256xf32, #tpu.memory_space<vmem>> -> memref<1x80x256xf32, #tpu.memory_space<vmem>>
      %dma_start3A_116 = tpu.memref_squeeze %dma_start3A_115 : memref<1x80x256xf32, #tpu.memory_space<vmem>> -> memref<80x256xf32, #tpu.memory_space<vmem>>
      %dma_start3A_117 = arith.constant 0 : i32
      %dma_start3A_118 = tpu.memref_slice %arg5[%add3A_109, %dma_start3A_117] : memref<320000x256xf32, #tpu.memory_space<hbm>> -> memref<80x256xf32, #tpu.memory_space<hbm>>
      %dma_start3A_119 = tpu.memref_slice %arg12[%rem3A_73] : memref<2x!tpu.dma_semaphore, #tpu.memory_space<semaphore_mem>> -> memref<1x!tpu.dma_semaphore, #tpu.memory_space<semaphore_mem>>
      %dma_start3A_120 = tpu.memref_squeeze %dma_start3A_119 : memref<1x!tpu.dma_semaphore, #tpu.memory_space<semaphore_mem>> -> memref<!tpu.dma_semaphore, #tpu.memory_space<semaphore_mem>>
      %dma_start3A_121 = arith.constant 0 : i32
      %dma_start3A_122 = tpu.memref_slice %arg5[%add3A_109, %dma_start3A_121] : memref<320000x256xf32, #tpu.memory_space<hbm>> -> memref<80x256xf32, #tpu.memory_space<hbm>>
      %dma_start3A_123 = arith.constant 0 : i32
      %dma_start3A_124 = arith.constant 0 : i32
      %dma_start3A_125 = tpu.memref_slice %arg9[%rem3A_73, %dma_start3A_123, %dma_start3A_124] : memref<2x80x256xf32, #tpu.memory_space<vmem>> -> memref<1x80x256xf32, #tpu.memory_space<vmem>>
      %dma_start3A_126 = tpu.memref_squeeze %dma_start3A_125 : memref<1x80x256xf32, #tpu.memory_space<vmem>> -> memref<80x256xf32, #tpu.memory_space<vmem>>
      tpu.enqueue_dma source(%dma_start3A_126 : memref<80x256xf32, #tpu.memory_space<vmem>>) target(%dma_start3A_122 : memref<80x256xf32, #tpu.memory_space<hbm>>) target_semaphore(%dma_start3A_120 : memref<!tpu.dma_semaphore, #tpu.memory_space<semaphore_mem>>)
      %dma_start3A_127 = arith.constant 0 : i32
      %dma_start3A_128 = arith.constant 0 : i32
      %dma_start3A_129 = tpu.memref_slice %arg10[%rem3A_73, %dma_start3A_127, %dma_start3A_128] : memref<2x80x256xf32, #tpu.memory_space<vmem>> -> memref<1x80x256xf32, #tpu.memory_space<vmem>>
      %dma_start3A_130 = tpu.memref_squeeze %dma_start3A_129 : memref<1x80x256xf32, #tpu.memory_space<vmem>> -> memref<80x256xf32, #tpu.memory_space<vmem>>
      %dma_start3A_131 = arith.constant 0 : i32
      %dma_start3A_132 = tpu.memref_slice %arg6[%add3A_112, %dma_start3A_131] : memref<320000x256xf32, #tpu.memory_space<hbm>> -> memref<80x256xf32, #tpu.memory_space<hbm>>
      %dma_start3A_133 = tpu.memref_slice %arg12[%rem3A_73] : memref<2x!tpu.dma_semaphore, #tpu.memory_space<semaphore_mem>> -> memref<1x!tpu.dma_semaphore, #tpu.memory_space<semaphore_mem>>
      %dma_start3A_134 = tpu.memref_squeeze %dma_start3A_133 : memref<1x!tpu.dma_semaphore, #tpu.memory_space<semaphore_mem>> -> memref<!tpu.dma_semaphore, #tpu.memory_space<semaphore_mem>>
      %dma_start3A_135 = arith.constant 0 : i32
      %dma_start3A_136 = tpu.memref_slice %arg6[%add3A_112, %dma_start3A_135] : memref<320000x256xf32, #tpu.memory_space<hbm>> -> memref<80x256xf32, #tpu.memory_space<hbm>>
      %dma_start3A_137 = arith.constant 0 : i32
      %dma_start3A_138 = arith.constant 0 : i32
      %dma_start3A_139 = tpu.memref_slice %arg10[%rem3A_73, %dma_start3A_137, %dma_start3A_138] : memref<2x80x256xf32, #tpu.memory_space<vmem>> -> memref<1x80x256xf32, #tpu.memory_space<vmem>>
      %dma_start3A_140 = tpu.memref_squeeze %dma_start3A_139 : memref<1x80x256xf32, #tpu.memory_space<vmem>> -> memref<80x256xf32, #tpu.memory_space<vmem>>
      tpu.enqueue_dma source(%dma_start3A_140 : memref<80x256xf32, #tpu.memory_space<vmem>>) target(%dma_start3A_136 : memref<80x256xf32, #tpu.memory_space<hbm>>) target_semaphore(%dma_start3A_134 : memref<!tpu.dma_semaphore, #tpu.memory_space<semaphore_mem>>)
    }
    %scan3A_36 = arith.constant 125 : i32
    %add3A_37 = arith.constant 9920 : i32
    %add3A_38 = arith.addi %mul3A_2, %add3A_37 : i32
    %add3A_39 = arith.constant 9920 : i32
    %add3A_40 = arith.addi %mul3A_2, %add3A_39 : i32
    %dma_wait3A = arith.constant 0 : i32
    %dma_wait3A_41 = arith.constant 0 : i32
    %dma_wait3A_42 = arith.constant 0 : i32
    %dma_wait3A_43 = arith.constant 0 : i32
    %dma_wait3A_44 = tpu.memref_slice %arg9[%dma_wait3A, %dma_wait3A_42, %dma_wait3A_43] : memref<2x80x256xf32, #tpu.memory_space<vmem>> -> memref<1x80x256xf32, #tpu.memory_space<vmem>>
    %dma_wait3A_45 = tpu.memref_squeeze %dma_wait3A_44 : memref<1x80x256xf32, #tpu.memory_space<vmem>> -> memref<80x256xf32, #tpu.memory_space<vmem>>
    %dma_wait3A_46 = arith.constant 0 : i32
    %dma_wait3A_47 = tpu.memref_slice %arg5[%add3A_38, %dma_wait3A_46] : memref<320000x256xf32, #tpu.memory_space<hbm>> -> memref<80x256xf32, #tpu.memory_space<hbm>>
    %dma_wait3A_48 = tpu.memref_slice %arg12[%dma_wait3A_41] : memref<2x!tpu.dma_semaphore, #tpu.memory_space<semaphore_mem>> -> memref<1x!tpu.dma_semaphore, #tpu.memory_space<semaphore_mem>>
    %dma_wait3A_49 = tpu.memref_squeeze %dma_wait3A_48 : memref<1x!tpu.dma_semaphore, #tpu.memory_space<semaphore_mem>> -> memref<!tpu.dma_semaphore, #tpu.memory_space<semaphore_mem>>
    %dma_wait3A_50 = arith.constant 0 : i32
    %dma_wait3A_51 = tpu.memref_slice %arg5[%add3A_38, %dma_wait3A_50] : memref<320000x256xf32, #tpu.memory_space<hbm>> -> memref<80x256xf32, #tpu.memory_space<hbm>>
    %dma_wait3A_52 = arith.constant 0 : i32
    %dma_wait3A_53 = arith.constant 0 : i32
    %dma_wait3A_54 = tpu.memref_slice %arg9[%dma_wait3A, %dma_wait3A_52, %dma_wait3A_53] : memref<2x80x256xf32, #tpu.memory_space<vmem>> -> memref<1x80x256xf32, #tpu.memory_space<vmem>>
    %dma_wait3A_55 = tpu.memref_squeeze %dma_wait3A_54 : memref<1x80x256xf32, #tpu.memory_space<vmem>> -> memref<80x256xf32, #tpu.memory_space<vmem>>
    tpu.wait_dma2 semaphore(%dma_wait3A_49 : memref<!tpu.dma_semaphore, #tpu.memory_space<semaphore_mem>>) src(%dma_wait3A_55 : memref<80x256xf32, #tpu.memory_space<vmem>>) dst(%dma_wait3A_51 : memref<80x256xf32, #tpu.memory_space<hbm>>)
    %dma_wait3A_56 = arith.constant 0 : i32
    %dma_wait3A_57 = arith.constant 0 : i32
    %dma_wait3A_58 = arith.constant 0 : i32
    %dma_wait3A_59 = arith.constant 0 : i32
    %dma_wait3A_60 = tpu.memref_slice %arg10[%dma_wait3A_56, %dma_wait3A_58, %dma_wait3A_59] : memref<2x80x256xf32, #tpu.memory_space<vmem>> -> memref<1x80x256xf32, #tpu.memory_space<vmem>>
    %dma_wait3A_61 = tpu.memref_squeeze %dma_wait3A_60 : memref<1x80x256xf32, #tpu.memory_space<vmem>> -> memref<80x256xf32, #tpu.memory_space<vmem>>
    %dma_wait3A_62 = arith.constant 0 : i32
    %dma_wait3A_63 = tpu.memref_slice %arg6[%add3A_40, %dma_wait3A_62] : memref<320000x256xf32, #tpu.memory_space<hbm>> -> memref<80x256xf32, #tpu.memory_space<hbm>>
    %dma_wait3A_64 = tpu.memref_slice %arg12[%dma_wait3A_57] : memref<2x!tpu.dma_semaphore, #tpu.memory_space<semaphore_mem>> -> memref<1x!tpu.dma_semaphore, #tpu.memory_space<semaphore_mem>>
    %dma_wait3A_65 = tpu.memref_squeeze %dma_wait3A_64 : memref<1x!tpu.dma_semaphore, #tpu.memory_space<semaphore_mem>> -> memref<!tpu.dma_semaphore, #tpu.memory_space<semaphore_mem>>
    %dma_wait3A_66 = arith.constant 0 : i32
    %dma_wait3A_67 = tpu.memref_slice %arg6[%add3A_40, %dma_wait3A_66] : memref<320000x256xf32, #tpu.memory_space<hbm>> -> memref<80x256xf32, #tpu.memory_space<hbm>>
    %dma_wait3A_68 = arith.constant 0 : i32
    %dma_wait3A_69 = arith.constant 0 : i32
    %dma_wait3A_70 = tpu.memref_slice %arg10[%dma_wait3A_56, %dma_wait3A_68, %dma_wait3A_69] : memref<2x80x256xf32, #tpu.memory_space<vmem>> -> memref<1x80x256xf32, #tpu.memory_space<vmem>>
    %dma_wait3A_71 = tpu.memref_squeeze %dma_wait3A_70 : memref<1x80x256xf32, #tpu.memory_space<vmem>> -> memref<80x256xf32, #tpu.memory_space<vmem>>
    tpu.wait_dma2 semaphore(%dma_wait3A_65 : memref<!tpu.dma_semaphore, #tpu.memory_space<semaphore_mem>>) src(%dma_wait3A_71 : memref<80x256xf32, #tpu.memory_space<vmem>>) dst(%dma_wait3A_67 : memref<80x256xf32, #tpu.memory_space<hbm>>)
    return
  }
}

#map = affine_map<(d0, d1) -> (0, 0)>
#map1 = affine_map<(d0, d1) -> (0, 0, 0)>
module attributes {stable_mosaic.version = 14 : i64} {
  func.func @k(%arg0: i32, %arg1: i32, %arg2: memref<320000x128xf32, #tpu.memory_space<hbm>>, %arg3: memref<32x125x80xi32, #tpu.memory_space<hbm>>, %arg4: memref<80x128xf32, #tpu.memory_space<hbm>>, %arg5: memref<20000x128xf32, #tpu.memory_space<hbm>>, %arg6: memref<125x80xi32, #tpu.memory_space<vmem>>, %arg7: memref<2x80x128xf32, #tpu.memory_space<vmem>>, %arg8: memref<10000x128xf32, #tpu.memory_space<vmem_shared>>, %arg9: memref<2x!tpu.dma_semaphore, #tpu.memory_space<semaphore_mem>>) attributes {dimension_semantics = [#tpu.dimension_semantics<core_parallel>, #tpu.dimension_semantics<subcore_parallel>], iteration_bounds = array<i64: 2, 16>, scalar_prefetch = 0 : i64, scratch_operands = 4 : i64, tpu.core_type = #tpu.core_type<sc_vector_subcore>, window_params = [{transform_indices = #map}, {transform_indices = #map1}, {transform_indices = #map}, {transform_indices = #map}]} {
    %mul3A = arith.constant 2 : i32
    %mul3A_0 = arith.muli %arg1, %mul3A : i32
    %add3A = arith.addi %mul3A_0, %arg0 : i32
    %mul3A_1 = arith.constant 10000 : i32
    %mul3A_2 = arith.muli %add3A, %mul3A_1 : i32
    %run_scoped3A = arith.constant 0 : i32
    "tpu.region"() ({
      %run_scoped3A_38 = tpu.sem_alloc : memref<!tpu.dma_semaphore, #tpu.memory_space<semaphore_mem>>
      %dma_start3A_39 = arith.constant 0 : i32
      %dma_start3A_40 = arith.constant 0 : i32
      %dma_start3A_41 = tpu.memref_slice %arg7[%run_scoped3A, %dma_start3A_39, %dma_start3A_40] : memref<2x80x128xf32, #tpu.memory_space<vmem>> -> memref<1x80x128xf32, #tpu.memory_space<vmem>>
      %dma_start3A_42 = tpu.memref_squeeze %dma_start3A_41 : memref<1x80x128xf32, #tpu.memory_space<vmem>> -> memref<80x128xf32, #tpu.memory_space<vmem>>
      %dma_start3A_43 = arith.constant 0 : i32
      %dma_start3A_44 = arith.constant 0 : i32
      %dma_start3A_45 = tpu.memref_slice %arg7[%run_scoped3A, %dma_start3A_43, %dma_start3A_44] : memref<2x80x128xf32, #tpu.memory_space<vmem>> -> memref<1x80x128xf32, #tpu.memory_space<vmem>>
      %dma_start3A_46 = tpu.memref_squeeze %dma_start3A_45 : memref<1x80x128xf32, #tpu.memory_space<vmem>> -> memref<80x128xf32, #tpu.memory_space<vmem>>
      tpu.enqueue_dma source(%arg4 : memref<80x128xf32, #tpu.memory_space<hbm>>) target(%dma_start3A_46 : memref<80x128xf32, #tpu.memory_space<vmem>>) target_semaphore(%run_scoped3A_38 : memref<!tpu.dma_semaphore, #tpu.memory_space<semaphore_mem>>)
      %dma_wait3A = arith.constant 0 : i32
      %dma_wait3A_47 = arith.constant 0 : i32
      %dma_wait3A_48 = tpu.memref_slice %arg7[%run_scoped3A, %dma_wait3A, %dma_wait3A_47] : memref<2x80x128xf32, #tpu.memory_space<vmem>> -> memref<1x80x128xf32, #tpu.memory_space<vmem>>
      %dma_wait3A_49 = tpu.memref_squeeze %dma_wait3A_48 : memref<1x80x128xf32, #tpu.memory_space<vmem>> -> memref<80x128xf32, #tpu.memory_space<vmem>>
      %dma_wait3A_50 = arith.constant 0 : i32
      %dma_wait3A_51 = arith.constant 0 : i32
      %dma_wait3A_52 = tpu.memref_slice %arg7[%run_scoped3A, %dma_wait3A_50, %dma_wait3A_51] : memref<2x80x128xf32, #tpu.memory_space<vmem>> -> memref<1x80x128xf32, #tpu.memory_space<vmem>>
      %dma_wait3A_53 = tpu.memref_squeeze %dma_wait3A_52 : memref<1x80x128xf32, #tpu.memory_space<vmem>> -> memref<80x128xf32, #tpu.memory_space<vmem>>
      tpu.wait_dma2 semaphore(%run_scoped3A_38 : memref<!tpu.dma_semaphore, #tpu.memory_space<semaphore_mem>>) src(%arg4 : memref<80x128xf32, #tpu.memory_space<hbm>>) dst(%dma_wait3A_53 : memref<80x128xf32, #tpu.memory_space<vmem>>)
      tpu.yield
    }) : () -> ()
    %scan3A = arith.constant 0 : i32
    %scan3A_3 = arith.constant 0 : i32
    %scan3A_4 = arith.constant 8 : i32
    %scan3A_5 = arith.addi %scan3A_3, %scan3A_4 : i32
    %scan3A_6 = arith.constant 1 : i32
    scf.for %scan3A_38 = %scan3A_3 to %scan3A_5 step %scan3A_6  : i32 {
      %mul3A_39 = arith.constant 16 : i32
      %mul3A_40 = arith.muli %scan3A_38, %mul3A_39 : i32
      %add3A_41 = arith.addi %mul3A_40, %arg1 : i32
      %lt3A = arith.constant 125 : i32
      %lt3A_42 = arith.cmpi slt, %add3A_41, %lt3A : i32
      %convert_element_type3A = arith.extui %lt3A_42 : i1 to i32
      %cond3A = arith.constant 0 : i32
      %cond3A_43 = arith.cmpi ne, %convert_element_type3A, %cond3A : i32
      scf.if %cond3A_43 {
        %mul3A_44 = arith.constant 80 : i32
        %mul3A_45 = arith.muli %add3A_41, %mul3A_44 : i32
        %run_scoped3A_46 = arith.constant 0 : i32
        "tpu.region"() ({
          %run_scoped3A_47 = tpu.sem_alloc : memref<!tpu.dma_semaphore, #tpu.memory_space<semaphore_mem>>
          %dma_start3A_48 = arith.constant 0 : i32
          %dma_start3A_49 = arith.constant 0 : i32
          %dma_start3A_50 = tpu.memref_slice %arg7[%run_scoped3A_46, %dma_start3A_48, %dma_start3A_49] : memref<2x80x128xf32, #tpu.memory_space<vmem>> -> memref<1x80x128xf32, #tpu.memory_space<vmem>>
          %dma_start3A_51 = tpu.memref_squeeze %dma_start3A_50 : memref<1x80x128xf32, #tpu.memory_space<vmem>> -> memref<80x128xf32, #tpu.memory_space<vmem>>
          %dma_start3A_52 = arith.constant 0 : i32
          %dma_start3A_53 = tpu.memref_slice %arg8[%mul3A_45, %dma_start3A_52] : memref<10000x128xf32, #tpu.memory_space<vmem_shared>> -> memref<80x128xf32, #tpu.memory_space<vmem_shared>>
          %dma_start3A_54 = arith.constant 0 : i32
          %dma_start3A_55 = tpu.memref_slice %arg8[%mul3A_45, %dma_start3A_54] : memref<10000x128xf32, #tpu.memory_space<vmem_shared>> -> memref<80x128xf32, #tpu.memory_space<vmem_shared>>
          %dma_start3A_56 = arith.constant 0 : i32
          %dma_start3A_57 = arith.constant 0 : i32
          %dma_start3A_58 = tpu.memref_slice %arg7[%run_scoped3A_46, %dma_start3A_56, %dma_start3A_57] : memref<2x80x128xf32, #tpu.memory_space<vmem>> -> memref<1x80x128xf32, #tpu.memory_space<vmem>>
          %dma_start3A_59 = tpu.memref_squeeze %dma_start3A_58 : memref<1x80x128xf32, #tpu.memory_space<vmem>> -> memref<80x128xf32, #tpu.memory_space<vmem>>
          tpu.enqueue_dma source(%dma_start3A_59 : memref<80x128xf32, #tpu.memory_space<vmem>>) target(%dma_start3A_55 : memref<80x128xf32, #tpu.memory_space<vmem_shared>>) target_semaphore(%run_scoped3A_47 : memref<!tpu.dma_semaphore, #tpu.memory_space<semaphore_mem>>)
          %dma_wait3A = arith.constant 0 : i32
          %dma_wait3A_60 = arith.constant 0 : i32
          %dma_wait3A_61 = tpu.memref_slice %arg7[%run_scoped3A_46, %dma_wait3A, %dma_wait3A_60] : memref<2x80x128xf32, #tpu.memory_space<vmem>> -> memref<1x80x128xf32, #tpu.memory_space<vmem>>
          %dma_wait3A_62 = tpu.memref_squeeze %dma_wait3A_61 : memref<1x80x128xf32, #tpu.memory_space<vmem>> -> memref<80x128xf32, #tpu.memory_space<vmem>>
          %dma_wait3A_63 = arith.constant 0 : i32
          %dma_wait3A_64 = tpu.memref_slice %arg8[%mul3A_45, %dma_wait3A_63] : memref<10000x128xf32, #tpu.memory_space<vmem_shared>> -> memref<80x128xf32, #tpu.memory_space<vmem_shared>>
          %dma_wait3A_65 = arith.constant 0 : i32
          %dma_wait3A_66 = tpu.memref_slice %arg8[%mul3A_45, %dma_wait3A_65] : memref<10000x128xf32, #tpu.memory_space<vmem_shared>> -> memref<80x128xf32, #tpu.memory_space<vmem_shared>>
          %dma_wait3A_67 = arith.constant 0 : i32
          %dma_wait3A_68 = arith.constant 0 : i32
          %dma_wait3A_69 = tpu.memref_slice %arg7[%run_scoped3A_46, %dma_wait3A_67, %dma_wait3A_68] : memref<2x80x128xf32, #tpu.memory_space<vmem>> -> memref<1x80x128xf32, #tpu.memory_space<vmem>>
          %dma_wait3A_70 = tpu.memref_squeeze %dma_wait3A_69 : memref<1x80x128xf32, #tpu.memory_space<vmem>> -> memref<80x128xf32, #tpu.memory_space<vmem>>
          tpu.wait_dma2 semaphore(%run_scoped3A_47 : memref<!tpu.dma_semaphore, #tpu.memory_space<semaphore_mem>>) src(%dma_wait3A_70 : memref<80x128xf32, #tpu.memory_space<vmem>>) dst(%dma_wait3A_66 : memref<80x128xf32, #tpu.memory_space<vmem_shared>>)
          tpu.yield
        }) : () -> ()
      } else {
      }
    }
    %scan3A_7 = arith.constant 8 : i32
    "tpu.region"() ({
      %run_scoped3A_38 = tpu.sem_alloc : memref<!tpu.dma_semaphore, #tpu.memory_space<semaphore_mem>>
      %dma_start3A_39 = arith.constant 0 : i32
      %dma_start3A_40 = arith.constant 0 : i32
      %dma_start3A_41 = tpu.memref_slice %arg3[%add3A, %dma_start3A_39, %dma_start3A_40] : memref<32x125x80xi32, #tpu.memory_space<hbm>> -> memref<1x125x80xi32, #tpu.memory_space<hbm>>
      %dma_start3A_42 = tpu.memref_squeeze %dma_start3A_41 : memref<1x125x80xi32, #tpu.memory_space<hbm>> -> memref<125x80xi32, #tpu.memory_space<hbm>>
      %dma_start3A_43 = arith.constant 0 : i32
      %dma_start3A_44 = arith.constant 0 : i32
      %dma_start3A_45 = tpu.memref_slice %arg3[%add3A, %dma_start3A_43, %dma_start3A_44] : memref<32x125x80xi32, #tpu.memory_space<hbm>> -> memref<1x125x80xi32, #tpu.memory_space<hbm>>
      %dma_start3A_46 = tpu.memref_squeeze %dma_start3A_45 : memref<1x125x80xi32, #tpu.memory_space<hbm>> -> memref<125x80xi32, #tpu.memory_space<hbm>>
      tpu.enqueue_dma source(%dma_start3A_46 : memref<125x80xi32, #tpu.memory_space<hbm>>) target(%arg6 : memref<125x80xi32, #tpu.memory_space<vmem>>) target_semaphore(%run_scoped3A_38 : memref<!tpu.dma_semaphore, #tpu.memory_space<semaphore_mem>>)
      %dma_wait3A = arith.constant 0 : i32
      %dma_wait3A_47 = arith.constant 0 : i32
      %dma_wait3A_48 = tpu.memref_slice %arg3[%add3A, %dma_wait3A, %dma_wait3A_47] : memref<32x125x80xi32, #tpu.memory_space<hbm>> -> memref<1x125x80xi32, #tpu.memory_space<hbm>>
      %dma_wait3A_49 = tpu.memref_squeeze %dma_wait3A_48 : memref<1x125x80xi32, #tpu.memory_space<hbm>> -> memref<125x80xi32, #tpu.memory_space<hbm>>
      %dma_wait3A_50 = arith.constant 0 : i32
      %dma_wait3A_51 = arith.constant 0 : i32
      %dma_wait3A_52 = tpu.memref_slice %arg3[%add3A, %dma_wait3A_50, %dma_wait3A_51] : memref<32x125x80xi32, #tpu.memory_space<hbm>> -> memref<1x125x80xi32, #tpu.memory_space<hbm>>
      %dma_wait3A_53 = tpu.memref_squeeze %dma_wait3A_52 : memref<1x125x80xi32, #tpu.memory_space<hbm>> -> memref<125x80xi32, #tpu.memory_space<hbm>>
      tpu.wait_dma2 semaphore(%run_scoped3A_38 : memref<!tpu.dma_semaphore, #tpu.memory_space<semaphore_mem>>) src(%dma_wait3A_53 : memref<125x80xi32, #tpu.memory_space<hbm>>) dst(%arg6 : memref<125x80xi32, #tpu.memory_space<vmem>>)
      tpu.yield
    }) : () -> ()
    %barrier3A = arith.constant 0 : index
    tpu.barrier barrier_id(%barrier3A)
    %add3A_8 = arith.constant 0 : i32
    %add3A_9 = arith.addi %mul3A_2, %add3A_8 : i32
    %dma_start3A = arith.constant 0 : i32
    %dma_start3A_10 = arith.constant 0 : i32
    %dma_start3A_11 = arith.constant 0 : i32
    %dma_start3A_12 = arith.constant 0 : i32
    %dma_start3A_13 = tpu.memref_slice %arg7[%dma_start3A, %dma_start3A_11, %dma_start3A_12] : memref<2x80x128xf32, #tpu.memory_space<vmem>> -> memref<1x80x128xf32, #tpu.memory_space<vmem>>
    %dma_start3A_14 = tpu.memref_squeeze %dma_start3A_13 : memref<1x80x128xf32, #tpu.memory_space<vmem>> -> memref<80x128xf32, #tpu.memory_space<vmem>>
    %dma_start3A_15 = arith.constant 0 : i32
    %dma_start3A_16 = tpu.memref_slice %arg2[%add3A_9, %dma_start3A_15] : memref<320000x128xf32, #tpu.memory_space<hbm>> -> memref<80x128xf32, #tpu.memory_space<hbm>>
    %dma_start3A_17 = tpu.memref_slice %arg9[%dma_start3A_10] : memref<2x!tpu.dma_semaphore, #tpu.memory_space<semaphore_mem>> -> memref<1x!tpu.dma_semaphore, #tpu.memory_space<semaphore_mem>>
    %dma_start3A_18 = tpu.memref_squeeze %dma_start3A_17 : memref<1x!tpu.dma_semaphore, #tpu.memory_space<semaphore_mem>> -> memref<!tpu.dma_semaphore, #tpu.memory_space<semaphore_mem>>
    %dma_start3A_19 = arith.constant 0 : i32
    %dma_start3A_20 = arith.constant 0 : i32
    %dma_start3A_21 = tpu.memref_slice %arg7[%dma_start3A, %dma_start3A_19, %dma_start3A_20] : memref<2x80x128xf32, #tpu.memory_space<vmem>> -> memref<1x80x128xf32, #tpu.memory_space<vmem>>
    %dma_start3A_22 = tpu.memref_squeeze %dma_start3A_21 : memref<1x80x128xf32, #tpu.memory_space<vmem>> -> memref<80x128xf32, #tpu.memory_space<vmem>>
    %dma_start3A_23 = arith.constant 0 : i32
    %dma_start3A_24 = tpu.memref_slice %arg2[%add3A_9, %dma_start3A_23] : memref<320000x128xf32, #tpu.memory_space<hbm>> -> memref<80x128xf32, #tpu.memory_space<hbm>>
    tpu.enqueue_dma source(%dma_start3A_24 : memref<80x128xf32, #tpu.memory_space<hbm>>) target(%dma_start3A_22 : memref<80x128xf32, #tpu.memory_space<vmem>>) target_semaphore(%dma_start3A_18 : memref<!tpu.dma_semaphore, #tpu.memory_space<semaphore_mem>>)
    %scan3A_25 = arith.constant 0 : i32
    %scan3A_26 = arith.constant 0 : i32
    %scan3A_27 = arith.constant 125 : i32
    %scan3A_28 = arith.addi %scan3A_26, %scan3A_27 : i32
    %scan3A_29 = arith.constant 1 : i32
    scf.for %scan3A_38 = %scan3A_26 to %scan3A_28 step %scan3A_29  : i32 {
      %rem3A = arith.constant 2 : i32
      %rem3A_39 = arith.remsi %scan3A_38, %rem3A : i32
      %sub3A = arith.constant 1 : i32
      %sub3A_40 = arith.subi %sub3A, %rem3A_39 : i32
      %mul3A_41 = arith.constant 80 : i32
      %mul3A_42 = arith.muli %scan3A_38, %mul3A_41 : i32
      %add3A_43 = arith.addi %mul3A_2, %mul3A_42 : i32
      %dma_wait3A = arith.constant 0 : i32
      %dma_wait3A_44 = arith.constant 0 : i32
      %dma_wait3A_45 = tpu.memref_slice %arg7[%rem3A_39, %dma_wait3A, %dma_wait3A_44] : memref<2x80x128xf32, #tpu.memory_space<vmem>> -> memref<1x80x128xf32, #tpu.memory_space<vmem>>
      %dma_wait3A_46 = tpu.memref_squeeze %dma_wait3A_45 : memref<1x80x128xf32, #tpu.memory_space<vmem>> -> memref<80x128xf32, #tpu.memory_space<vmem>>
      %dma_wait3A_47 = arith.constant 0 : i32
      %dma_wait3A_48 = tpu.memref_slice %arg2[%add3A_43, %dma_wait3A_47] : memref<320000x128xf32, #tpu.memory_space<hbm>> -> memref<80x128xf32, #tpu.memory_space<hbm>>
      %dma_wait3A_49 = tpu.memref_slice %arg9[%rem3A_39] : memref<2x!tpu.dma_semaphore, #tpu.memory_space<semaphore_mem>> -> memref<1x!tpu.dma_semaphore, #tpu.memory_space<semaphore_mem>>
      %dma_wait3A_50 = tpu.memref_squeeze %dma_wait3A_49 : memref<1x!tpu.dma_semaphore, #tpu.memory_space<semaphore_mem>> -> memref<!tpu.dma_semaphore, #tpu.memory_space<semaphore_mem>>
      %dma_wait3A_51 = arith.constant 0 : i32
      %dma_wait3A_52 = arith.constant 0 : i32
      %dma_wait3A_53 = tpu.memref_slice %arg7[%rem3A_39, %dma_wait3A_51, %dma_wait3A_52] : memref<2x80x128xf32, #tpu.memory_space<vmem>> -> memref<1x80x128xf32, #tpu.memory_space<vmem>>
      %dma_wait3A_54 = tpu.memref_squeeze %dma_wait3A_53 : memref<1x80x128xf32, #tpu.memory_space<vmem>> -> memref<80x128xf32, #tpu.memory_space<vmem>>
      %dma_wait3A_55 = arith.constant 0 : i32
      %dma_wait3A_56 = tpu.memref_slice %arg2[%add3A_43, %dma_wait3A_55] : memref<320000x128xf32, #tpu.memory_space<hbm>> -> memref<80x128xf32, #tpu.memory_space<hbm>>
      tpu.wait_dma2 semaphore(%dma_wait3A_50 : memref<!tpu.dma_semaphore, #tpu.memory_space<semaphore_mem>>) src(%dma_wait3A_56 : memref<80x128xf32, #tpu.memory_space<hbm>>) dst(%dma_wait3A_54 : memref<80x128xf32, #tpu.memory_space<vmem>>)
      %add3A_57 = arith.constant 1 : i32
      %add3A_58 = arith.addi %scan3A_38, %add3A_57 : i32
      %lt3A = arith.constant 125 : i32
      %lt3A_59 = arith.cmpi slt, %add3A_58, %lt3A : i32
      %convert_element_type3A = arith.extui %lt3A_59 : i1 to i32
      %cond3A = arith.constant 0 : i32
      %cond3A_60 = arith.cmpi ne, %convert_element_type3A, %cond3A : i32
      scf.if %cond3A_60 {
        %add3A_61 = arith.constant 1 : i32
        %add3A_62 = arith.addi %scan3A_38, %add3A_61 : i32
        %mul3A_63 = arith.constant 80 : i32
        %mul3A_64 = arith.muli %add3A_62, %mul3A_63 : i32
        %add3A_65 = arith.addi %mul3A_2, %mul3A_64 : i32
        %dma_start3A_66 = arith.constant 0 : i32
        %dma_start3A_67 = arith.constant 0 : i32
        %dma_start3A_68 = tpu.memref_slice %arg7[%sub3A_40, %dma_start3A_66, %dma_start3A_67] : memref<2x80x128xf32, #tpu.memory_space<vmem>> -> memref<1x80x128xf32, #tpu.memory_space<vmem>>
        %dma_start3A_69 = tpu.memref_squeeze %dma_start3A_68 : memref<1x80x128xf32, #tpu.memory_space<vmem>> -> memref<80x128xf32, #tpu.memory_space<vmem>>
        %dma_start3A_70 = arith.constant 0 : i32
        %dma_start3A_71 = tpu.memref_slice %arg2[%add3A_65, %dma_start3A_70] : memref<320000x128xf32, #tpu.memory_space<hbm>> -> memref<80x128xf32, #tpu.memory_space<hbm>>
        %dma_start3A_72 = tpu.memref_slice %arg9[%sub3A_40] : memref<2x!tpu.dma_semaphore, #tpu.memory_space<semaphore_mem>> -> memref<1x!tpu.dma_semaphore, #tpu.memory_space<semaphore_mem>>
        %dma_start3A_73 = tpu.memref_squeeze %dma_start3A_72 : memref<1x!tpu.dma_semaphore, #tpu.memory_space<semaphore_mem>> -> memref<!tpu.dma_semaphore, #tpu.memory_space<semaphore_mem>>
        %dma_start3A_74 = arith.constant 0 : i32
        %dma_start3A_75 = arith.constant 0 : i32
        %dma_start3A_76 = tpu.memref_slice %arg7[%sub3A_40, %dma_start3A_74, %dma_start3A_75] : memref<2x80x128xf32, #tpu.memory_space<vmem>> -> memref<1x80x128xf32, #tpu.memory_space<vmem>>
        %dma_start3A_77 = tpu.memref_squeeze %dma_start3A_76 : memref<1x80x128xf32, #tpu.memory_space<vmem>> -> memref<80x128xf32, #tpu.memory_space<vmem>>
        %dma_start3A_78 = arith.constant 0 : i32
        %dma_start3A_79 = tpu.memref_slice %arg2[%add3A_65, %dma_start3A_78] : memref<320000x128xf32, #tpu.memory_space<hbm>> -> memref<80x128xf32, #tpu.memory_space<hbm>>
        tpu.enqueue_dma source(%dma_start3A_79 : memref<80x128xf32, #tpu.memory_space<hbm>>) target(%dma_start3A_77 : memref<80x128xf32, #tpu.memory_space<vmem>>) target_semaphore(%dma_start3A_73 : memref<!tpu.dma_semaphore, #tpu.memory_space<semaphore_mem>>)
      } else {
      }
      "tpu.region"() ({
        %run_scoped3A_61 = tpu.sem_alloc : memref<!tpu.dma_semaphore, #tpu.memory_space<semaphore_mem>>
        %dma_start3A_62 = arith.constant 0 : i32
        %dma_start3A_63 = arith.constant 0 : i32
        %dma_start3A_64 = tpu.memref_slice %arg7[%rem3A_39, %dma_start3A_62, %dma_start3A_63] : memref<2x80x128xf32, #tpu.memory_space<vmem>> -> memref<1x80x128xf32, #tpu.memory_space<vmem>>
        %dma_start3A_65 = tpu.memref_squeeze %dma_start3A_64 : memref<1x80x128xf32, #tpu.memory_space<vmem>> -> memref<80x128xf32, #tpu.memory_space<vmem>>
        %dma_start3A_66 = arith.constant 0 : i32
        %dma_start3A_67 = tpu.memref_slice %arg6[%scan3A_38, %dma_start3A_66] : memref<125x80xi32, #tpu.memory_space<vmem>> -> memref<1x80xi32, #tpu.memory_space<vmem>>
        %dma_start3A_68 = tpu.memref_squeeze %dma_start3A_67 : memref<1x80xi32, #tpu.memory_space<vmem>> -> memref<80xi32, #tpu.memory_space<vmem>>
        %dma_start3A_69 = arith.constant 0 : i32
        %dma_start3A_70 = arith.constant 0 : i32
        %dma_start3A_71 = tpu.memref_slice %arg8[%dma_start3A_69, %dma_start3A_70] : memref<10000x128xf32, #tpu.memory_space<vmem_shared>> -> memref<10000x128xf32, #tpu.memory_space<vmem_shared>>
        tpu.enqueue_indirect_dma source(%dma_start3A_65 : memref<80x128xf32, #tpu.memory_space<vmem>>) target(%dma_start3A_71 : memref<10000x128xf32, #tpu.memory_space<vmem_shared>>) offsets(%dma_start3A_68 : memref<80xi32, #tpu.memory_space<vmem>>) semaphore(%run_scoped3A_61 : memref<!tpu.dma_semaphore, #tpu.memory_space<semaphore_mem>>) {add = true}
        %dma_wait3A_72 = arith.constant 0 : i32
        %dma_wait3A_73 = arith.constant 0 : i32
        %dma_wait3A_74 = tpu.memref_slice %arg7[%rem3A_39, %dma_wait3A_72, %dma_wait3A_73] : memref<2x80x128xf32, #tpu.memory_space<vmem>> -> memref<1x80x128xf32, #tpu.memory_space<vmem>>
        %dma_wait3A_75 = tpu.memref_squeeze %dma_wait3A_74 : memref<1x80x128xf32, #tpu.memory_space<vmem>> -> memref<80x128xf32, #tpu.memory_space<vmem>>
        %dma_wait3A_76 = arith.constant 0 : i32
        %dma_wait3A_77 = tpu.memref_slice %arg6[%scan3A_38, %dma_wait3A_76] : memref<125x80xi32, #tpu.memory_space<vmem>> -> memref<1x80xi32, #tpu.memory_space<vmem>>
        %dma_wait3A_78 = tpu.memref_squeeze %dma_wait3A_77 : memref<1x80xi32, #tpu.memory_space<vmem>> -> memref<80xi32, #tpu.memory_space<vmem>>
        %dma_wait3A_79 = arith.constant 0 : i32
        %dma_wait3A_80 = arith.constant 0 : i32
        %dma_wait3A_81 = tpu.memref_slice %arg8[%dma_wait3A_79, %dma_wait3A_80] : memref<10000x128xf32, #tpu.memory_space<vmem_shared>> -> memref<10000x128xf32, #tpu.memory_space<vmem_shared>>
        tpu.wait_indirect_dma semaphore(%run_scoped3A_61 : memref<!tpu.dma_semaphore, #tpu.memory_space<semaphore_mem>>) src(%dma_wait3A_75 : memref<80x128xf32, #tpu.memory_space<vmem>>) dst(%dma_wait3A_81 : memref<10000x128xf32, #tpu.memory_space<vmem_shared>>)
        tpu.yield
      }) : () -> ()
    }
    %scan3A_30 = arith.constant 125 : i32
    %barrier3A_31 = arith.constant 0 : index
    tpu.barrier barrier_id(%barrier3A_31)
    %scan3A_32 = arith.constant 0 : i32
    %scan3A_33 = arith.constant 0 : i32
    %scan3A_34 = arith.constant 8 : i32
    %scan3A_35 = arith.addi %scan3A_33, %scan3A_34 : i32
    %scan3A_36 = arith.constant 1 : i32
    scf.for %scan3A_38 = %scan3A_33 to %scan3A_35 step %scan3A_36  : i32 {
      %mul3A_39 = arith.constant 16 : i32
      %mul3A_40 = arith.muli %scan3A_38, %mul3A_39 : i32
      %add3A_41 = arith.addi %mul3A_40, %arg1 : i32
      %lt3A = arith.constant 125 : i32
      %lt3A_42 = arith.cmpi slt, %add3A_41, %lt3A : i32
      %convert_element_type3A = arith.extui %lt3A_42 : i1 to i32
      %cond3A = arith.constant 0 : i32
      %cond3A_43 = arith.cmpi ne, %convert_element_type3A, %cond3A : i32
      scf.if %cond3A_43 {
        %mul3A_44 = arith.constant 80 : i32
        %mul3A_45 = arith.muli %add3A_41, %mul3A_44 : i32
        %run_scoped3A_46 = arith.constant 0 : i32
        "tpu.region"() ({
          %run_scoped3A_53 = tpu.sem_alloc : memref<!tpu.dma_semaphore, #tpu.memory_space<semaphore_mem>>
          %dma_start3A_54 = arith.constant 0 : i32
          %dma_start3A_55 = arith.constant 0 : i32
          %dma_start3A_56 = tpu.memref_slice %arg7[%run_scoped3A_46, %dma_start3A_54, %dma_start3A_55] : memref<2x80x128xf32, #tpu.memory_space<vmem>> -> memref<1x80x128xf32, #tpu.memory_space<vmem>>
          %dma_start3A_57 = tpu.memref_squeeze %dma_start3A_56 : memref<1x80x128xf32, #tpu.memory_space<vmem>> -> memref<80x128xf32, #tpu.memory_space<vmem>>
          %dma_start3A_58 = arith.constant 0 : i32
          %dma_start3A_59 = tpu.memref_slice %arg8[%mul3A_45, %dma_start3A_58] : memref<10000x128xf32, #tpu.memory_space<vmem_shared>> -> memref<80x128xf32, #tpu.memory_space<vmem_shared>>
          %dma_start3A_60 = arith.constant 0 : i32
          %dma_start3A_61 = arith.constant 0 : i32
          %dma_start3A_62 = tpu.memref_slice %arg7[%run_scoped3A_46, %dma_start3A_60, %dma_start3A_61] : memref<2x80x128xf32, #tpu.memory_space<vmem>> -> memref<1x80x128xf32, #tpu.memory_space<vmem>>
          %dma_start3A_63 = tpu.memref_squeeze %dma_start3A_62 : memref<1x80x128xf32, #tpu.memory_space<vmem>> -> memref<80x128xf32, #tpu.memory_space<vmem>>
          %dma_start3A_64 = arith.constant 0 : i32
          %dma_start3A_65 = tpu.memref_slice %arg8[%mul3A_45, %dma_start3A_64] : memref<10000x128xf32, #tpu.memory_space<vmem_shared>> -> memref<80x128xf32, #tpu.memory_space<vmem_shared>>
          tpu.enqueue_dma source(%dma_start3A_65 : memref<80x128xf32, #tpu.memory_space<vmem_shared>>) target(%dma_start3A_63 : memref<80x128xf32, #tpu.memory_space<vmem>>) target_semaphore(%run_scoped3A_53 : memref<!tpu.dma_semaphore, #tpu.memory_space<semaphore_mem>>)
          %dma_wait3A = arith.constant 0 : i32
          %dma_wait3A_66 = arith.constant 0 : i32
          %dma_wait3A_67 = tpu.memref_slice %arg7[%run_scoped3A_46, %dma_wait3A, %dma_wait3A_66] : memref<2x80x128xf32, #tpu.memory_space<vmem>> -> memref<1x80x128xf32, #tpu.memory_space<vmem>>
          %dma_wait3A_68 = tpu.memref_squeeze %dma_wait3A_67 : memref<1x80x128xf32, #tpu.memory_space<vmem>> -> memref<80x128xf32, #tpu.memory_space<vmem>>
          %dma_wait3A_69 = arith.constant 0 : i32
          %dma_wait3A_70 = tpu.memref_slice %arg8[%mul3A_45, %dma_wait3A_69] : memref<10000x128xf32, #tpu.memory_space<vmem_shared>> -> memref<80x128xf32, #tpu.memory_space<vmem_shared>>
          %dma_wait3A_71 = arith.constant 0 : i32
          %dma_wait3A_72 = arith.constant 0 : i32
          %dma_wait3A_73 = tpu.memref_slice %arg7[%run_scoped3A_46, %dma_wait3A_71, %dma_wait3A_72] : memref<2x80x128xf32, #tpu.memory_space<vmem>> -> memref<1x80x128xf32, #tpu.memory_space<vmem>>
          %dma_wait3A_74 = tpu.memref_squeeze %dma_wait3A_73 : memref<1x80x128xf32, #tpu.memory_space<vmem>> -> memref<80x128xf32, #tpu.memory_space<vmem>>
          %dma_wait3A_75 = arith.constant 0 : i32
          %dma_wait3A_76 = tpu.memref_slice %arg8[%mul3A_45, %dma_wait3A_75] : memref<10000x128xf32, #tpu.memory_space<vmem_shared>> -> memref<80x128xf32, #tpu.memory_space<vmem_shared>>
          tpu.wait_dma2 semaphore(%run_scoped3A_53 : memref<!tpu.dma_semaphore, #tpu.memory_space<semaphore_mem>>) src(%dma_wait3A_76 : memref<80x128xf32, #tpu.memory_space<vmem_shared>>) dst(%dma_wait3A_74 : memref<80x128xf32, #tpu.memory_space<vmem>>)
          tpu.yield
        }) : () -> ()
        %mul3A_47 = arith.constant 10000 : i32
        %mul3A_48 = arith.muli %arg0, %mul3A_47 : i32
        %mul3A_49 = arith.constant 80 : i32
        %mul3A_50 = arith.muli %add3A_41, %mul3A_49 : i32
        %add3A_51 = arith.addi %mul3A_48, %mul3A_50 : i32
        %run_scoped3A_52 = arith.constant 0 : i32
        "tpu.region"() ({
          %run_scoped3A_53 = tpu.sem_alloc : memref<!tpu.dma_semaphore, #tpu.memory_space<semaphore_mem>>
          %dma_start3A_54 = arith.constant 0 : i32
          %dma_start3A_55 = arith.constant 0 : i32
          %dma_start3A_56 = tpu.memref_slice %arg7[%run_scoped3A_52, %dma_start3A_54, %dma_start3A_55] : memref<2x80x128xf32, #tpu.memory_space<vmem>> -> memref<1x80x128xf32, #tpu.memory_space<vmem>>
          %dma_start3A_57 = tpu.memref_squeeze %dma_start3A_56 : memref<1x80x128xf32, #tpu.memory_space<vmem>> -> memref<80x128xf32, #tpu.memory_space<vmem>>
          %dma_start3A_58 = arith.constant 0 : i32
          %dma_start3A_59 = tpu.memref_slice %arg5[%add3A_51, %dma_start3A_58] : memref<20000x128xf32, #tpu.memory_space<hbm>> -> memref<80x128xf32, #tpu.memory_space<hbm>>
          %dma_start3A_60 = arith.constant 0 : i32
          %dma_start3A_61 = tpu.memref_slice %arg5[%add3A_51, %dma_start3A_60] : memref<20000x128xf32, #tpu.memory_space<hbm>> -> memref<80x128xf32, #tpu.memory_space<hbm>>
          %dma_start3A_62 = arith.constant 0 : i32
          %dma_start3A_63 = arith.constant 0 : i32
          %dma_start3A_64 = tpu.memref_slice %arg7[%run_scoped3A_52, %dma_start3A_62, %dma_start3A_63] : memref<2x80x128xf32, #tpu.memory_space<vmem>> -> memref<1x80x128xf32, #tpu.memory_space<vmem>>
          %dma_start3A_65 = tpu.memref_squeeze %dma_start3A_64 : memref<1x80x128xf32, #tpu.memory_space<vmem>> -> memref<80x128xf32, #tpu.memory_space<vmem>>
          tpu.enqueue_dma source(%dma_start3A_65 : memref<80x128xf32, #tpu.memory_space<vmem>>) target(%dma_start3A_61 : memref<80x128xf32, #tpu.memory_space<hbm>>) target_semaphore(%run_scoped3A_53 : memref<!tpu.dma_semaphore, #tpu.memory_space<semaphore_mem>>)
          %dma_wait3A = arith.constant 0 : i32
          %dma_wait3A_66 = arith.constant 0 : i32
          %dma_wait3A_67 = tpu.memref_slice %arg7[%run_scoped3A_52, %dma_wait3A, %dma_wait3A_66] : memref<2x80x128xf32, #tpu.memory_space<vmem>> -> memref<1x80x128xf32, #tpu.memory_space<vmem>>
          %dma_wait3A_68 = tpu.memref_squeeze %dma_wait3A_67 : memref<1x80x128xf32, #tpu.memory_space<vmem>> -> memref<80x128xf32, #tpu.memory_space<vmem>>
          %dma_wait3A_69 = arith.constant 0 : i32
          %dma_wait3A_70 = tpu.memref_slice %arg5[%add3A_51, %dma_wait3A_69] : memref<20000x128xf32, #tpu.memory_space<hbm>> -> memref<80x128xf32, #tpu.memory_space<hbm>>
          %dma_wait3A_71 = arith.constant 0 : i32
          %dma_wait3A_72 = tpu.memref_slice %arg5[%add3A_51, %dma_wait3A_71] : memref<20000x128xf32, #tpu.memory_space<hbm>> -> memref<80x128xf32, #tpu.memory_space<hbm>>
          %dma_wait3A_73 = arith.constant 0 : i32
          %dma_wait3A_74 = arith.constant 0 : i32
          %dma_wait3A_75 = tpu.memref_slice %arg7[%run_scoped3A_52, %dma_wait3A_73, %dma_wait3A_74] : memref<2x80x128xf32, #tpu.memory_space<vmem>> -> memref<1x80x128xf32, #tpu.memory_space<vmem>>
          %dma_wait3A_76 = tpu.memref_squeeze %dma_wait3A_75 : memref<1x80x128xf32, #tpu.memory_space<vmem>> -> memref<80x128xf32, #tpu.memory_space<vmem>>
          tpu.wait_dma2 semaphore(%run_scoped3A_53 : memref<!tpu.dma_semaphore, #tpu.memory_space<semaphore_mem>>) src(%dma_wait3A_76 : memref<80x128xf32, #tpu.memory_space<vmem>>) dst(%dma_wait3A_72 : memref<80x128xf32, #tpu.memory_space<hbm>>)
          tpu.yield
        }) : () -> ()
      } else {
      }
    }
    %scan3A_37 = arith.constant 8 : i32
    return
  }
}

#map = affine_map<(d0, d1) -> (0, 0)>
#map1 = affine_map<(d0, d1) -> (0, 0, 0)>
module attributes {stable_mosaic.version = 14 : i64} {
  func.func @k(%arg0: i32, %arg1: i32, %arg2: memref<10000x128xf32, #tpu.memory_space<hbm>>, %arg3: memref<32x125x80xi32, #tpu.memory_space<hbm>>, %arg4: memref<32x125x80xi32, #tpu.memory_space<hbm>>, %arg5: memref<320000x128xf32, #tpu.memory_space<hbm>>, %arg6: memref<320000x128xf32, #tpu.memory_space<hbm>>, %arg7: memref<125x80xi32, #tpu.memory_space<vmem>>, %arg8: memref<125x80xi32, #tpu.memory_space<vmem>>, %arg9: memref<2x80x128xf32, #tpu.memory_space<vmem>>, %arg10: memref<2x80x128xf32, #tpu.memory_space<vmem>>, %arg11: memref<2x!tpu.dma_semaphore, #tpu.memory_space<semaphore_mem>>, %arg12: memref<2x!tpu.dma_semaphore, #tpu.memory_space<semaphore_mem>>) attributes {dimension_semantics = [#tpu.dimension_semantics<core_parallel>, #tpu.dimension_semantics<subcore_parallel>], iteration_bounds = array<i64: 2, 16>, scalar_prefetch = 0 : i64, scratch_operands = 6 : i64, tpu.core_type = #tpu.core_type<sc_vector_subcore>, window_params = [{transform_indices = #map}, {transform_indices = #map1}, {transform_indices = #map1}, {transform_indices = #map}, {transform_indices = #map}]} {
    %mul3A = arith.constant 2 : i32
    %mul3A_0 = arith.muli %arg1, %mul3A : i32
    %add3A = arith.addi %mul3A_0, %arg0 : i32
    %mul3A_1 = arith.constant 10000 : i32
    %mul3A_2 = arith.muli %add3A, %mul3A_1 : i32
    "tpu.region"() ({
      %run_scoped3A = tpu.sem_alloc : memref<!tpu.dma_semaphore, #tpu.memory_space<semaphore_mem>>
      %dma_start3A_72 = arith.constant 0 : i32
      %dma_start3A_73 = arith.constant 0 : i32
      %dma_start3A_74 = tpu.memref_slice %arg3[%add3A, %dma_start3A_72, %dma_start3A_73] : memref<32x125x80xi32, #tpu.memory_space<hbm>> -> memref<1x125x80xi32, #tpu.memory_space<hbm>>
      %dma_start3A_75 = tpu.memref_squeeze %dma_start3A_74 : memref<1x125x80xi32, #tpu.memory_space<hbm>> -> memref<125x80xi32, #tpu.memory_space<hbm>>
      %dma_start3A_76 = arith.constant 0 : i32
      %dma_start3A_77 = arith.constant 0 : i32
      %dma_start3A_78 = tpu.memref_slice %arg3[%add3A, %dma_start3A_76, %dma_start3A_77] : memref<32x125x80xi32, #tpu.memory_space<hbm>> -> memref<1x125x80xi32, #tpu.memory_space<hbm>>
      %dma_start3A_79 = tpu.memref_squeeze %dma_start3A_78 : memref<1x125x80xi32, #tpu.memory_space<hbm>> -> memref<125x80xi32, #tpu.memory_space<hbm>>
      tpu.enqueue_dma source(%dma_start3A_79 : memref<125x80xi32, #tpu.memory_space<hbm>>) target(%arg7 : memref<125x80xi32, #tpu.memory_space<vmem>>) target_semaphore(%run_scoped3A : memref<!tpu.dma_semaphore, #tpu.memory_space<semaphore_mem>>)
      %dma_wait3A_80 = arith.constant 0 : i32
      %dma_wait3A_81 = arith.constant 0 : i32
      %dma_wait3A_82 = tpu.memref_slice %arg3[%add3A, %dma_wait3A_80, %dma_wait3A_81] : memref<32x125x80xi32, #tpu.memory_space<hbm>> -> memref<1x125x80xi32, #tpu.memory_space<hbm>>
      %dma_wait3A_83 = tpu.memref_squeeze %dma_wait3A_82 : memref<1x125x80xi32, #tpu.memory_space<hbm>> -> memref<125x80xi32, #tpu.memory_space<hbm>>
      %dma_wait3A_84 = arith.constant 0 : i32
      %dma_wait3A_85 = arith.constant 0 : i32
      %dma_wait3A_86 = tpu.memref_slice %arg3[%add3A, %dma_wait3A_84, %dma_wait3A_85] : memref<32x125x80xi32, #tpu.memory_space<hbm>> -> memref<1x125x80xi32, #tpu.memory_space<hbm>>
      %dma_wait3A_87 = tpu.memref_squeeze %dma_wait3A_86 : memref<1x125x80xi32, #tpu.memory_space<hbm>> -> memref<125x80xi32, #tpu.memory_space<hbm>>
      tpu.wait_dma2 semaphore(%run_scoped3A : memref<!tpu.dma_semaphore, #tpu.memory_space<semaphore_mem>>) src(%dma_wait3A_87 : memref<125x80xi32, #tpu.memory_space<hbm>>) dst(%arg7 : memref<125x80xi32, #tpu.memory_space<vmem>>)
      tpu.yield
    }) : () -> ()
    "tpu.region"() ({
      %run_scoped3A = tpu.sem_alloc : memref<!tpu.dma_semaphore, #tpu.memory_space<semaphore_mem>>
      %dma_start3A_72 = arith.constant 0 : i32
      %dma_start3A_73 = arith.constant 0 : i32
      %dma_start3A_74 = tpu.memref_slice %arg4[%add3A, %dma_start3A_72, %dma_start3A_73] : memref<32x125x80xi32, #tpu.memory_space<hbm>> -> memref<1x125x80xi32, #tpu.memory_space<hbm>>
      %dma_start3A_75 = tpu.memref_squeeze %dma_start3A_74 : memref<1x125x80xi32, #tpu.memory_space<hbm>> -> memref<125x80xi32, #tpu.memory_space<hbm>>
      %dma_start3A_76 = arith.constant 0 : i32
      %dma_start3A_77 = arith.constant 0 : i32
      %dma_start3A_78 = tpu.memref_slice %arg4[%add3A, %dma_start3A_76, %dma_start3A_77] : memref<32x125x80xi32, #tpu.memory_space<hbm>> -> memref<1x125x80xi32, #tpu.memory_space<hbm>>
      %dma_start3A_79 = tpu.memref_squeeze %dma_start3A_78 : memref<1x125x80xi32, #tpu.memory_space<hbm>> -> memref<125x80xi32, #tpu.memory_space<hbm>>
      tpu.enqueue_dma source(%dma_start3A_79 : memref<125x80xi32, #tpu.memory_space<hbm>>) target(%arg8 : memref<125x80xi32, #tpu.memory_space<vmem>>) target_semaphore(%run_scoped3A : memref<!tpu.dma_semaphore, #tpu.memory_space<semaphore_mem>>)
      %dma_wait3A_80 = arith.constant 0 : i32
      %dma_wait3A_81 = arith.constant 0 : i32
      %dma_wait3A_82 = tpu.memref_slice %arg4[%add3A, %dma_wait3A_80, %dma_wait3A_81] : memref<32x125x80xi32, #tpu.memory_space<hbm>> -> memref<1x125x80xi32, #tpu.memory_space<hbm>>
      %dma_wait3A_83 = tpu.memref_squeeze %dma_wait3A_82 : memref<1x125x80xi32, #tpu.memory_space<hbm>> -> memref<125x80xi32, #tpu.memory_space<hbm>>
      %dma_wait3A_84 = arith.constant 0 : i32
      %dma_wait3A_85 = arith.constant 0 : i32
      %dma_wait3A_86 = tpu.memref_slice %arg4[%add3A, %dma_wait3A_84, %dma_wait3A_85] : memref<32x125x80xi32, #tpu.memory_space<hbm>> -> memref<1x125x80xi32, #tpu.memory_space<hbm>>
      %dma_wait3A_87 = tpu.memref_squeeze %dma_wait3A_86 : memref<1x125x80xi32, #tpu.memory_space<hbm>> -> memref<125x80xi32, #tpu.memory_space<hbm>>
      tpu.wait_dma2 semaphore(%run_scoped3A : memref<!tpu.dma_semaphore, #tpu.memory_space<semaphore_mem>>) src(%dma_wait3A_87 : memref<125x80xi32, #tpu.memory_space<hbm>>) dst(%arg8 : memref<125x80xi32, #tpu.memory_space<vmem>>)
      tpu.yield
    }) : () -> ()
    %dma_start3A = arith.constant 0 : i32
    %dma_start3A_3 = arith.constant 0 : i32
    %dma_start3A_4 = arith.constant 0 : i32
    %dma_start3A_5 = arith.constant 0 : i32
    %dma_start3A_6 = arith.constant 0 : i32
    %dma_start3A_7 = tpu.memref_slice %arg9[%dma_start3A_3, %dma_start3A_5, %dma_start3A_6] : memref<2x80x128xf32, #tpu.memory_space<vmem>> -> memref<1x80x128xf32, #tpu.memory_space<vmem>>
    %dma_start3A_8 = tpu.memref_squeeze %dma_start3A_7 : memref<1x80x128xf32, #tpu.memory_space<vmem>> -> memref<80x128xf32, #tpu.memory_space<vmem>>
    %dma_start3A_9 = arith.constant 0 : i32
    %dma_start3A_10 = tpu.memref_slice %arg7[%dma_start3A, %dma_start3A_9] : memref<125x80xi32, #tpu.memory_space<vmem>> -> memref<1x80xi32, #tpu.memory_space<vmem>>
    %dma_start3A_11 = tpu.memref_squeeze %dma_start3A_10 : memref<1x80xi32, #tpu.memory_space<vmem>> -> memref<80xi32, #tpu.memory_space<vmem>>
    %dma_start3A_12 = arith.constant 0 : i32
    %dma_start3A_13 = arith.constant 0 : i32
    %dma_start3A_14 = tpu.memref_slice %arg2[%dma_start3A_12, %dma_start3A_13] : memref<10000x128xf32, #tpu.memory_space<hbm>> -> memref<10000x128xf32, #tpu.memory_space<hbm>>
    %dma_start3A_15 = tpu.memref_slice %arg11[%dma_start3A_4] : memref<2x!tpu.dma_semaphore, #tpu.memory_space<semaphore_mem>> -> memref<1x!tpu.dma_semaphore, #tpu.memory_space<semaphore_mem>>
    %dma_start3A_16 = tpu.memref_squeeze %dma_start3A_15 : memref<1x!tpu.dma_semaphore, #tpu.memory_space<semaphore_mem>> -> memref<!tpu.dma_semaphore, #tpu.memory_space<semaphore_mem>>
    tpu.enqueue_indirect_dma source(%dma_start3A_14 : memref<10000x128xf32, #tpu.memory_space<hbm>>) target(%dma_start3A_8 : memref<80x128xf32, #tpu.memory_space<vmem>>) offsets(%dma_start3A_11 : memref<80xi32, #tpu.memory_space<vmem>>) semaphore(%dma_start3A_16 : memref<!tpu.dma_semaphore, #tpu.memory_space<semaphore_mem>>)
    %dma_start3A_17 = arith.constant 0 : i32
    %dma_start3A_18 = arith.constant 0 : i32
    %dma_start3A_19 = arith.constant 0 : i32
    %dma_start3A_20 = arith.constant 0 : i32
    %dma_start3A_21 = arith.constant 0 : i32
    %dma_start3A_22 = tpu.memref_slice %arg10[%dma_start3A_18, %dma_start3A_20, %dma_start3A_21] : memref<2x80x128xf32, #tpu.memory_space<vmem>> -> memref<1x80x128xf32, #tpu.memory_space<vmem>>
    %dma_start3A_23 = tpu.memref_squeeze %dma_start3A_22 : memref<1x80x128xf32, #tpu.memory_space<vmem>> -> memref<80x128xf32, #tpu.memory_space<vmem>>
    %dma_start3A_24 = arith.constant 0 : i32
    %dma_start3A_25 = tpu.memref_slice %arg8[%dma_start3A_17, %dma_start3A_24] : memref<125x80xi32, #tpu.memory_space<vmem>> -> memref<1x80xi32, #tpu.memory_space<vmem>>
    %dma_start3A_26 = tpu.memref_squeeze %dma_start3A_25 : memref<1x80xi32, #tpu.memory_space<vmem>> -> memref<80xi32, #tpu.memory_space<vmem>>
    %dma_start3A_27 = arith.constant 0 : i32
    %dma_start3A_28 = arith.constant 0 : i32
    %dma_start3A_29 = tpu.memref_slice %arg2[%dma_start3A_27, %dma_start3A_28] : memref<10000x128xf32, #tpu.memory_space<hbm>> -> memref<10000x128xf32, #tpu.memory_space<hbm>>
    %dma_start3A_30 = tpu.memref_slice %arg11[%dma_start3A_19] : memref<2x!tpu.dma_semaphore, #tpu.memory_space<semaphore_mem>> -> memref<1x!tpu.dma_semaphore, #tpu.memory_space<semaphore_mem>>
    %dma_start3A_31 = tpu.memref_squeeze %dma_start3A_30 : memref<1x!tpu.dma_semaphore, #tpu.memory_space<semaphore_mem>> -> memref<!tpu.dma_semaphore, #tpu.memory_space<semaphore_mem>>
    tpu.enqueue_indirect_dma source(%dma_start3A_29 : memref<10000x128xf32, #tpu.memory_space<hbm>>) target(%dma_start3A_23 : memref<80x128xf32, #tpu.memory_space<vmem>>) offsets(%dma_start3A_26 : memref<80xi32, #tpu.memory_space<vmem>>) semaphore(%dma_start3A_31 : memref<!tpu.dma_semaphore, #tpu.memory_space<semaphore_mem>>)
    %scan3A = arith.constant 0 : i32
    %scan3A_32 = arith.constant 0 : i32
    %scan3A_33 = arith.constant 125 : i32
    %scan3A_34 = arith.addi %scan3A_32, %scan3A_33 : i32
    %scan3A_35 = arith.constant 1 : i32
    scf.for %scan3A_72 = %scan3A_32 to %scan3A_34 step %scan3A_35  : i32 {
      %rem3A = arith.constant 2 : i32
      %rem3A_73 = arith.remsi %scan3A_72, %rem3A : i32
      %sub3A = arith.constant 1 : i32
      %sub3A_74 = arith.subi %sub3A, %rem3A_73 : i32
      %ge3A = arith.constant 1 : i32
      %ge3A_75 = arith.cmpi sge, %scan3A_72, %ge3A : i32
      %convert_element_type3A = arith.extui %ge3A_75 : i1 to i32
      %cond3A = arith.constant 0 : i32
      %cond3A_76 = arith.cmpi ne, %convert_element_type3A, %cond3A : i32
      scf.if %cond3A_76 {
        %sub3A_141 = arith.constant 1 : i32
        %sub3A_142 = arith.subi %scan3A_72, %sub3A_141 : i32
        %mul3A_143 = arith.constant 80 : i32
        %mul3A_144 = arith.muli %sub3A_142, %mul3A_143 : i32
        %add3A_145 = arith.addi %mul3A_2, %mul3A_144 : i32
        %mul3A_146 = arith.constant 80 : i32
        %mul3A_147 = arith.muli %sub3A_142, %mul3A_146 : i32
        %add3A_148 = arith.addi %mul3A_2, %mul3A_147 : i32
        %dma_wait3A_149 = arith.constant 0 : i32
        %dma_wait3A_150 = arith.constant 0 : i32
        %dma_wait3A_151 = tpu.memref_slice %arg9[%sub3A_74, %dma_wait3A_149, %dma_wait3A_150] : memref<2x80x128xf32, #tpu.memory_space<vmem>> -> memref<1x80x128xf32, #tpu.memory_space<vmem>>
        %dma_wait3A_152 = tpu.memref_squeeze %dma_wait3A_151 : memref<1x80x128xf32, #tpu.memory_space<vmem>> -> memref<80x128xf32, #tpu.memory_space<vmem>>
        %dma_wait3A_153 = arith.constant 0 : i32
        %dma_wait3A_154 = tpu.memref_slice %arg5[%add3A_145, %dma_wait3A_153] : memref<320000x128xf32, #tpu.memory_space<hbm>> -> memref<80x128xf32, #tpu.memory_space<hbm>>
        %dma_wait3A_155 = tpu.memref_slice %arg12[%sub3A_74] : memref<2x!tpu.dma_semaphore, #tpu.memory_space<semaphore_mem>> -> memref<1x!tpu.dma_semaphore, #tpu.memory_space<semaphore_mem>>
        %dma_wait3A_156 = tpu.memref_squeeze %dma_wait3A_155 : memref<1x!tpu.dma_semaphore, #tpu.memory_space<semaphore_mem>> -> memref<!tpu.dma_semaphore, #tpu.memory_space<semaphore_mem>>
        %dma_wait3A_157 = arith.constant 0 : i32
        %dma_wait3A_158 = tpu.memref_slice %arg5[%add3A_145, %dma_wait3A_157] : memref<320000x128xf32, #tpu.memory_space<hbm>> -> memref<80x128xf32, #tpu.memory_space<hbm>>
        %dma_wait3A_159 = arith.constant 0 : i32
        %dma_wait3A_160 = arith.constant 0 : i32
        %dma_wait3A_161 = tpu.memref_slice %arg9[%sub3A_74, %dma_wait3A_159, %dma_wait3A_160] : memref<2x80x128xf32, #tpu.memory_space<vmem>> -> memref<1x80x128xf32, #tpu.memory_space<vmem>>
        %dma_wait3A_162 = tpu.memref_squeeze %dma_wait3A_161 : memref<1x80x128xf32, #tpu.memory_space<vmem>> -> memref<80x128xf32, #tpu.memory_space<vmem>>
        tpu.wait_dma2 semaphore(%dma_wait3A_156 : memref<!tpu.dma_semaphore, #tpu.memory_space<semaphore_mem>>) src(%dma_wait3A_162 : memref<80x128xf32, #tpu.memory_space<vmem>>) dst(%dma_wait3A_158 : memref<80x128xf32, #tpu.memory_space<hbm>>)
        %dma_wait3A_163 = arith.constant 0 : i32
        %dma_wait3A_164 = arith.constant 0 : i32
        %dma_wait3A_165 = tpu.memref_slice %arg10[%sub3A_74, %dma_wait3A_163, %dma_wait3A_164] : memref<2x80x128xf32, #tpu.memory_space<vmem>> -> memref<1x80x128xf32, #tpu.memory_space<vmem>>
        %dma_wait3A_166 = tpu.memref_squeeze %dma_wait3A_165 : memref<1x80x128xf32, #tpu.memory_space<vmem>> -> memref<80x128xf32, #tpu.memory_space<vmem>>
        %dma_wait3A_167 = arith.constant 0 : i32
        %dma_wait3A_168 = tpu.memref_slice %arg6[%add3A_148, %dma_wait3A_167] : memref<320000x128xf32, #tpu.memory_space<hbm>> -> memref<80x128xf32, #tpu.memory_space<hbm>>
        %dma_wait3A_169 = tpu.memref_slice %arg12[%sub3A_74] : memref<2x!tpu.dma_semaphore, #tpu.memory_space<semaphore_mem>> -> memref<1x!tpu.dma_semaphore, #tpu.memory_space<semaphore_mem>>
        %dma_wait3A_170 = tpu.memref_squeeze %dma_wait3A_169 : memref<1x!tpu.dma_semaphore, #tpu.memory_space<semaphore_mem>> -> memref<!tpu.dma_semaphore, #tpu.memory_space<semaphore_mem>>
        %dma_wait3A_171 = arith.constant 0 : i32
        %dma_wait3A_172 = tpu.memref_slice %arg6[%add3A_148, %dma_wait3A_171] : memref<320000x128xf32, #tpu.memory_space<hbm>> -> memref<80x128xf32, #tpu.memory_space<hbm>>
        %dma_wait3A_173 = arith.constant 0 : i32
        %dma_wait3A_174 = arith.constant 0 : i32
        %dma_wait3A_175 = tpu.memref_slice %arg10[%sub3A_74, %dma_wait3A_173, %dma_wait3A_174] : memref<2x80x128xf32, #tpu.memory_space<vmem>> -> memref<1x80x128xf32, #tpu.memory_space<vmem>>
        %dma_wait3A_176 = tpu.memref_squeeze %dma_wait3A_175 : memref<1x80x128xf32, #tpu.memory_space<vmem>> -> memref<80x128xf32, #tpu.memory_space<vmem>>
        tpu.wait_dma2 semaphore(%dma_wait3A_170 : memref<!tpu.dma_semaphore, #tpu.memory_space<semaphore_mem>>) src(%dma_wait3A_176 : memref<80x128xf32, #tpu.memory_space<vmem>>) dst(%dma_wait3A_172 : memref<80x128xf32, #tpu.memory_space<hbm>>)
      } else {
      }
      %add3A_77 = arith.constant 1 : i32
      %add3A_78 = arith.addi %scan3A_72, %add3A_77 : i32
      %lt3A = arith.constant 125 : i32
      %lt3A_79 = arith.cmpi slt, %add3A_78, %lt3A : i32
      %convert_element_type3A_80 = arith.extui %lt3A_79 : i1 to i32
      %cond3A_81 = arith.constant 0 : i32
      %cond3A_82 = arith.cmpi ne, %convert_element_type3A_80, %cond3A_81 : i32
      scf.if %cond3A_82 {
        %add3A_141 = arith.constant 1 : i32
        %add3A_142 = arith.addi %scan3A_72, %add3A_141 : i32
        %dma_start3A_143 = arith.constant 0 : i32
        %dma_start3A_144 = arith.constant 0 : i32
        %dma_start3A_145 = tpu.memref_slice %arg9[%sub3A_74, %dma_start3A_143, %dma_start3A_144] : memref<2x80x128xf32, #tpu.memory_space<vmem>> -> memref<1x80x128xf32, #tpu.memory_space<vmem>>
        %dma_start3A_146 = tpu.memref_squeeze %dma_start3A_145 : memref<1x80x128xf32, #tpu.memory_space<vmem>> -> memref<80x128xf32, #tpu.memory_space<vmem>>
        %dma_start3A_147 = arith.constant 0 : i32
        %dma_start3A_148 = tpu.memref_slice %arg7[%add3A_142, %dma_start3A_147] : memref<125x80xi32, #tpu.memory_space<vmem>> -> memref<1x80xi32, #tpu.memory_space<vmem>>
        %dma_start3A_149 = tpu.memref_squeeze %dma_start3A_148 : memref<1x80xi32, #tpu.memory_space<vmem>> -> memref<80xi32, #tpu.memory_space<vmem>>
        %dma_start3A_150 = arith.constant 0 : i32
        %dma_start3A_151 = arith.constant 0 : i32
        %dma_start3A_152 = tpu.memref_slice %arg2[%dma_start3A_150, %dma_start3A_151] : memref<10000x128xf32, #tpu.memory_space<hbm>> -> memref<10000x128xf32, #tpu.memory_space<hbm>>
        %dma_start3A_153 = tpu.memref_slice %arg11[%sub3A_74] : memref<2x!tpu.dma_semaphore, #tpu.memory_space<semaphore_mem>> -> memref<1x!tpu.dma_semaphore, #tpu.memory_space<semaphore_mem>>
        %dma_start3A_154 = tpu.memref_squeeze %dma_start3A_153 : memref<1x!tpu.dma_semaphore, #tpu.memory_space<semaphore_mem>> -> memref<!tpu.dma_semaphore, #tpu.memory_space<semaphore_mem>>
        tpu.enqueue_indirect_dma source(%dma_start3A_152 : memref<10000x128xf32, #tpu.memory_space<hbm>>) target(%dma_start3A_146 : memref<80x128xf32, #tpu.memory_space<vmem>>) offsets(%dma_start3A_149 : memref<80xi32, #tpu.memory_space<vmem>>) semaphore(%dma_start3A_154 : memref<!tpu.dma_semaphore, #tpu.memory_space<semaphore_mem>>)
        %dma_start3A_155 = arith.constant 0 : i32
        %dma_start3A_156 = arith.constant 0 : i32
        %dma_start3A_157 = tpu.memref_slice %arg10[%sub3A_74, %dma_start3A_155, %dma_start3A_156] : memref<2x80x128xf32, #tpu.memory_space<vmem>> -> memref<1x80x128xf32, #tpu.memory_space<vmem>>
        %dma_start3A_158 = tpu.memref_squeeze %dma_start3A_157 : memref<1x80x128xf32, #tpu.memory_space<vmem>> -> memref<80x128xf32, #tpu.memory_space<vmem>>
        %dma_start3A_159 = arith.constant 0 : i32
        %dma_start3A_160 = tpu.memref_slice %arg8[%add3A_142, %dma_start3A_159] : memref<125x80xi32, #tpu.memory_space<vmem>> -> memref<1x80xi32, #tpu.memory_space<vmem>>
        %dma_start3A_161 = tpu.memref_squeeze %dma_start3A_160 : memref<1x80xi32, #tpu.memory_space<vmem>> -> memref<80xi32, #tpu.memory_space<vmem>>
        %dma_start3A_162 = arith.constant 0 : i32
        %dma_start3A_163 = arith.constant 0 : i32
        %dma_start3A_164 = tpu.memref_slice %arg2[%dma_start3A_162, %dma_start3A_163] : memref<10000x128xf32, #tpu.memory_space<hbm>> -> memref<10000x128xf32, #tpu.memory_space<hbm>>
        %dma_start3A_165 = tpu.memref_slice %arg11[%sub3A_74] : memref<2x!tpu.dma_semaphore, #tpu.memory_space<semaphore_mem>> -> memref<1x!tpu.dma_semaphore, #tpu.memory_space<semaphore_mem>>
        %dma_start3A_166 = tpu.memref_squeeze %dma_start3A_165 : memref<1x!tpu.dma_semaphore, #tpu.memory_space<semaphore_mem>> -> memref<!tpu.dma_semaphore, #tpu.memory_space<semaphore_mem>>
        tpu.enqueue_indirect_dma source(%dma_start3A_164 : memref<10000x128xf32, #tpu.memory_space<hbm>>) target(%dma_start3A_158 : memref<80x128xf32, #tpu.memory_space<vmem>>) offsets(%dma_start3A_161 : memref<80xi32, #tpu.memory_space<vmem>>) semaphore(%dma_start3A_166 : memref<!tpu.dma_semaphore, #tpu.memory_space<semaphore_mem>>)
      } else {
      }
      %dma_wait3A_83 = arith.constant 0 : i32
      %dma_wait3A_84 = arith.constant 0 : i32
      %dma_wait3A_85 = tpu.memref_slice %arg9[%rem3A_73, %dma_wait3A_83, %dma_wait3A_84] : memref<2x80x128xf32, #tpu.memory_space<vmem>> -> memref<1x80x128xf32, #tpu.memory_space<vmem>>
      %dma_wait3A_86 = tpu.memref_squeeze %dma_wait3A_85 : memref<1x80x128xf32, #tpu.memory_space<vmem>> -> memref<80x128xf32, #tpu.memory_space<vmem>>
      %dma_wait3A_87 = arith.constant 0 : i32
      %dma_wait3A_88 = tpu.memref_slice %arg7[%scan3A_72, %dma_wait3A_87] : memref<125x80xi32, #tpu.memory_space<vmem>> -> memref<1x80xi32, #tpu.memory_space<vmem>>
      %dma_wait3A_89 = tpu.memref_squeeze %dma_wait3A_88 : memref<1x80xi32, #tpu.memory_space<vmem>> -> memref<80xi32, #tpu.memory_space<vmem>>
      %dma_wait3A_90 = arith.constant 0 : i32
      %dma_wait3A_91 = arith.constant 0 : i32
      %dma_wait3A_92 = tpu.memref_slice %arg2[%dma_wait3A_90, %dma_wait3A_91] : memref<10000x128xf32, #tpu.memory_space<hbm>> -> memref<10000x128xf32, #tpu.memory_space<hbm>>
      %dma_wait3A_93 = tpu.memref_slice %arg11[%rem3A_73] : memref<2x!tpu.dma_semaphore, #tpu.memory_space<semaphore_mem>> -> memref<1x!tpu.dma_semaphore, #tpu.memory_space<semaphore_mem>>
      %dma_wait3A_94 = tpu.memref_squeeze %dma_wait3A_93 : memref<1x!tpu.dma_semaphore, #tpu.memory_space<semaphore_mem>> -> memref<!tpu.dma_semaphore, #tpu.memory_space<semaphore_mem>>
      tpu.wait_indirect_dma semaphore(%dma_wait3A_94 : memref<!tpu.dma_semaphore, #tpu.memory_space<semaphore_mem>>) src(%dma_wait3A_92 : memref<10000x128xf32, #tpu.memory_space<hbm>>) dst(%dma_wait3A_86 : memref<80x128xf32, #tpu.memory_space<vmem>>)
      %dma_wait3A_95 = arith.constant 0 : i32
      %dma_wait3A_96 = arith.constant 0 : i32
      %dma_wait3A_97 = tpu.memref_slice %arg10[%rem3A_73, %dma_wait3A_95, %dma_wait3A_96] : memref<2x80x128xf32, #tpu.memory_space<vmem>> -> memref<1x80x128xf32, #tpu.memory_space<vmem>>
      %dma_wait3A_98 = tpu.memref_squeeze %dma_wait3A_97 : memref<1x80x128xf32, #tpu.memory_space<vmem>> -> memref<80x128xf32, #tpu.memory_space<vmem>>
      %dma_wait3A_99 = arith.constant 0 : i32
      %dma_wait3A_100 = tpu.memref_slice %arg8[%scan3A_72, %dma_wait3A_99] : memref<125x80xi32, #tpu.memory_space<vmem>> -> memref<1x80xi32, #tpu.memory_space<vmem>>
      %dma_wait3A_101 = tpu.memref_squeeze %dma_wait3A_100 : memref<1x80xi32, #tpu.memory_space<vmem>> -> memref<80xi32, #tpu.memory_space<vmem>>
      %dma_wait3A_102 = arith.constant 0 : i32
      %dma_wait3A_103 = arith.constant 0 : i32
      %dma_wait3A_104 = tpu.memref_slice %arg2[%dma_wait3A_102, %dma_wait3A_103] : memref<10000x128xf32, #tpu.memory_space<hbm>> -> memref<10000x128xf32, #tpu.memory_space<hbm>>
      %dma_wait3A_105 = tpu.memref_slice %arg11[%rem3A_73] : memref<2x!tpu.dma_semaphore, #tpu.memory_space<semaphore_mem>> -> memref<1x!tpu.dma_semaphore, #tpu.memory_space<semaphore_mem>>
      %dma_wait3A_106 = tpu.memref_squeeze %dma_wait3A_105 : memref<1x!tpu.dma_semaphore, #tpu.memory_space<semaphore_mem>> -> memref<!tpu.dma_semaphore, #tpu.memory_space<semaphore_mem>>
      tpu.wait_indirect_dma semaphore(%dma_wait3A_106 : memref<!tpu.dma_semaphore, #tpu.memory_space<semaphore_mem>>) src(%dma_wait3A_104 : memref<10000x128xf32, #tpu.memory_space<hbm>>) dst(%dma_wait3A_98 : memref<80x128xf32, #tpu.memory_space<vmem>>)
      %mul3A_107 = arith.constant 80 : i32
      %mul3A_108 = arith.muli %scan3A_72, %mul3A_107 : i32
      %add3A_109 = arith.addi %mul3A_2, %mul3A_108 : i32
      %mul3A_110 = arith.constant 80 : i32
      %mul3A_111 = arith.muli %scan3A_72, %mul3A_110 : i32
      %add3A_112 = arith.addi %mul3A_2, %mul3A_111 : i32
      %dma_start3A_113 = arith.constant 0 : i32
      %dma_start3A_114 = arith.constant 0 : i32
      %dma_start3A_115 = tpu.memref_slice %arg9[%rem3A_73, %dma_start3A_113, %dma_start3A_114] : memref<2x80x128xf32, #tpu.memory_space<vmem>> -> memref<1x80x128xf32, #tpu.memory_space<vmem>>
      %dma_start3A_116 = tpu.memref_squeeze %dma_start3A_115 : memref<1x80x128xf32, #tpu.memory_space<vmem>> -> memref<80x128xf32, #tpu.memory_space<vmem>>
      %dma_start3A_117 = arith.constant 0 : i32
      %dma_start3A_118 = tpu.memref_slice %arg5[%add3A_109, %dma_start3A_117] : memref<320000x128xf32, #tpu.memory_space<hbm>> -> memref<80x128xf32, #tpu.memory_space<hbm>>
      %dma_start3A_119 = tpu.memref_slice %arg12[%rem3A_73] : memref<2x!tpu.dma_semaphore, #tpu.memory_space<semaphore_mem>> -> memref<1x!tpu.dma_semaphore, #tpu.memory_space<semaphore_mem>>
      %dma_start3A_120 = tpu.memref_squeeze %dma_start3A_119 : memref<1x!tpu.dma_semaphore, #tpu.memory_space<semaphore_mem>> -> memref<!tpu.dma_semaphore, #tpu.memory_space<semaphore_mem>>
      %dma_start3A_121 = arith.constant 0 : i32
      %dma_start3A_122 = tpu.memref_slice %arg5[%add3A_109, %dma_start3A_121] : memref<320000x128xf32, #tpu.memory_space<hbm>> -> memref<80x128xf32, #tpu.memory_space<hbm>>
      %dma_start3A_123 = arith.constant 0 : i32
      %dma_start3A_124 = arith.constant 0 : i32
      %dma_start3A_125 = tpu.memref_slice %arg9[%rem3A_73, %dma_start3A_123, %dma_start3A_124] : memref<2x80x128xf32, #tpu.memory_space<vmem>> -> memref<1x80x128xf32, #tpu.memory_space<vmem>>
      %dma_start3A_126 = tpu.memref_squeeze %dma_start3A_125 : memref<1x80x128xf32, #tpu.memory_space<vmem>> -> memref<80x128xf32, #tpu.memory_space<vmem>>
      tpu.enqueue_dma source(%dma_start3A_126 : memref<80x128xf32, #tpu.memory_space<vmem>>) target(%dma_start3A_122 : memref<80x128xf32, #tpu.memory_space<hbm>>) target_semaphore(%dma_start3A_120 : memref<!tpu.dma_semaphore, #tpu.memory_space<semaphore_mem>>)
      %dma_start3A_127 = arith.constant 0 : i32
      %dma_start3A_128 = arith.constant 0 : i32
      %dma_start3A_129 = tpu.memref_slice %arg10[%rem3A_73, %dma_start3A_127, %dma_start3A_128] : memref<2x80x128xf32, #tpu.memory_space<vmem>> -> memref<1x80x128xf32, #tpu.memory_space<vmem>>
      %dma_start3A_130 = tpu.memref_squeeze %dma_start3A_129 : memref<1x80x128xf32, #tpu.memory_space<vmem>> -> memref<80x128xf32, #tpu.memory_space<vmem>>
      %dma_start3A_131 = arith.constant 0 : i32
      %dma_start3A_132 = tpu.memref_slice %arg6[%add3A_112, %dma_start3A_131] : memref<320000x128xf32, #tpu.memory_space<hbm>> -> memref<80x128xf32, #tpu.memory_space<hbm>>
      %dma_start3A_133 = tpu.memref_slice %arg12[%rem3A_73] : memref<2x!tpu.dma_semaphore, #tpu.memory_space<semaphore_mem>> -> memref<1x!tpu.dma_semaphore, #tpu.memory_space<semaphore_mem>>
      %dma_start3A_134 = tpu.memref_squeeze %dma_start3A_133 : memref<1x!tpu.dma_semaphore, #tpu.memory_space<semaphore_mem>> -> memref<!tpu.dma_semaphore, #tpu.memory_space<semaphore_mem>>
      %dma_start3A_135 = arith.constant 0 : i32
      %dma_start3A_136 = tpu.memref_slice %arg6[%add3A_112, %dma_start3A_135] : memref<320000x128xf32, #tpu.memory_space<hbm>> -> memref<80x128xf32, #tpu.memory_space<hbm>>
      %dma_start3A_137 = arith.constant 0 : i32
      %dma_start3A_138 = arith.constant 0 : i32
      %dma_start3A_139 = tpu.memref_slice %arg10[%rem3A_73, %dma_start3A_137, %dma_start3A_138] : memref<2x80x128xf32, #tpu.memory_space<vmem>> -> memref<1x80x128xf32, #tpu.memory_space<vmem>>
      %dma_start3A_140 = tpu.memref_squeeze %dma_start3A_139 : memref<1x80x128xf32, #tpu.memory_space<vmem>> -> memref<80x128xf32, #tpu.memory_space<vmem>>
      tpu.enqueue_dma source(%dma_start3A_140 : memref<80x128xf32, #tpu.memory_space<vmem>>) target(%dma_start3A_136 : memref<80x128xf32, #tpu.memory_space<hbm>>) target_semaphore(%dma_start3A_134 : memref<!tpu.dma_semaphore, #tpu.memory_space<semaphore_mem>>)
    }
    %scan3A_36 = arith.constant 125 : i32
    %add3A_37 = arith.constant 9920 : i32
    %add3A_38 = arith.addi %mul3A_2, %add3A_37 : i32
    %add3A_39 = arith.constant 9920 : i32
    %add3A_40 = arith.addi %mul3A_2, %add3A_39 : i32
    %dma_wait3A = arith.constant 0 : i32
    %dma_wait3A_41 = arith.constant 0 : i32
    %dma_wait3A_42 = arith.constant 0 : i32
    %dma_wait3A_43 = arith.constant 0 : i32
    %dma_wait3A_44 = tpu.memref_slice %arg9[%dma_wait3A, %dma_wait3A_42, %dma_wait3A_43] : memref<2x80x128xf32, #tpu.memory_space<vmem>> -> memref<1x80x128xf32, #tpu.memory_space<vmem>>
    %dma_wait3A_45 = tpu.memref_squeeze %dma_wait3A_44 : memref<1x80x128xf32, #tpu.memory_space<vmem>> -> memref<80x128xf32, #tpu.memory_space<vmem>>
    %dma_wait3A_46 = arith.constant 0 : i32
    %dma_wait3A_47 = tpu.memref_slice %arg5[%add3A_38, %dma_wait3A_46] : memref<320000x128xf32, #tpu.memory_space<hbm>> -> memref<80x128xf32, #tpu.memory_space<hbm>>
    %dma_wait3A_48 = tpu.memref_slice %arg12[%dma_wait3A_41] : memref<2x!tpu.dma_semaphore, #tpu.memory_space<semaphore_mem>> -> memref<1x!tpu.dma_semaphore, #tpu.memory_space<semaphore_mem>>
    %dma_wait3A_49 = tpu.memref_squeeze %dma_wait3A_48 : memref<1x!tpu.dma_semaphore, #tpu.memory_space<semaphore_mem>> -> memref<!tpu.dma_semaphore, #tpu.memory_space<semaphore_mem>>
    %dma_wait3A_50 = arith.constant 0 : i32
    %dma_wait3A_51 = tpu.memref_slice %arg5[%add3A_38, %dma_wait3A_50] : memref<320000x128xf32, #tpu.memory_space<hbm>> -> memref<80x128xf32, #tpu.memory_space<hbm>>
    %dma_wait3A_52 = arith.constant 0 : i32
    %dma_wait3A_53 = arith.constant 0 : i32
    %dma_wait3A_54 = tpu.memref_slice %arg9[%dma_wait3A, %dma_wait3A_52, %dma_wait3A_53] : memref<2x80x128xf32, #tpu.memory_space<vmem>> -> memref<1x80x128xf32, #tpu.memory_space<vmem>>
    %dma_wait3A_55 = tpu.memref_squeeze %dma_wait3A_54 : memref<1x80x128xf32, #tpu.memory_space<vmem>> -> memref<80x128xf32, #tpu.memory_space<vmem>>
    tpu.wait_dma2 semaphore(%dma_wait3A_49 : memref<!tpu.dma_semaphore, #tpu.memory_space<semaphore_mem>>) src(%dma_wait3A_55 : memref<80x128xf32, #tpu.memory_space<vmem>>) dst(%dma_wait3A_51 : memref<80x128xf32, #tpu.memory_space<hbm>>)
    %dma_wait3A_56 = arith.constant 0 : i32
    %dma_wait3A_57 = arith.constant 0 : i32
    %dma_wait3A_58 = arith.constant 0 : i32
    %dma_wait3A_59 = arith.constant 0 : i32
    %dma_wait3A_60 = tpu.memref_slice %arg10[%dma_wait3A_56, %dma_wait3A_58, %dma_wait3A_59] : memref<2x80x128xf32, #tpu.memory_space<vmem>> -> memref<1x80x128xf32, #tpu.memory_space<vmem>>
    %dma_wait3A_61 = tpu.memref_squeeze %dma_wait3A_60 : memref<1x80x128xf32, #tpu.memory_space<vmem>> -> memref<80x128xf32, #tpu.memory_space<vmem>>
    %dma_wait3A_62 = arith.constant 0 : i32
    %dma_wait3A_63 = tpu.memref_slice %arg6[%add3A_40, %dma_wait3A_62] : memref<320000x128xf32, #tpu.memory_space<hbm>> -> memref<80x128xf32, #tpu.memory_space<hbm>>
    %dma_wait3A_64 = tpu.memref_slice %arg12[%dma_wait3A_57] : memref<2x!tpu.dma_semaphore, #tpu.memory_space<semaphore_mem>> -> memref<1x!tpu.dma_semaphore, #tpu.memory_space<semaphore_mem>>
    %dma_wait3A_65 = tpu.memref_squeeze %dma_wait3A_64 : memref<1x!tpu.dma_semaphore, #tpu.memory_space<semaphore_mem>> -> memref<!tpu.dma_semaphore, #tpu.memory_space<semaphore_mem>>
    %dma_wait3A_66 = arith.constant 0 : i32
    %dma_wait3A_67 = tpu.memref_slice %arg6[%add3A_40, %dma_wait3A_66] : memref<320000x128xf32, #tpu.memory_space<hbm>> -> memref<80x128xf32, #tpu.memory_space<hbm>>
    %dma_wait3A_68 = arith.constant 0 : i32
    %dma_wait3A_69 = arith.constant 0 : i32
    %dma_wait3A_70 = tpu.memref_slice %arg10[%dma_wait3A_56, %dma_wait3A_68, %dma_wait3A_69] : memref<2x80x128xf32, #tpu.memory_space<vmem>> -> memref<1x80x128xf32, #tpu.memory_space<vmem>>
    %dma_wait3A_71 = tpu.memref_squeeze %dma_wait3A_70 : memref<1x80x128xf32, #tpu.memory_space<vmem>> -> memref<80x128xf32, #tpu.memory_space<vmem>>
    tpu.wait_dma2 semaphore(%dma_wait3A_65 : memref<!tpu.dma_semaphore, #tpu.memory_space<semaphore_mem>>) src(%dma_wait3A_71 : memref<80x128xf32, #tpu.memory_space<vmem>>) dst(%dma_wait3A_67 : memref<80x128xf32, #tpu.memory_space<hbm>>)
    return
  }
}

#map = affine_map<(d0, d1) -> (0, 0)>
#map1 = affine_map<(d0, d1) -> (0, 0, 0)>
module attributes {stable_mosaic.version = 14 : i64} {
  func.func @k(%arg0: i32, %arg1: i32, %arg2: memref<320000x128xf32, #tpu.memory_space<hbm>>, %arg3: memref<32x125x80xi32, #tpu.memory_space<hbm>>, %arg4: memref<80x128xf32, #tpu.memory_space<hbm>>, %arg5: memref<20000x128xf32, #tpu.memory_space<hbm>>, %arg6: memref<125x80xi32, #tpu.memory_space<vmem>>, %arg7: memref<2x80x128xf32, #tpu.memory_space<vmem>>, %arg8: memref<10000x128xf32, #tpu.memory_space<vmem_shared>>, %arg9: memref<2x!tpu.dma_semaphore, #tpu.memory_space<semaphore_mem>>) attributes {dimension_semantics = [#tpu.dimension_semantics<core_parallel>, #tpu.dimension_semantics<subcore_parallel>], iteration_bounds = array<i64: 2, 16>, scalar_prefetch = 0 : i64, scratch_operands = 4 : i64, tpu.core_type = #tpu.core_type<sc_vector_subcore>, window_params = [{transform_indices = #map}, {transform_indices = #map1}, {transform_indices = #map}, {transform_indices = #map}]} {
    %mul3A = arith.constant 2 : i32
    %mul3A_0 = arith.muli %arg1, %mul3A : i32
    %add3A = arith.addi %mul3A_0, %arg0 : i32
    %mul3A_1 = arith.constant 10000 : i32
    %mul3A_2 = arith.muli %add3A, %mul3A_1 : i32
    %run_scoped3A = arith.constant 0 : i32
    "tpu.region"() ({
      %run_scoped3A_38 = tpu.sem_alloc : memref<!tpu.dma_semaphore, #tpu.memory_space<semaphore_mem>>
      %dma_start3A_39 = arith.constant 0 : i32
      %dma_start3A_40 = arith.constant 0 : i32
      %dma_start3A_41 = tpu.memref_slice %arg7[%run_scoped3A, %dma_start3A_39, %dma_start3A_40] : memref<2x80x128xf32, #tpu.memory_space<vmem>> -> memref<1x80x128xf32, #tpu.memory_space<vmem>>
      %dma_start3A_42 = tpu.memref_squeeze %dma_start3A_41 : memref<1x80x128xf32, #tpu.memory_space<vmem>> -> memref<80x128xf32, #tpu.memory_space<vmem>>
      %dma_start3A_43 = arith.constant 0 : i32
      %dma_start3A_44 = arith.constant 0 : i32
      %dma_start3A_45 = tpu.memref_slice %arg7[%run_scoped3A, %dma_start3A_43, %dma_start3A_44] : memref<2x80x128xf32, #tpu.memory_space<vmem>> -> memref<1x80x128xf32, #tpu.memory_space<vmem>>
      %dma_start3A_46 = tpu.memref_squeeze %dma_start3A_45 : memref<1x80x128xf32, #tpu.memory_space<vmem>> -> memref<80x128xf32, #tpu.memory_space<vmem>>
      tpu.enqueue_dma source(%arg4 : memref<80x128xf32, #tpu.memory_space<hbm>>) target(%dma_start3A_46 : memref<80x128xf32, #tpu.memory_space<vmem>>) target_semaphore(%run_scoped3A_38 : memref<!tpu.dma_semaphore, #tpu.memory_space<semaphore_mem>>)
      %dma_wait3A = arith.constant 0 : i32
      %dma_wait3A_47 = arith.constant 0 : i32
      %dma_wait3A_48 = tpu.memref_slice %arg7[%run_scoped3A, %dma_wait3A, %dma_wait3A_47] : memref<2x80x128xf32, #tpu.memory_space<vmem>> -> memref<1x80x128xf32, #tpu.memory_space<vmem>>
      %dma_wait3A_49 = tpu.memref_squeeze %dma_wait3A_48 : memref<1x80x128xf32, #tpu.memory_space<vmem>> -> memref<80x128xf32, #tpu.memory_space<vmem>>
      %dma_wait3A_50 = arith.constant 0 : i32
      %dma_wait3A_51 = arith.constant 0 : i32
      %dma_wait3A_52 = tpu.memref_slice %arg7[%run_scoped3A, %dma_wait3A_50, %dma_wait3A_51] : memref<2x80x128xf32, #tpu.memory_space<vmem>> -> memref<1x80x128xf32, #tpu.memory_space<vmem>>
      %dma_wait3A_53 = tpu.memref_squeeze %dma_wait3A_52 : memref<1x80x128xf32, #tpu.memory_space<vmem>> -> memref<80x128xf32, #tpu.memory_space<vmem>>
      tpu.wait_dma2 semaphore(%run_scoped3A_38 : memref<!tpu.dma_semaphore, #tpu.memory_space<semaphore_mem>>) src(%arg4 : memref<80x128xf32, #tpu.memory_space<hbm>>) dst(%dma_wait3A_53 : memref<80x128xf32, #tpu.memory_space<vmem>>)
      tpu.yield
    }) : () -> ()
    %scan3A = arith.constant 0 : i32
    %scan3A_3 = arith.constant 0 : i32
    %scan3A_4 = arith.constant 8 : i32
    %scan3A_5 = arith.addi %scan3A_3, %scan3A_4 : i32
    %scan3A_6 = arith.constant 1 : i32
    scf.for %scan3A_38 = %scan3A_3 to %scan3A_5 step %scan3A_6  : i32 {
      %mul3A_39 = arith.constant 16 : i32
      %mul3A_40 = arith.muli %scan3A_38, %mul3A_39 : i32
      %add3A_41 = arith.addi %mul3A_40, %arg1 : i32
      %lt3A = arith.constant 125 : i32
      %lt3A_42 = arith.cmpi slt, %add3A_41, %lt3A : i32
      %convert_element_type3A = arith.extui %lt3A_42 : i1 to i32
      %cond3A = arith.constant 0 : i32
      %cond3A_43 = arith.cmpi ne, %convert_element_type3A, %cond3A : i32
      scf.if %cond3A_43 {
        %mul3A_44 = arith.constant 80 : i32
        %mul3A_45 = arith.muli %add3A_41, %mul3A_44 : i32
        %run_scoped3A_46 = arith.constant 0 : i32
        "tpu.region"() ({
          %run_scoped3A_47 = tpu.sem_alloc : memref<!tpu.dma_semaphore, #tpu.memory_space<semaphore_mem>>
          %dma_start3A_48 = arith.constant 0 : i32
          %dma_start3A_49 = arith.constant 0 : i32
          %dma_start3A_50 = tpu.memref_slice %arg7[%run_scoped3A_46, %dma_start3A_48, %dma_start3A_49] : memref<2x80x128xf32, #tpu.memory_space<vmem>> -> memref<1x80x128xf32, #tpu.memory_space<vmem>>
          %dma_start3A_51 = tpu.memref_squeeze %dma_start3A_50 : memref<1x80x128xf32, #tpu.memory_space<vmem>> -> memref<80x128xf32, #tpu.memory_space<vmem>>
          %dma_start3A_52 = arith.constant 0 : i32
          %dma_start3A_53 = tpu.memref_slice %arg8[%mul3A_45, %dma_start3A_52] : memref<10000x128xf32, #tpu.memory_space<vmem_shared>> -> memref<80x128xf32, #tpu.memory_space<vmem_shared>>
          %dma_start3A_54 = arith.constant 0 : i32
          %dma_start3A_55 = tpu.memref_slice %arg8[%mul3A_45, %dma_start3A_54] : memref<10000x128xf32, #tpu.memory_space<vmem_shared>> -> memref<80x128xf32, #tpu.memory_space<vmem_shared>>
          %dma_start3A_56 = arith.constant 0 : i32
          %dma_start3A_57 = arith.constant 0 : i32
          %dma_start3A_58 = tpu.memref_slice %arg7[%run_scoped3A_46, %dma_start3A_56, %dma_start3A_57] : memref<2x80x128xf32, #tpu.memory_space<vmem>> -> memref<1x80x128xf32, #tpu.memory_space<vmem>>
          %dma_start3A_59 = tpu.memref_squeeze %dma_start3A_58 : memref<1x80x128xf32, #tpu.memory_space<vmem>> -> memref<80x128xf32, #tpu.memory_space<vmem>>
          tpu.enqueue_dma source(%dma_start3A_59 : memref<80x128xf32, #tpu.memory_space<vmem>>) target(%dma_start3A_55 : memref<80x128xf32, #tpu.memory_space<vmem_shared>>) target_semaphore(%run_scoped3A_47 : memref<!tpu.dma_semaphore, #tpu.memory_space<semaphore_mem>>)
          %dma_wait3A = arith.constant 0 : i32
          %dma_wait3A_60 = arith.constant 0 : i32
          %dma_wait3A_61 = tpu.memref_slice %arg7[%run_scoped3A_46, %dma_wait3A, %dma_wait3A_60] : memref<2x80x128xf32, #tpu.memory_space<vmem>> -> memref<1x80x128xf32, #tpu.memory_space<vmem>>
          %dma_wait3A_62 = tpu.memref_squeeze %dma_wait3A_61 : memref<1x80x128xf32, #tpu.memory_space<vmem>> -> memref<80x128xf32, #tpu.memory_space<vmem>>
          %dma_wait3A_63 = arith.constant 0 : i32
          %dma_wait3A_64 = tpu.memref_slice %arg8[%mul3A_45, %dma_wait3A_63] : memref<10000x128xf32, #tpu.memory_space<vmem_shared>> -> memref<80x128xf32, #tpu.memory_space<vmem_shared>>
          %dma_wait3A_65 = arith.constant 0 : i32
          %dma_wait3A_66 = tpu.memref_slice %arg8[%mul3A_45, %dma_wait3A_65] : memref<10000x128xf32, #tpu.memory_space<vmem_shared>> -> memref<80x128xf32, #tpu.memory_space<vmem_shared>>
          %dma_wait3A_67 = arith.constant 0 : i32
          %dma_wait3A_68 = arith.constant 0 : i32
          %dma_wait3A_69 = tpu.memref_slice %arg7[%run_scoped3A_46, %dma_wait3A_67, %dma_wait3A_68] : memref<2x80x128xf32, #tpu.memory_space<vmem>> -> memref<1x80x128xf32, #tpu.memory_space<vmem>>
          %dma_wait3A_70 = tpu.memref_squeeze %dma_wait3A_69 : memref<1x80x128xf32, #tpu.memory_space<vmem>> -> memref<80x128xf32, #tpu.memory_space<vmem>>
          tpu.wait_dma2 semaphore(%run_scoped3A_47 : memref<!tpu.dma_semaphore, #tpu.memory_space<semaphore_mem>>) src(%dma_wait3A_70 : memref<80x128xf32, #tpu.memory_space<vmem>>) dst(%dma_wait3A_66 : memref<80x128xf32, #tpu.memory_space<vmem_shared>>)
          tpu.yield
        }) : () -> ()
      } else {
      }
    }
    %scan3A_7 = arith.constant 8 : i32
    "tpu.region"() ({
      %run_scoped3A_38 = tpu.sem_alloc : memref<!tpu.dma_semaphore, #tpu.memory_space<semaphore_mem>>
      %dma_start3A_39 = arith.constant 0 : i32
      %dma_start3A_40 = arith.constant 0 : i32
      %dma_start3A_41 = tpu.memref_slice %arg3[%add3A, %dma_start3A_39, %dma_start3A_40] : memref<32x125x80xi32, #tpu.memory_space<hbm>> -> memref<1x125x80xi32, #tpu.memory_space<hbm>>
      %dma_start3A_42 = tpu.memref_squeeze %dma_start3A_41 : memref<1x125x80xi32, #tpu.memory_space<hbm>> -> memref<125x80xi32, #tpu.memory_space<hbm>>
      %dma_start3A_43 = arith.constant 0 : i32
      %dma_start3A_44 = arith.constant 0 : i32
      %dma_start3A_45 = tpu.memref_slice %arg3[%add3A, %dma_start3A_43, %dma_start3A_44] : memref<32x125x80xi32, #tpu.memory_space<hbm>> -> memref<1x125x80xi32, #tpu.memory_space<hbm>>
      %dma_start3A_46 = tpu.memref_squeeze %dma_start3A_45 : memref<1x125x80xi32, #tpu.memory_space<hbm>> -> memref<125x80xi32, #tpu.memory_space<hbm>>
      tpu.enqueue_dma source(%dma_start3A_46 : memref<125x80xi32, #tpu.memory_space<hbm>>) target(%arg6 : memref<125x80xi32, #tpu.memory_space<vmem>>) target_semaphore(%run_scoped3A_38 : memref<!tpu.dma_semaphore, #tpu.memory_space<semaphore_mem>>)
      %dma_wait3A = arith.constant 0 : i32
      %dma_wait3A_47 = arith.constant 0 : i32
      %dma_wait3A_48 = tpu.memref_slice %arg3[%add3A, %dma_wait3A, %dma_wait3A_47] : memref<32x125x80xi32, #tpu.memory_space<hbm>> -> memref<1x125x80xi32, #tpu.memory_space<hbm>>
      %dma_wait3A_49 = tpu.memref_squeeze %dma_wait3A_48 : memref<1x125x80xi32, #tpu.memory_space<hbm>> -> memref<125x80xi32, #tpu.memory_space<hbm>>
      %dma_wait3A_50 = arith.constant 0 : i32
      %dma_wait3A_51 = arith.constant 0 : i32
      %dma_wait3A_52 = tpu.memref_slice %arg3[%add3A, %dma_wait3A_50, %dma_wait3A_51] : memref<32x125x80xi32, #tpu.memory_space<hbm>> -> memref<1x125x80xi32, #tpu.memory_space<hbm>>
      %dma_wait3A_53 = tpu.memref_squeeze %dma_wait3A_52 : memref<1x125x80xi32, #tpu.memory_space<hbm>> -> memref<125x80xi32, #tpu.memory_space<hbm>>
      tpu.wait_dma2 semaphore(%run_scoped3A_38 : memref<!tpu.dma_semaphore, #tpu.memory_space<semaphore_mem>>) src(%dma_wait3A_53 : memref<125x80xi32, #tpu.memory_space<hbm>>) dst(%arg6 : memref<125x80xi32, #tpu.memory_space<vmem>>)
      tpu.yield
    }) : () -> ()
    %barrier3A = arith.constant 0 : index
    tpu.barrier barrier_id(%barrier3A)
    %add3A_8 = arith.constant 0 : i32
    %add3A_9 = arith.addi %mul3A_2, %add3A_8 : i32
    %dma_start3A = arith.constant 0 : i32
    %dma_start3A_10 = arith.constant 0 : i32
    %dma_start3A_11 = arith.constant 0 : i32
    %dma_start3A_12 = arith.constant 0 : i32
    %dma_start3A_13 = tpu.memref_slice %arg7[%dma_start3A, %dma_start3A_11, %dma_start3A_12] : memref<2x80x128xf32, #tpu.memory_space<vmem>> -> memref<1x80x128xf32, #tpu.memory_space<vmem>>
    %dma_start3A_14 = tpu.memref_squeeze %dma_start3A_13 : memref<1x80x128xf32, #tpu.memory_space<vmem>> -> memref<80x128xf32, #tpu.memory_space<vmem>>
    %dma_start3A_15 = arith.constant 0 : i32
    %dma_start3A_16 = tpu.memref_slice %arg2[%add3A_9, %dma_start3A_15] : memref<320000x128xf32, #tpu.memory_space<hbm>> -> memref<80x128xf32, #tpu.memory_space<hbm>>
    %dma_start3A_17 = tpu.memref_slice %arg9[%dma_start3A_10] : memref<2x!tpu.dma_semaphore, #tpu.memory_space<semaphore_mem>> -> memref<1x!tpu.dma_semaphore, #tpu.memory_space<semaphore_mem>>
    %dma_start3A_18 = tpu.memref_squeeze %dma_start3A_17 : memref<1x!tpu.dma_semaphore, #tpu.memory_space<semaphore_mem>> -> memref<!tpu.dma_semaphore, #tpu.memory_space<semaphore_mem>>
    %dma_start3A_19 = arith.constant 0 : i32
    %dma_start3A_20 = arith.constant 0 : i32
    %dma_start3A_21 = tpu.memref_slice %arg7[%dma_start3A, %dma_start3A_19, %dma_start3A_20] : memref<2x80x128xf32, #tpu.memory_space<vmem>> -> memref<1x80x128xf32, #tpu.memory_space<vmem>>
    %dma_start3A_22 = tpu.memref_squeeze %dma_start3A_21 : memref<1x80x128xf32, #tpu.memory_space<vmem>> -> memref<80x128xf32, #tpu.memory_space<vmem>>
    %dma_start3A_23 = arith.constant 0 : i32
    %dma_start3A_24 = tpu.memref_slice %arg2[%add3A_9, %dma_start3A_23] : memref<320000x128xf32, #tpu.memory_space<hbm>> -> memref<80x128xf32, #tpu.memory_space<hbm>>
    tpu.enqueue_dma source(%dma_start3A_24 : memref<80x128xf32, #tpu.memory_space<hbm>>) target(%dma_start3A_22 : memref<80x128xf32, #tpu.memory_space<vmem>>) target_semaphore(%dma_start3A_18 : memref<!tpu.dma_semaphore, #tpu.memory_space<semaphore_mem>>)
    %scan3A_25 = arith.constant 0 : i32
    %scan3A_26 = arith.constant 0 : i32
    %scan3A_27 = arith.constant 125 : i32
    %scan3A_28 = arith.addi %scan3A_26, %scan3A_27 : i32
    %scan3A_29 = arith.constant 1 : i32
    scf.for %scan3A_38 = %scan3A_26 to %scan3A_28 step %scan3A_29  : i32 {
      %rem3A = arith.constant 2 : i32
      %rem3A_39 = arith.remsi %scan3A_38, %rem3A : i32
      %sub3A = arith.constant 1 : i32
      %sub3A_40 = arith.subi %sub3A, %rem3A_39 : i32
      %mul3A_41 = arith.constant 80 : i32
      %mul3A_42 = arith.muli %scan3A_38, %mul3A_41 : i32
      %add3A_43 = arith.addi %mul3A_2, %mul3A_42 : i32
      %dma_wait3A = arith.constant 0 : i32
      %dma_wait3A_44 = arith.constant 0 : i32
      %dma_wait3A_45 = tpu.memref_slice %arg7[%rem3A_39, %dma_wait3A, %dma_wait3A_44] : memref<2x80x128xf32, #tpu.memory_space<vmem>> -> memref<1x80x128xf32, #tpu.memory_space<vmem>>
      %dma_wait3A_46 = tpu.memref_squeeze %dma_wait3A_45 : memref<1x80x128xf32, #tpu.memory_space<vmem>> -> memref<80x128xf32, #tpu.memory_space<vmem>>
      %dma_wait3A_47 = arith.constant 0 : i32
      %dma_wait3A_48 = tpu.memref_slice %arg2[%add3A_43, %dma_wait3A_47] : memref<320000x128xf32, #tpu.memory_space<hbm>> -> memref<80x128xf32, #tpu.memory_space<hbm>>
      %dma_wait3A_49 = tpu.memref_slice %arg9[%rem3A_39] : memref<2x!tpu.dma_semaphore, #tpu.memory_space<semaphore_mem>> -> memref<1x!tpu.dma_semaphore, #tpu.memory_space<semaphore_mem>>
      %dma_wait3A_50 = tpu.memref_squeeze %dma_wait3A_49 : memref<1x!tpu.dma_semaphore, #tpu.memory_space<semaphore_mem>> -> memref<!tpu.dma_semaphore, #tpu.memory_space<semaphore_mem>>
      %dma_wait3A_51 = arith.constant 0 : i32
      %dma_wait3A_52 = arith.constant 0 : i32
      %dma_wait3A_53 = tpu.memref_slice %arg7[%rem3A_39, %dma_wait3A_51, %dma_wait3A_52] : memref<2x80x128xf32, #tpu.memory_space<vmem>> -> memref<1x80x128xf32, #tpu.memory_space<vmem>>
      %dma_wait3A_54 = tpu.memref_squeeze %dma_wait3A_53 : memref<1x80x128xf32, #tpu.memory_space<vmem>> -> memref<80x128xf32, #tpu.memory_space<vmem>>
      %dma_wait3A_55 = arith.constant 0 : i32
      %dma_wait3A_56 = tpu.memref_slice %arg2[%add3A_43, %dma_wait3A_55] : memref<320000x128xf32, #tpu.memory_space<hbm>> -> memref<80x128xf32, #tpu.memory_space<hbm>>
      tpu.wait_dma2 semaphore(%dma_wait3A_50 : memref<!tpu.dma_semaphore, #tpu.memory_space<semaphore_mem>>) src(%dma_wait3A_56 : memref<80x128xf32, #tpu.memory_space<hbm>>) dst(%dma_wait3A_54 : memref<80x128xf32, #tpu.memory_space<vmem>>)
      %add3A_57 = arith.constant 1 : i32
      %add3A_58 = arith.addi %scan3A_38, %add3A_57 : i32
      %lt3A = arith.constant 125 : i32
      %lt3A_59 = arith.cmpi slt, %add3A_58, %lt3A : i32
      %convert_element_type3A = arith.extui %lt3A_59 : i1 to i32
      %cond3A = arith.constant 0 : i32
      %cond3A_60 = arith.cmpi ne, %convert_element_type3A, %cond3A : i32
      scf.if %cond3A_60 {
        %add3A_61 = arith.constant 1 : i32
        %add3A_62 = arith.addi %scan3A_38, %add3A_61 : i32
        %mul3A_63 = arith.constant 80 : i32
        %mul3A_64 = arith.muli %add3A_62, %mul3A_63 : i32
        %add3A_65 = arith.addi %mul3A_2, %mul3A_64 : i32
        %dma_start3A_66 = arith.constant 0 : i32
        %dma_start3A_67 = arith.constant 0 : i32
        %dma_start3A_68 = tpu.memref_slice %arg7[%sub3A_40, %dma_start3A_66, %dma_start3A_67] : memref<2x80x128xf32, #tpu.memory_space<vmem>> -> memref<1x80x128xf32, #tpu.memory_space<vmem>>
        %dma_start3A_69 = tpu.memref_squeeze %dma_start3A_68 : memref<1x80x128xf32, #tpu.memory_space<vmem>> -> memref<80x128xf32, #tpu.memory_space<vmem>>
        %dma_start3A_70 = arith.constant 0 : i32
        %dma_start3A_71 = tpu.memref_slice %arg2[%add3A_65, %dma_start3A_70] : memref<320000x128xf32, #tpu.memory_space<hbm>> -> memref<80x128xf32, #tpu.memory_space<hbm>>
        %dma_start3A_72 = tpu.memref_slice %arg9[%sub3A_40] : memref<2x!tpu.dma_semaphore, #tpu.memory_space<semaphore_mem>> -> memref<1x!tpu.dma_semaphore, #tpu.memory_space<semaphore_mem>>
        %dma_start3A_73 = tpu.memref_squeeze %dma_start3A_72 : memref<1x!tpu.dma_semaphore, #tpu.memory_space<semaphore_mem>> -> memref<!tpu.dma_semaphore, #tpu.memory_space<semaphore_mem>>
        %dma_start3A_74 = arith.constant 0 : i32
        %dma_start3A_75 = arith.constant 0 : i32
        %dma_start3A_76 = tpu.memref_slice %arg7[%sub3A_40, %dma_start3A_74, %dma_start3A_75] : memref<2x80x128xf32, #tpu.memory_space<vmem>> -> memref<1x80x128xf32, #tpu.memory_space<vmem>>
        %dma_start3A_77 = tpu.memref_squeeze %dma_start3A_76 : memref<1x80x128xf32, #tpu.memory_space<vmem>> -> memref<80x128xf32, #tpu.memory_space<vmem>>
        %dma_start3A_78 = arith.constant 0 : i32
        %dma_start3A_79 = tpu.memref_slice %arg2[%add3A_65, %dma_start3A_78] : memref<320000x128xf32, #tpu.memory_space<hbm>> -> memref<80x128xf32, #tpu.memory_space<hbm>>
        tpu.enqueue_dma source(%dma_start3A_79 : memref<80x128xf32, #tpu.memory_space<hbm>>) target(%dma_start3A_77 : memref<80x128xf32, #tpu.memory_space<vmem>>) target_semaphore(%dma_start3A_73 : memref<!tpu.dma_semaphore, #tpu.memory_space<semaphore_mem>>)
      } else {
      }
      "tpu.region"() ({
        %run_scoped3A_61 = tpu.sem_alloc : memref<!tpu.dma_semaphore, #tpu.memory_space<semaphore_mem>>
        %dma_start3A_62 = arith.constant 0 : i32
        %dma_start3A_63 = arith.constant 0 : i32
        %dma_start3A_64 = tpu.memref_slice %arg7[%rem3A_39, %dma_start3A_62, %dma_start3A_63] : memref<2x80x128xf32, #tpu.memory_space<vmem>> -> memref<1x80x128xf32, #tpu.memory_space<vmem>>
        %dma_start3A_65 = tpu.memref_squeeze %dma_start3A_64 : memref<1x80x128xf32, #tpu.memory_space<vmem>> -> memref<80x128xf32, #tpu.memory_space<vmem>>
        %dma_start3A_66 = arith.constant 0 : i32
        %dma_start3A_67 = tpu.memref_slice %arg6[%scan3A_38, %dma_start3A_66] : memref<125x80xi32, #tpu.memory_space<vmem>> -> memref<1x80xi32, #tpu.memory_space<vmem>>
        %dma_start3A_68 = tpu.memref_squeeze %dma_start3A_67 : memref<1x80xi32, #tpu.memory_space<vmem>> -> memref<80xi32, #tpu.memory_space<vmem>>
        %dma_start3A_69 = arith.constant 0 : i32
        %dma_start3A_70 = arith.constant 0 : i32
        %dma_start3A_71 = tpu.memref_slice %arg8[%dma_start3A_69, %dma_start3A_70] : memref<10000x128xf32, #tpu.memory_space<vmem_shared>> -> memref<10000x128xf32, #tpu.memory_space<vmem_shared>>
        tpu.enqueue_indirect_dma source(%dma_start3A_65 : memref<80x128xf32, #tpu.memory_space<vmem>>) target(%dma_start3A_71 : memref<10000x128xf32, #tpu.memory_space<vmem_shared>>) offsets(%dma_start3A_68 : memref<80xi32, #tpu.memory_space<vmem>>) semaphore(%run_scoped3A_61 : memref<!tpu.dma_semaphore, #tpu.memory_space<semaphore_mem>>) {add = true}
        %dma_wait3A_72 = arith.constant 0 : i32
        %dma_wait3A_73 = arith.constant 0 : i32
        %dma_wait3A_74 = tpu.memref_slice %arg7[%rem3A_39, %dma_wait3A_72, %dma_wait3A_73] : memref<2x80x128xf32, #tpu.memory_space<vmem>> -> memref<1x80x128xf32, #tpu.memory_space<vmem>>
        %dma_wait3A_75 = tpu.memref_squeeze %dma_wait3A_74 : memref<1x80x128xf32, #tpu.memory_space<vmem>> -> memref<80x128xf32, #tpu.memory_space<vmem>>
        %dma_wait3A_76 = arith.constant 0 : i32
        %dma_wait3A_77 = tpu.memref_slice %arg6[%scan3A_38, %dma_wait3A_76] : memref<125x80xi32, #tpu.memory_space<vmem>> -> memref<1x80xi32, #tpu.memory_space<vmem>>
        %dma_wait3A_78 = tpu.memref_squeeze %dma_wait3A_77 : memref<1x80xi32, #tpu.memory_space<vmem>> -> memref<80xi32, #tpu.memory_space<vmem>>
        %dma_wait3A_79 = arith.constant 0 : i32
        %dma_wait3A_80 = arith.constant 0 : i32
        %dma_wait3A_81 = tpu.memref_slice %arg8[%dma_wait3A_79, %dma_wait3A_80] : memref<10000x128xf32, #tpu.memory_space<vmem_shared>> -> memref<10000x128xf32, #tpu.memory_space<vmem_shared>>
        tpu.wait_indirect_dma semaphore(%run_scoped3A_61 : memref<!tpu.dma_semaphore, #tpu.memory_space<semaphore_mem>>) src(%dma_wait3A_75 : memref<80x128xf32, #tpu.memory_space<vmem>>) dst(%dma_wait3A_81 : memref<10000x128xf32, #tpu.memory_space<vmem_shared>>)
        tpu.yield
      }) : () -> ()
    }
    %scan3A_30 = arith.constant 125 : i32
    %barrier3A_31 = arith.constant 0 : index
    tpu.barrier barrier_id(%barrier3A_31)
    %scan3A_32 = arith.constant 0 : i32
    %scan3A_33 = arith.constant 0 : i32
    %scan3A_34 = arith.constant 8 : i32
    %scan3A_35 = arith.addi %scan3A_33, %scan3A_34 : i32
    %scan3A_36 = arith.constant 1 : i32
    scf.for %scan3A_38 = %scan3A_33 to %scan3A_35 step %scan3A_36  : i32 {
      %mul3A_39 = arith.constant 16 : i32
      %mul3A_40 = arith.muli %scan3A_38, %mul3A_39 : i32
      %add3A_41 = arith.addi %mul3A_40, %arg1 : i32
      %lt3A = arith.constant 125 : i32
      %lt3A_42 = arith.cmpi slt, %add3A_41, %lt3A : i32
      %convert_element_type3A = arith.extui %lt3A_42 : i1 to i32
      %cond3A = arith.constant 0 : i32
      %cond3A_43 = arith.cmpi ne, %convert_element_type3A, %cond3A : i32
      scf.if %cond3A_43 {
        %mul3A_44 = arith.constant 80 : i32
        %mul3A_45 = arith.muli %add3A_41, %mul3A_44 : i32
        %run_scoped3A_46 = arith.constant 0 : i32
        "tpu.region"() ({
          %run_scoped3A_53 = tpu.sem_alloc : memref<!tpu.dma_semaphore, #tpu.memory_space<semaphore_mem>>
          %dma_start3A_54 = arith.constant 0 : i32
          %dma_start3A_55 = arith.constant 0 : i32
          %dma_start3A_56 = tpu.memref_slice %arg7[%run_scoped3A_46, %dma_start3A_54, %dma_start3A_55] : memref<2x80x128xf32, #tpu.memory_space<vmem>> -> memref<1x80x128xf32, #tpu.memory_space<vmem>>
          %dma_start3A_57 = tpu.memref_squeeze %dma_start3A_56 : memref<1x80x128xf32, #tpu.memory_space<vmem>> -> memref<80x128xf32, #tpu.memory_space<vmem>>
          %dma_start3A_58 = arith.constant 0 : i32
          %dma_start3A_59 = tpu.memref_slice %arg8[%mul3A_45, %dma_start3A_58] : memref<10000x128xf32, #tpu.memory_space<vmem_shared>> -> memref<80x128xf32, #tpu.memory_space<vmem_shared>>
          %dma_start3A_60 = arith.constant 0 : i32
          %dma_start3A_61 = arith.constant 0 : i32
          %dma_start3A_62 = tpu.memref_slice %arg7[%run_scoped3A_46, %dma_start3A_60, %dma_start3A_61] : memref<2x80x128xf32, #tpu.memory_space<vmem>> -> memref<1x80x128xf32, #tpu.memory_space<vmem>>
          %dma_start3A_63 = tpu.memref_squeeze %dma_start3A_62 : memref<1x80x128xf32, #tpu.memory_space<vmem>> -> memref<80x128xf32, #tpu.memory_space<vmem>>
          %dma_start3A_64 = arith.constant 0 : i32
          %dma_start3A_65 = tpu.memref_slice %arg8[%mul3A_45, %dma_start3A_64] : memref<10000x128xf32, #tpu.memory_space<vmem_shared>> -> memref<80x128xf32, #tpu.memory_space<vmem_shared>>
          tpu.enqueue_dma source(%dma_start3A_65 : memref<80x128xf32, #tpu.memory_space<vmem_shared>>) target(%dma_start3A_63 : memref<80x128xf32, #tpu.memory_space<vmem>>) target_semaphore(%run_scoped3A_53 : memref<!tpu.dma_semaphore, #tpu.memory_space<semaphore_mem>>)
          %dma_wait3A = arith.constant 0 : i32
          %dma_wait3A_66 = arith.constant 0 : i32
          %dma_wait3A_67 = tpu.memref_slice %arg7[%run_scoped3A_46, %dma_wait3A, %dma_wait3A_66] : memref<2x80x128xf32, #tpu.memory_space<vmem>> -> memref<1x80x128xf32, #tpu.memory_space<vmem>>
          %dma_wait3A_68 = tpu.memref_squeeze %dma_wait3A_67 : memref<1x80x128xf32, #tpu.memory_space<vmem>> -> memref<80x128xf32, #tpu.memory_space<vmem>>
          %dma_wait3A_69 = arith.constant 0 : i32
          %dma_wait3A_70 = tpu.memref_slice %arg8[%mul3A_45, %dma_wait3A_69] : memref<10000x128xf32, #tpu.memory_space<vmem_shared>> -> memref<80x128xf32, #tpu.memory_space<vmem_shared>>
          %dma_wait3A_71 = arith.constant 0 : i32
          %dma_wait3A_72 = arith.constant 0 : i32
          %dma_wait3A_73 = tpu.memref_slice %arg7[%run_scoped3A_46, %dma_wait3A_71, %dma_wait3A_72] : memref<2x80x128xf32, #tpu.memory_space<vmem>> -> memref<1x80x128xf32, #tpu.memory_space<vmem>>
          %dma_wait3A_74 = tpu.memref_squeeze %dma_wait3A_73 : memref<1x80x128xf32, #tpu.memory_space<vmem>> -> memref<80x128xf32, #tpu.memory_space<vmem>>
          %dma_wait3A_75 = arith.constant 0 : i32
          %dma_wait3A_76 = tpu.memref_slice %arg8[%mul3A_45, %dma_wait3A_75] : memref<10000x128xf32, #tpu.memory_space<vmem_shared>> -> memref<80x128xf32, #tpu.memory_space<vmem_shared>>
          tpu.wait_dma2 semaphore(%run_scoped3A_53 : memref<!tpu.dma_semaphore, #tpu.memory_space<semaphore_mem>>) src(%dma_wait3A_76 : memref<80x128xf32, #tpu.memory_space<vmem_shared>>) dst(%dma_wait3A_74 : memref<80x128xf32, #tpu.memory_space<vmem>>)
          tpu.yield
        }) : () -> ()
        %mul3A_47 = arith.constant 10000 : i32
        %mul3A_48 = arith.muli %arg0, %mul3A_47 : i32
        %mul3A_49 = arith.constant 80 : i32
        %mul3A_50 = arith.muli %add3A_41, %mul3A_49 : i32
        %add3A_51 = arith.addi %mul3A_48, %mul3A_50 : i32
        %run_scoped3A_52 = arith.constant 0 : i32
        "tpu.region"() ({
          %run_scoped3A_53 = tpu.sem_alloc : memref<!tpu.dma_semaphore, #tpu.memory_space<semaphore_mem>>
          %dma_start3A_54 = arith.constant 0 : i32
          %dma_start3A_55 = arith.constant 0 : i32
          %dma_start3A_56 = tpu.memref_slice %arg7[%run_scoped3A_52, %dma_start3A_54, %dma_start3A_55] : memref<2x80x128xf32, #tpu.memory_space<vmem>> -> memref<1x80x128xf32, #tpu.memory_space<vmem>>
          %dma_start3A_57 = tpu.memref_squeeze %dma_start3A_56 : memref<1x80x128xf32, #tpu.memory_space<vmem>> -> memref<80x128xf32, #tpu.memory_space<vmem>>
          %dma_start3A_58 = arith.constant 0 : i32
          %dma_start3A_59 = tpu.memref_slice %arg5[%add3A_51, %dma_start3A_58] : memref<20000x128xf32, #tpu.memory_space<hbm>> -> memref<80x128xf32, #tpu.memory_space<hbm>>
          %dma_start3A_60 = arith.constant 0 : i32
          %dma_start3A_61 = tpu.memref_slice %arg5[%add3A_51, %dma_start3A_60] : memref<20000x128xf32, #tpu.memory_space<hbm>> -> memref<80x128xf32, #tpu.memory_space<hbm>>
          %dma_start3A_62 = arith.constant 0 : i32
          %dma_start3A_63 = arith.constant 0 : i32
          %dma_start3A_64 = tpu.memref_slice %arg7[%run_scoped3A_52, %dma_start3A_62, %dma_start3A_63] : memref<2x80x128xf32, #tpu.memory_space<vmem>> -> memref<1x80x128xf32, #tpu.memory_space<vmem>>
          %dma_start3A_65 = tpu.memref_squeeze %dma_start3A_64 : memref<1x80x128xf32, #tpu.memory_space<vmem>> -> memref<80x128xf32, #tpu.memory_space<vmem>>
          tpu.enqueue_dma source(%dma_start3A_65 : memref<80x128xf32, #tpu.memory_space<vmem>>) target(%dma_start3A_61 : memref<80x128xf32, #tpu.memory_space<hbm>>) target_semaphore(%run_scoped3A_53 : memref<!tpu.dma_semaphore, #tpu.memory_space<semaphore_mem>>)
          %dma_wait3A = arith.constant 0 : i32
          %dma_wait3A_66 = arith.constant 0 : i32
          %dma_wait3A_67 = tpu.memref_slice %arg7[%run_scoped3A_52, %dma_wait3A, %dma_wait3A_66] : memref<2x80x128xf32, #tpu.memory_space<vmem>> -> memref<1x80x128xf32, #tpu.memory_space<vmem>>
          %dma_wait3A_68 = tpu.memref_squeeze %dma_wait3A_67 : memref<1x80x128xf32, #tpu.memory_space<vmem>> -> memref<80x128xf32, #tpu.memory_space<vmem>>
          %dma_wait3A_69 = arith.constant 0 : i32
          %dma_wait3A_70 = tpu.memref_slice %arg5[%add3A_51, %dma_wait3A_69] : memref<20000x128xf32, #tpu.memory_space<hbm>> -> memref<80x128xf32, #tpu.memory_space<hbm>>
          %dma_wait3A_71 = arith.constant 0 : i32
          %dma_wait3A_72 = tpu.memref_slice %arg5[%add3A_51, %dma_wait3A_71] : memref<20000x128xf32, #tpu.memory_space<hbm>> -> memref<80x128xf32, #tpu.memory_space<hbm>>
          %dma_wait3A_73 = arith.constant 0 : i32
          %dma_wait3A_74 = arith.constant 0 : i32
          %dma_wait3A_75 = tpu.memref_slice %arg7[%run_scoped3A_52, %dma_wait3A_73, %dma_wait3A_74] : memref<2x80x128xf32, #tpu.memory_space<vmem>> -> memref<1x80x128xf32, #tpu.memory_space<vmem>>
          %dma_wait3A_76 = tpu.memref_squeeze %dma_wait3A_75 : memref<1x80x128xf32, #tpu.memory_space<vmem>> -> memref<80x128xf32, #tpu.memory_space<vmem>>
          tpu.wait_dma2 semaphore(%run_scoped3A_53 : memref<!tpu.dma_semaphore, #tpu.memory_space<semaphore_mem>>) src(%dma_wait3A_76 : memref<80x128xf32, #tpu.memory_space<vmem>>) dst(%dma_wait3A_72 : memref<80x128xf32, #tpu.memory_space<hbm>>)
          tpu.yield
        }) : () -> ()
      } else {
      }
    }
    %scan3A_37 = arith.constant 8 : i32
    return
  }
}

module attributes {stable_mosaic.version = 14 : i64} {
  func.func @body(%arg0: i32, %arg1: memref<512x128xf32, #tpu.memory_space<vmem>>, %arg2: memref<512x128xf32, #tpu.memory_space<vmem>>, %arg3: memref<512x1xf32, #tpu.memory_space<vmem>>, %arg4: memref<128x64xf32, #tpu.memory_space<vmem>>, %arg5: memref<1x64xf32, #tpu.memory_space<vmem>>, %arg6: memref<1x64xf32, #tpu.memory_space<vmem>>, %arg7: memref<1x64xf32, #tpu.memory_space<vmem>>, %arg8: memref<64x1xf32, #tpu.memory_space<vmem>>, %arg9: memref<1x1xf32, #tpu.memory_space<vmem>>, %arg10: memref<512x1xf32, #tpu.memory_space<vmem>>, %arg11: memref<512x128xf32, #tpu.memory_space<vmem>>) attributes {dimension_semantics = [#tpu.dimension_semantics<arbitrary>], iteration_bounds = array<i64: 625>, scalar_prefetch = 0 : i64, scratch_operands = 0 : i64, tpu.core_type = #tpu.core_type<tc>, window_params = [{transform_indices = @transform_0, window_bounds = array<i64: 512, 128>}, {transform_indices = @transform_1, window_bounds = array<i64: 512, 128>}, {transform_indices = @transform_2, window_bounds = array<i64: 512, 1>}, {pipeline_mode = #tpu.pipeline_mode<synchronous>, transform_indices = @transform_3, window_bounds = array<i64: 128, 64>}, {pipeline_mode = #tpu.pipeline_mode<synchronous>, transform_indices = @transform_4, window_bounds = array<i64: 1, 64>}, {pipeline_mode = #tpu.pipeline_mode<synchronous>, transform_indices = @transform_5, window_bounds = array<i64: 1, 64>}, {pipeline_mode = #tpu.pipeline_mode<synchronous>, transform_indices = @transform_6, window_bounds = array<i64: 1, 64>}, {pipeline_mode = #tpu.pipeline_mode<synchronous>, transform_indices = @transform_7, window_bounds = array<i64: 64, 1>}, {pipeline_mode = #tpu.pipeline_mode<synchronous>, transform_indices = @transform_8, window_bounds = array<i64: 1, 1>}, {transform_indices = @transform_9, window_bounds = array<i64: 512, 1>}, {transform_indices = @transform_10, window_bounds = array<i64: 512, 128>}]} {
    %get3A = arith.constant 0 : index
    %get3A_0 = arith.constant 0 : index
    %get3A_1 = vector.load %arg1[%get3A, %get3A_0] : memref<512x128xf32, #tpu.memory_space<vmem>>, vector<512x128xf32>
    %get3A_2 = arith.constant 0 : index
    %get3A_3 = arith.constant 0 : index
    %get3A_4 = vector.load %arg3[%get3A_2, %get3A_3] : memref<512x1xf32, #tpu.memory_space<vmem>>, vector<512x1xf32>
    %get3A_5 = arith.constant 0 : index
    %get3A_6 = arith.constant 0 : index
    %get3A_7 = vector.load %arg2[%get3A_5, %get3A_6] : memref<512x128xf32, #tpu.memory_space<vmem>>, vector<512x128xf32>
    %sub3A = arith.subf %get3A_1, %get3A_7 : vector<512x128xf32>
    %mul3A = arith.mulf %sub3A, %sub3A : vector<512x128xf32>
    %get3A_8 = arith.constant 0 : index
    %get3A_9 = arith.constant 0 : index
    %get3A_10 = vector.load %arg4[%get3A_8, %get3A_9] : memref<128x64xf32, #tpu.memory_space<vmem>>, vector<128x64xf32>
    %dot_general3A = arith.constant dense<0.000000e+00> : vector<512x64xf32>
    %dot_general3A_11 = tpu.matmul %mul3A, %get3A_10, %dot_general3A {dimension_numbers = #tpu.dot_dimension_numbers<[1], [0], [0], [1], [0, 0, 1, 1], [], []>, transpose_lhs_hint = false} : vector<512x128xf32>, vector<128x64xf32>, vector<512x64xf32> -> vector<512x64xf32>
    %slice3A = vector.extract_strided_slice %get3A_1 {offsets = [0, 127], sizes = [512, 1], strides = [1, 1]} : vector<512x128xf32> to vector<512x1xf32>
    %get3A_12 = arith.constant 0 : index
    %get3A_13 = arith.constant 0 : index
    %get3A_14 = vector.load %arg5[%get3A_12, %get3A_13] : memref<1x64xf32, #tpu.memory_space<vmem>>, vector<1x64xf32>
    %mul3A_15 = vector.broadcast %slice3A : vector<512x1xf32> to vector<512x64xf32>
    %mul3A_16 = vector.broadcast %get3A_14 : vector<1x64xf32> to vector<512x64xf32>
    %mul3A_17 = arith.mulf %mul3A_15, %mul3A_16 : vector<512x64xf32>
    %add3A = arith.addf %dot_general3A_11, %mul3A_17 : vector<512x64xf32>
    %get3A_18 = arith.constant 0 : index
    %get3A_19 = arith.constant 0 : index
    %get3A_20 = vector.load %arg6[%get3A_18, %get3A_19] : memref<1x64xf32, #tpu.memory_space<vmem>>, vector<1x64xf32>
    %mul3A_21 = vector.broadcast %get3A_4 : vector<512x1xf32> to vector<512x64xf32>
    %mul3A_22 = vector.broadcast %get3A_20 : vector<1x64xf32> to vector<512x64xf32>
    %mul3A_23 = arith.mulf %mul3A_21, %mul3A_22 : vector<512x64xf32>
    %add3A_24 = arith.addf %add3A, %mul3A_23 : vector<512x64xf32>
    %get3A_25 = arith.constant 0 : index
    %get3A_26 = arith.constant 0 : index
    %get3A_27 = vector.load %arg7[%get3A_25, %get3A_26] : memref<1x64xf32, #tpu.memory_space<vmem>>, vector<1x64xf32>
    %add3A_28 = vector.broadcast %get3A_27 : vector<1x64xf32> to vector<512x64xf32>
    %add3A_29 = arith.addf %add3A_24, %add3A_28 : vector<512x64xf32>
    %max3A = arith.constant 0.000000e+00 : f32
    %max3A_30 = vector.broadcast %max3A : f32 to vector<512x64xf32>
    %max3A_31 = arith.maximumf %add3A_29, %max3A_30 : vector<512x64xf32>
    %get3A_32 = arith.constant 0 : index
    %get3A_33 = arith.constant 0 : index
    %get3A_34 = vector.load %arg8[%get3A_32, %get3A_33] : memref<64x1xf32, #tpu.memory_space<vmem>>, vector<64x1xf32>
    %dot_general3A_35 = arith.constant dense<0.000000e+00> : vector<512x1xf32>
    %dot_general3A_36 = tpu.matmul %max3A_31, %get3A_34, %dot_general3A_35 {dimension_numbers = #tpu.dot_dimension_numbers<[1], [0], [0], [1], [0, 0, 1, 1], [], []>, transpose_lhs_hint = false} : vector<512x64xf32>, vector<64x1xf32>, vector<512x1xf32> -> vector<512x1xf32>
    %get3A_37 = arith.constant 0 : index
    %get3A_38 = arith.constant 0 : index
    %get3A_39 = vector.load %arg9[%get3A_37, %get3A_38] : memref<1x1xf32, #tpu.memory_space<vmem>>, vector<1x1xf32>
    %add3A_40 = vector.broadcast %get3A_39 : vector<1x1xf32> to vector<512x1xf32>
    %add3A_41 = arith.addf %dot_general3A_36, %add3A_40 : vector<512x1xf32>
    %swap3A = arith.constant 0 : index
    %swap3A_42 = arith.constant 0 : index
    %swap3A_43 = vector.load %arg10[%swap3A, %swap3A_42] : memref<512x1xf32, #tpu.memory_space<vmem>>, vector<512x1xf32>
    tpu.vector_store %arg10[%swap3A, %swap3A_42], %add3A_41 {strides = array<i32>} : memref<512x1xf32, #tpu.memory_space<vmem>>, vector<512x1xf32>,
    %mul3A_44 = vector.broadcast %get3A_4 : vector<512x1xf32> to vector<512x128xf32>
    %mul3A_45 = arith.mulf %get3A_1, %mul3A_44 : vector<512x128xf32>
    %swap3A_46 = arith.constant 0 : index
    %swap3A_47 = arith.constant 0 : index
    %swap3A_48 = vector.load %arg11[%swap3A_46, %swap3A_47] : memref<512x128xf32, #tpu.memory_space<vmem>>, vector<512x128xf32>
    tpu.vector_store %arg11[%swap3A_46, %swap3A_47], %mul3A_45 {strides = array<i32>} : memref<512x128xf32, #tpu.memory_space<vmem>>, vector<512x128xf32>,
    return
  }
  func.func @transform_0(%arg0: i32) -> (i32, i32) {
    %c0_i32 = arith.constant 0 : i32
    %c0_i32_0 = arith.constant 0 : i32
    return %arg0, %c0_i32 : i32, i32
  }
  func.func @transform_1(%arg0: i32) -> (i32, i32) {
    %c0_i32 = arith.constant 0 : i32
    %c0_i32_0 = arith.constant 0 : i32
    return %arg0, %c0_i32 : i32, i32
  }
  func.func @transform_2(%arg0: i32) -> (i32, i32) {
    %c0_i32 = arith.constant 0 : i32
    %c0_i32_0 = arith.constant 0 : i32
    return %arg0, %c0_i32 : i32, i32
  }
  func.func @transform_3(%arg0: i32) -> (i32, i32) {
    %c0_i32 = arith.constant 0 : i32
    %c0_i32_0 = arith.constant 0 : i32
    %c0_i32_1 = arith.constant 0 : i32
    return %c0_i32, %c0_i32_0 : i32, i32
  }
  func.func @transform_4(%arg0: i32) -> (i32, i32) {
    %c0_i32 = arith.constant 0 : i32
    %c0_i32_0 = arith.constant 0 : i32
    %c0_i32_1 = arith.constant 0 : i32
    return %c0_i32, %c0_i32_0 : i32, i32
  }
  func.func @transform_5(%arg0: i32) -> (i32, i32) {
    %c0_i32 = arith.constant 0 : i32
    %c0_i32_0 = arith.constant 0 : i32
    %c0_i32_1 = arith.constant 0 : i32
    return %c0_i32, %c0_i32_0 : i32, i32
  }
  func.func @transform_6(%arg0: i32) -> (i32, i32) {
    %c0_i32 = arith.constant 0 : i32
    %c0_i32_0 = arith.constant 0 : i32
    %c0_i32_1 = arith.constant 0 : i32
    return %c0_i32, %c0_i32_0 : i32, i32
  }
  func.func @transform_7(%arg0: i32) -> (i32, i32) {
    %c0_i32 = arith.constant 0 : i32
    %c0_i32_0 = arith.constant 0 : i32
    %c0_i32_1 = arith.constant 0 : i32
    return %c0_i32, %c0_i32_0 : i32, i32
  }
  func.func @transform_8(%arg0: i32) -> (i32, i32) {
    %c0_i32 = arith.constant 0 : i32
    %c0_i32_0 = arith.constant 0 : i32
    %c0_i32_1 = arith.constant 0 : i32
    return %c0_i32, %c0_i32_0 : i32, i32
  }
  func.func @transform_9(%arg0: i32) -> (i32, i32) {
    %c0_i32 = arith.constant 0 : i32
    %c0_i32_0 = arith.constant 0 : i32
    return %arg0, %c0_i32 : i32, i32
  }
  func.func @transform_10(%arg0: i32) -> (i32, i32) {
    %c0_i32 = arith.constant 0 : i32
    %c0_i32_0 = arith.constant 0 : i32
    return %arg0, %c0_i32 : i32, i32
  }
}

module attributes {stable_mosaic.version = 14 : i64} {
  func.func @body(%arg0: i32, %arg1: memref<1000x128xf32, #tpu.memory_space<vmem>>, %arg2: memref<1000x128xf32, #tpu.memory_space<vmem>>, %arg3: memref<1000x128xf32, #tpu.memory_space<vmem>>, %arg4: memref<128x128xf32, #tpu.memory_space<vmem>>, %arg5: memref<128x128xf32, #tpu.memory_space<vmem>>, %arg6: memref<1x128xf32, #tpu.memory_space<vmem>>, %arg7: memref<1000x128xf32, #tpu.memory_space<vmem>>) attributes {dimension_semantics = [#tpu.dimension_semantics<arbitrary>], iteration_bounds = array<i64: 10>, scalar_prefetch = 0 : i64, scratch_operands = 0 : i64, tpu.core_type = #tpu.core_type<tc>, window_params = [{transform_indices = @transform_0, window_bounds = array<i64: 1000, 128>}, {transform_indices = @transform_1, window_bounds = array<i64: 1000, 128>}, {transform_indices = @transform_2, window_bounds = array<i64: 1000, 128>}, {pipeline_mode = #tpu.pipeline_mode<synchronous>, transform_indices = @transform_3, window_bounds = array<i64: 128, 128>}, {pipeline_mode = #tpu.pipeline_mode<synchronous>, transform_indices = @transform_4, window_bounds = array<i64: 128, 128>}, {pipeline_mode = #tpu.pipeline_mode<synchronous>, transform_indices = @transform_5, window_bounds = array<i64: 1, 128>}, {transform_indices = @transform_6, window_bounds = array<i64: 1000, 128>}]} {
    %get3A = arith.constant 0 : index
    %get3A_0 = arith.constant 0 : index
    %get3A_1 = vector.load %arg1[%get3A, %get3A_0] : memref<1000x128xf32, #tpu.memory_space<vmem>>, vector<1000x128xf32>
    %get3A_2 = arith.constant 0 : index
    %get3A_3 = arith.constant 0 : index
    %get3A_4 = vector.load %arg2[%get3A_2, %get3A_3] : memref<1000x128xf32, #tpu.memory_space<vmem>>, vector<1000x128xf32>
    %add3A = arith.addf %get3A_1, %get3A_4 : vector<1000x128xf32>
    %get3A_5 = arith.constant 0 : index
    %get3A_6 = arith.constant 0 : index
    %get3A_7 = vector.load %arg4[%get3A_5, %get3A_6] : memref<128x128xf32, #tpu.memory_space<vmem>>, vector<128x128xf32>
    %dot_general3A = arith.constant dense<0.000000e+00> : vector<1000x128xf32>
    %dot_general3A_8 = tpu.matmul %add3A, %get3A_7, %dot_general3A {dimension_numbers = #tpu.dot_dimension_numbers<[1], [0], [0], [1], [0, 0, 1, 1], [], []>, transpose_lhs_hint = false} : vector<1000x128xf32>, vector<128x128xf32>, vector<1000x128xf32> -> vector<1000x128xf32>
    %get3A_9 = arith.constant 0 : index
    %get3A_10 = arith.constant 0 : index
    %get3A_11 = vector.load %arg3[%get3A_9, %get3A_10] : memref<1000x128xf32, #tpu.memory_space<vmem>>, vector<1000x128xf32>
    %get3A_12 = arith.constant 0 : index
    %get3A_13 = arith.constant 0 : index
    %get3A_14 = vector.load %arg5[%get3A_12, %get3A_13] : memref<128x128xf32, #tpu.memory_space<vmem>>, vector<128x128xf32>
    %dot_general3A_15 = arith.constant dense<0.000000e+00> : vector<1000x128xf32>
    %dot_general3A_16 = tpu.matmul %get3A_11, %get3A_14, %dot_general3A_15 {dimension_numbers = #tpu.dot_dimension_numbers<[1], [0], [0], [1], [0, 0, 1, 1], [], []>, transpose_lhs_hint = false} : vector<1000x128xf32>, vector<128x128xf32>, vector<1000x128xf32> -> vector<1000x128xf32>
    %add3A_17 = arith.addf %dot_general3A_8, %dot_general3A_16 : vector<1000x128xf32>
    %get3A_18 = arith.constant 0 : index
    %get3A_19 = arith.constant 0 : index
    %get3A_20 = vector.load %arg6[%get3A_18, %get3A_19] : memref<1x128xf32, #tpu.memory_space<vmem>>, vector<1x128xf32>
    %add3A_21 = vector.broadcast %get3A_20 : vector<1x128xf32> to vector<1000x128xf32>
    %add3A_22 = arith.addf %add3A_17, %add3A_21 : vector<1000x128xf32>
    %max3A = arith.constant 0.000000e+00 : f32
    %max3A_23 = vector.broadcast %max3A : f32 to vector<1000x128xf32>
    %max3A_24 = arith.maximumf %add3A_22, %max3A_23 : vector<1000x128xf32>
    %swap3A = arith.constant 0 : index
    %swap3A_25 = arith.constant 0 : index
    %swap3A_26 = vector.load %arg7[%swap3A, %swap3A_25] : memref<1000x128xf32, #tpu.memory_space<vmem>>, vector<1000x128xf32>
    tpu.vector_store %arg7[%swap3A, %swap3A_25], %max3A_24 {strides = array<i32>} : memref<1000x128xf32, #tpu.memory_space<vmem>>, vector<1000x128xf32>,
    return
  }
  func.func @transform_0(%arg0: i32) -> (i32, i32) {
    %c0_i32 = arith.constant 0 : i32
    %c0_i32_0 = arith.constant 0 : i32
    return %arg0, %c0_i32 : i32, i32
  }
  func.func @transform_1(%arg0: i32) -> (i32, i32) {
    %add3A = arith.constant 10 : i32
    %add3A_0 = arith.addi %arg0, %add3A : i32
    %c0_i32 = arith.constant 0 : i32
    %c0_i32_1 = arith.constant 0 : i32
    return %add3A_0, %c0_i32 : i32, i32
  }
  func.func @transform_2(%arg0: i32) -> (i32, i32) {
    %c0_i32 = arith.constant 0 : i32
    %c0_i32_0 = arith.constant 0 : i32
    return %arg0, %c0_i32 : i32, i32
  }
  func.func @transform_3(%arg0: i32) -> (i32, i32) {
    %c0_i32 = arith.constant 0 : i32
    %c0_i32_0 = arith.constant 0 : i32
    %c0_i32_1 = arith.constant 0 : i32
    return %c0_i32, %c0_i32_0 : i32, i32
  }
  func.func @transform_4(%arg0: i32) -> (i32, i32) {
    %c0_i32 = arith.constant 0 : i32
    %c0_i32_0 = arith.constant 0 : i32
    %c0_i32_1 = arith.constant 0 : i32
    return %c0_i32, %c0_i32_0 : i32, i32
  }
  func.func @transform_5(%arg0: i32) -> (i32, i32) {
    %c0_i32 = arith.constant 0 : i32
    %c0_i32_0 = arith.constant 0 : i32
    %c0_i32_1 = arith.constant 0 : i32
    return %c0_i32, %c0_i32_0 : i32, i32
  }
  func.func @transform_6(%arg0: i32) -> (i32, i32) {
    %c0_i32 = arith.constant 0 : i32
    %c0_i32_0 = arith.constant 0 : i32
    return %arg0, %c0_i32 : i32, i32
  }
}

module attributes {stable_mosaic.version = 14 : i64} {
  func.func @body(%arg0: i32, %arg1: memref<512x128xf32, #tpu.memory_space<vmem>>, %arg2: memref<512x128xf32, #tpu.memory_space<vmem>>, %arg3: memref<512x1xf32, #tpu.memory_space<vmem>>, %arg4: memref<128x128xf32, #tpu.memory_space<vmem>>, %arg5: memref<1x128xf32, #tpu.memory_space<vmem>>, %arg6: memref<1x128xf32, #tpu.memory_space<vmem>>, %arg7: memref<1x128xf32, #tpu.memory_space<vmem>>, %arg8: memref<128x1xf32, #tpu.memory_space<vmem>>, %arg9: memref<1x1xf32, #tpu.memory_space<vmem>>, %arg10: memref<512x1xf32, #tpu.memory_space<vmem>>, %arg11: memref<512x128xf32, #tpu.memory_space<vmem>>) attributes {dimension_semantics = [#tpu.dimension_semantics<arbitrary>], iteration_bounds = array<i64: 625>, scalar_prefetch = 0 : i64, scratch_operands = 0 : i64, tpu.core_type = #tpu.core_type<tc>, window_params = [{transform_indices = @transform_0, window_bounds = array<i64: 512, 128>}, {transform_indices = @transform_1, window_bounds = array<i64: 512, 128>}, {transform_indices = @transform_2, window_bounds = array<i64: 512, 1>}, {pipeline_mode = #tpu.pipeline_mode<synchronous>, transform_indices = @transform_3, window_bounds = array<i64: 128, 128>}, {pipeline_mode = #tpu.pipeline_mode<synchronous>, transform_indices = @transform_4, window_bounds = array<i64: 1, 128>}, {pipeline_mode = #tpu.pipeline_mode<synchronous>, transform_indices = @transform_5, window_bounds = array<i64: 1, 128>}, {pipeline_mode = #tpu.pipeline_mode<synchronous>, transform_indices = @transform_6, window_bounds = array<i64: 1, 128>}, {pipeline_mode = #tpu.pipeline_mode<synchronous>, transform_indices = @transform_7, window_bounds = array<i64: 128, 1>}, {pipeline_mode = #tpu.pipeline_mode<synchronous>, transform_indices = @transform_8, window_bounds = array<i64: 1, 1>}, {transform_indices = @transform_9, window_bounds = array<i64: 512, 1>}, {transform_indices = @transform_10, window_bounds = array<i64: 512, 128>}]} {
    %get3A = arith.constant 0 : index
    %get3A_0 = arith.constant 0 : index
    %get3A_1 = vector.load %arg1[%get3A, %get3A_0] : memref<512x128xf32, #tpu.memory_space<vmem>>, vector<512x128xf32>
    %get3A_2 = arith.constant 0 : index
    %get3A_3 = arith.constant 0 : index
    %get3A_4 = vector.load %arg3[%get3A_2, %get3A_3] : memref<512x1xf32, #tpu.memory_space<vmem>>, vector<512x1xf32>
    %get3A_5 = arith.constant 0 : index
    %get3A_6 = arith.constant 0 : index
    %get3A_7 = vector.load %arg2[%get3A_5, %get3A_6] : memref<512x128xf32, #tpu.memory_space<vmem>>, vector<512x128xf32>
    %sub3A = arith.subf %get3A_1, %get3A_7 : vector<512x128xf32>
    %mul3A = arith.mulf %sub3A, %sub3A : vector<512x128xf32>
    %get3A_8 = arith.constant 0 : index
    %get3A_9 = arith.constant 0 : index
    %get3A_10 = vector.load %arg4[%get3A_8, %get3A_9] : memref<128x128xf32, #tpu.memory_space<vmem>>, vector<128x128xf32>
    %dot_general3A = arith.constant dense<0.000000e+00> : vector<512x128xf32>
    %dot_general3A_11 = tpu.matmul %mul3A, %get3A_10, %dot_general3A {dimension_numbers = #tpu.dot_dimension_numbers<[1], [0], [0], [1], [0, 0, 1, 1], [], []>, transpose_lhs_hint = false} : vector<512x128xf32>, vector<128x128xf32>, vector<512x128xf32> -> vector<512x128xf32>
    %slice3A = vector.extract_strided_slice %get3A_1 {offsets = [0, 127], sizes = [512, 1], strides = [1, 1]} : vector<512x128xf32> to vector<512x1xf32>
    %get3A_12 = arith.constant 0 : index
    %get3A_13 = arith.constant 0 : index
    %get3A_14 = vector.load %arg5[%get3A_12, %get3A_13] : memref<1x128xf32, #tpu.memory_space<vmem>>, vector<1x128xf32>
    %mul3A_15 = vector.broadcast %slice3A : vector<512x1xf32> to vector<512x128xf32>
    %mul3A_16 = vector.broadcast %get3A_14 : vector<1x128xf32> to vector<512x128xf32>
    %mul3A_17 = arith.mulf %mul3A_15, %mul3A_16 : vector<512x128xf32>
    %add3A = arith.addf %dot_general3A_11, %mul3A_17 : vector<512x128xf32>
    %get3A_18 = arith.constant 0 : index
    %get3A_19 = arith.constant 0 : index
    %get3A_20 = vector.load %arg6[%get3A_18, %get3A_19] : memref<1x128xf32, #tpu.memory_space<vmem>>, vector<1x128xf32>
    %mul3A_21 = vector.broadcast %get3A_4 : vector<512x1xf32> to vector<512x128xf32>
    %mul3A_22 = vector.broadcast %get3A_20 : vector<1x128xf32> to vector<512x128xf32>
    %mul3A_23 = arith.mulf %mul3A_21, %mul3A_22 : vector<512x128xf32>
    %add3A_24 = arith.addf %add3A, %mul3A_23 : vector<512x128xf32>
    %get3A_25 = arith.constant 0 : index
    %get3A_26 = arith.constant 0 : index
    %get3A_27 = vector.load %arg7[%get3A_25, %get3A_26] : memref<1x128xf32, #tpu.memory_space<vmem>>, vector<1x128xf32>
    %add3A_28 = vector.broadcast %get3A_27 : vector<1x128xf32> to vector<512x128xf32>
    %add3A_29 = arith.addf %add3A_24, %add3A_28 : vector<512x128xf32>
    %max3A = arith.constant 0.000000e+00 : f32
    %max3A_30 = vector.broadcast %max3A : f32 to vector<512x128xf32>
    %max3A_31 = arith.maximumf %add3A_29, %max3A_30 : vector<512x128xf32>
    %get3A_32 = arith.constant 0 : index
    %get3A_33 = arith.constant 0 : index
    %get3A_34 = vector.load %arg8[%get3A_32, %get3A_33] : memref<128x1xf32, #tpu.memory_space<vmem>>, vector<128x1xf32>
    %dot_general3A_35 = arith.constant dense<0.000000e+00> : vector<512x1xf32>
    %dot_general3A_36 = tpu.matmul %max3A_31, %get3A_34, %dot_general3A_35 {dimension_numbers = #tpu.dot_dimension_numbers<[1], [0], [0], [1], [0, 0, 1, 1], [], []>, transpose_lhs_hint = false} : vector<512x128xf32>, vector<128x1xf32>, vector<512x1xf32> -> vector<512x1xf32>
    %get3A_37 = arith.constant 0 : index
    %get3A_38 = arith.constant 0 : index
    %get3A_39 = vector.load %arg9[%get3A_37, %get3A_38] : memref<1x1xf32, #tpu.memory_space<vmem>>, vector<1x1xf32>
    %add3A_40 = vector.broadcast %get3A_39 : vector<1x1xf32> to vector<512x1xf32>
    %add3A_41 = arith.addf %dot_general3A_36, %add3A_40 : vector<512x1xf32>
    %swap3A = arith.constant 0 : index
    %swap3A_42 = arith.constant 0 : index
    %swap3A_43 = vector.load %arg10[%swap3A, %swap3A_42] : memref<512x1xf32, #tpu.memory_space<vmem>>, vector<512x1xf32>
    tpu.vector_store %arg10[%swap3A, %swap3A_42], %add3A_41 {strides = array<i32>} : memref<512x1xf32, #tpu.memory_space<vmem>>, vector<512x1xf32>,
    %mul3A_44 = vector.broadcast %get3A_4 : vector<512x1xf32> to vector<512x128xf32>
    %mul3A_45 = arith.mulf %get3A_1, %mul3A_44 : vector<512x128xf32>
    %swap3A_46 = arith.constant 0 : index
    %swap3A_47 = arith.constant 0 : index
    %swap3A_48 = vector.load %arg11[%swap3A_46, %swap3A_47] : memref<512x128xf32, #tpu.memory_space<vmem>>, vector<512x128xf32>
    tpu.vector_store %arg11[%swap3A_46, %swap3A_47], %mul3A_45 {strides = array<i32>} : memref<512x128xf32, #tpu.memory_space<vmem>>, vector<512x128xf32>,
    return
  }
  func.func @transform_0(%arg0: i32) -> (i32, i32) {
    %c0_i32 = arith.constant 0 : i32
    %c0_i32_0 = arith.constant 0 : i32
    return %arg0, %c0_i32 : i32, i32
  }
  func.func @transform_1(%arg0: i32) -> (i32, i32) {
    %c0_i32 = arith.constant 0 : i32
    %c0_i32_0 = arith.constant 0 : i32
    return %arg0, %c0_i32 : i32, i32
  }
  func.func @transform_2(%arg0: i32) -> (i32, i32) {
    %c0_i32 = arith.constant 0 : i32
    %c0_i32_0 = arith.constant 0 : i32
    return %arg0, %c0_i32 : i32, i32
  }
  func.func @transform_3(%arg0: i32) -> (i32, i32) {
    %c0_i32 = arith.constant 0 : i32
    %c0_i32_0 = arith.constant 0 : i32
    %c0_i32_1 = arith.constant 0 : i32
    return %c0_i32, %c0_i32_0 : i32, i32
  }
  func.func @transform_4(%arg0: i32) -> (i32, i32) {
    %c0_i32 = arith.constant 0 : i32
    %c0_i32_0 = arith.constant 0 : i32
    %c0_i32_1 = arith.constant 0 : i32
    return %c0_i32, %c0_i32_0 : i32, i32
  }
  func.func @transform_5(%arg0: i32) -> (i32, i32) {
    %c0_i32 = arith.constant 0 : i32
    %c0_i32_0 = arith.constant 0 : i32
    %c0_i32_1 = arith.constant 0 : i32
    return %c0_i32, %c0_i32_0 : i32, i32
  }
  func.func @transform_6(%arg0: i32) -> (i32, i32) {
    %c0_i32 = arith.constant 0 : i32
    %c0_i32_0 = arith.constant 0 : i32
    %c0_i32_1 = arith.constant 0 : i32
    return %c0_i32, %c0_i32_0 : i32, i32
  }
  func.func @transform_7(%arg0: i32) -> (i32, i32) {
    %c0_i32 = arith.constant 0 : i32
    %c0_i32_0 = arith.constant 0 : i32
    %c0_i32_1 = arith.constant 0 : i32
    return %c0_i32, %c0_i32_0 : i32, i32
  }
  func.func @transform_8(%arg0: i32) -> (i32, i32) {
    %c0_i32 = arith.constant 0 : i32
    %c0_i32_0 = arith.constant 0 : i32
    %c0_i32_1 = arith.constant 0 : i32
    return %c0_i32, %c0_i32_0 : i32, i32
  }
  func.func @transform_9(%arg0: i32) -> (i32, i32) {
    %c0_i32 = arith.constant 0 : i32
    %c0_i32_0 = arith.constant 0 : i32
    return %arg0, %c0_i32 : i32, i32
  }
  func.func @transform_10(%arg0: i32) -> (i32, i32) {
    %c0_i32 = arith.constant 0 : i32
    %c0_i32_0 = arith.constant 0 : i32
    return %arg0, %c0_i32 : i32, i32
  }
}

module attributes {stable_mosaic.version = 14 : i64} {
  func.func @body(%arg0: i32, %arg1: memref<1000x128xf32, #tpu.memory_space<vmem>>, %arg2: memref<1000x128xf32, #tpu.memory_space<vmem>>, %arg3: memref<1000x128xf32, #tpu.memory_space<vmem>>, %arg4: memref<128x256xf32, #tpu.memory_space<vmem>>, %arg5: memref<128x256xf32, #tpu.memory_space<vmem>>, %arg6: memref<1x256xf32, #tpu.memory_space<vmem>>, %arg7: memref<1000x256xf32, #tpu.memory_space<vmem>>) attributes {dimension_semantics = [#tpu.dimension_semantics<arbitrary>], iteration_bounds = array<i64: 10>, scalar_prefetch = 0 : i64, scratch_operands = 0 : i64, tpu.core_type = #tpu.core_type<tc>, window_params = [{transform_indices = @transform_0, window_bounds = array<i64: 1000, 128>}, {transform_indices = @transform_1, window_bounds = array<i64: 1000, 128>}, {transform_indices = @transform_2, window_bounds = array<i64: 1000, 128>}, {pipeline_mode = #tpu.pipeline_mode<synchronous>, transform_indices = @transform_3, window_bounds = array<i64: 128, 256>}, {pipeline_mode = #tpu.pipeline_mode<synchronous>, transform_indices = @transform_4, window_bounds = array<i64: 128, 256>}, {pipeline_mode = #tpu.pipeline_mode<synchronous>, transform_indices = @transform_5, window_bounds = array<i64: 1, 256>}, {transform_indices = @transform_6, window_bounds = array<i64: 1000, 256>}]} {
    %get3A = arith.constant 0 : index
    %get3A_0 = arith.constant 0 : index
    %get3A_1 = vector.load %arg1[%get3A, %get3A_0] : memref<1000x128xf32, #tpu.memory_space<vmem>>, vector<1000x128xf32>
    %get3A_2 = arith.constant 0 : index
    %get3A_3 = arith.constant 0 : index
    %get3A_4 = vector.load %arg2[%get3A_2, %get3A_3] : memref<1000x128xf32, #tpu.memory_space<vmem>>, vector<1000x128xf32>
    %add3A = arith.addf %get3A_1, %get3A_4 : vector<1000x128xf32>
    %get3A_5 = arith.constant 0 : index
    %get3A_6 = arith.constant 0 : index
    %get3A_7 = vector.load %arg4[%get3A_5, %get3A_6] : memref<128x256xf32, #tpu.memory_space<vmem>>, vector<128x256xf32>
    %dot_general3A = arith.constant dense<0.000000e+00> : vector<1000x256xf32>
    %dot_general3A_8 = tpu.matmul %add3A, %get3A_7, %dot_general3A {dimension_numbers = #tpu.dot_dimension_numbers<[1], [0], [0], [1], [0, 0, 1, 1], [], []>, transpose_lhs_hint = false} : vector<1000x128xf32>, vector<128x256xf32>, vector<1000x256xf32> -> vector<1000x256xf32>
    %get3A_9 = arith.constant 0 : index
    %get3A_10 = arith.constant 0 : index
    %get3A_11 = vector.load %arg3[%get3A_9, %get3A_10] : memref<1000x128xf32, #tpu.memory_space<vmem>>, vector<1000x128xf32>
    %get3A_12 = arith.constant 0 : index
    %get3A_13 = arith.constant 0 : index
    %get3A_14 = vector.load %arg5[%get3A_12, %get3A_13] : memref<128x256xf32, #tpu.memory_space<vmem>>, vector<128x256xf32>
    %dot_general3A_15 = arith.constant dense<0.000000e+00> : vector<1000x256xf32>
    %dot_general3A_16 = tpu.matmul %get3A_11, %get3A_14, %dot_general3A_15 {dimension_numbers = #tpu.dot_dimension_numbers<[1], [0], [0], [1], [0, 0, 1, 1], [], []>, transpose_lhs_hint = false} : vector<1000x128xf32>, vector<128x256xf32>, vector<1000x256xf32> -> vector<1000x256xf32>
    %add3A_17 = arith.addf %dot_general3A_8, %dot_general3A_16 : vector<1000x256xf32>
    %get3A_18 = arith.constant 0 : index
    %get3A_19 = arith.constant 0 : index
    %get3A_20 = vector.load %arg6[%get3A_18, %get3A_19] : memref<1x256xf32, #tpu.memory_space<vmem>>, vector<1x256xf32>
    %add3A_21 = vector.broadcast %get3A_20 : vector<1x256xf32> to vector<1000x256xf32>
    %add3A_22 = arith.addf %add3A_17, %add3A_21 : vector<1000x256xf32>
    %max3A = arith.constant 0.000000e+00 : f32
    %max3A_23 = vector.broadcast %max3A : f32 to vector<1000x256xf32>
    %max3A_24 = arith.maximumf %add3A_22, %max3A_23 : vector<1000x256xf32>
    %swap3A = arith.constant 0 : index
    %swap3A_25 = arith.constant 0 : index
    %swap3A_26 = vector.load %arg7[%swap3A, %swap3A_25] : memref<1000x256xf32, #tpu.memory_space<vmem>>, vector<1000x256xf32>
    tpu.vector_store %arg7[%swap3A, %swap3A_25], %max3A_24 {strides = array<i32>} : memref<1000x256xf32, #tpu.memory_space<vmem>>, vector<1000x256xf32>,
    return
  }
  func.func @transform_0(%arg0: i32) -> (i32, i32) {
    %c0_i32 = arith.constant 0 : i32
    %c0_i32_0 = arith.constant 0 : i32
    return %arg0, %c0_i32 : i32, i32
  }
  func.func @transform_1(%arg0: i32) -> (i32, i32) {
    %add3A = arith.constant 10 : i32
    %add3A_0 = arith.addi %arg0, %add3A : i32
    %c0_i32 = arith.constant 0 : i32
    %c0_i32_1 = arith.constant 0 : i32
    return %add3A_0, %c0_i32 : i32, i32
  }
  func.func @transform_2(%arg0: i32) -> (i32, i32) {
    %c0_i32 = arith.constant 0 : i32
    %c0_i32_0 = arith.constant 0 : i32
    return %arg0, %c0_i32 : i32, i32
  }
  func.func @transform_3(%arg0: i32) -> (i32, i32) {
    %c0_i32 = arith.constant 0 : i32
    %c0_i32_0 = arith.constant 0 : i32
    %c0_i32_1 = arith.constant 0 : i32
    return %c0_i32, %c0_i32_0 : i32, i32
  }
  func.func @transform_4(%arg0: i32) -> (i32, i32) {
    %c0_i32 = arith.constant 0 : i32
    %c0_i32_0 = arith.constant 0 : i32
    %c0_i32_1 = arith.constant 0 : i32
    return %c0_i32, %c0_i32_0 : i32, i32
  }
  func.func @transform_5(%arg0: i32) -> (i32, i32) {
    %c0_i32 = arith.constant 0 : i32
    %c0_i32_0 = arith.constant 0 : i32
    %c0_i32_1 = arith.constant 0 : i32
    return %c0_i32, %c0_i32_0 : i32, i32
  }
  func.func @transform_6(%arg0: i32) -> (i32, i32) {
    %c0_i32 = arith.constant 0 : i32
    %c0_i32_0 = arith.constant 0 : i32
    return %arg0, %c0_i32 : i32, i32
  }
}

module attributes {stable_mosaic.version = 14 : i64} {
  func.func @body(%arg0: i32, %arg1: memref<512x256xf32, #tpu.memory_space<vmem>>, %arg2: memref<512x256xf32, #tpu.memory_space<vmem>>, %arg3: memref<512x1xf32, #tpu.memory_space<vmem>>, %arg4: memref<256x128xf32, #tpu.memory_space<vmem>>, %arg5: memref<256x64xf32, #tpu.memory_space<vmem>>, %arg6: memref<1x64xf32, #tpu.memory_space<vmem>>, %arg7: memref<1x64xf32, #tpu.memory_space<vmem>>, %arg8: memref<1x64xf32, #tpu.memory_space<vmem>>, %arg9: memref<64x1xf32, #tpu.memory_space<vmem>>, %arg10: memref<1x1xf32, #tpu.memory_space<vmem>>, %arg11: memref<512x1xf32, #tpu.memory_space<vmem>>, %arg12: memref<512x128xf32, #tpu.memory_space<vmem>>) attributes {dimension_semantics = [#tpu.dimension_semantics<arbitrary>], iteration_bounds = array<i64: 625>, scalar_prefetch = 0 : i64, scratch_operands = 0 : i64, tpu.core_type = #tpu.core_type<tc>, window_params = [{transform_indices = @transform_0, window_bounds = array<i64: 512, 256>}, {transform_indices = @transform_1, window_bounds = array<i64: 512, 256>}, {transform_indices = @transform_2, window_bounds = array<i64: 512, 1>}, {pipeline_mode = #tpu.pipeline_mode<synchronous>, transform_indices = @transform_3, window_bounds = array<i64: 256, 128>}, {pipeline_mode = #tpu.pipeline_mode<synchronous>, transform_indices = @transform_4, window_bounds = array<i64: 256, 64>}, {pipeline_mode = #tpu.pipeline_mode<synchronous>, transform_indices = @transform_5, window_bounds = array<i64: 1, 64>}, {pipeline_mode = #tpu.pipeline_mode<synchronous>, transform_indices = @transform_6, window_bounds = array<i64: 1, 64>}, {pipeline_mode = #tpu.pipeline_mode<synchronous>, transform_indices = @transform_7, window_bounds = array<i64: 1, 64>}, {pipeline_mode = #tpu.pipeline_mode<synchronous>, transform_indices = @transform_8, window_bounds = array<i64: 64, 1>}, {pipeline_mode = #tpu.pipeline_mode<synchronous>, transform_indices = @transform_9, window_bounds = array<i64: 1, 1>}, {transform_indices = @transform_10, window_bounds = array<i64: 512, 1>}, {transform_indices = @transform_11, window_bounds = array<i64: 512, 128>}]} {
    %get3A = arith.constant 0 : index
    %get3A_0 = arith.constant 0 : index
    %get3A_1 = vector.load %arg1[%get3A, %get3A_0] : memref<512x256xf32, #tpu.memory_space<vmem>>, vector<512x256xf32>
    %get3A_2 = arith.constant 0 : index
    %get3A_3 = arith.constant 0 : index
    %get3A_4 = vector.load %arg3[%get3A_2, %get3A_3] : memref<512x1xf32, #tpu.memory_space<vmem>>, vector<512x1xf32>
    %get3A_5 = arith.constant 0 : index
    %get3A_6 = arith.constant 0 : index
    %get3A_7 = vector.load %arg2[%get3A_5, %get3A_6] : memref<512x256xf32, #tpu.memory_space<vmem>>, vector<512x256xf32>
    %sub3A = arith.subf %get3A_1, %get3A_7 : vector<512x256xf32>
    %mul3A = arith.mulf %sub3A, %sub3A : vector<512x256xf32>
    %get3A_8 = arith.constant 0 : index
    %get3A_9 = arith.constant 0 : index
    %get3A_10 = vector.load %arg5[%get3A_8, %get3A_9] : memref<256x64xf32, #tpu.memory_space<vmem>>, vector<256x64xf32>
    %dot_general3A = arith.constant dense<0.000000e+00> : vector<512x64xf32>
    %dot_general3A_11 = tpu.matmul %mul3A, %get3A_10, %dot_general3A {dimension_numbers = #tpu.dot_dimension_numbers<[1], [0], [0], [1], [0, 0, 1, 1], [], []>, transpose_lhs_hint = false} : vector<512x256xf32>, vector<256x64xf32>, vector<512x64xf32> -> vector<512x64xf32>
    %slice3A = vector.extract_strided_slice %get3A_1 {offsets = [0, 255], sizes = [512, 1], strides = [1, 1]} : vector<512x256xf32> to vector<512x1xf32>
    %get3A_12 = arith.constant 0 : index
    %get3A_13 = arith.constant 0 : index
    %get3A_14 = vector.load %arg6[%get3A_12, %get3A_13] : memref<1x64xf32, #tpu.memory_space<vmem>>, vector<1x64xf32>
    %mul3A_15 = vector.broadcast %slice3A : vector<512x1xf32> to vector<512x64xf32>
    %mul3A_16 = vector.broadcast %get3A_14 : vector<1x64xf32> to vector<512x64xf32>
    %mul3A_17 = arith.mulf %mul3A_15, %mul3A_16 : vector<512x64xf32>
    %add3A = arith.addf %dot_general3A_11, %mul3A_17 : vector<512x64xf32>
    %get3A_18 = arith.constant 0 : index
    %get3A_19 = arith.constant 0 : index
    %get3A_20 = vector.load %arg7[%get3A_18, %get3A_19] : memref<1x64xf32, #tpu.memory_space<vmem>>, vector<1x64xf32>
    %mul3A_21 = vector.broadcast %get3A_4 : vector<512x1xf32> to vector<512x64xf32>
    %mul3A_22 = vector.broadcast %get3A_20 : vector<1x64xf32> to vector<512x64xf32>
    %mul3A_23 = arith.mulf %mul3A_21, %mul3A_22 : vector<512x64xf32>
    %add3A_24 = arith.addf %add3A, %mul3A_23 : vector<512x64xf32>
    %get3A_25 = arith.constant 0 : index
    %get3A_26 = arith.constant 0 : index
    %get3A_27 = vector.load %arg8[%get3A_25, %get3A_26] : memref<1x64xf32, #tpu.memory_space<vmem>>, vector<1x64xf32>
    %add3A_28 = vector.broadcast %get3A_27 : vector<1x64xf32> to vector<512x64xf32>
    %add3A_29 = arith.addf %add3A_24, %add3A_28 : vector<512x64xf32>
    %max3A = arith.constant 0.000000e+00 : f32
    %max3A_30 = vector.broadcast %max3A : f32 to vector<512x64xf32>
    %max3A_31 = arith.maximumf %add3A_29, %max3A_30 : vector<512x64xf32>
    %get3A_32 = arith.constant 0 : index
    %get3A_33 = arith.constant 0 : index
    %get3A_34 = vector.load %arg9[%get3A_32, %get3A_33] : memref<64x1xf32, #tpu.memory_space<vmem>>, vector<64x1xf32>
    %dot_general3A_35 = arith.constant dense<0.000000e+00> : vector<512x1xf32>
    %dot_general3A_36 = tpu.matmul %max3A_31, %get3A_34, %dot_general3A_35 {dimension_numbers = #tpu.dot_dimension_numbers<[1], [0], [0], [1], [0, 0, 1, 1], [], []>, transpose_lhs_hint = false} : vector<512x64xf32>, vector<64x1xf32>, vector<512x1xf32> -> vector<512x1xf32>
    %get3A_37 = arith.constant 0 : index
    %get3A_38 = arith.constant 0 : index
    %get3A_39 = vector.load %arg10[%get3A_37, %get3A_38] : memref<1x1xf32, #tpu.memory_space<vmem>>, vector<1x1xf32>
    %add3A_40 = vector.broadcast %get3A_39 : vector<1x1xf32> to vector<512x1xf32>
    %add3A_41 = arith.addf %dot_general3A_36, %add3A_40 : vector<512x1xf32>
    %swap3A = arith.constant 0 : index
    %swap3A_42 = arith.constant 0 : index
    %swap3A_43 = vector.load %arg11[%swap3A, %swap3A_42] : memref<512x1xf32, #tpu.memory_space<vmem>>, vector<512x1xf32>
    tpu.vector_store %arg11[%swap3A, %swap3A_42], %add3A_41 {strides = array<i32>} : memref<512x1xf32, #tpu.memory_space<vmem>>, vector<512x1xf32>,
    %get3A_44 = arith.constant 0 : index
    %get3A_45 = arith.constant 0 : index
    %get3A_46 = vector.load %arg4[%get3A_44, %get3A_45] : memref<256x128xf32, #tpu.memory_space<vmem>>, vector<256x128xf32>
    %dot_general3A_47 = arith.constant dense<0.000000e+00> : vector<512x128xf32>
    %dot_general3A_48 = tpu.matmul %get3A_1, %get3A_46, %dot_general3A_47 {dimension_numbers = #tpu.dot_dimension_numbers<[1], [0], [0], [1], [0, 0, 1, 1], [], []>, transpose_lhs_hint = false} : vector<512x256xf32>, vector<256x128xf32>, vector<512x128xf32> -> vector<512x128xf32>
    %mul3A_49 = vector.broadcast %get3A_4 : vector<512x1xf32> to vector<512x128xf32>
    %mul3A_50 = arith.mulf %dot_general3A_48, %mul3A_49 : vector<512x128xf32>
    %swap3A_51 = arith.constant 0 : index
    %swap3A_52 = arith.constant 0 : index
    %swap3A_53 = vector.load %arg12[%swap3A_51, %swap3A_52] : memref<512x128xf32, #tpu.memory_space<vmem>>, vector<512x128xf32>
    tpu.vector_store %arg12[%swap3A_51, %swap3A_52], %mul3A_50 {strides = array<i32>} : memref<512x128xf32, #tpu.memory_space<vmem>>, vector<512x128xf32>,
    return
  }
  func.func @transform_0(%arg0: i32) -> (i32, i32) {
    %c0_i32 = arith.constant 0 : i32
    %c0_i32_0 = arith.constant 0 : i32
    return %arg0, %c0_i32 : i32, i32
  }
  func.func @transform_1(%arg0: i32) -> (i32, i32) {
    %c0_i32 = arith.constant 0 : i32
    %c0_i32_0 = arith.constant 0 : i32
    return %arg0, %c0_i32 : i32, i32
  }
  func.func @transform_2(%arg0: i32) -> (i32, i32) {
    %c0_i32 = arith.constant 0 : i32
    %c0_i32_0 = arith.constant 0 : i32
    return %arg0, %c0_i32 : i32, i32
  }
  func.func @transform_3(%arg0: i32) -> (i32, i32) {
    %c0_i32 = arith.constant 0 : i32
    %c0_i32_0 = arith.constant 0 : i32
    %c0_i32_1 = arith.constant 0 : i32
    return %c0_i32, %c0_i32_0 : i32, i32
  }
  func.func @transform_4(%arg0: i32) -> (i32, i32) {
    %c0_i32 = arith.constant 0 : i32
    %c0_i32_0 = arith.constant 0 : i32
    %c0_i32_1 = arith.constant 0 : i32
    return %c0_i32, %c0_i32_0 : i32, i32
  }
  func.func @transform_5(%arg0: i32) -> (i32, i32) {
    %c0_i32 = arith.constant 0 : i32
    %c0_i32_0 = arith.constant 0 : i32
    %c0_i32_1 = arith.constant 0 : i32
    return %c0_i32, %c0_i32_0 : i32, i32
  }
  func.func @transform_6(%arg0: i32) -> (i32, i32) {
    %c0_i32 = arith.constant 0 : i32
    %c0_i32_0 = arith.constant 0 : i32
    %c0_i32_1 = arith.constant 0 : i32
    return %c0_i32, %c0_i32_0 : i32, i32
  }
  func.func @transform_7(%arg0: i32) -> (i32, i32) {
    %c0_i32 = arith.constant 0 : i32
    %c0_i32_0 = arith.constant 0 : i32
    %c0_i32_1 = arith.constant 0 : i32
    return %c0_i32, %c0_i32_0 : i32, i32
  }
  func.func @transform_8(%arg0: i32) -> (i32, i32) {
    %c0_i32 = arith.constant 0 : i32
    %c0_i32_0 = arith.constant 0 : i32
    %c0_i32_1 = arith.constant 0 : i32
    return %c0_i32, %c0_i32_0 : i32, i32
  }
  func.func @transform_9(%arg0: i32) -> (i32, i32) {
    %c0_i32 = arith.constant 0 : i32
    %c0_i32_0 = arith.constant 0 : i32
    %c0_i32_1 = arith.constant 0 : i32
    return %c0_i32, %c0_i32_0 : i32, i32
  }
  func.func @transform_10(%arg0: i32) -> (i32, i32) {
    %c0_i32 = arith.constant 0 : i32
    %c0_i32_0 = arith.constant 0 : i32
    return %arg0, %c0_i32 : i32, i32
  }
  func.func @transform_11(%arg0: i32) -> (i32, i32) {
    %c0_i32 = arith.constant 0 : i32
    %c0_i32_0 = arith.constant 0 : i32
    return %arg0, %c0_i32 : i32, i32
  }
}

module attributes {stable_mosaic.version = 14 : i64} {
  func.func @body(%arg0: i32, %arg1: memref<1000x128xf32, #tpu.memory_space<vmem>>, %arg2: memref<1000x128xf32, #tpu.memory_space<vmem>>, %arg3: memref<1000x256xf32, #tpu.memory_space<vmem>>, %arg4: memref<256x64xf32, #tpu.memory_space<vmem>>, %arg5: memref<1x64xf32, #tpu.memory_space<vmem>>, %arg6: memref<1000x64xf32, #tpu.memory_space<vmem>>) attributes {dimension_semantics = [#tpu.dimension_semantics<arbitrary>], iteration_bounds = array<i64: 10>, scalar_prefetch = 0 : i64, scratch_operands = 0 : i64, tpu.core_type = #tpu.core_type<tc>, window_params = [{transform_indices = @transform_0, window_bounds = array<i64: 1000, 128>}, {transform_indices = @transform_1, window_bounds = array<i64: 1000, 128>}, {transform_indices = @transform_2, window_bounds = array<i64: 1000, 256>}, {pipeline_mode = #tpu.pipeline_mode<synchronous>, transform_indices = @transform_3, window_bounds = array<i64: 256, 64>}, {pipeline_mode = #tpu.pipeline_mode<synchronous>, transform_indices = @transform_4, window_bounds = array<i64: 1, 64>}, {transform_indices = @transform_5, window_bounds = array<i64: 1000, 64>}]} {
    %get3A = arith.constant 0 : index
    %get3A_0 = arith.constant 0 : index
    %get3A_1 = vector.load %arg1[%get3A, %get3A_0] : memref<1000x128xf32, #tpu.memory_space<vmem>>, vector<1000x128xf32>
    %get3A_2 = arith.constant 0 : index
    %get3A_3 = arith.constant 0 : index
    %get3A_4 = vector.load %arg2[%get3A_2, %get3A_3] : memref<1000x128xf32, #tpu.memory_space<vmem>>, vector<1000x128xf32>
    %add3A = arith.addf %get3A_1, %get3A_4 : vector<1000x128xf32>
    %slice3A = vector.extract_strided_slice %add3A {offsets = [0, 0], sizes = [1000, 64], strides = [1, 1]} : vector<1000x128xf32> to vector<1000x64xf32>
    %get3A_5 = arith.constant 0 : index
    %get3A_6 = arith.constant 0 : index
    %get3A_7 = vector.load %arg3[%get3A_5, %get3A_6] : memref<1000x256xf32, #tpu.memory_space<vmem>>, vector<1000x256xf32>
    %get3A_8 = arith.constant 0 : index
    %get3A_9 = arith.constant 0 : index
    %get3A_10 = vector.load %arg4[%get3A_8, %get3A_9] : memref<256x64xf32, #tpu.memory_space<vmem>>, vector<256x64xf32>
    %dot_general3A = arith.constant dense<0.000000e+00> : vector<1000x64xf32>
    %dot_general3A_11 = tpu.matmul %get3A_7, %get3A_10, %dot_general3A {dimension_numbers = #tpu.dot_dimension_numbers<[1], [0], [0], [1], [0, 0, 1, 1], [], []>, transpose_lhs_hint = false} : vector<1000x256xf32>, vector<256x64xf32>, vector<1000x64xf32> -> vector<1000x64xf32>
    %add3A_12 = arith.addf %slice3A, %dot_general3A_11 : vector<1000x64xf32>
    %get3A_13 = arith.constant 0 : index
    %get3A_14 = arith.constant 0 : index
    %get3A_15 = vector.load %arg5[%get3A_13, %get3A_14] : memref<1x64xf32, #tpu.memory_space<vmem>>, vector<1x64xf32>
    %add3A_16 = vector.broadcast %get3A_15 : vector<1x64xf32> to vector<1000x64xf32>
    %add3A_17 = arith.addf %add3A_12, %add3A_16 : vector<1000x64xf32>
    %max3A = arith.constant 0.000000e+00 : f32
    %max3A_18 = vector.broadcast %max3A : f32 to vector<1000x64xf32>
    %max3A_19 = arith.maximumf %add3A_17, %max3A_18 : vector<1000x64xf32>
    %swap3A = arith.constant 0 : index
    %swap3A_20 = arith.constant 0 : index
    %swap3A_21 = vector.load %arg6[%swap3A, %swap3A_20] : memref<1000x64xf32, #tpu.memory_space<vmem>>, vector<1000x64xf32>
    tpu.vector_store %arg6[%swap3A, %swap3A_20], %max3A_19 {strides = array<i32>} : memref<1000x64xf32, #tpu.memory_space<vmem>>, vector<1000x64xf32>,
    return
  }
  func.func @transform_0(%arg0: i32) -> (i32, i32) {
    %c0_i32 = arith.constant 0 : i32
    %c0_i32_0 = arith.constant 0 : i32
    return %arg0, %c0_i32 : i32, i32
  }
  func.func @transform_1(%arg0: i32) -> (i32, i32) {
    %add3A = arith.constant 10 : i32
    %add3A_0 = arith.addi %arg0, %add3A : i32
    %c0_i32 = arith.constant 0 : i32
    %c0_i32_1 = arith.constant 0 : i32
    return %add3A_0, %c0_i32 : i32, i32
  }
  func.func @transform_2(%arg0: i32) -> (i32, i32) {
    %c0_i32 = arith.constant 0 : i32
    %c0_i32_0 = arith.constant 0 : i32
    return %arg0, %c0_i32 : i32, i32
  }
  func.func @transform_3(%arg0: i32) -> (i32, i32) {
    %c0_i32 = arith.constant 0 : i32
    %c0_i32_0 = arith.constant 0 : i32
    %c0_i32_1 = arith.constant 0 : i32
    return %c0_i32, %c0_i32_0 : i32, i32
  }
  func.func @transform_4(%arg0: i32) -> (i32, i32) {
    %c0_i32 = arith.constant 0 : i32
    %c0_i32_0 = arith.constant 0 : i32
    %c0_i32_1 = arith.constant 0 : i32
    return %c0_i32, %c0_i32_0 : i32, i32
  }
  func.func @transform_5(%arg0: i32) -> (i32, i32) {
    %c0_i32 = arith.constant 0 : i32
    %c0_i32_0 = arith.constant 0 : i32
    return %arg0, %c0_i32 : i32, i32
  }
}

module attributes {stable_mosaic.version = 14 : i64} {
  func.func @body(%arg0: i32, %arg1: memref<512x128xf32, #tpu.memory_space<vmem>>, %arg2: memref<512x128xf32, #tpu.memory_space<vmem>>, %arg3: memref<512x1xf32, #tpu.memory_space<vmem>>, %arg4: memref<128x32xf32, #tpu.memory_space<vmem>>, %arg5: memref<1x32xf32, #tpu.memory_space<vmem>>, %arg6: memref<1x32xf32, #tpu.memory_space<vmem>>, %arg7: memref<1x32xf32, #tpu.memory_space<vmem>>, %arg8: memref<32x1xf32, #tpu.memory_space<vmem>>, %arg9: memref<1x1xf32, #tpu.memory_space<vmem>>, %arg10: memref<512x1xf32, #tpu.memory_space<vmem>>, %arg11: memref<512x128xf32, #tpu.memory_space<vmem>>) attributes {dimension_semantics = [#tpu.dimension_semantics<arbitrary>], iteration_bounds = array<i64: 625>, scalar_prefetch = 0 : i64, scratch_operands = 0 : i64, tpu.core_type = #tpu.core_type<tc>, window_params = [{transform_indices = @transform_0, window_bounds = array<i64: 512, 128>}, {transform_indices = @transform_1, window_bounds = array<i64: 512, 128>}, {transform_indices = @transform_2, window_bounds = array<i64: 512, 1>}, {pipeline_mode = #tpu.pipeline_mode<synchronous>, transform_indices = @transform_3, window_bounds = array<i64: 128, 32>}, {pipeline_mode = #tpu.pipeline_mode<synchronous>, transform_indices = @transform_4, window_bounds = array<i64: 1, 32>}, {pipeline_mode = #tpu.pipeline_mode<synchronous>, transform_indices = @transform_5, window_bounds = array<i64: 1, 32>}, {pipeline_mode = #tpu.pipeline_mode<synchronous>, transform_indices = @transform_6, window_bounds = array<i64: 1, 32>}, {pipeline_mode = #tpu.pipeline_mode<synchronous>, transform_indices = @transform_7, window_bounds = array<i64: 32, 1>}, {pipeline_mode = #tpu.pipeline_mode<synchronous>, transform_indices = @transform_8, window_bounds = array<i64: 1, 1>}, {transform_indices = @transform_9, window_bounds = array<i64: 512, 1>}, {transform_indices = @transform_10, window_bounds = array<i64: 512, 128>}]} {
    %get3A = arith.constant 0 : index
    %get3A_0 = arith.constant 0 : index
    %get3A_1 = vector.load %arg1[%get3A, %get3A_0] : memref<512x128xf32, #tpu.memory_space<vmem>>, vector<512x128xf32>
    %get3A_2 = arith.constant 0 : index
    %get3A_3 = arith.constant 0 : index
    %get3A_4 = vector.load %arg3[%get3A_2, %get3A_3] : memref<512x1xf32, #tpu.memory_space<vmem>>, vector<512x1xf32>
    %get3A_5 = arith.constant 0 : index
    %get3A_6 = arith.constant 0 : index
    %get3A_7 = vector.load %arg2[%get3A_5, %get3A_6] : memref<512x128xf32, #tpu.memory_space<vmem>>, vector<512x128xf32>
    %sub3A = arith.subf %get3A_1, %get3A_7 : vector<512x128xf32>
    %mul3A = arith.mulf %sub3A, %sub3A : vector<512x128xf32>
    %get3A_8 = arith.constant 0 : index
    %get3A_9 = arith.constant 0 : index
    %get3A_10 = vector.load %arg4[%get3A_8, %get3A_9] : memref<128x32xf32, #tpu.memory_space<vmem>>, vector<128x32xf32>
    %dot_general3A = arith.constant dense<0.000000e+00> : vector<512x32xf32>
    %dot_general3A_11 = tpu.matmul %mul3A, %get3A_10, %dot_general3A {dimension_numbers = #tpu.dot_dimension_numbers<[1], [0], [0], [1], [0, 0, 1, 1], [], []>, transpose_lhs_hint = false} : vector<512x128xf32>, vector<128x32xf32>, vector<512x32xf32> -> vector<512x32xf32>
    %slice3A = vector.extract_strided_slice %get3A_1 {offsets = [0, 63], sizes = [512, 1], strides = [1, 1]} : vector<512x128xf32> to vector<512x1xf32>
    %get3A_12 = arith.constant 0 : index
    %get3A_13 = arith.constant 0 : index
    %get3A_14 = vector.load %arg5[%get3A_12, %get3A_13] : memref<1x32xf32, #tpu.memory_space<vmem>>, vector<1x32xf32>
    %mul3A_15 = vector.broadcast %slice3A : vector<512x1xf32> to vector<512x32xf32>
    %mul3A_16 = vector.broadcast %get3A_14 : vector<1x32xf32> to vector<512x32xf32>
    %mul3A_17 = arith.mulf %mul3A_15, %mul3A_16 : vector<512x32xf32>
    %add3A = arith.addf %dot_general3A_11, %mul3A_17 : vector<512x32xf32>
    %get3A_18 = arith.constant 0 : index
    %get3A_19 = arith.constant 0 : index
    %get3A_20 = vector.load %arg6[%get3A_18, %get3A_19] : memref<1x32xf32, #tpu.memory_space<vmem>>, vector<1x32xf32>
    %mul3A_21 = vector.broadcast %get3A_4 : vector<512x1xf32> to vector<512x32xf32>
    %mul3A_22 = vector.broadcast %get3A_20 : vector<1x32xf32> to vector<512x32xf32>
    %mul3A_23 = arith.mulf %mul3A_21, %mul3A_22 : vector<512x32xf32>
    %add3A_24 = arith.addf %add3A, %mul3A_23 : vector<512x32xf32>
    %get3A_25 = arith.constant 0 : index
    %get3A_26 = arith.constant 0 : index
    %get3A_27 = vector.load %arg7[%get3A_25, %get3A_26] : memref<1x32xf32, #tpu.memory_space<vmem>>, vector<1x32xf32>
    %add3A_28 = vector.broadcast %get3A_27 : vector<1x32xf32> to vector<512x32xf32>
    %add3A_29 = arith.addf %add3A_24, %add3A_28 : vector<512x32xf32>
    %max3A = arith.constant 0.000000e+00 : f32
    %max3A_30 = vector.broadcast %max3A : f32 to vector<512x32xf32>
    %max3A_31 = arith.maximumf %add3A_29, %max3A_30 : vector<512x32xf32>
    %get3A_32 = arith.constant 0 : index
    %get3A_33 = arith.constant 0 : index
    %get3A_34 = vector.load %arg8[%get3A_32, %get3A_33] : memref<32x1xf32, #tpu.memory_space<vmem>>, vector<32x1xf32>
    %dot_general3A_35 = arith.constant dense<0.000000e+00> : vector<512x1xf32>
    %dot_general3A_36 = tpu.matmul %max3A_31, %get3A_34, %dot_general3A_35 {dimension_numbers = #tpu.dot_dimension_numbers<[1], [0], [0], [1], [0, 0, 1, 1], [], []>, transpose_lhs_hint = false} : vector<512x32xf32>, vector<32x1xf32>, vector<512x1xf32> -> vector<512x1xf32>
    %get3A_37 = arith.constant 0 : index
    %get3A_38 = arith.constant 0 : index
    %get3A_39 = vector.load %arg9[%get3A_37, %get3A_38] : memref<1x1xf32, #tpu.memory_space<vmem>>, vector<1x1xf32>
    %add3A_40 = vector.broadcast %get3A_39 : vector<1x1xf32> to vector<512x1xf32>
    %add3A_41 = arith.addf %dot_general3A_36, %add3A_40 : vector<512x1xf32>
    %swap3A = arith.constant 0 : index
    %swap3A_42 = arith.constant 0 : index
    %swap3A_43 = vector.load %arg10[%swap3A, %swap3A_42] : memref<512x1xf32, #tpu.memory_space<vmem>>, vector<512x1xf32>
    tpu.vector_store %arg10[%swap3A, %swap3A_42], %add3A_41 {strides = array<i32>} : memref<512x1xf32, #tpu.memory_space<vmem>>, vector<512x1xf32>,
    %mul3A_44 = vector.broadcast %get3A_4 : vector<512x1xf32> to vector<512x128xf32>
    %mul3A_45 = arith.mulf %get3A_1, %mul3A_44 : vector<512x128xf32>
    %swap3A_46 = arith.constant 0 : index
    %swap3A_47 = arith.constant 0 : index
    %swap3A_48 = vector.load %arg11[%swap3A_46, %swap3A_47] : memref<512x128xf32, #tpu.memory_space<vmem>>, vector<512x128xf32>
    tpu.vector_store %arg11[%swap3A_46, %swap3A_47], %mul3A_45 {strides = array<i32>} : memref<512x128xf32, #tpu.memory_space<vmem>>, vector<512x128xf32>,
    return
  }
  func.func @transform_0(%arg0: i32) -> (i32, i32) {
    %c0_i32 = arith.constant 0 : i32
    %c0_i32_0 = arith.constant 0 : i32
    return %arg0, %c0_i32 : i32, i32
  }
  func.func @transform_1(%arg0: i32) -> (i32, i32) {
    %c0_i32 = arith.constant 0 : i32
    %c0_i32_0 = arith.constant 0 : i32
    return %arg0, %c0_i32 : i32, i32
  }
  func.func @transform_2(%arg0: i32) -> (i32, i32) {
    %c0_i32 = arith.constant 0 : i32
    %c0_i32_0 = arith.constant 0 : i32
    return %arg0, %c0_i32 : i32, i32
  }
  func.func @transform_3(%arg0: i32) -> (i32, i32) {
    %c0_i32 = arith.constant 0 : i32
    %c0_i32_0 = arith.constant 0 : i32
    %c0_i32_1 = arith.constant 0 : i32
    return %c0_i32, %c0_i32_0 : i32, i32
  }
  func.func @transform_4(%arg0: i32) -> (i32, i32) {
    %c0_i32 = arith.constant 0 : i32
    %c0_i32_0 = arith.constant 0 : i32
    %c0_i32_1 = arith.constant 0 : i32
    return %c0_i32, %c0_i32_0 : i32, i32
  }
  func.func @transform_5(%arg0: i32) -> (i32, i32) {
    %c0_i32 = arith.constant 0 : i32
    %c0_i32_0 = arith.constant 0 : i32
    %c0_i32_1 = arith.constant 0 : i32
    return %c0_i32, %c0_i32_0 : i32, i32
  }
  func.func @transform_6(%arg0: i32) -> (i32, i32) {
    %c0_i32 = arith.constant 0 : i32
    %c0_i32_0 = arith.constant 0 : i32
    %c0_i32_1 = arith.constant 0 : i32
    return %c0_i32, %c0_i32_0 : i32, i32
  }
  func.func @transform_7(%arg0: i32) -> (i32, i32) {
    %c0_i32 = arith.constant 0 : i32
    %c0_i32_0 = arith.constant 0 : i32
    %c0_i32_1 = arith.constant 0 : i32
    return %c0_i32, %c0_i32_0 : i32, i32
  }
  func.func @transform_8(%arg0: i32) -> (i32, i32) {
    %c0_i32 = arith.constant 0 : i32
    %c0_i32_0 = arith.constant 0 : i32
    %c0_i32_1 = arith.constant 0 : i32
    return %c0_i32, %c0_i32_0 : i32, i32
  }
  func.func @transform_9(%arg0: i32) -> (i32, i32) {
    %c0_i32 = arith.constant 0 : i32
    %c0_i32_0 = arith.constant 0 : i32
    return %arg0, %c0_i32 : i32, i32
  }
  func.func @transform_10(%arg0: i32) -> (i32, i32) {
    %c0_i32 = arith.constant 0 : i32
    %c0_i32_0 = arith.constant 0 : i32
    return %arg0, %c0_i32 : i32, i32
  }
}

module attributes {stable_mosaic.version = 14 : i64} {
  func.func @body(%arg0: i32, %arg1: memref<1000x128xf32, #tpu.memory_space<vmem>>, %arg2: memref<1000x128xf32, #tpu.memory_space<vmem>>, %arg3: memref<1000x64xf32, #tpu.memory_space<vmem>>, %arg4: memref<64x124xf32, #tpu.memory_space<vmem>>, %arg5: memref<64x124xf32, #tpu.memory_space<vmem>>, %arg6: memref<1x124xf32, #tpu.memory_space<vmem>>, %arg7: memref<1000x124xf32, #tpu.memory_space<vmem>>) attributes {dimension_semantics = [#tpu.dimension_semantics<arbitrary>], iteration_bounds = array<i64: 10>, scalar_prefetch = 0 : i64, scratch_operands = 0 : i64, tpu.core_type = #tpu.core_type<tc>, window_params = [{transform_indices = @transform_0, window_bounds = array<i64: 1000, 128>}, {transform_indices = @transform_1, window_bounds = array<i64: 1000, 128>}, {transform_indices = @transform_2, window_bounds = array<i64: 1000, 64>}, {pipeline_mode = #tpu.pipeline_mode<synchronous>, transform_indices = @transform_3, window_bounds = array<i64: 64, 124>}, {pipeline_mode = #tpu.pipeline_mode<synchronous>, transform_indices = @transform_4, window_bounds = array<i64: 64, 124>}, {pipeline_mode = #tpu.pipeline_mode<synchronous>, transform_indices = @transform_5, window_bounds = array<i64: 1, 124>}, {transform_indices = @transform_6, window_bounds = array<i64: 1000, 124>}]} {
    %get3A = arith.constant 0 : index
    %get3A_0 = arith.constant 0 : index
    %get3A_1 = vector.load %arg1[%get3A, %get3A_0] : memref<1000x128xf32, #tpu.memory_space<vmem>>, vector<1000x128xf32>
    %get3A_2 = arith.constant 0 : index
    %get3A_3 = arith.constant 0 : index
    %get3A_4 = vector.load %arg2[%get3A_2, %get3A_3] : memref<1000x128xf32, #tpu.memory_space<vmem>>, vector<1000x128xf32>
    %add3A = arith.addf %get3A_1, %get3A_4 : vector<1000x128xf32>
    %slice3A = vector.extract_strided_slice %add3A {offsets = [0, 0], sizes = [1000, 64], strides = [1, 1]} : vector<1000x128xf32> to vector<1000x64xf32>
    %get3A_5 = arith.constant 0 : index
    %get3A_6 = arith.constant 0 : index
    %get3A_7 = vector.load %arg4[%get3A_5, %get3A_6] : memref<64x124xf32, #tpu.memory_space<vmem>>, vector<64x124xf32>
    %dot_general3A = arith.constant dense<0.000000e+00> : vector<1000x124xf32>
    %dot_general3A_8 = tpu.matmul %slice3A, %get3A_7, %dot_general3A {dimension_numbers = #tpu.dot_dimension_numbers<[1], [0], [0], [1], [0, 0, 1, 1], [], []>, transpose_lhs_hint = false} : vector<1000x64xf32>, vector<64x124xf32>, vector<1000x124xf32> -> vector<1000x124xf32>
    %get3A_9 = arith.constant 0 : index
    %get3A_10 = arith.constant 0 : index
    %get3A_11 = vector.load %arg3[%get3A_9, %get3A_10] : memref<1000x64xf32, #tpu.memory_space<vmem>>, vector<1000x64xf32>
    %get3A_12 = arith.constant 0 : index
    %get3A_13 = arith.constant 0 : index
    %get3A_14 = vector.load %arg5[%get3A_12, %get3A_13] : memref<64x124xf32, #tpu.memory_space<vmem>>, vector<64x124xf32>
    %dot_general3A_15 = arith.constant dense<0.000000e+00> : vector<1000x124xf32>
    %dot_general3A_16 = tpu.matmul %get3A_11, %get3A_14, %dot_general3A_15 {dimension_numbers = #tpu.dot_dimension_numbers<[1], [0], [0], [1], [0, 0, 1, 1], [], []>, transpose_lhs_hint = false} : vector<1000x64xf32>, vector<64x124xf32>, vector<1000x124xf32> -> vector<1000x124xf32>
    %add3A_17 = arith.addf %dot_general3A_8, %dot_general3A_16 : vector<1000x124xf32>
    %get3A_18 = arith.constant 0 : index
    %get3A_19 = arith.constant 0 : index
    %get3A_20 = vector.load %arg6[%get3A_18, %get3A_19] : memref<1x124xf32, #tpu.memory_space<vmem>>, vector<1x124xf32>
    %add3A_21 = vector.broadcast %get3A_20 : vector<1x124xf32> to vector<1000x124xf32>
    %add3A_22 = arith.addf %add3A_17, %add3A_21 : vector<1000x124xf32>
    %swap3A = arith.constant 0 : index
    %swap3A_23 = arith.constant 0 : index
    %swap3A_24 = vector.load %arg7[%swap3A, %swap3A_23] : memref<1000x124xf32, #tpu.memory_space<vmem>>, vector<1000x124xf32>
    tpu.vector_store %arg7[%swap3A, %swap3A_23], %add3A_22 {strides = array<i32>} : memref<1000x124xf32, #tpu.memory_space<vmem>>, vector<1000x124xf32>,
    return
  }
  func.func @transform_0(%arg0: i32) -> (i32, i32) {
    %c0_i32 = arith.constant 0 : i32
    %c0_i32_0 = arith.constant 0 : i32
    return %arg0, %c0_i32 : i32, i32
  }
  func.func @transform_1(%arg0: i32) -> (i32, i32) {
    %add3A = arith.constant 10 : i32
    %add3A_0 = arith.addi %arg0, %add3A : i32
    %c0_i32 = arith.constant 0 : i32
    %c0_i32_1 = arith.constant 0 : i32
    return %add3A_0, %c0_i32 : i32, i32
  }
  func.func @transform_2(%arg0: i32) -> (i32, i32) {
    %c0_i32 = arith.constant 0 : i32
    %c0_i32_0 = arith.constant 0 : i32
    return %arg0, %c0_i32 : i32, i32
  }
  func.func @transform_3(%arg0: i32) -> (i32, i32) {
    %c0_i32 = arith.constant 0 : i32
    %c0_i32_0 = arith.constant 0 : i32
    %c0_i32_1 = arith.constant 0 : i32
    return %c0_i32, %c0_i32_0 : i32, i32
  }
  func.func @transform_4(%arg0: i32) -> (i32, i32) {
    %c0_i32 = arith.constant 0 : i32
    %c0_i32_0 = arith.constant 0 : i32
    %c0_i32_1 = arith.constant 0 : i32
    return %c0_i32, %c0_i32_0 : i32, i32
  }
  func.func @transform_5(%arg0: i32) -> (i32, i32) {
    %c0_i32 = arith.constant 0 : i32
    %c0_i32_0 = arith.constant 0 : i32
    %c0_i32_1 = arith.constant 0 : i32
    return %c0_i32, %c0_i32_0 : i32, i32
  }
  func.func @transform_6(%arg0: i32) -> (i32, i32) {
    %c0_i32 = arith.constant 0 : i32
    %c0_i32_0 = arith.constant 0 : i32
    return %arg0, %c0_i32 : i32, i32
  }
}

</mosaic_0001>

<sc_bundles>
// kernel: kernel.18.cloned.1.call-start
scs
__scs_entry_jumppad:
0x0: {  	(pc) =	sbr.rel $0x88, $3  }
0x1: {  	(tag) =	ssettag $0x0;
	lr =	simm.s32 $0x1  }
0x2: {  	[smem:$0x3F82] =	sst lr;
	_ =	strace $0xD0000000  }
0x3: {  	_ = 	snop  }
0x4: {  	_ = 	snop  }
0x5: {  	_ = 	snop  }
0x6: {  	_ = 	snop  }
0x7: {  	_ = 	snop  }
__scs_overlays_trampoline_lowered:
0x8: {  	[smem:$0x3F91] =	sst s0  }
0x9: {  	[smem:$0x3F92] =	sst s1  }
0xa: {  	[smem:$0x3F93] =	sst s2  }
0xb: {  	[smem:$0x3F94] =	sst s3  }
0xc: {  	[smem:$0x3F95] =	sst s4  }
0xd: {  	[smem:$0x3F96] =	sst s5  }
0xe: {  	[smem:$0x3F97] =	sst s6  }
0xf: {  	[smem:$0x3F98] =	sst s7  }
0x10: {  	[smem:$0x3F99] =	sst s8  }
0x11: {  	[smem:$0x3F9A] =	sst s9;
	s0 =	simm.s32 @!p0 $0x0  }
0x12: {  	s1 =	sld [smem:$0x3F80];
	s0 =	simm.s32 @p0 $0x1  }
0x13: {  	[smem:$0x3F9B] =	sst s0;
	s0 =	simm.s32 @!p1 $0x0  }
0x14: {  	s2 =	sld [smem:$0x3F7F];
	s0 =	simm.s32 @p1 $0x1  }
0x15: {  	[smem:$0x3F9C] =	sst s0;
	s0 =	simm.s32 @!p2 $0x0  }
0x16: {  	s3 =	sld [smem:$0x3FDB];
	s0 =	simm.s32 @p2 $0x1  }
0x17: {  	s4 =	simm.s32 $0x1BF5;
	[smem:$0x3F9E] =	sst s0  }
0x18: {  	s0 =	sld [smem:$0x3F81];
	_ =	swait.ge [sflag:s4], $0x0  }
0x19: {  	s7 =	sld [smem:$0x3F82]  }
0x1a: {  	s8 =	sadd.s32 $0xFFFFE003, lr  }
0x1b: {  	s9 =	sadd.s32 $0xFFFFFEF7, lr;
	s5 =	simm.s32 $0xFFFFFFFF;
	p2 =	slt.u32 s8, $0xFFFFF086  }
0x1c: {  	p1 =	slt.u32 s9, $0xF7A;
	s5 =	simm.s32 @!p2 $0x0  }
0x1d: {  	s5 =	simm.s32 @p1 $0x1;
	p0 =	seq.s32 s7, s2  }
0x1e: {  	s7 =	smul.u32 @!p0 $0xF7A, s2;
	p2 =	seq.s32 @!p0 s5, $0x0  }
0x1f: {  	s9 =	smul.u32 $0xF7A, s1;
	s8 =	simm.s32 @!p0 $0x1BF5;
	p2 =	por !p2, p0  }
0x20: {  	[sflag:s8] =	ssyncset.s32 @!p0 $0xFFFFF086;
	s6 =	sadd.s32 @!p0 s3, s7;
	s7 =	simm.s32 @!p0 $0x108  }
0x21: {  	s3 =	sadd.s32 s3, s9;
	s6 =	sadd.s32 @!p0 $0x88, s6;
	s7 =	simm.s32 @p2 $0x1082  }
0x22: {  	[simem:s7], [sflag:s8] =	dma.local @!p0 [hbm:s6], $0xF7A  }
0x23: {  	s9 =	sor.u32 $0xD0000000, s2;
	s6 =	simm.s32 $0x108;
	_ =	swait.ge @!p0 [sflag:s8], $0x0  }
0x24: {  	s3 =	sadd.s32 $0x88, s3;
	s6 =	simm.s32 @!p1 $0x1082;
	[sflag:s4] =	ssyncset.s32 $0xFFFFF086  }
0x25: {  	[simem:s6], [sflag:s4] =	dma.local [hbm:s3], $0xF7A  }
0x26: {  	[smem:$0x3F82] =	sst s1;
	(tag) =	ssettag s2;
	_ =	strace s9  }
0x27: {  	s1 =	sld [smem:$0x3F92]  }
0x28: {  	s2 =	sld [smem:$0x3F93]  }
0x29: {  	s4 =	sld [smem:$0x3F95]  }
0x2a: {  	p0 =	seq.s32 s5, $0x0;
	s5 =	sld [smem:$0x3F96]  }
0x2b: {  	s6 =	sld [smem:$0x3F97]  }
0x2c: {  	s7 =	sld [smem:$0x3F98]  }
0x2d: {  	s3 =	simm.s32 $0x108;
	s8 =	sld [smem:$0x3F99]  }
0x2e: {  	s3 =	simm.s32 @!p0 $0x1082;
	s9 =	sld [smem:$0x3F9A]  }
0x2f: {  	lr =	sadd.s32 s0, s3;
	s0 =	sld [smem:$0x3F91]  }
0x30: {  	s3 =	sld [smem:$0x3F94]  }
0x31: {  	[smem:$0x3F9D] =	sst s10  }
0x32: {  	s10 =	sld [smem:$0x3F9B];
	_ =	sdelay $0x3  }
0x33: {  	p0 =	seq.s32 s10, $0x1;
	s10 =	sld [smem:$0x3F9D];
	_ =	sdelay $0x3  }
0x34: {  	[smem:$0x3F9D] =	sst s10  }
0x35: {  	s10 =	sld [smem:$0x3F9C];
	_ =	sdelay $0x3  }
0x36: {  	p1 =	seq.s32 s10, $0x1;
	s10 =	sld [smem:$0x3F9D];
	_ =	sdelay $0x3  }
0x37: {  	[smem:$0x3F9D] =	sst s10  }
0x38: {  	s10 =	sld [smem:$0x3F9E]  }
0x39: {  	_ = 	snop;
	(pc) =	sbr.ind lr, $3  }
0x3a: {  	_ = 	snop  }
0x3b: {  	_ = 	snop  }
0x3c: {  	p2 =	seq.s32 s10, $0x1;
	s10 =	sld [smem:$0x3F9D]  }
0x3d: {  	_ =	shalt  }
0x3e: {  	_ =	shalt  }
0x3f: {  	_ =	shalt  }
0x40: {  	_ =	shalt  }
0x41: {  	_ =	shalt  }
0x42: {  	_ =	shalt  }
0x43: {  	_ =	shalt  }
0x44: {  	_ =	shalt  }
0x45: {  	_ =	shalt  }
0x46: {  	_ =	shalt  }
0x47: {  	_ =	shalt  }
0x48: {  	_ =	shalt  }
0x49: {  	_ =	shalt  }
0x4a: {  	_ =	shalt  }
0x4b: {  	_ =	shalt  }
0x4c: {  	_ =	shalt  }
0x4d: {  	_ =	shalt  }
0x4e: {  	_ =	shalt  }
0x4f: {  	_ =	shalt  }
0x50: {  	_ =	shalt  }
0x51: {  	_ =	shalt  }
0x52: {  	_ =	shalt  }
0x53: {  	_ =	shalt  }
0x54: {  	_ =	shalt  }
0x55: {  	_ =	shalt  }
0x56: {  	_ =	shalt  }
0x57: {  	_ =	shalt  }
0x58: {  	_ =	shalt  }
0x59: {  	_ =	shalt  }
0x5a: {  	_ =	shalt  }
0x5b: {  	_ =	shalt  }
0x5c: {  	_ =	shalt  }
0x5d: {  	_ =	shalt  }
0x5e: {  	_ =	shalt  }
0x5f: {  	_ =	shalt  }
0x60: {  	_ =	shalt  }
0x61: {  	_ =	shalt  }
0x62: {  	_ =	shalt  }
0x63: {  	_ =	shalt  }
0x64: {  	_ =	shalt  }
0x65: {  	_ =	shalt  }
0x66: {  	_ =	shalt  }
0x67: {  	_ =	shalt  }
0x68: {  	_ =	shalt  }
0x69: {  	_ =	shalt  }
0x6a: {  	_ =	shalt  }
0x6b: {  	_ =	shalt  }
0x6c: {  	_ =	shalt  }
0x6d: {  	_ =	shalt  }
0x6e: {  	_ =	shalt  }
0x6f: {  	_ =	shalt  }
0x70: {  	_ =	shalt  }
0x71: {  	_ =	shalt  }
0x72: {  	_ =	shalt  }
0x73: {  	_ =	shalt  }
0x74: {  	_ =	shalt  }
0x75: {  	_ =	shalt  }
0x76: {  	_ =	shalt  }
0x77: {  	_ =	shalt  }
0x78: {  	_ =	shalt  }
0x79: {  	_ =	shalt  }
0x7a: {  	_ =	shalt  }
0x7b: {  	_ =	shalt  }
0x7c: {  	_ =	shalt  }
0x7d: {  	_ =	shalt  }
0x7e: {  	_ =	shalt  }
0x7f: {  	_ =	shalt  }
0x80: {  	_ =	shalt  }
0x81: {  	_ =	shalt  }
0x82: {  	_ =	shalt  }
0x83: {  	_ =	shalt  }
0x84: {  	_ =	shalt  }
0x85: {  	_ =	shalt  }
0x86: {  	_ =	shalt  }
0x87: {  	_ =	shalt  }
.Lfunc_end0:
.L_simem_size_0:
called_computation_lowered:
.L_overlay_start_0:
0x88: {  	s2 =	sld [smem:$0x3FD9]  }
0x89: {  	s3 =	sld [smem:$0x3FFE];
	_ =	sdelay $0x1  }
0x8a: {  	s1 =	srdreg.scid  }
0x8b: {  	s0 =	sand.u32 $0x1, s1  }
0x8c: {  	s17 =	sshll.u32 s0, $0xA;
	s2 =	sadd.s32 s3, s2  }
0x8d: {  	s2 =	sadd.s32 s2, s17  }
0x8e: {  	[smem:$0x3FA9] =	sst s2  }
0x8f: {  	_ = 	snop  }
0x90: {  	s2 =	sld [smem:$0x3FC9];
	(tm) =	ssettm $0x1  }
0x91: {  	s18 =	sld [smem:$0x3FFB];
	_ =	sdelay $0x3  }
0x92: {  	_ =	strace s18  }
0x93: {  	s3 =	sld [smem:$0x3FFC];
	_ =	sdelay $0x3  }
0x94: {  	_ =	strace s3  }
0x95: {  	s3 =	sld [smem:$0x3FFD];
	_ =	sdelay $0x3  }
0x96: {  	_ =	strace s3  }
0x97: {  	_ =	strace $0x8FFFFFFF  }
0x98: {  	s19 =	sld [smem:$0x3FDB];
	_ =	sdelay $0x1  }
0x99: {  	s4 =	simm.s32 $_scs_section_size  }
0x9a: {  	s5 =	simm.s32 $_size__tile_overlayer_lowered;
	s6 =	simm.s32 $_tile_overlayer_lowered  }
0x9b: {  	s22 =	simm.s32 $0x1BFF;
	s21 =	sshll.u32 s6, $0x1;
	s3 =	sadd.s32 s4, s19  }
0x9c: {  	s7 =	simm.s32 $0x0;
	s20 =	sshll.u32 s5, $0x1;
	s5 =	sadd.s32 s21, s3  }
0x9d: {  	[timem:s7], [sflag:s22] =	dma.local [hbm:s5], s20  }
0x9e: {  	_ =	swait.ge [sflag:s22], s20  }
0x9f: {  	s4 =	ssub.s32 $0x0, s20;
	[sflag:s22] =	ssyncset.done $0x0  }
0xa0: {  	[sflag:s22] =	ssyncadd.s32 s4;
	_ =	sdelay $0x1  }
0xa1: {  	s23 =	simm.s32 $0x1B8B  }
0xa2: {  	_ =	swait.ge [sflag:s23], $0x1  }
0xa3: {  	[sflag:s23] =	ssyncset.done $0x0  }
0xa4: {  	s25 =	simm.s32 $0x1B8E;
	s24 =	sld [smem:$0x3FFE];
	[sflag:s23] =	ssyncadd.s32 $0xFFFFFFFF  }
0xa5: {  	s26 =	simm.s32 $execute0_lowered;
	[smem:$0x3FD2] =	sst s25  }
0xa6: {  	s5 =	sshll.u32 s26, $0x1;
	_ =	strace $0x80000046;
	[dreg:$0x1] =	wrdreg $0xFFFFFFFF  }
0xa7: {  	s28 =	simm.s32 $_size_execute0_lowered;
	s3 =	sadd.s32 s3, s5;
	[dreg:$0x0] =	wrdreg $0x0  }
0xa8: {  	s5 =	sshll.u32 s28, $0x1;
	[dreg:$0x2] =	wrdreg s3  }
0xa9: {  	[dreg:$0x3] =	wrdreg s5  }
0xaa: {  	[dreg:$0x4] =	wrdreg $0xC0  }
0xab: {  	_ =	task [dreg:s7], $0x5FFFF  }
0xac: {  	[dreg:$0x1] =	wrdreg $0xFFFFFFFF  }
0xad: {  	[dreg:$0x0] =	wrdreg $0x60  }
0xae: {  	[dreg:$0x2] =	wrdreg s2  }
0xaf: {  	[dreg:$0x3] =	wrdreg s24  }
0xb0: {  	[dreg:$0x4] =	wrdreg $0x9  }
0xb1: {  	_ =	task.clear_ibuf [dreg:s7], $0x5FFFF;
	_ =	strace $0x90000046  }
0xb2: {  	s29 =	simm.s32 $0x9;
	_ =	strace $0x80000048  }
0xb3: {  	_ =	swait.ge [sflag:s29], $0x1  }
0xb4: {  	[sflag:s29] =	ssyncadd.s32 $0xFFFFFFFF  }
0xb5: {  	_ =	strace $0x90000048  }
0xb6: {  	_ =	sfence  }
0xb7: {  	s30 =	sld [smem:$0x0];
	_ =	sdelay $0x2  }
0xb8: {  	s31 =	sshll.u32 s1, $0xD;
	s1 =	sshrl.u32 s1, $0x2  }
0xb9: {  	s3 =	sand.u32 $0x4000, s31;
	s1 =	sadd.s32 s1, s30  }
0xba: {  	s0 =	sor.u32 s3, s0;
	s1 =	sshll.u32 s1, $0x11  }
0xbb: {  	s0 =	sor.u32 s1, s0  }
0xbc: {  	s0 =	sadd.s32 $0x8F2B, s0  }
0xbd: {  	[sflag:s0] =	ssyncadd.remote.s32 $0x1  }
0xbe: {  	_ =	sfence.sel $0xFFFF  }
0xbf: {  	[dreg:$0x0] =	wrdreg $0xFFFFFFFF;
	(pc) =	sbr.abs _section_cstart, $3  }
0xc0: {  	[dreg:$0x1] =	wrdreg $0xFFFFFFFF  }
0xc1: {  	_ =	task.clear_ibuf [dreg:s7], $0x2FFFF;
	_ =	strace $0x9FFFFFFF  }
0xc2: {  	(tm) =	ssettm $0x7FFFFFFF  }
0xc3: {  	_ =	shalt  }
tec
execute0_lowered:
.L_overlay_start_1:
0x0: {  	(tag) =	ssettag $0x1  }
0x1: {  	s2 =	rddreg [dreg:$0x0]  }
0x2: {  	s1 =	srdreg.scid;
	s0 =	stileid.u32  }
0x3: {  	s5 =	rddreg [dreg:$0x1];
	s3 =	simm.s32 $0x0;
	s10 =	simm.s32 $0x5  }
0x4: {  	s11 =	simm.s32 $0x4000;
	s12 =	simm.s32 $0x50;
	s13 =	simm.s32 $0x8000  }
0x5: {  	s14 =	simm.s32 $0xD000;
	s15 =	simm.s32 $0x3;
	s16 =	simm.s32 $0x0  }
0x6: {  	s4 =	sand.u32 $0x1, s1;
	s6 =	sshll.u32 s0, $0x1;
	s1 =	rddreg [dreg:$0x2]  }
.Ltmp0:
0x7: {  	[smem:$0x7FF] =	sst s3;
	s6 =	sor.u32 s4, s6;
	(pc) =	sbr.rel .LBB2_1-.Ltmp0, $4  }
0x8: {  	_ =	strace $0x80000047;
	s31 =	ssub.s32 $0x2, s4;
	s4 =	sadd.s32 $0x28400, s5  }
0x9: {  	s7 =	sshll.u32 s6, $0xB;
	s9 =	sshrl.u32 s31, $0x1;
	s6 =	smul.u32 $0x2710, s6  }
0xa: {  	s8 =	sadd.s32 s7, s5;
	s5 =	sadd.s32 $0x50A400, s5;
	s9 =	ssub.s32 s31, s9  }
0xb: {  	s7 =	sadd.s32 $0x18400, s8;
	s8 =	sadd.s32 $0x8400, s8;
	s9 =	smax.u32 s9, $0x1  }
.LBB2_5:
0xc: {  	s16 =	sadd.s32 $0x1, s16  }
0xd: {  	_ =	swait.ge [sflag:s15], $0x2800;
	p0 =	sne.s32 s16, s9  }
.Ltmp1:
0xe: {  	[sflag:s15] =	ssyncset.done $0x0;
	(pc) =	sbr.rel @!p0 .LBB2_6-.Ltmp1, $4  }
0xf: {  	[sflag:s15] =	ssyncadd.s32 $0xFFFFD800  }
0x10: {  	_ =	swait.ge [sflag:s15], $0x2800  }
0x11: {  	[sflag:s15] =	ssyncset.done $0x0  }
0x12: {  	[sflag:s15] =	ssyncadd.s32 $0xFFFFD800  }
.LBB2_1:
0x13: {  	[tilespmem:s3], [sflag:$0x5] =	stream.linear.gather [hbm4b:s7+s3], $0x3E80, $0x38;
	[tilespmem:$0x12000] =	vst v63  }
0x14: {  	_ =	swait.ge [sflag:s10], $0x3E80  }
0x15: {  	[sflag:s10] =	ssyncset.done $0x0  }
0x16: {  	[sflag:s10] =	ssyncadd.s32 $0xFFFFC180  }
0x17: {  	[tilespmem:s11], [sflag:$0x5] =	stream.linear.gather [hbm4b:s8+s3], $0x3E80, $0x38;
	[tilespmem:$0x12000] =	vst v63  }
0x18: {  	_ =	swait.ge [sflag:s10], $0x3E80  }
.Ltmp2:
0x19: {  	[sflag:s10] =	ssyncset.done $0x0;
	(pc) =	sbr.rel .LBB2_2-.Ltmp2, $4  }
0x1a: {  	[sflag:s10] =	ssyncadd.s32 $0xFFFFC180  }
0x1b: {  	[tilespmem:s13], [sflag:$0x1] =	stream.indirect.gather [hbm4b:s2+s12], $0x80, s3, s12, $0xb8;
	[tilespmem:$0x12000] =	vst v63  }
0x1c: {  	s18 =	simm.s32 $0x0  }
0x1d: {  	[tilespmem:s14], [sflag:$0x1] =	stream.indirect.gather [hbm4b:s2+s12], $0x80, s11, s12, $0xb8;
	[tilespmem:$0x12000] =	vst v63  }
.LBB2_4:
0x1e: {  	s20 =	sadd.s32 $0x1, s17  }
0x1f: {  	_ =	swait.ge [sflag:s20], $0x2800  }
0x20: {  	s18 =	smul.u32 $0x50, s18;
	[sflag:s20] =	ssyncset.done $0x0  }
0x21: {  	s21 =	smul.u32 $0x2800, s17;
	s29 =	sadd.s32 $0x3, s17;
	[sflag:s20] =	ssyncadd.s32 $0xFFFFD800  }
0x22: {  	p0 =	slt.u32 s19, $0x7D;
	s18 =	sadd.s32 s6, s18;
	_ =	swait.ge [sflag:s20], $0x2800  }
0x23: {  	s30 =	sor.u32 $0x8000, s21;
	s18 =	sshll.u32 s18, $0x4;
	[sflag:s20] =	ssyncset.done $0x0  }
.Ltmp3:
0x24: {  	s22 =	sadd.s32 s4, s18;
	[sflag:s20] =	ssyncadd.s32 $0xFFFFD800;
	(pc) =	sbr.rel @!p0 .LBB2_5-.Ltmp3, $4  }
0x25: {  	[hbm4b:s22+s3] =	stream.linear.scatter [tilespmem:s30], [sflag:s29], $0x2800, $0x38;
	[tilespmem:$0x12000] =	vst v63  }
0x26: {  	s31 =	sadd.s32 $0xD000, s21;
	s18 =	sadd.s32 s5, s18  }
0x27: {  	[hbm4b:s18+s3] =	stream.linear.scatter [tilespmem:s31], [sflag:s29], $0x2800, $0x38;
	[tilespmem:$0x12000] =	vst v63  }
0x28: {  	s18 =	smov.u32 s19  }
.LBB2_2:
0x29: {  	s17 =	sand.u32 $0x1, s18  }
0x2a: {  	p0 =	seq.s32 s18, $0x0;
	s20 =	sxor.u32 $0x1, s17  }
0x2b: {  	p1 =	seq.s32 @!p0 s18, $0x7C;
	s19 =	sadd.s32 @!p0 $0x3, s20  }
0x2c: {  	p1 =	por p0, !p1;
	_ =	swait.ge @!p0 [sflag:s19], $0x2800  }
.Ltmp4:
0x2d: {  	[sflag:s19] =	ssyncset.done @!p0 $0x0;
	(pc) =	sbr.rel @!p1 .LBB2_4-.Ltmp4, $4  }
0x2e: {  	[sflag:s19] =	ssyncadd.s32 @!p0 $0xFFFFD800  }
0x2f: {  	_ =	swait.ge @!p0 [sflag:s19], $0x2800  }
0x30: {  	[sflag:s19] =	ssyncset.done @!p0 $0x0  }
0x31: {  	[sflag:s19] =	ssyncadd.s32 @!p0 $0xFFFFD800;
	s19 =	simm.s32 @!p0 $0x7D  }
0x32: {  	s19 =	sadd.s32 @!p0 $0x1, s18;
	s21 =	smul.u32 $0x2800, s20  }
.Ltmp5:
0x33: {  	s19 =	simm.s32 @p0 $0x1;
	(pc) =	sbr.rel .LBB2_4-.Ltmp5, $4  }
0x34: {  	s30 =	sadd.s32 $0x1, s20;
	s22 =	sor.u32 $0x8000, s21;
	s23 =	sshll.u32 s19, $0x7  }
0x35: {  	[tilespmem:s22], [sflag:s30] =	stream.indirect.gather [hbm4b:s2+s12], $0x80, s23, s12, $0xb8;
	[tilespmem:$0x12000] =	vst v63  }
0x36: {  	s21 =	sadd.s32 $0xD000, s21;
	s31 =	sadd.s32 $0x4000, s23  }
0x37: {  	[tilespmem:s21], [sflag:s30] =	stream.indirect.gather [hbm4b:s2+s12], $0x80, s31, s12, $0xb8;
	[tilespmem:$0x12000] =	vst v63  }
.LBB2_6:
0x38: {  	_ =	sfence.sel $0x180000  }
0x39: {  	[bflag:$0x0] =	sbarrier.arrive $0xFFFF  }
0x3a: {  	p0 =	sne.s32 s0, $0x0;
	_ =	strace $0x90000047  }
0x3b: {  	s0 =	sadd.s32 @!p0 $0x100000, s1;
	[bflag:$0x2] =	sbarrier.arrive $0xFFFF  }
0x3c: {  	[sflag:s0] =	ssyncadd.tile.s32 @!p0 $0x1;
	_ =	shalt  }
.Lfunc_end2:
_tile_overlayer_lowered:
.L_overlay_start_2:
0x3d: {  	(tag) =	ssettag $0x2  }
0x3e: {  	s0 =	rddreg [dreg:$0x0];
	s2 =	stileid.u32  }
0x3f: {  	s1 =	rddreg [dreg:$0x1];
	p0 =	sne.s32 s2, $0x0  }
0x40: {  	s3 =	rddreg [dreg:$0x2];
	[bflag:$0x3] =	sbarrier.arrive $0xFFFF;
	s2 =	simm.s32 @!p0 $0x1C05  }
0x41: {  	[timem:s3], [sflag:s2] =	dma.local @!p0 [hbm:s0], s1  }
0x42: {  	s0 =	simm.s32 @!p0 $0x5  }
0x43: {  	_ =	swait.ge @!p0 [sflag:s0], s1  }
0x44: {  	s1 =	ssub.s32 @!p0 $0x0, s1;
	[sflag:s0] =	ssyncset.done @!p0 $0x0  }
0x45: {  	[sflag:s0] =	ssyncadd.s32 @!p0 s1  }
0x46: {  	[bflag:$0x3] =	sbarrier.arrive $0xFFFF  }
0x47: {  	_ =	shalt  }

// kernel: kernel.21.cloned.1.call-start
scs
__scs_entry_jumppad:
0x0: {  	(pc) =	sbr.rel $0x88, $3  }
0x1: {  	(tag) =	ssettag $0x0;
	lr =	simm.s32 $0x1  }
0x2: {  	[smem:$0x3F82] =	sst lr;
	_ =	strace $0xD0000000  }
0x3: {  	_ = 	snop  }
0x4: {  	_ = 	snop  }
0x5: {  	_ = 	snop  }
0x6: {  	_ = 	snop  }
0x7: {  	_ = 	snop  }
__scs_overlays_trampoline_lowered:
0x8: {  	[smem:$0x3F91] =	sst s0  }
0x9: {  	[smem:$0x3F92] =	sst s1  }
0xa: {  	[smem:$0x3F93] =	sst s2  }
0xb: {  	[smem:$0x3F94] =	sst s3  }
0xc: {  	[smem:$0x3F95] =	sst s4  }
0xd: {  	[smem:$0x3F96] =	sst s5  }
0xe: {  	[smem:$0x3F97] =	sst s6  }
0xf: {  	[smem:$0x3F98] =	sst s7  }
0x10: {  	[smem:$0x3F99] =	sst s8  }
0x11: {  	[smem:$0x3F9A] =	sst s9;
	s0 =	simm.s32 @!p0 $0x0  }
0x12: {  	s1 =	sld [smem:$0x3F80];
	s0 =	simm.s32 @p0 $0x1  }
0x13: {  	[smem:$0x3F9B] =	sst s0;
	s0 =	simm.s32 @!p1 $0x0  }
0x14: {  	s2 =	sld [smem:$0x3F7F];
	s0 =	simm.s32 @p1 $0x1  }
0x15: {  	[smem:$0x3F9C] =	sst s0;
	s0 =	simm.s32 @!p2 $0x0  }
0x16: {  	s3 =	sld [smem:$0x3FDB];
	s0 =	simm.s32 @p2 $0x1  }
0x17: {  	s4 =	simm.s32 $0x1BF5;
	[smem:$0x3F9E] =	sst s0  }
0x18: {  	s0 =	sld [smem:$0x3F81];
	_ =	swait.ge [sflag:s4], $0x0  }
0x19: {  	s7 =	sld [smem:$0x3F82]  }
0x1a: {  	s8 =	sadd.s32 $0xFFFFE003, lr  }
0x1b: {  	s9 =	sadd.s32 $0xFFFFFEF7, lr;
	s5 =	simm.s32 $0xFFFFFFFF;
	p2 =	slt.u32 s8, $0xFFFFF086  }
0x1c: {  	p1 =	slt.u32 s9, $0xF7A;
	s5 =	simm.s32 @!p2 $0x0  }
0x1d: {  	s5 =	simm.s32 @p1 $0x1;
	p0 =	seq.s32 s7, s2  }
0x1e: {  	s7 =	smul.u32 @!p0 $0xF7A, s2;
	p2 =	seq.s32 @!p0 s5, $0x0  }
0x1f: {  	s9 =	smul.u32 $0xF7A, s1;
	s8 =	simm.s32 @!p0 $0x1BF5;
	p2 =	por !p2, p0  }
0x20: {  	[sflag:s8] =	ssyncset.s32 @!p0 $0xFFFFF086;
	s6 =	sadd.s32 @!p0 s3, s7;
	s7 =	simm.s32 @!p0 $0x108  }
0x21: {  	s3 =	sadd.s32 s3, s9;
	s6 =	sadd.s32 @!p0 $0x88, s6;
	s7 =	simm.s32 @p2 $0x1082  }
0x22: {  	[simem:s7], [sflag:s8] =	dma.local @!p0 [hbm:s6], $0xF7A  }
0x23: {  	s9 =	sor.u32 $0xD0000000, s2;
	s6 =	simm.s32 $0x108;
	_ =	swait.ge @!p0 [sflag:s8], $0x0  }
0x24: {  	s3 =	sadd.s32 $0x88, s3;
	s6 =	simm.s32 @!p1 $0x1082;
	[sflag:s4] =	ssyncset.s32 $0xFFFFF086  }
0x25: {  	[simem:s6], [sflag:s4] =	dma.local [hbm:s3], $0xF7A  }
0x26: {  	[smem:$0x3F82] =	sst s1;
	(tag) =	ssettag s2;
	_ =	strace s9  }
0x27: {  	s1 =	sld [smem:$0x3F92]  }
0x28: {  	s2 =	sld [smem:$0x3F93]  }
0x29: {  	s4 =	sld [smem:$0x3F95]  }
0x2a: {  	p0 =	seq.s32 s5, $0x0;
	s5 =	sld [smem:$0x3F96]  }
0x2b: {  	s6 =	sld [smem:$0x3F97]  }
0x2c: {  	s7 =	sld [smem:$0x3F98]  }
0x2d: {  	s3 =	simm.s32 $0x108;
	s8 =	sld [smem:$0x3F99]  }
0x2e: {  	s3 =	simm.s32 @!p0 $0x1082;
	s9 =	sld [smem:$0x3F9A]  }
0x2f: {  	lr =	sadd.s32 s0, s3;
	s0 =	sld [smem:$0x3F91]  }
0x30: {  	s3 =	sld [smem:$0x3F94]  }
0x31: {  	[smem:$0x3F9D] =	sst s10  }
0x32: {  	s10 =	sld [smem:$0x3F9B];
	_ =	sdelay $0x3  }
0x33: {  	p0 =	seq.s32 s10, $0x1;
	s10 =	sld [smem:$0x3F9D];
	_ =	sdelay $0x3  }
0x34: {  	[smem:$0x3F9D] =	sst s10  }
0x35: {  	s10 =	sld [smem:$0x3F9C];
	_ =	sdelay $0x3  }
0x36: {  	p1 =	seq.s32 s10, $0x1;
	s10 =	sld [smem:$0x3F9D];
	_ =	sdelay $0x3  }
0x37: {  	[smem:$0x3F9D] =	sst s10  }
0x38: {  	s10 =	sld [smem:$0x3F9E]  }
0x39: {  	_ = 	snop;
	(pc) =	sbr.ind lr, $3  }
0x3a: {  	_ = 	snop  }
0x3b: {  	_ = 	snop  }
0x3c: {  	p2 =	seq.s32 s10, $0x1;
	s10 =	sld [smem:$0x3F9D]  }
0x3d: {  	_ =	shalt  }
0x3e: {  	_ =	shalt  }
0x3f: {  	_ =	shalt  }
0x40: {  	_ =	shalt  }
0x41: {  	_ =	shalt  }
0x42: {  	_ =	shalt  }
0x43: {  	_ =	shalt  }
0x44: {  	_ =	shalt  }
0x45: {  	_ =	shalt  }
0x46: {  	_ =	shalt  }
0x47: {  	_ =	shalt  }
0x48: {  	_ =	shalt  }
0x49: {  	_ =	shalt  }
0x4a: {  	_ =	shalt  }
0x4b: {  	_ =	shalt  }
0x4c: {  	_ =	shalt  }
0x4d: {  	_ =	shalt  }
0x4e: {  	_ =	shalt  }
0x4f: {  	_ =	shalt  }
0x50: {  	_ =	shalt  }
0x51: {  	_ =	shalt  }
0x52: {  	_ =	shalt  }
0x53: {  	_ =	shalt  }
0x54: {  	_ =	shalt  }
0x55: {  	_ =	shalt  }
0x56: {  	_ =	shalt  }
0x57: {  	_ =	shalt  }
0x58: {  	_ =	shalt  }
0x59: {  	_ =	shalt  }
0x5a: {  	_ =	shalt  }
0x5b: {  	_ =	shalt  }
0x5c: {  	_ =	shalt  }
0x5d: {  	_ =	shalt  }
0x5e: {  	_ =	shalt  }
0x5f: {  	_ =	shalt  }
0x60: {  	_ =	shalt  }
0x61: {  	_ =	shalt  }
0x62: {  	_ =	shalt  }
0x63: {  	_ =	shalt  }
0x64: {  	_ =	shalt  }
0x65: {  	_ =	shalt  }
0x66: {  	_ =	shalt  }
0x67: {  	_ =	shalt  }
0x68: {  	_ =	shalt  }
0x69: {  	_ =	shalt  }
0x6a: {  	_ =	shalt  }
0x6b: {  	_ =	shalt  }
0x6c: {  	_ =	shalt  }
0x6d: {  	_ =	shalt  }
0x6e: {  	_ =	shalt  }
0x6f: {  	_ =	shalt  }
0x70: {  	_ =	shalt  }
0x71: {  	_ =	shalt  }
0x72: {  	_ =	shalt  }
0x73: {  	_ =	shalt  }
0x74: {  	_ =	shalt  }
0x75: {  	_ =	shalt  }
0x76: {  	_ =	shalt  }
0x77: {  	_ =	shalt  }
0x78: {  	_ =	shalt  }
0x79: {  	_ =	shalt  }
0x7a: {  	_ =	shalt  }
0x7b: {  	_ =	shalt  }
0x7c: {  	_ =	shalt  }
0x7d: {  	_ =	shalt  }
0x7e: {  	_ =	shalt  }
0x7f: {  	_ =	shalt  }
0x80: {  	_ =	shalt  }
0x81: {  	_ =	shalt  }
0x82: {  	_ =	shalt  }
0x83: {  	_ =	shalt  }
0x84: {  	_ =	shalt  }
0x85: {  	_ =	shalt  }
0x86: {  	_ =	shalt  }
0x87: {  	_ =	shalt  }
.Lfunc_end0:
.L_simem_size_0:
called_computation.1_lowered:
.L_overlay_start_0:
0x88: {  	s2 =	sld [smem:$0x3FD9]  }
0x89: {  	s3 =	sld [smem:$0x3FFE];
	_ =	sdelay $0x1  }
0x8a: {  	s1 =	srdreg.scid  }
0x8b: {  	s0 =	sand.u32 $0x1, s1  }
0x8c: {  	s16 =	sshll.u32 s0, $0xA;
	s2 =	sadd.s32 s3, s2  }
0x8d: {  	s2 =	sadd.s32 s2, s16  }
0x8e: {  	[smem:$0x3FA9] =	sst s2  }
0x8f: {  	_ = 	snop  }
0x90: {  	(tm) =	ssettm $0x1  }
0x91: {  	s17 =	sld [smem:$0x3FFB];
	_ =	sdelay $0x3  }
0x92: {  	_ =	strace s17  }
0x93: {  	s2 =	sld [smem:$0x3FFC];
	_ =	sdelay $0x3  }
0x94: {  	_ =	strace s2  }
0x95: {  	s2 =	sld [smem:$0x3FFD];
	_ =	sdelay $0x3  }
0x96: {  	_ =	strace s2  }
0x97: {  	_ =	strace $0x8FFFFFFF  }
0x98: {  	s18 =	sld [smem:$0x3FDB];
	_ =	sdelay $0x1  }
0x99: {  	s19 =	simm.s32 $_scs_section_size  }
0x9a: {  	s4 =	simm.s32 $_size__tile_overlayer_lowered;
	s5 =	simm.s32 $_tile_overlayer_lowered  }
0x9b: {  	s22 =	simm.s32 $0x1BFF;
	s21 =	sshll.u32 s5, $0x1;
	s2 =	sadd.s32 s19, s18  }
0x9c: {  	s6 =	simm.s32 $0x0;
	s20 =	sshll.u32 s4, $0x1;
	s4 =	sadd.s32 s21, s2  }
0x9d: {  	[timem:s6], [sflag:s22] =	dma.local [hbm:s4], s20  }
0x9e: {  	_ =	swait.ge [sflag:s22], s20  }
0x9f: {  	s3 =	ssub.s32 $0x0, s20;
	[sflag:s22] =	ssyncset.done $0x0  }
0xa0: {  	[sflag:s22] =	ssyncadd.s32 s3;
	_ =	sdelay $0x1  }
0xa1: {  	s23 =	simm.s32 $0x1B8B  }
0xa2: {  	_ =	swait.ge [sflag:s23], $0x1  }
0xa3: {  	[sflag:s23] =	ssyncset.done $0x0  }
0xa4: {  	s25 =	simm.s32 $0x1B8E;
	s24 =	sld [smem:$0x3FFE];
	[sflag:s23] =	ssyncadd.s32 $0xFFFFFFFF  }
0xa5: {  	s26 =	simm.s32 $execute0_lowered;
	[smem:$0x3FD2] =	sst s25  }
0xa6: {  	s4 =	sshll.u32 s26, $0x1;
	_ =	strace $0x80000049;
	[dreg:$0x1] =	wrdreg $0xFFFFFFFF  }
0xa7: {  	s28 =	simm.s32 $_size_execute0_lowered;
	s2 =	sadd.s32 s2, s4;
	[dreg:$0x0] =	wrdreg $0x0  }
0xa8: {  	s4 =	sshll.u32 s28, $0x1;
	[dreg:$0x2] =	wrdreg s2  }
0xa9: {  	[dreg:$0x3] =	wrdreg s4  }
0xaa: {  	[dreg:$0x4] =	wrdreg $0xC0  }
0xab: {  	_ =	task [dreg:s6], $0x5FFFF  }
0xac: {  	[dreg:$0x1] =	wrdreg $0xFFFFFFFF  }
0xad: {  	[dreg:$0x0] =	wrdreg $0x60  }
0xae: {  	[dreg:$0x2] =	wrdreg s24  }
0xaf: {  	[dreg:$0x3] =	wrdreg $0x90000  }
0xb0: {  	[dreg:$0x4] =	wrdreg $0x9  }
0xb1: {  	_ =	task.clear_ibuf [dreg:s6], $0x5FFFF;
	_ =	strace $0x90000049  }
0xb2: {  	s29 =	simm.s32 $0x9;
	_ =	strace $0x8000004B  }
0xb3: {  	_ =	swait.ge [sflag:s29], $0x1  }
0xb4: {  	[sflag:s29] =	ssyncadd.s32 $0xFFFFFFFF  }
0xb5: {  	_ =	strace $0x9000004B  }
0xb6: {  	_ =	sfence  }
0xb7: {  	s30 =	sld [smem:$0x0];
	_ =	sdelay $0x2  }
0xb8: {  	s31 =	sshll.u32 s1, $0xD;
	s1 =	sshrl.u32 s1, $0x2  }
0xb9: {  	s3 =	sand.u32 $0x4000, s31;
	s1 =	sadd.s32 s1, s30  }
0xba: {  	s0 =	sor.u32 s3, s0;
	s1 =	sshll.u32 s1, $0x11  }
0xbb: {  	s0 =	sor.u32 s1, s0  }
0xbc: {  	s0 =	sadd.s32 $0x8F2B, s0  }
0xbd: {  	[sflag:s0] =	ssyncadd.remote.s32 $0x1  }
0xbe: {  	_ =	sfence.sel $0xFFFF  }
0xbf: {  	[dreg:$0x0] =	wrdreg $0xFFFFFFFF;
	(pc) =	sbr.abs _section_cstart, $3  }
0xc0: {  	[dreg:$0x1] =	wrdreg $0xFFFFFFFF  }
0xc1: {  	_ =	task.clear_ibuf [dreg:s6], $0x2FFFF;
	_ =	strace $0x9FFFFFFF  }
0xc2: {  	(tm) =	ssettm $0x7FFFFFFF  }
0xc3: {  	_ =	shalt  }
tec
execute0_lowered:
.L_overlay_start_1:
0x0: {  	(tag) =	ssettag $0x1  }
0x1: {  	s1 =	srdreg.scid;
	s23 =	stileid.u32  }
0x2: {  	s0 =	rddreg [dreg:$0x0];
	s1 =	sand.u32 $0x1, s1;
	s7 =	smul.u32 $0x500, s23  }
0x3: {  	s2 =	rddreg [dreg:$0x1];
	s13 =	sor.u32 $0x10, s23;
	s5 =	smul.u32 $0x27100, s1  }
0x4: {  	s3 =	simm.s32 $0x0;
	s14 =	sor.u32 $0x20, s23;
	s8 =	smul.u32 $0x500, s13  }
0x5: {  	s28 =	simm.s32 $0x50;
	s16 =	sor.u32 $0x30, s23;
	s10 =	smul.u32 $0x500, s14  }
0x6: {  	s29 =	simm.s32 $0x1;
	s17 =	sor.u32 $0x40, s23;
	s24 =	smul.u32 $0x500, s16  }
0x7: {  	s31 =	simm.s32 $0x4;
	s18 =	sor.u32 $0x50, s23;
	s15 =	smul.u32 $0x500, s17  }
0x8: {  	s4 =	sshll.u32 s23, $0x1;
	s19 =	sor.u32 $0x60, s23;
	s20 =	smul.u32 $0x500, s18  }
0x9: {  	[smem:$0x7FF] =	sst s3;
	s25 =	sor.u32 $0x70, s23;
	s21 =	smul.u32 $0x500, s19  }
0xa: {  	s4 =	sor.u32 s1, s4;
	s1 =	ssub.s32 $0x2, s1;
	s22 =	smul.u32 $0x500, s25  }
0xb: {  	p0 =	sgt.u32 s25, $0x7C;
	s12 =	smul.u32 $0x27100, s4;
	s6 =	sadd.s32 s5, s0  }
0xc: {  	s9 =	sshrl.u32 s1, $0x1;
	s4 =	sshll.u32 s4, $0xB;
	s11 =	sadd.s32 $0x28A00, s6  }
0xd: {  	s1 =	ssub.s32 s1, s9;
	s6 =	sadd.s32 s11, s7;
	s26 =	sadd.s32 s11, s8  }
0xe: {  	s30 =	sadd.s32 s11, s10;
	s7 =	sadd.s32 s11, s24;
	s8 =	sadd.s32 s11, s15  }
0xf: {  	s9 =	sadd.s32 s11, s20;
	s10 =	smul.u32 $0x4E200, s23;
	s20 =	sadd.s32 s11, s21  }
0x10: {  	s11 =	sadd.s32 s11, s22;
	s22 =	smul.u32 $0xA000, s23;
	[dreg:$0x3] =	wrdreg s6  }
0x11: {  	s4 =	sadd.s32 s4, s0;
	s23 =	smul.u32 $0xA000, s13;
	[dreg:$0x4] =	wrdreg s26  }
0x12: {  	s21 =	sadd.s32 $0xECE400, s0;
	s24 =	smul.u32 $0xA000, s14;
	[dreg:$0x5] =	wrdreg s30  }
0x13: {  	s13 =	sadd.s32 $0x28400, s0;
	[dreg:$0x6] =	wrdreg s7;
	s26 =	smul.u32 $0xA000, s16  }
0x14: {  	s14 =	sadd.s32 $0x8400, s4;
	[dreg:$0x7] =	wrdreg s8;
	s7 =	smul.u32 $0xA000, s17  }
0x15: {  	s15 =	smax.u32 s1, $0x1;
	[dreg:$0x8] =	wrdreg s9;
	s8 =	smul.u32 $0xA000, s18  }
0x16: {  	[dreg:$0x9] =	wrdreg s20;
	s12 =	sadd.s32 s21, s12;
	s9 =	smul.u32 $0xA000, s19  }
0x17: {  	s20 =	sadd.s32 s10, s21;
	_ =	strace $0x8000004A;
	s30 =	sshrl.u32 s22, $0x2  }
0x18: {  	s6 =	sshrl.u32 s23, $0x2;
	s0 =	sshrl.u32 s24, $0x2;
	s10 =	smul.u32 $0xA000, s25  }
0x19: {  	s25 =	simm.s32 $0x4000;
	s16 =	sadd.s32 s30, s2;
	s17 =	sadd.s32 s6, s2  }
0x1a: {  	s1 =	sshrl.u32 s26, $0x2;
	s22 =	sshrl.u32 s7, $0x2;
	s5 =	sadd.s32 s5, s20  }
0x1b: {  	s18 =	sadd.s32 s0, s2;
	s24 =	sshrl.u32 s8, $0x2;
	s26 =	sshrl.u32 s9, $0x2  }
0x1c: {  	s0 =	simm.s32 $0x0;
	s19 =	sadd.s32 s1, s2;
	s20 =	sadd.s32 s22, s2  }
0x1d: {  	s30 =	sshrl.u32 s10, $0x2;
	s21 =	sadd.s32 s24, s2;
	s22 =	sadd.s32 s26, s2  }
0x1e: {  	s24 =	sadd.s32 $0x500, s5;
	s26 =	simm.s32 $0x3;
	s23 =	sadd.s32 s30, s2  }
.LBB2_1:
0x1f: {  	[tilespmem:s25], [sflag:$0x3] =	stream.linear.gather [hbm4b:s13+s3], $0x2800, $0x38;
	[tilespmem:$0x1C880] =	vst v63  }
0x20: {  	_ =	swait.ge [sflag:s26], $0x2800  }
0x21: {  	[sflag:s26] =	ssyncset.done $0x0  }
0x22: {  	[sflag:s26] =	ssyncadd.s32 $0xFFFFD800  }
0x23: {  	[spmem:s16] =	stream.linear.scatter [tilespmem:s25], [sflag:$0x3], $0x2800, $0x38;
	[tilespmem:$0x1C880] =	vst v63  }
0x24: {  	_ =	swait.ge [sflag:s26], $0x2800  }
0x25: {  	[sflag:s26] =	ssyncset.done $0x0  }
0x26: {  	[sflag:s26] =	ssyncadd.s32 $0xFFFFD800  }
0x27: {  	[spmem:s17] =	stream.linear.scatter [tilespmem:s25], [sflag:$0x3], $0x2800, $0x38;
	[tilespmem:$0x1C880] =	vst v63  }
0x28: {  	_ =	swait.ge [sflag:s26], $0x2800  }
0x29: {  	[sflag:s26] =	ssyncset.done $0x0  }
0x2a: {  	[sflag:s26] =	ssyncadd.s32 $0xFFFFD800  }
0x2b: {  	[spmem:s18] =	stream.linear.scatter [tilespmem:s25], [sflag:$0x3], $0x2800, $0x38;
	[tilespmem:$0x1C880] =	vst v63  }
0x2c: {  	_ =	swait.ge [sflag:s26], $0x2800  }
0x2d: {  	[sflag:s26] =	ssyncset.done $0x0  }
0x2e: {  	[sflag:s26] =	ssyncadd.s32 $0xFFFFD800  }
0x2f: {  	[spmem:s19] =	stream.linear.scatter [tilespmem:s25], [sflag:$0x3], $0x2800, $0x38;
	[tilespmem:$0x1C880] =	vst v63  }
0x30: {  	_ =	swait.ge [sflag:s26], $0x2800  }
0x31: {  	[sflag:s26] =	ssyncset.done $0x0  }
0x32: {  	[sflag:s26] =	ssyncadd.s32 $0xFFFFD800  }
0x33: {  	[spmem:s20] =	stream.linear.scatter [tilespmem:s25], [sflag:$0x3], $0x2800, $0x38;
	[tilespmem:$0x1C880] =	vst v63  }
0x34: {  	_ =	swait.ge [sflag:s26], $0x2800  }
0x35: {  	[sflag:s26] =	ssyncset.done $0x0  }
0x36: {  	[sflag:s26] =	ssyncadd.s32 $0xFFFFD800  }
0x37: {  	[spmem:s21] =	stream.linear.scatter [tilespmem:s25], [sflag:$0x3], $0x2800, $0x38;
	[tilespmem:$0x1C880] =	vst v63  }
0x38: {  	_ =	swait.ge [sflag:s26], $0x2800  }
0x39: {  	[sflag:s26] =	ssyncset.done $0x0  }
0x3a: {  	[sflag:s26] =	ssyncadd.s32 $0xFFFFD800  }
0x3b: {  	[spmem:s22] =	stream.linear.scatter [tilespmem:s25], [sflag:$0x3], $0x2800, $0x38;
	[tilespmem:$0x1C880] =	vst v63  }
0x3c: {  	_ =	swait.ge [sflag:s26], $0x2800  }
0x3d: {  	[sflag:s26] =	ssyncset.done $0x0  }
0x3e: {  	s1 =	simm.s32 @!p0 $0x4000;
	[sflag:s26] =	ssyncadd.s32 $0xFFFFD800  }
0x3f: {  	[spmem:s23] =	stream.linear.scatter @!p0 [tilespmem:s1], [sflag:$0x3], $0x2800, $0x38;
	[tilespmem:$0x1C880] =	vst v63  }
0x40: {  	s1 =	simm.s32 @!p0 $0x3  }
0x41: {  	_ =	swait.ge @!p0 [sflag:s1], $0x2800  }
0x42: {  	[sflag:s1] =	ssyncset.done @!p0 $0x0  }
0x43: {  	[sflag:s1] =	ssyncadd.s32 @!p0 $0xFFFFD800  }
0x44: {  	[tilespmem:s3], [sflag:$0x3] =	stream.linear.gather [hbm4b:s14+s3], $0x3E80, $0x38;
	[tilespmem:$0x1C880] =	vst v63  }
0x45: {  	_ =	swait.ge [sflag:s26], $0x3E80  }
0x46: {  	s8 =	sand.u32 $0x1, s3;
	[sflag:s26] =	ssyncset.done $0x0  }
0x47: {  	s4 =	sxor.u32 $0x1, s8;
	[sflag:s26] =	ssyncadd.s32 $0xFFFFC180  }
0x48: {  	s5 =	sadd.s32 $0x1, s8;
	s30 =	smul.u32 $0xA000, s4;
	[bflag:$0x0] =	sbarrier.arrive $0xFFFF  }
0x49: {  	[tilespmem:s25], [sflag:$0x1] =	stream.linear.gather [hbm4b:s12+s3], $0x2800, $0x38;
	[tilespmem:$0x1C880] =	vst v63  }
0x4a: {  	s10 =	simm.s32 $0x1;
	s1 =	smul.u32 $0xA000, s8;
	_ =	swait.ge [sflag:s5], $0x2800  }
0x4b: {  	s4 =	sadd.s32 $0x1, s4;
	s30 =	sshrl.u32 s30, $0x2;
	[sflag:s5] =	ssyncset.done $0x0  }
0x4c: {  	s9 =	sor.u32 $0x4000, s30;
	s1 =	sshrl.u32 s1, $0x2;
	[sflag:s5] =	ssyncadd.s32 $0xFFFFD800  }
0x4d: {  	[tilespmem:s9], [sflag:s4] =	stream.linear.gather [hbm4b:s24+s3], $0x2800, $0x38;
	[tilespmem:$0x1C880] =	vst v63  }
0x4e: {  	s30 =	simm.s32 $0x80;
	s1 =	sor.u32 $0x4000, s1;
	s5 =	simm.s32 $0x2  }
0x4f: {  	[spmem:s2] =	stream.indirect.scatter.add.f32 [tilespmem:s1], [sflag:$0x3], $0x80, s3, s28, $0xb8;
	[tilespmem:$0x1C880] =	vst v63  }
0x50: {  	s4 =	sand.u32 $0x1, s10;
	s1 =	sadd.s32 $0x500, s24;
	_ =	swait.ge [sflag:s26], $0x2800  }
.LBB2_2:
0x51: {  	s6 =	sadd.s32 $0x1, s4  }
0x52: {  	s7 =	sxor.u32 $0x1, s4;
	[sflag:s26] =	ssyncset.done $0x0;
	s8 =	smov.u32 s5  }
0x53: {  	s9 =	sadd.s32 $0x1, s5;
	s10 =	smul.u32 $0xA000, s7;
	[sflag:s26] =	ssyncadd.s32 $0xFFFFD800  }
0x54: {  	p1 =	sne.s32 s5, $0x7B;
	_ =	swait.ge [sflag:s6], $0x2800  }
0x55: {  	s4 =	smul.u32 $0xA000, s4;
	[sflag:s6] =	ssyncset.done $0x0;
	s5 =	sshrl.u32 s10, $0x2  }
0x56: {  	[sflag:s6] =	ssyncadd.s32 $0xFFFFD800;
	s5 =	sor.u32 $0x4000, s5;
	s6 =	sadd.s32 $0x1, s7  }
0x57: {  	[tilespmem:s5], [sflag:s6] =	stream.linear.gather [hbm4b:s1+s3], $0x2800, $0x38;
	[tilespmem:$0x1C880] =	vst v63  }
.Ltmp0:
0x58: {  	_ = 	snop;
	(pc) =	sbr.rel @p1 .LBB2_2-.Ltmp0, $4  }
0x59: {  	s4 =	sshrl.u32 s4, $0x2  }
0x5a: {  	s4 =	sor.u32 $0x4000, s4;
	s1 =	sadd.s32 $0x500, s1;
	s5 =	smov.u32 s9  }
0x5b: {  	[spmem:s2] =	stream.indirect.scatter.add.f32 [tilespmem:s4], [sflag:$0x3], $0x80, s30, s28, $0xb8;
	[tilespmem:$0x1C880] =	vst v63  }
0x5c: {  	s4 =	sand.u32 $0x1, s8;
	s30 =	sadd.s32 $0x80, s30;
	_ =	swait.ge [sflag:s26], $0x2800  }
0x5d: {  	[sflag:s26] =	ssyncset.done $0x0;
	s6 =	sxor.u32 $0x1, s4  }
0x5e: {  	s5 =	sadd.s32 $0x1, s4;
	[sflag:s26] =	ssyncadd.s32 $0xFFFFD800;
	s7 =	smul.u32 $0xA000, s6  }
0x5f: {  	s9 =	smul.u32 $0xA000, s4;
	_ =	swait.ge [sflag:s5], $0x2800  }
0x60: {  	s6 =	sadd.s32 $0x1, s6;
	[sflag:s5] =	ssyncset.done $0x0;
	s8 =	sshrl.u32 s7, $0x2  }
0x61: {  	s10 =	sshrl.u32 s9, $0x2;
	[sflag:s5] =	ssyncadd.s32 $0xFFFFD800;
	s5 =	sor.u32 $0x4000, s8  }
0x62: {  	[tilespmem:s5], [sflag:s6] =	stream.linear.gather [hbm4b:s1+s3], $0x2800, $0x38;
	[tilespmem:$0x1C880] =	vst v63  }
0x63: {  	s1 =	sor.u32 $0x4000, s10  }
0x64: {  	[spmem:s2] =	stream.indirect.scatter.add.f32 [tilespmem:s1], [sflag:$0x3], $0x80, s30, s28, $0xb8;
	[tilespmem:$0x1C880] =	vst v63  }
0x65: {  	_ =	swait.ge [sflag:s26], $0x2800  }
0x66: {  	[sflag:s26] =	ssyncset.done $0x0  }
0x67: {  	[sflag:s26] =	ssyncadd.s32 $0xFFFFD800  }
0x68: {  	_ =	swait.ge [sflag:s29], $0x2800  }
0x69: {  	[sflag:s29] =	ssyncset.done $0x0  }
0x6a: {  	s4 =	simm.s32 $0x3E00;
	[sflag:s29] =	ssyncadd.s32 $0xFFFFD800  }
0x6b: {  	[spmem:s2] =	stream.indirect.scatter.add.f32 [tilespmem:s25], [sflag:$0x3], $0x80, s4, s28, $0xb8;
	[tilespmem:$0x1C880] =	vst v63  }
0x6c: {  	_ =	swait.ge [sflag:s26], $0x2800  }
0x6d: {  	[sflag:s26] =	ssyncset.done $0x0  }
0x6e: {  	[sflag:s26] =	ssyncadd.s32 $0xFFFFD800  }
0x6f: {  	[bflag:$0x0] =	sbarrier.arrive $0xFFFF  }
0x70: {  	[tilespmem:s25], [sflag:$0x4] =	stream.linear.gather [spmem:s16], $0x2800, $0x38;
	[tilespmem:$0x1C880] =	vst v63  }
0x71: {  	_ =	swait.ge [sflag:s31], $0x2800  }
0x72: {  	[sflag:s31] =	ssyncset.done $0x0  }
0x73: {  	s5 =	rddreg [dreg:$0x3];
	[sflag:s31] =	ssyncadd.s32 $0xFFFFD800  }
0x74: {  	[hbm4b:s5+s3] =	stream.linear.scatter [tilespmem:s25], [sflag:$0x3], $0x2800, $0x38;
	[tilespmem:$0x1C880] =	vst v63  }
0x75: {  	_ =	swait.ge [sflag:s26], $0x2800  }
0x76: {  	[sflag:s26] =	ssyncset.done $0x0  }
0x77: {  	[sflag:s26] =	ssyncadd.s32 $0xFFFFD800  }
0x78: {  	[tilespmem:s25], [sflag:$0x4] =	stream.linear.gather [spmem:s17], $0x2800, $0x38;
	[tilespmem:$0x1C880] =	vst v63  }
0x79: {  	_ =	swait.ge [sflag:s31], $0x2800  }
0x7a: {  	[sflag:s31] =	ssyncset.done $0x0  }
0x7b: {  	s6 =	rddreg [dreg:$0x4];
	[sflag:s31] =	ssyncadd.s32 $0xFFFFD800  }
0x7c: {  	[hbm4b:s6+s3] =	stream.linear.scatter [tilespmem:s25], [sflag:$0x3], $0x2800, $0x38;
	[tilespmem:$0x1C880] =	vst v63  }
0x7d: {  	_ =	swait.ge [sflag:s26], $0x2800  }
0x7e: {  	[sflag:s26] =	ssyncset.done $0x0  }
0x7f: {  	[sflag:s26] =	ssyncadd.s32 $0xFFFFD800  }
0x80: {  	[tilespmem:s25], [sflag:$0x4] =	stream.linear.gather [spmem:s18], $0x2800, $0x38;
	[tilespmem:$0x1C880] =	vst v63  }
0x81: {  	_ =	swait.ge [sflag:s31], $0x2800  }
0x82: {  	[sflag:s31] =	ssyncset.done $0x0  }
0x83: {  	s7 =	rddreg [dreg:$0x5];
	[sflag:s31] =	ssyncadd.s32 $0xFFFFD800  }
0x84: {  	[hbm4b:s7+s3] =	stream.linear.scatter [tilespmem:s25], [sflag:$0x3], $0x2800, $0x38;
	[tilespmem:$0x1C880] =	vst v63  }
0x85: {  	_ =	swait.ge [sflag:s26], $0x2800  }
0x86: {  	[sflag:s26] =	ssyncset.done $0x0  }
0x87: {  	[sflag:s26] =	ssyncadd.s32 $0xFFFFD800  }
0x88: {  	[tilespmem:s25], [sflag:$0x4] =	stream.linear.gather [spmem:s19], $0x2800, $0x38;
	[tilespmem:$0x1C880] =	vst v63  }
0x89: {  	_ =	swait.ge [sflag:s31], $0x2800  }
0x8a: {  	[sflag:s31] =	ssyncset.done $0x0  }
0x8b: {  	s8 =	rddreg [dreg:$0x6];
	[sflag:s31] =	ssyncadd.s32 $0xFFFFD800  }
0x8c: {  	[hbm4b:s8+s3] =	stream.linear.scatter [tilespmem:s25], [sflag:$0x3], $0x2800, $0x38;
	[tilespmem:$0x1C880] =	vst v63  }
0x8d: {  	_ =	swait.ge [sflag:s26], $0x2800  }
0x8e: {  	[sflag:s26] =	ssyncset.done $0x0  }
0x8f: {  	[sflag:s26] =	ssyncadd.s32 $0xFFFFD800  }
0x90: {  	[tilespmem:s25], [sflag:$0x4] =	stream.linear.gather [spmem:s20], $0x2800, $0x38;
	[tilespmem:$0x1C880] =	vst v63  }
0x91: {  	_ =	swait.ge [sflag:s31], $0x2800  }
0x92: {  	[sflag:s31] =	ssyncset.done $0x0  }
0x93: {  	s9 =	rddreg [dreg:$0x7];
	[sflag:s31] =	ssyncadd.s32 $0xFFFFD800  }
0x94: {  	[hbm4b:s9+s3] =	stream.linear.scatter [tilespmem:s25], [sflag:$0x3], $0x2800, $0x38;
	[tilespmem:$0x1C880] =	vst v63  }
0x95: {  	_ =	swait.ge [sflag:s26], $0x2800  }
0x96: {  	[sflag:s26] =	ssyncset.done $0x0  }
0x97: {  	[sflag:s26] =	ssyncadd.s32 $0xFFFFD800  }
0x98: {  	[tilespmem:s25], [sflag:$0x4] =	stream.linear.gather [spmem:s21], $0x2800, $0x38;
	[tilespmem:$0x1C880] =	vst v63  }
0x99: {  	_ =	swait.ge [sflag:s31], $0x2800  }
0x9a: {  	[sflag:s31] =	ssyncset.done $0x0  }
0x9b: {  	s10 =	rddreg [dreg:$0x8];
	[sflag:s31] =	ssyncadd.s32 $0xFFFFD800  }
0x9c: {  	[hbm4b:s10+s3] =	stream.linear.scatter [tilespmem:s25], [sflag:$0x3], $0x2800, $0x38;
	[tilespmem:$0x1C880] =	vst v63  }
0x9d: {  	_ =	swait.ge [sflag:s26], $0x2800  }
0x9e: {  	[sflag:s26] =	ssyncset.done $0x0  }
0x9f: {  	[sflag:s26] =	ssyncadd.s32 $0xFFFFD800  }
0xa0: {  	[tilespmem:s25], [sflag:$0x4] =	stream.linear.gather [spmem:s22], $0x2800, $0x38;
	[tilespmem:$0x1C880] =	vst v63  }
0xa1: {  	_ =	swait.ge [sflag:s31], $0x2800  }
0xa2: {  	[sflag:s31] =	ssyncset.done $0x0  }
0xa3: {  	s30 =	rddreg [dreg:$0x9];
	[sflag:s31] =	ssyncadd.s32 $0xFFFFD800  }
0xa4: {  	[hbm4b:s30+s3] =	stream.linear.scatter [tilespmem:s25], [sflag:$0x3], $0x2800, $0x38;
	[tilespmem:$0x1C880] =	vst v63  }
0xa5: {  	_ =	swait.ge [sflag:s26], $0x2800  }
0xa6: {  	[sflag:s26] =	ssyncset.done $0x0  }
0xa7: {  	s1 =	simm.s32 @!p0 $0x4000;
	s4 =	simm.s32 @!p0 $0x4;
	[sflag:s26] =	ssyncadd.s32 $0xFFFFD800  }
0xa8: {  	[tilespmem:s1], [sflag:$0x4] =	stream.linear.gather @!p0 [spmem:s23], $0x2800, $0x38;
	[tilespmem:$0x1C880] =	vst v63  }
0xa9: {  	_ =	swait.ge @!p0 [sflag:s4], $0x2800  }
0xaa: {  	s0 =	sadd.s32 $0x1, s0;
	[sflag:s4] =	ssyncset.done @!p0 $0x0  }
0xab: {  	p1 =	sne.s32 s0, s15;
	[sflag:s4] =	ssyncadd.s32 @!p0 $0xFFFFD800;
	s4 =	simm.s32 @!p0 $0x0  }
0xac: {  	[hbm4b:s11+s4] =	stream.linear.scatter @!p0 [tilespmem:s1], [sflag:$0x3], $0x2800, $0x38;
	[tilespmem:$0x1C880] =	vst v63  }
.Ltmp1:
0xad: {  	_ = 	snop;
	(pc) =	sbr.rel @p1 .LBB2_1-.Ltmp1, $4  }
0xae: {  	s1 =	simm.s32 @!p0 $0x3  }
0xaf: {  	_ =	swait.ge @!p0 [sflag:s1], $0x2800  }
0xb0: {  	[sflag:s1] =	ssyncset.done @!p0 $0x0  }
0xb1: {  	[sflag:s1] =	ssyncadd.s32 @!p0 $0xFFFFD800  }
0xb2: {  	_ =	sfence.sel $0x180000  }
0xb3: {  	[bflag:$0x0] =	sbarrier.arrive $0xFFFF  }
0xb4: {  	_ =	strace $0x9000004A  }
0xb5: {  	s0 =	stileid.u32;
	[bflag:$0x2] =	sbarrier.arrive $0xFFFF  }
0xb6: {  	p0 =	sne.s32 s0, $0x0;
	s0 =	rddreg [dreg:$0x2]  }
0xb7: {  	s0 =	sadd.s32 @!p0 $0x100000, s0  }
0xb8: {  	[sflag:s0] =	ssyncadd.tile.s32 @!p0 $0x1;
	_ =	shalt  }
.Lfunc_end2:
_tile_overlayer_lowered:
.L_overlay_start_2:
0xb9: {  	(tag) =	ssettag $0x2  }
0xba: {  	s0 =	rddreg [dreg:$0x0];
	s2 =	stileid.u32  }
0xbb: {  	s1 =	rddreg [dreg:$0x1];
	p0 =	sne.s32 s2, $0x0  }
0xbc: {  	s3 =	rddreg [dreg:$0x2];
	[bflag:$0x3] =	sbarrier.arrive $0xFFFF;
	s2 =	simm.s32 @!p0 $0x1C03  }
0xbd: {  	[timem:s3], [sflag:s2] =	dma.local @!p0 [hbm:s0], s1  }
0xbe: {  	s0 =	simm.s32 @!p0 $0x3  }
0xbf: {  	_ =	swait.ge @!p0 [sflag:s0], s1  }
0xc0: {  	s1 =	ssub.s32 @!p0 $0x0, s1;
	[sflag:s0] =	ssyncset.done @!p0 $0x0  }
0xc1: {  	[sflag:s0] =	ssyncadd.s32 @!p0 s1  }
0xc2: {  	[bflag:$0x3] =	sbarrier.arrive $0xFFFF  }
0xc3: {  	_ =	shalt  }

// kernel: kernel.24.cloned.1.call-start
scs
__scs_entry_jumppad:
0x0: {  	(pc) =	sbr.rel $0x88, $3  }
0x1: {  	(tag) =	ssettag $0x0;
	lr =	simm.s32 $0x1  }
0x2: {  	[smem:$0x3F82] =	sst lr;
	_ =	strace $0xD0000000  }
0x3: {  	_ = 	snop  }
0x4: {  	_ = 	snop  }
0x5: {  	_ = 	snop  }
0x6: {  	_ = 	snop  }
0x7: {  	_ = 	snop  }
__scs_overlays_trampoline_lowered:
0x8: {  	[smem:$0x3F91] =	sst s0  }
0x9: {  	[smem:$0x3F92] =	sst s1  }
0xa: {  	[smem:$0x3F93] =	sst s2  }
0xb: {  	[smem:$0x3F94] =	sst s3  }
0xc: {  	[smem:$0x3F95] =	sst s4  }
0xd: {  	[smem:$0x3F96] =	sst s5  }
0xe: {  	[smem:$0x3F97] =	sst s6  }
0xf: {  	[smem:$0x3F98] =	sst s7  }
0x10: {  	[smem:$0x3F99] =	sst s8  }
0x11: {  	[smem:$0x3F9A] =	sst s9;
	s0 =	simm.s32 @!p0 $0x0  }
0x12: {  	s1 =	sld [smem:$0x3F80];
	s0 =	simm.s32 @p0 $0x1  }
0x13: {  	[smem:$0x3F9B] =	sst s0;
	s0 =	simm.s32 @!p1 $0x0  }
0x14: {  	s2 =	sld [smem:$0x3F7F];
	s0 =	simm.s32 @p1 $0x1  }
0x15: {  	[smem:$0x3F9C] =	sst s0;
	s0 =	simm.s32 @!p2 $0x0  }
0x16: {  	s3 =	sld [smem:$0x3FDB];
	s0 =	simm.s32 @p2 $0x1  }
0x17: {  	s4 =	simm.s32 $0x1BF5;
	[smem:$0x3F9E] =	sst s0  }
0x18: {  	s0 =	sld [smem:$0x3F81];
	_ =	swait.ge [sflag:s4], $0x0  }
0x19: {  	s7 =	sld [smem:$0x3F82]  }
0x1a: {  	s8 =	sadd.s32 $0xFFFFE003, lr  }
0x1b: {  	s9 =	sadd.s32 $0xFFFFFEF7, lr;
	s5 =	simm.s32 $0xFFFFFFFF;
	p2 =	slt.u32 s8, $0xFFFFF086  }
0x1c: {  	p1 =	slt.u32 s9, $0xF7A;
	s5 =	simm.s32 @!p2 $0x0  }
0x1d: {  	s5 =	simm.s32 @p1 $0x1;
	p0 =	seq.s32 s7, s2  }
0x1e: {  	s7 =	smul.u32 @!p0 $0xF7A, s2;
	p2 =	seq.s32 @!p0 s5, $0x0  }
0x1f: {  	s9 =	smul.u32 $0xF7A, s1;
	s8 =	simm.s32 @!p0 $0x1BF5;
	p2 =	por !p2, p0  }
0x20: {  	[sflag:s8] =	ssyncset.s32 @!p0 $0xFFFFF086;
	s6 =	sadd.s32 @!p0 s3, s7;
	s7 =	simm.s32 @!p0 $0x108  }
0x21: {  	s3 =	sadd.s32 s3, s9;
	s6 =	sadd.s32 @!p0 $0x88, s6;
	s7 =	simm.s32 @p2 $0x1082  }
0x22: {  	[simem:s7], [sflag:s8] =	dma.local @!p0 [hbm:s6], $0xF7A  }
0x23: {  	s9 =	sor.u32 $0xD0000000, s2;
	s6 =	simm.s32 $0x108;
	_ =	swait.ge @!p0 [sflag:s8], $0x0  }
0x24: {  	s3 =	sadd.s32 $0x88, s3;
	s6 =	simm.s32 @!p1 $0x1082;
	[sflag:s4] =	ssyncset.s32 $0xFFFFF086  }
0x25: {  	[simem:s6], [sflag:s4] =	dma.local [hbm:s3], $0xF7A  }
0x26: {  	[smem:$0x3F82] =	sst s1;
	(tag) =	ssettag s2;
	_ =	strace s9  }
0x27: {  	s1 =	sld [smem:$0x3F92]  }
0x28: {  	s2 =	sld [smem:$0x3F93]  }
0x29: {  	s4 =	sld [smem:$0x3F95]  }
0x2a: {  	p0 =	seq.s32 s5, $0x0;
	s5 =	sld [smem:$0x3F96]  }
0x2b: {  	s6 =	sld [smem:$0x3F97]  }
0x2c: {  	s7 =	sld [smem:$0x3F98]  }
0x2d: {  	s3 =	simm.s32 $0x108;
	s8 =	sld [smem:$0x3F99]  }
0x2e: {  	s3 =	simm.s32 @!p0 $0x1082;
	s9 =	sld [smem:$0x3F9A]  }
0x2f: {  	lr =	sadd.s32 s0, s3;
	s0 =	sld [smem:$0x3F91]  }
0x30: {  	s3 =	sld [smem:$0x3F94]  }
0x31: {  	[smem:$0x3F9D] =	sst s10  }
0x32: {  	s10 =	sld [smem:$0x3F9B];
	_ =	sdelay $0x3  }
0x33: {  	p0 =	seq.s32 s10, $0x1;
	s10 =	sld [smem:$0x3F9D];
	_ =	sdelay $0x3  }
0x34: {  	[smem:$0x3F9D] =	sst s10  }
0x35: {  	s10 =	sld [smem:$0x3F9C];
	_ =	sdelay $0x3  }
0x36: {  	p1 =	seq.s32 s10, $0x1;
	s10 =	sld [smem:$0x3F9D];
	_ =	sdelay $0x3  }
0x37: {  	[smem:$0x3F9D] =	sst s10  }
0x38: {  	s10 =	sld [smem:$0x3F9E]  }
0x39: {  	_ = 	snop;
	(pc) =	sbr.ind lr, $3  }
0x3a: {  	_ = 	snop  }
0x3b: {  	_ = 	snop  }
0x3c: {  	p2 =	seq.s32 s10, $0x1;
	s10 =	sld [smem:$0x3F9D]  }
0x3d: {  	_ =	shalt  }
0x3e: {  	_ =	shalt  }
0x3f: {  	_ =	shalt  }
0x40: {  	_ =	shalt  }
0x41: {  	_ =	shalt  }
0x42: {  	_ =	shalt  }
0x43: {  	_ =	shalt  }
0x44: {  	_ =	shalt  }
0x45: {  	_ =	shalt  }
0x46: {  	_ =	shalt  }
0x47: {  	_ =	shalt  }
0x48: {  	_ =	shalt  }
0x49: {  	_ =	shalt  }
0x4a: {  	_ =	shalt  }
0x4b: {  	_ =	shalt  }
0x4c: {  	_ =	shalt  }
0x4d: {  	_ =	shalt  }
0x4e: {  	_ =	shalt  }
0x4f: {  	_ =	shalt  }
0x50: {  	_ =	shalt  }
0x51: {  	_ =	shalt  }
0x52: {  	_ =	shalt  }
0x53: {  	_ =	shalt  }
0x54: {  	_ =	shalt  }
0x55: {  	_ =	shalt  }
0x56: {  	_ =	shalt  }
0x57: {  	_ =	shalt  }
0x58: {  	_ =	shalt  }
0x59: {  	_ =	shalt  }
0x5a: {  	_ =	shalt  }
0x5b: {  	_ =	shalt  }
0x5c: {  	_ =	shalt  }
0x5d: {  	_ =	shalt  }
0x5e: {  	_ =	shalt  }
0x5f: {  	_ =	shalt  }
0x60: {  	_ =	shalt  }
0x61: {  	_ =	shalt  }
0x62: {  	_ =	shalt  }
0x63: {  	_ =	shalt  }
0x64: {  	_ =	shalt  }
0x65: {  	_ =	shalt  }
0x66: {  	_ =	shalt  }
0x67: {  	_ =	shalt  }
0x68: {  	_ =	shalt  }
0x69: {  	_ =	shalt  }
0x6a: {  	_ =	shalt  }
0x6b: {  	_ =	shalt  }
0x6c: {  	_ =	shalt  }
0x6d: {  	_ =	shalt  }
0x6e: {  	_ =	shalt  }
0x6f: {  	_ =	shalt  }
0x70: {  	_ =	shalt  }
0x71: {  	_ =	shalt  }
0x72: {  	_ =	shalt  }
0x73: {  	_ =	shalt  }
0x74: {  	_ =	shalt  }
0x75: {  	_ =	shalt  }
0x76: {  	_ =	shalt  }
0x77: {  	_ =	shalt  }
0x78: {  	_ =	shalt  }
0x79: {  	_ =	shalt  }
0x7a: {  	_ =	shalt  }
0x7b: {  	_ =	shalt  }
0x7c: {  	_ =	shalt  }
0x7d: {  	_ =	shalt  }
0x7e: {  	_ =	shalt  }
0x7f: {  	_ =	shalt  }
0x80: {  	_ =	shalt  }
0x81: {  	_ =	shalt  }
0x82: {  	_ =	shalt  }
0x83: {  	_ =	shalt  }
0x84: {  	_ =	shalt  }
0x85: {  	_ =	shalt  }
0x86: {  	_ =	shalt  }
0x87: {  	_ =	shalt  }
.Lfunc_end0:
.L_simem_size_0:
called_computation.2_lowered:
.L_overlay_start_0:
0x88: {  	s2 =	sld [smem:$0x3FD9]  }
0x89: {  	s3 =	sld [smem:$0x3FFE];
	_ =	sdelay $0x1  }
0x8a: {  	s1 =	srdreg.scid  }
0x8b: {  	s0 =	sand.u32 $0x1, s1  }
0x8c: {  	s14 =	sshll.u32 s0, $0xA;
	s2 =	sadd.s32 s3, s2  }
0x8d: {  	s2 =	sadd.s32 s2, s14  }
0x8e: {  	[smem:$0x3FA9] =	sst s2  }
0x8f: {  	_ = 	snop  }
0x90: {  	s2 =	sld [smem:$0x3FD0];
	_ =	sdelay $0x2  }
0x91: {  	s15 =	simm.s32 $0xA;
	s4 =	simm.s32 $0x10  }
0x92: {  	[smem:s4], [sflag:s15] =	dma.local [hbm:s2], $0x1  }
0x93: {  	_ =	swait.eq [sflag:s15], $0x1  }
0x94: {  	[sflag:s15] =	ssyncset.done $0x0  }
0x95: {  	[sflag:s15] =	ssyncadd.s32 $0xFFFFFFFF  }
0x96: {  	s16 =	sld [smem:$0x10];
	(tm) =	ssettm $0x1  }
0x97: {  	s17 =	sld [smem:$0x3FFB];
	_ =	sdelay $0x3  }
0x98: {  	_ =	strace s17  }
0x99: {  	s3 =	sld [smem:$0x3FFC];
	_ =	sdelay $0x3  }
0x9a: {  	_ =	strace s3  }
0x9b: {  	s3 =	sld [smem:$0x3FFD];
	_ =	sdelay $0x3  }
0x9c: {  	_ =	strace s3  }
0x9d: {  	_ =	strace $0x8FFFFFFF  }
0x9e: {  	s18 =	sld [smem:$0x3FDB];
	_ =	sdelay $0x1  }
0x9f: {  	s19 =	simm.s32 $_scs_section_size  }
0xa0: {  	s5 =	simm.s32 $_size__tile_overlayer_lowered;
	s6 =	simm.s32 $_tile_overlayer_lowered  }
0xa1: {  	s22 =	simm.s32 $0x1BFF;
	s21 =	sshll.u32 s6, $0x1;
	s3 =	sadd.s32 s19, s18  }
0xa2: {  	s7 =	simm.s32 $0x0;
	s20 =	sshll.u32 s5, $0x1;
	s5 =	sadd.s32 s21, s3  }
0xa3: {  	[timem:s7], [sflag:s22] =	dma.local [hbm:s5], s20  }
0xa4: {  	_ =	swait.ge [sflag:s22], s20  }
0xa5: {  	s4 =	ssub.s32 $0x0, s20;
	[sflag:s22] =	ssyncset.done $0x0  }
0xa6: {  	[sflag:s22] =	ssyncadd.s32 s4;
	_ =	sdelay $0x1  }
0xa7: {  	s23 =	simm.s32 $0x1B8B  }
0xa8: {  	_ =	swait.ge [sflag:s23], $0x1  }
0xa9: {  	[sflag:s23] =	ssyncset.done $0x0  }
0xaa: {  	s25 =	simm.s32 $0x1B8E;
	s24 =	sld [smem:$0x3FFE];
	[sflag:s23] =	ssyncadd.s32 $0xFFFFFFFF  }
0xab: {  	s26 =	simm.s32 $execute0_lowered;
	[smem:$0x3FD2] =	sst s25  }
0xac: {  	s5 =	sshll.u32 s26, $0x1;
	_ =	strace $0x8000004C;
	[dreg:$0x1] =	wrdreg $0xFFFFFFFF  }
0xad: {  	s28 =	simm.s32 $_size_execute0_lowered;
	s3 =	sadd.s32 s3, s5;
	[dreg:$0x0] =	wrdreg $0x0  }
0xae: {  	s5 =	sshll.u32 s28, $0x1;
	[dreg:$0x2] =	wrdreg s3  }
0xaf: {  	[dreg:$0x3] =	wrdreg s5  }
0xb0: {  	[dreg:$0x4] =	wrdreg $0xC0  }
0xb1: {  	_ =	task [dreg:s7], $0x5FFFF  }
0xb2: {  	[dreg:$0x1] =	wrdreg $0xFFFFFFFF  }
0xb3: {  	[dreg:$0x0] =	wrdreg $0x60  }
0xb4: {  	[dreg:$0x2] =	wrdreg s16  }
0xb5: {  	[dreg:$0x3] =	wrdreg s24  }
0xb6: {  	[dreg:$0x4] =	wrdreg $0x9  }
0xb7: {  	_ =	task.clear_ibuf [dreg:s7], $0x5FFFF;
	_ =	strace $0x9000004C  }
0xb8: {  	s29 =	simm.s32 $0x9;
	_ =	strace $0x8000004E  }
0xb9: {  	_ =	swait.ge [sflag:s29], $0x1  }
0xba: {  	[sflag:s29] =	ssyncadd.s32 $0xFFFFFFFF  }
0xbb: {  	_ =	strace $0x9000004E  }
0xbc: {  	_ =	sfence  }
0xbd: {  	s30 =	sld [smem:$0x0];
	_ =	sdelay $0x2  }
0xbe: {  	s31 =	sshll.u32 s1, $0xD;
	s1 =	sshrl.u32 s1, $0x2  }
0xbf: {  	s3 =	sand.u32 $0x4000, s31;
	s1 =	sadd.s32 s1, s30  }
0xc0: {  	s0 =	sor.u32 s3, s0;
	s1 =	sshll.u32 s1, $0x11  }
0xc1: {  	s0 =	sor.u32 s1, s0  }
0xc2: {  	s0 =	sadd.s32 $0x8F2B, s0  }
0xc3: {  	[sflag:s0] =	ssyncadd.remote.s32 $0x1  }
0xc4: {  	_ =	sfence.sel $0xFFFF  }
0xc5: {  	[dreg:$0x0] =	wrdreg $0xFFFFFFFF;
	(pc) =	sbr.abs _section_cstart, $3  }
0xc6: {  	[dreg:$0x1] =	wrdreg $0xFFFFFFFF  }
0xc7: {  	_ =	task.clear_ibuf [dreg:s7], $0x2FFFF;
	_ =	strace $0x9FFFFFFF  }
0xc8: {  	(tm) =	ssettm $0x7FFFFFFF  }
0xc9: {  	_ =	shalt  }
tec
execute0_lowered:
.L_overlay_start_1:
0x0: {  	(tag) =	ssettag $0x1  }
0x1: {  	s2 =	rddreg [dreg:$0x0]  }
0x2: {  	s1 =	srdreg.scid;
	s0 =	stileid.u32  }
0x3: {  	s5 =	rddreg [dreg:$0x1];
	s3 =	simm.s32 $0x0;
	s10 =	simm.s32 $0x5  }
0x4: {  	s11 =	simm.s32 $0x4000;
	s12 =	simm.s32 $0x50;
	s13 =	simm.s32 $0x8000  }
0x5: {  	s14 =	simm.s32 $0xD000;
	s15 =	simm.s32 $0x3;
	s16 =	simm.s32 $0x0  }
0x6: {  	s4 =	sand.u32 $0x1, s1;
	s6 =	sshll.u32 s0, $0x1;
	s1 =	rddreg [dreg:$0x2]  }
.Ltmp0:
0x7: {  	[smem:$0x7FF] =	sst s3;
	s6 =	sor.u32 s4, s6;
	(pc) =	sbr.rel .LBB2_1-.Ltmp0, $4  }
0x8: {  	_ =	strace $0x8000004D;
	s31 =	ssub.s32 $0x2, s4;
	s4 =	sadd.s32 $0x28A00, s5  }
0x9: {  	s7 =	sshll.u32 s6, $0xB;
	s9 =	sshrl.u32 s31, $0x1;
	s6 =	smul.u32 $0x2710, s6  }
0xa: {  	s8 =	sadd.s32 s7, s5;
	s5 =	sadd.s32 $0x50AA00, s5;
	s9 =	ssub.s32 s31, s9  }
0xb: {  	s7 =	sadd.s32 $0x18400, s8;
	s8 =	sadd.s32 $0x8400, s8;
	s9 =	smax.u32 s9, $0x1  }
.LBB2_5:
0xc: {  	s16 =	sadd.s32 $0x1, s16  }
0xd: {  	_ =	swait.ge [sflag:s15], $0x2800;
	p0 =	sne.s32 s16, s9  }
.Ltmp1:
0xe: {  	[sflag:s15] =	ssyncset.done $0x0;
	(pc) =	sbr.rel @!p0 .LBB2_6-.Ltmp1, $4  }
0xf: {  	[sflag:s15] =	ssyncadd.s32 $0xFFFFD800  }
0x10: {  	_ =	swait.ge [sflag:s15], $0x2800  }
0x11: {  	[sflag:s15] =	ssyncset.done $0x0  }
0x12: {  	[sflag:s15] =	ssyncadd.s32 $0xFFFFD800  }
.LBB2_1:
0x13: {  	[tilespmem:s3], [sflag:$0x5] =	stream.linear.gather [hbm4b:s7+s3], $0x3E80, $0x38;
	[tilespmem:$0x12000] =	vst v63  }
0x14: {  	_ =	swait.ge [sflag:s10], $0x3E80  }
0x15: {  	[sflag:s10] =	ssyncset.done $0x0  }
0x16: {  	[sflag:s10] =	ssyncadd.s32 $0xFFFFC180  }
0x17: {  	[tilespmem:s11], [sflag:$0x5] =	stream.linear.gather [hbm4b:s8+s3], $0x3E80, $0x38;
	[tilespmem:$0x12000] =	vst v63  }
0x18: {  	_ =	swait.ge [sflag:s10], $0x3E80  }
.Ltmp2:
0x19: {  	[sflag:s10] =	ssyncset.done $0x0;
	(pc) =	sbr.rel .LBB2_2-.Ltmp2, $4  }
0x1a: {  	[sflag:s10] =	ssyncadd.s32 $0xFFFFC180  }
0x1b: {  	[tilespmem:s13], [sflag:$0x1] =	stream.indirect.gather [hbm4b:s2+s12], $0x80, s3, s12, $0xb8;
	[tilespmem:$0x12000] =	vst v63  }
0x1c: {  	s18 =	simm.s32 $0x0  }
0x1d: {  	[tilespmem:s14], [sflag:$0x1] =	stream.indirect.gather [hbm4b:s2+s12], $0x80, s11, s12, $0xb8;
	[tilespmem:$0x12000] =	vst v63  }
.LBB2_4:
0x1e: {  	s20 =	sadd.s32 $0x1, s17  }
0x1f: {  	_ =	swait.ge [sflag:s20], $0x2800  }
0x20: {  	s18 =	smul.u32 $0x50, s18;
	[sflag:s20] =	ssyncset.done $0x0  }
0x21: {  	s21 =	smul.u32 $0x2800, s17;
	s29 =	sadd.s32 $0x3, s17;
	[sflag:s20] =	ssyncadd.s32 $0xFFFFD800  }
0x22: {  	p0 =	slt.u32 s19, $0x7D;
	s18 =	sadd.s32 s6, s18;
	_ =	swait.ge [sflag:s20], $0x2800  }
0x23: {  	s30 =	sor.u32 $0x8000, s21;
	s18 =	sshll.u32 s18, $0x4;
	[sflag:s20] =	ssyncset.done $0x0  }
.Ltmp3:
0x24: {  	s22 =	sadd.s32 s4, s18;
	[sflag:s20] =	ssyncadd.s32 $0xFFFFD800;
	(pc) =	sbr.rel @!p0 .LBB2_5-.Ltmp3, $4  }
0x25: {  	[hbm4b:s22+s3] =	stream.linear.scatter [tilespmem:s30], [sflag:s29], $0x2800, $0x38;
	[tilespmem:$0x12000] =	vst v63  }
0x26: {  	s31 =	sadd.s32 $0xD000, s21;
	s18 =	sadd.s32 s5, s18  }
0x27: {  	[hbm4b:s18+s3] =	stream.linear.scatter [tilespmem:s31], [sflag:s29], $0x2800, $0x38;
	[tilespmem:$0x12000] =	vst v63  }
0x28: {  	s18 =	smov.u32 s19  }
.LBB2_2:
0x29: {  	s17 =	sand.u32 $0x1, s18  }
0x2a: {  	p0 =	seq.s32 s18, $0x0;
	s20 =	sxor.u32 $0x1, s17  }
0x2b: {  	p1 =	seq.s32 @!p0 s18, $0x7C;
	s19 =	sadd.s32 @!p0 $0x3, s20  }
0x2c: {  	p1 =	por p0, !p1;
	_ =	swait.ge @!p0 [sflag:s19], $0x2800  }
.Ltmp4:
0x2d: {  	[sflag:s19] =	ssyncset.done @!p0 $0x0;
	(pc) =	sbr.rel @!p1 .LBB2_4-.Ltmp4, $4  }
0x2e: {  	[sflag:s19] =	ssyncadd.s32 @!p0 $0xFFFFD800  }
0x2f: {  	_ =	swait.ge @!p0 [sflag:s19], $0x2800  }
0x30: {  	[sflag:s19] =	ssyncset.done @!p0 $0x0  }
0x31: {  	[sflag:s19] =	ssyncadd.s32 @!p0 $0xFFFFD800;
	s19 =	simm.s32 @!p0 $0x7D  }
0x32: {  	s19 =	sadd.s32 @!p0 $0x1, s18;
	s21 =	smul.u32 $0x2800, s20  }
.Ltmp5:
0x33: {  	s19 =	simm.s32 @p0 $0x1;
	(pc) =	sbr.rel .LBB2_4-.Ltmp5, $4  }
0x34: {  	s30 =	sadd.s32 $0x1, s20;
	s22 =	sor.u32 $0x8000, s21;
	s23 =	sshll.u32 s19, $0x7  }
0x35: {  	[tilespmem:s22], [sflag:s30] =	stream.indirect.gather [hbm4b:s2+s12], $0x80, s23, s12, $0xb8;
	[tilespmem:$0x12000] =	vst v63  }
0x36: {  	s21 =	sadd.s32 $0xD000, s21;
	s31 =	sadd.s32 $0x4000, s23  }
0x37: {  	[tilespmem:s21], [sflag:s30] =	stream.indirect.gather [hbm4b:s2+s12], $0x80, s31, s12, $0xb8;
	[tilespmem:$0x12000] =	vst v63  }
.LBB2_6:
0x38: {  	_ =	sfence.sel $0x180000  }
0x39: {  	[bflag:$0x0] =	sbarrier.arrive $0xFFFF  }
0x3a: {  	p0 =	sne.s32 s0, $0x0;
	_ =	strace $0x9000004D  }
0x3b: {  	s0 =	sadd.s32 @!p0 $0x100000, s1;
	[bflag:$0x2] =	sbarrier.arrive $0xFFFF  }
0x3c: {  	[sflag:s0] =	ssyncadd.tile.s32 @!p0 $0x1;
	_ =	shalt  }
.Lfunc_end2:
_tile_overlayer_lowered:
.L_overlay_start_2:
0x3d: {  	(tag) =	ssettag $0x2  }
0x3e: {  	s0 =	rddreg [dreg:$0x0];
	s2 =	stileid.u32  }
0x3f: {  	s1 =	rddreg [dreg:$0x1];
	p0 =	sne.s32 s2, $0x0  }
0x40: {  	s3 =	rddreg [dreg:$0x2];
	[bflag:$0x3] =	sbarrier.arrive $0xFFFF;
	s2 =	simm.s32 @!p0 $0x1C05  }
0x41: {  	[timem:s3], [sflag:s2] =	dma.local @!p0 [hbm:s0], s1  }
0x42: {  	s0 =	simm.s32 @!p0 $0x5  }
0x43: {  	_ =	swait.ge @!p0 [sflag:s0], s1  }
0x44: {  	s1 =	ssub.s32 @!p0 $0x0, s1;
	[sflag:s0] =	ssyncset.done @!p0 $0x0  }
0x45: {  	[sflag:s0] =	ssyncadd.s32 @!p0 s1  }
0x46: {  	[bflag:$0x3] =	sbarrier.arrive $0xFFFF  }
0x47: {  	_ =	shalt  }

// kernel: kernel.27.cloned.1.call-start
scs
__scs_entry_jumppad:
0x0: {  	(pc) =	sbr.rel $0x88, $3  }
0x1: {  	(tag) =	ssettag $0x0;
	lr =	simm.s32 $0x1  }
0x2: {  	[smem:$0x3F82] =	sst lr;
	_ =	strace $0xD0000000  }
0x3: {  	_ = 	snop  }
0x4: {  	_ = 	snop  }
0x5: {  	_ = 	snop  }
0x6: {  	_ = 	snop  }
0x7: {  	_ = 	snop  }
__scs_overlays_trampoline_lowered:
0x8: {  	[smem:$0x3F91] =	sst s0  }
0x9: {  	[smem:$0x3F92] =	sst s1  }
0xa: {  	[smem:$0x3F93] =	sst s2  }
0xb: {  	[smem:$0x3F94] =	sst s3  }
0xc: {  	[smem:$0x3F95] =	sst s4  }
0xd: {  	[smem:$0x3F96] =	sst s5  }
0xe: {  	[smem:$0x3F97] =	sst s6  }
0xf: {  	[smem:$0x3F98] =	sst s7  }
0x10: {  	[smem:$0x3F99] =	sst s8  }
0x11: {  	[smem:$0x3F9A] =	sst s9;
	s0 =	simm.s32 @!p0 $0x0  }
0x12: {  	s1 =	sld [smem:$0x3F80];
	s0 =	simm.s32 @p0 $0x1  }
0x13: {  	[smem:$0x3F9B] =	sst s0;
	s0 =	simm.s32 @!p1 $0x0  }
0x14: {  	s2 =	sld [smem:$0x3F7F];
	s0 =	simm.s32 @p1 $0x1  }
0x15: {  	[smem:$0x3F9C] =	sst s0;
	s0 =	simm.s32 @!p2 $0x0  }
0x16: {  	s3 =	sld [smem:$0x3FDB];
	s0 =	simm.s32 @p2 $0x1  }
0x17: {  	s4 =	simm.s32 $0x1BF5;
	[smem:$0x3F9E] =	sst s0  }
0x18: {  	s0 =	sld [smem:$0x3F81];
	_ =	swait.ge [sflag:s4], $0x0  }
0x19: {  	s7 =	sld [smem:$0x3F82]  }
0x1a: {  	s8 =	sadd.s32 $0xFFFFE003, lr  }
0x1b: {  	s9 =	sadd.s32 $0xFFFFFEF7, lr;
	s5 =	simm.s32 $0xFFFFFFFF;
	p2 =	slt.u32 s8, $0xFFFFF086  }
0x1c: {  	p1 =	slt.u32 s9, $0xF7A;
	s5 =	simm.s32 @!p2 $0x0  }
0x1d: {  	s5 =	simm.s32 @p1 $0x1;
	p0 =	seq.s32 s7, s2  }
0x1e: {  	s7 =	smul.u32 @!p0 $0xF7A, s2;
	p2 =	seq.s32 @!p0 s5, $0x0  }
0x1f: {  	s9 =	smul.u32 $0xF7A, s1;
	s8 =	simm.s32 @!p0 $0x1BF5;
	p2 =	por !p2, p0  }
0x20: {  	[sflag:s8] =	ssyncset.s32 @!p0 $0xFFFFF086;
	s6 =	sadd.s32 @!p0 s3, s7;
	s7 =	simm.s32 @!p0 $0x108  }
0x21: {  	s3 =	sadd.s32 s3, s9;
	s6 =	sadd.s32 @!p0 $0x88, s6;
	s7 =	simm.s32 @p2 $0x1082  }
0x22: {  	[simem:s7], [sflag:s8] =	dma.local @!p0 [hbm:s6], $0xF7A  }
0x23: {  	s9 =	sor.u32 $0xD0000000, s2;
	s6 =	simm.s32 $0x108;
	_ =	swait.ge @!p0 [sflag:s8], $0x0  }
0x24: {  	s3 =	sadd.s32 $0x88, s3;
	s6 =	simm.s32 @!p1 $0x1082;
	[sflag:s4] =	ssyncset.s32 $0xFFFFF086  }
0x25: {  	[simem:s6], [sflag:s4] =	dma.local [hbm:s3], $0xF7A  }
0x26: {  	[smem:$0x3F82] =	sst s1;
	(tag) =	ssettag s2;
	_ =	strace s9  }
0x27: {  	s1 =	sld [smem:$0x3F92]  }
0x28: {  	s2 =	sld [smem:$0x3F93]  }
0x29: {  	s4 =	sld [smem:$0x3F95]  }
0x2a: {  	p0 =	seq.s32 s5, $0x0;
	s5 =	sld [smem:$0x3F96]  }
0x2b: {  	s6 =	sld [smem:$0x3F97]  }
0x2c: {  	s7 =	sld [smem:$0x3F98]  }
0x2d: {  	s3 =	simm.s32 $0x108;
	s8 =	sld [smem:$0x3F99]  }
0x2e: {  	s3 =	simm.s32 @!p0 $0x1082;
	s9 =	sld [smem:$0x3F9A]  }
0x2f: {  	lr =	sadd.s32 s0, s3;
	s0 =	sld [smem:$0x3F91]  }
0x30: {  	s3 =	sld [smem:$0x3F94]  }
0x31: {  	[smem:$0x3F9D] =	sst s10  }
0x32: {  	s10 =	sld [smem:$0x3F9B];
	_ =	sdelay $0x3  }
0x33: {  	p0 =	seq.s32 s10, $0x1;
	s10 =	sld [smem:$0x3F9D];
	_ =	sdelay $0x3  }
0x34: {  	[smem:$0x3F9D] =	sst s10  }
0x35: {  	s10 =	sld [smem:$0x3F9C];
	_ =	sdelay $0x3  }
0x36: {  	p1 =	seq.s32 s10, $0x1;
	s10 =	sld [smem:$0x3F9D];
	_ =	sdelay $0x3  }
0x37: {  	[smem:$0x3F9D] =	sst s10  }
0x38: {  	s10 =	sld [smem:$0x3F9E]  }
0x39: {  	_ = 	snop;
	(pc) =	sbr.ind lr, $3  }
0x3a: {  	_ = 	snop  }
0x3b: {  	_ = 	snop  }
0x3c: {  	p2 =	seq.s32 s10, $0x1;
	s10 =	sld [smem:$0x3F9D]  }
0x3d: {  	_ =	shalt  }
0x3e: {  	_ =	shalt  }
0x3f: {  	_ =	shalt  }
0x40: {  	_ =	shalt  }
0x41: {  	_ =	shalt  }
0x42: {  	_ =	shalt  }
0x43: {  	_ =	shalt  }
0x44: {  	_ =	shalt  }
0x45: {  	_ =	shalt  }
0x46: {  	_ =	shalt  }
0x47: {  	_ =	shalt  }
0x48: {  	_ =	shalt  }
0x49: {  	_ =	shalt  }
0x4a: {  	_ =	shalt  }
0x4b: {  	_ =	shalt  }
0x4c: {  	_ =	shalt  }
0x4d: {  	_ =	shalt  }
0x4e: {  	_ =	shalt  }
0x4f: {  	_ =	shalt  }
0x50: {  	_ =	shalt  }
0x51: {  	_ =	shalt  }
0x52: {  	_ =	shalt  }
0x53: {  	_ =	shalt  }
0x54: {  	_ =	shalt  }
0x55: {  	_ =	shalt  }
0x56: {  	_ =	shalt  }
0x57: {  	_ =	shalt  }
0x58: {  	_ =	shalt  }
0x59: {  	_ =	shalt  }
0x5a: {  	_ =	shalt  }
0x5b: {  	_ =	shalt  }
0x5c: {  	_ =	shalt  }
0x5d: {  	_ =	shalt  }
0x5e: {  	_ =	shalt  }
0x5f: {  	_ =	shalt  }
0x60: {  	_ =	shalt  }
0x61: {  	_ =	shalt  }
0x62: {  	_ =	shalt  }
0x63: {  	_ =	shalt  }
0x64: {  	_ =	shalt  }
0x65: {  	_ =	shalt  }
0x66: {  	_ =	shalt  }
0x67: {  	_ =	shalt  }
0x68: {  	_ =	shalt  }
0x69: {  	_ =	shalt  }
0x6a: {  	_ =	shalt  }
0x6b: {  	_ =	shalt  }
0x6c: {  	_ =	shalt  }
0x6d: {  	_ =	shalt  }
0x6e: {  	_ =	shalt  }
0x6f: {  	_ =	shalt  }
0x70: {  	_ =	shalt  }
0x71: {  	_ =	shalt  }
0x72: {  	_ =	shalt  }
0x73: {  	_ =	shalt  }
0x74: {  	_ =	shalt  }
0x75: {  	_ =	shalt  }
0x76: {  	_ =	shalt  }
0x77: {  	_ =	shalt  }
0x78: {  	_ =	shalt  }
0x79: {  	_ =	shalt  }
0x7a: {  	_ =	shalt  }
0x7b: {  	_ =	shalt  }
0x7c: {  	_ =	shalt  }
0x7d: {  	_ =	shalt  }
0x7e: {  	_ =	shalt  }
0x7f: {  	_ =	shalt  }
0x80: {  	_ =	shalt  }
0x81: {  	_ =	shalt  }
0x82: {  	_ =	shalt  }
0x83: {  	_ =	shalt  }
0x84: {  	_ =	shalt  }
0x85: {  	_ =	shalt  }
0x86: {  	_ =	shalt  }
0x87: {  	_ =	shalt  }
.Lfunc_end0:
.L_simem_size_0:
called_computation.3_lowered:
.L_overlay_start_0:
0x88: {  	s2 =	sld [smem:$0x3FD9]  }
0x89: {  	s3 =	sld [smem:$0x3FFE];
	_ =	sdelay $0x1  }
0x8a: {  	s1 =	srdreg.scid  }
0x8b: {  	s0 =	sand.u32 $0x1, s1  }
0x8c: {  	s16 =	sshll.u32 s0, $0xA;
	s2 =	sadd.s32 s3, s2  }
0x8d: {  	s2 =	sadd.s32 s2, s16  }
0x8e: {  	[smem:$0x3FA9] =	sst s2  }
0x8f: {  	_ = 	snop  }
0x90: {  	(tm) =	ssettm $0x1  }
0x91: {  	s17 =	sld [smem:$0x3FFB];
	_ =	sdelay $0x3  }
0x92: {  	_ =	strace s17  }
0x93: {  	s2 =	sld [smem:$0x3FFC];
	_ =	sdelay $0x3  }
0x94: {  	_ =	strace s2  }
0x95: {  	s2 =	sld [smem:$0x3FFD];
	_ =	sdelay $0x3  }
0x96: {  	_ =	strace s2  }
0x97: {  	_ =	strace $0x8FFFFFFF  }
0x98: {  	s18 =	sld [smem:$0x3FDB];
	_ =	sdelay $0x1  }
0x99: {  	s19 =	simm.s32 $_scs_section_size  }
0x9a: {  	s4 =	simm.s32 $_size__tile_overlayer_lowered;
	s5 =	simm.s32 $_tile_overlayer_lowered  }
0x9b: {  	s22 =	simm.s32 $0x1BFF;
	s21 =	sshll.u32 s5, $0x1;
	s2 =	sadd.s32 s19, s18  }
0x9c: {  	s6 =	simm.s32 $0x0;
	s20 =	sshll.u32 s4, $0x1;
	s4 =	sadd.s32 s21, s2  }
0x9d: {  	[timem:s6], [sflag:s22] =	dma.local [hbm:s4], s20  }
0x9e: {  	_ =	swait.ge [sflag:s22], s20  }
0x9f: {  	s3 =	ssub.s32 $0x0, s20;
	[sflag:s22] =	ssyncset.done $0x0  }
0xa0: {  	[sflag:s22] =	ssyncadd.s32 s3;
	_ =	sdelay $0x1  }
0xa1: {  	s23 =	simm.s32 $0x1B8B  }
0xa2: {  	_ =	swait.ge [sflag:s23], $0x1  }
0xa3: {  	[sflag:s23] =	ssyncset.done $0x0  }
0xa4: {  	s25 =	simm.s32 $0x1B8E;
	s24 =	sld [smem:$0x3FFE];
	[sflag:s23] =	ssyncadd.s32 $0xFFFFFFFF  }
0xa5: {  	s26 =	simm.s32 $execute0_lowered;
	[smem:$0x3FD2] =	sst s25  }
0xa6: {  	s4 =	sshll.u32 s26, $0x1;
	_ =	strace $0x8000004F;
	[dreg:$0x1] =	wrdreg $0xFFFFFFFF  }
0xa7: {  	s28 =	simm.s32 $_size_execute0_lowered;
	s2 =	sadd.s32 s2, s4;
	[dreg:$0x0] =	wrdreg $0x0  }
0xa8: {  	s4 =	sshll.u32 s28, $0x1;
	[dreg:$0x2] =	wrdreg s2  }
0xa9: {  	[dreg:$0x3] =	wrdreg s4  }
0xaa: {  	[dreg:$0x4] =	wrdreg $0xC0  }
0xab: {  	_ =	task [dreg:s6], $0x5FFFF  }
0xac: {  	[dreg:$0x1] =	wrdreg $0xFFFFFFFF  }
0xad: {  	[dreg:$0x0] =	wrdreg $0x60  }
0xae: {  	[dreg:$0x2] =	wrdreg s24  }
0xaf: {  	[dreg:$0x3] =	wrdreg $0x90000  }
0xb0: {  	[dreg:$0x4] =	wrdreg $0x9  }
0xb1: {  	_ =	task.clear_ibuf [dreg:s6], $0x5FFFF;
	_ =	strace $0x9000004F  }
0xb2: {  	s29 =	simm.s32 $0x9;
	_ =	strace $0x80000051  }
0xb3: {  	_ =	swait.ge [sflag:s29], $0x1  }
0xb4: {  	[sflag:s29] =	ssyncadd.s32 $0xFFFFFFFF  }
0xb5: {  	_ =	strace $0x90000051  }
0xb6: {  	_ =	sfence  }
0xb7: {  	s30 =	sld [smem:$0x0];
	_ =	sdelay $0x2  }
0xb8: {  	s31 =	sshll.u32 s1, $0xD;
	s1 =	sshrl.u32 s1, $0x2  }
0xb9: {  	s3 =	sand.u32 $0x4000, s31;
	s1 =	sadd.s32 s1, s30  }
0xba: {  	s0 =	sor.u32 s3, s0;
	s1 =	sshll.u32 s1, $0x11  }
0xbb: {  	s0 =	sor.u32 s1, s0  }
0xbc: {  	s0 =	sadd.s32 $0x8F2B, s0  }
0xbd: {  	[sflag:s0] =	ssyncadd.remote.s32 $0x1  }
0xbe: {  	_ =	sfence.sel $0xFFFF  }
0xbf: {  	[dreg:$0x0] =	wrdreg $0xFFFFFFFF;
	(pc) =	sbr.abs _section_cstart, $3  }
0xc0: {  	[dreg:$0x1] =	wrdreg $0xFFFFFFFF  }
0xc1: {  	_ =	task.clear_ibuf [dreg:s6], $0x2FFFF;
	_ =	strace $0x9FFFFFFF  }
0xc2: {  	(tm) =	ssettm $0x7FFFFFFF  }
0xc3: {  	_ =	shalt  }
tec
execute0_lowered:
.L_overlay_start_1:
0x0: {  	(tag) =	ssettag $0x1  }
0x1: {  	s1 =	srdreg.scid;
	s23 =	stileid.u32  }
0x2: {  	s0 =	rddreg [dreg:$0x0];
	s1 =	sand.u32 $0x1, s1;
	s7 =	smul.u32 $0x500, s23  }
0x3: {  	s2 =	rddreg [dreg:$0x1];
	s13 =	sor.u32 $0x10, s23;
	s5 =	smul.u32 $0x27100, s1  }
0x4: {  	s3 =	simm.s32 $0x0;
	s14 =	sor.u32 $0x20, s23;
	s8 =	smul.u32 $0x500, s13  }
0x5: {  	s28 =	simm.s32 $0x50;
	s16 =	sor.u32 $0x30, s23;
	s10 =	smul.u32 $0x500, s14  }
0x6: {  	s29 =	simm.s32 $0x1;
	s17 =	sor.u32 $0x40, s23;
	s24 =	smul.u32 $0x500, s16  }
0x7: {  	s31 =	simm.s32 $0x4;
	s18 =	sor.u32 $0x50, s23;
	s15 =	smul.u32 $0x500, s17  }
0x8: {  	s4 =	sshll.u32 s23, $0x1;
	s19 =	sor.u32 $0x60, s23;
	s20 =	smul.u32 $0x500, s18  }
0x9: {  	[smem:$0x7FF] =	sst s3;
	s25 =	sor.u32 $0x70, s23;
	s21 =	smul.u32 $0x500, s19  }
0xa: {  	s4 =	sor.u32 s1, s4;
	s1 =	ssub.s32 $0x2, s1;
	s22 =	smul.u32 $0x500, s25  }
0xb: {  	p0 =	sgt.u32 s25, $0x7C;
	s12 =	smul.u32 $0x27100, s4;
	s6 =	sadd.s32 s5, s0  }
0xc: {  	s9 =	sshrl.u32 s1, $0x1;
	s4 =	sshll.u32 s4, $0xB;
	s11 =	sadd.s32 $0xECEA00, s6  }
0xd: {  	s1 =	ssub.s32 s1, s9;
	s6 =	sadd.s32 s11, s7;
	s26 =	sadd.s32 s11, s8  }
0xe: {  	s30 =	sadd.s32 s11, s10;
	s7 =	sadd.s32 s11, s24;
	s8 =	sadd.s32 s11, s15  }
0xf: {  	s9 =	sadd.s32 s11, s20;
	s10 =	smul.u32 $0x4E200, s23;
	s20 =	sadd.s32 s11, s21  }
0x10: {  	s11 =	sadd.s32 s11, s22;
	s22 =	smul.u32 $0xA000, s23;
	[dreg:$0x3] =	wrdreg s6  }
0x11: {  	s4 =	sadd.s32 s4, s0;
	s23 =	smul.u32 $0xA000, s13;
	[dreg:$0x4] =	wrdreg s26  }
0x12: {  	s21 =	sadd.s32 $0x9ECA00, s0;
	s24 =	smul.u32 $0xA000, s14;
	[dreg:$0x5] =	wrdreg s30  }
0x13: {  	s13 =	sadd.s32 $0x28400, s0;
	[dreg:$0x6] =	wrdreg s7;
	s26 =	smul.u32 $0xA000, s16  }
0x14: {  	s14 =	sadd.s32 $0x8400, s4;
	[dreg:$0x7] =	wrdreg s8;
	s7 =	smul.u32 $0xA000, s17  }
0x15: {  	s15 =	smax.u32 s1, $0x1;
	[dreg:$0x8] =	wrdreg s9;
	s8 =	smul.u32 $0xA000, s18  }
0x16: {  	[dreg:$0x9] =	wrdreg s20;
	s12 =	sadd.s32 s21, s12;
	s9 =	smul.u32 $0xA000, s19  }
0x17: {  	s20 =	sadd.s32 s10, s21;
	_ =	strace $0x80000050;
	s30 =	sshrl.u32 s22, $0x2  }
0x18: {  	s6 =	sshrl.u32 s23, $0x2;
	s0 =	sshrl.u32 s24, $0x2;
	s10 =	smul.u32 $0xA000, s25  }
0x19: {  	s25 =	simm.s32 $0x4000;
	s16 =	sadd.s32 s30, s2;
	s17 =	sadd.s32 s6, s2  }
0x1a: {  	s1 =	sshrl.u32 s26, $0x2;
	s22 =	sshrl.u32 s7, $0x2;
	s5 =	sadd.s32 s5, s20  }
0x1b: {  	s18 =	sadd.s32 s0, s2;
	s24 =	sshrl.u32 s8, $0x2;
	s26 =	sshrl.u32 s9, $0x2  }
0x1c: {  	s0 =	simm.s32 $0x0;
	s19 =	sadd.s32 s1, s2;
	s20 =	sadd.s32 s22, s2  }
0x1d: {  	s30 =	sshrl.u32 s10, $0x2;
	s21 =	sadd.s32 s24, s2;
	s22 =	sadd.s32 s26, s2  }
0x1e: {  	s24 =	sadd.s32 $0x500, s5;
	s26 =	simm.s32 $0x3;
	s23 =	sadd.s32 s30, s2  }
.LBB2_1:
0x1f: {  	[tilespmem:s25], [sflag:$0x3] =	stream.linear.gather [hbm4b:s13+s3], $0x2800, $0x38;
	[tilespmem:$0x1C880] =	vst v63  }
0x20: {  	_ =	swait.ge [sflag:s26], $0x2800  }
0x21: {  	[sflag:s26] =	ssyncset.done $0x0  }
0x22: {  	[sflag:s26] =	ssyncadd.s32 $0xFFFFD800  }
0x23: {  	[spmem:s16] =	stream.linear.scatter [tilespmem:s25], [sflag:$0x3], $0x2800, $0x38;
	[tilespmem:$0x1C880] =	vst v63  }
0x24: {  	_ =	swait.ge [sflag:s26], $0x2800  }
0x25: {  	[sflag:s26] =	ssyncset.done $0x0  }
0x26: {  	[sflag:s26] =	ssyncadd.s32 $0xFFFFD800  }
0x27: {  	[spmem:s17] =	stream.linear.scatter [tilespmem:s25], [sflag:$0x3], $0x2800, $0x38;
	[tilespmem:$0x1C880] =	vst v63  }
0x28: {  	_ =	swait.ge [sflag:s26], $0x2800  }
0x29: {  	[sflag:s26] =	ssyncset.done $0x0  }
0x2a: {  	[sflag:s26] =	ssyncadd.s32 $0xFFFFD800  }
0x2b: {  	[spmem:s18] =	stream.linear.scatter [tilespmem:s25], [sflag:$0x3], $0x2800, $0x38;
	[tilespmem:$0x1C880] =	vst v63  }
0x2c: {  	_ =	swait.ge [sflag:s26], $0x2800  }
0x2d: {  	[sflag:s26] =	ssyncset.done $0x0  }
0x2e: {  	[sflag:s26] =	ssyncadd.s32 $0xFFFFD800  }
0x2f: {  	[spmem:s19] =	stream.linear.scatter [tilespmem:s25], [sflag:$0x3], $0x2800, $0x38;
	[tilespmem:$0x1C880] =	vst v63  }
0x30: {  	_ =	swait.ge [sflag:s26], $0x2800  }
0x31: {  	[sflag:s26] =	ssyncset.done $0x0  }
0x32: {  	[sflag:s26] =	ssyncadd.s32 $0xFFFFD800  }
0x33: {  	[spmem:s20] =	stream.linear.scatter [tilespmem:s25], [sflag:$0x3], $0x2800, $0x38;
	[tilespmem:$0x1C880] =	vst v63  }
0x34: {  	_ =	swait.ge [sflag:s26], $0x2800  }
0x35: {  	[sflag:s26] =	ssyncset.done $0x0  }
0x36: {  	[sflag:s26] =	ssyncadd.s32 $0xFFFFD800  }
0x37: {  	[spmem:s21] =	stream.linear.scatter [tilespmem:s25], [sflag:$0x3], $0x2800, $0x38;
	[tilespmem:$0x1C880] =	vst v63  }
0x38: {  	_ =	swait.ge [sflag:s26], $0x2800  }
0x39: {  	[sflag:s26] =	ssyncset.done $0x0  }
0x3a: {  	[sflag:s26] =	ssyncadd.s32 $0xFFFFD800  }
0x3b: {  	[spmem:s22] =	stream.linear.scatter [tilespmem:s25], [sflag:$0x3], $0x2800, $0x38;
	[tilespmem:$0x1C880] =	vst v63  }
0x3c: {  	_ =	swait.ge [sflag:s26], $0x2800  }
0x3d: {  	[sflag:s26] =	ssyncset.done $0x0  }
0x3e: {  	s1 =	simm.s32 @!p0 $0x4000;
	[sflag:s26] =	ssyncadd.s32 $0xFFFFD800  }
0x3f: {  	[spmem:s23] =	stream.linear.scatter @!p0 [tilespmem:s1], [sflag:$0x3], $0x2800, $0x38;
	[tilespmem:$0x1C880] =	vst v63  }
0x40: {  	s1 =	simm.s32 @!p0 $0x3  }
0x41: {  	_ =	swait.ge @!p0 [sflag:s1], $0x2800  }
0x42: {  	[sflag:s1] =	ssyncset.done @!p0 $0x0  }
0x43: {  	[sflag:s1] =	ssyncadd.s32 @!p0 $0xFFFFD800  }
0x44: {  	[tilespmem:s3], [sflag:$0x3] =	stream.linear.gather [hbm4b:s14+s3], $0x3E80, $0x38;
	[tilespmem:$0x1C880] =	vst v63  }
0x45: {  	_ =	swait.ge [sflag:s26], $0x3E80  }
0x46: {  	s8 =	sand.u32 $0x1, s3;
	[sflag:s26] =	ssyncset.done $0x0  }
0x47: {  	s4 =	sxor.u32 $0x1, s8;
	[sflag:s26] =	ssyncadd.s32 $0xFFFFC180  }
0x48: {  	s5 =	sadd.s32 $0x1, s8;
	s30 =	smul.u32 $0xA000, s4;
	[bflag:$0x0] =	sbarrier.arrive $0xFFFF  }
0x49: {  	[tilespmem:s25], [sflag:$0x1] =	stream.linear.gather [hbm4b:s12+s3], $0x2800, $0x38;
	[tilespmem:$0x1C880] =	vst v63  }
0x4a: {  	s10 =	simm.s32 $0x1;
	s1 =	smul.u32 $0xA000, s8;
	_ =	swait.ge [sflag:s5], $0x2800  }
0x4b: {  	s4 =	sadd.s32 $0x1, s4;
	s30 =	sshrl.u32 s30, $0x2;
	[sflag:s5] =	ssyncset.done $0x0  }
0x4c: {  	s9 =	sor.u32 $0x4000, s30;
	s1 =	sshrl.u32 s1, $0x2;
	[sflag:s5] =	ssyncadd.s32 $0xFFFFD800  }
0x4d: {  	[tilespmem:s9], [sflag:s4] =	stream.linear.gather [hbm4b:s24+s3], $0x2800, $0x38;
	[tilespmem:$0x1C880] =	vst v63  }
0x4e: {  	s30 =	simm.s32 $0x80;
	s1 =	sor.u32 $0x4000, s1;
	s5 =	simm.s32 $0x2  }
0x4f: {  	[spmem:s2] =	stream.indirect.scatter.add.f32 [tilespmem:s1], [sflag:$0x3], $0x80, s3, s28, $0xb8;
	[tilespmem:$0x1C880] =	vst v63  }
0x50: {  	s4 =	sand.u32 $0x1, s10;
	s1 =	sadd.s32 $0x500, s24;
	_ =	swait.ge [sflag:s26], $0x2800  }
.LBB2_2:
0x51: {  	s6 =	sadd.s32 $0x1, s4  }
0x52: {  	s7 =	sxor.u32 $0x1, s4;
	[sflag:s26] =	ssyncset.done $0x0;
	s8 =	smov.u32 s5  }
0x53: {  	s9 =	sadd.s32 $0x1, s5;
	s10 =	smul.u32 $0xA000, s7;
	[sflag:s26] =	ssyncadd.s32 $0xFFFFD800  }
0x54: {  	p1 =	sne.s32 s5, $0x7B;
	_ =	swait.ge [sflag:s6], $0x2800  }
0x55: {  	s4 =	smul.u32 $0xA000, s4;
	[sflag:s6] =	ssyncset.done $0x0;
	s5 =	sshrl.u32 s10, $0x2  }
0x56: {  	[sflag:s6] =	ssyncadd.s32 $0xFFFFD800;
	s5 =	sor.u32 $0x4000, s5;
	s6 =	sadd.s32 $0x1, s7  }
0x57: {  	[tilespmem:s5], [sflag:s6] =	stream.linear.gather [hbm4b:s1+s3], $0x2800, $0x38;
	[tilespmem:$0x1C880] =	vst v63  }
.Ltmp0:
0x58: {  	_ = 	snop;
	(pc) =	sbr.rel @p1 .LBB2_2-.Ltmp0, $4  }
0x59: {  	s4 =	sshrl.u32 s4, $0x2  }
0x5a: {  	s4 =	sor.u32 $0x4000, s4;
	s1 =	sadd.s32 $0x500, s1;
	s5 =	smov.u32 s9  }
0x5b: {  	[spmem:s2] =	stream.indirect.scatter.add.f32 [tilespmem:s4], [sflag:$0x3], $0x80, s30, s28, $0xb8;
	[tilespmem:$0x1C880] =	vst v63  }
0x5c: {  	s4 =	sand.u32 $0x1, s8;
	s30 =	sadd.s32 $0x80, s30;
	_ =	swait.ge [sflag:s26], $0x2800  }
0x5d: {  	[sflag:s26] =	ssyncset.done $0x0;
	s6 =	sxor.u32 $0x1, s4  }
0x5e: {  	s5 =	sadd.s32 $0x1, s4;
	[sflag:s26] =	ssyncadd.s32 $0xFFFFD800;
	s7 =	smul.u32 $0xA000, s6  }
0x5f: {  	s9 =	smul.u32 $0xA000, s4;
	_ =	swait.ge [sflag:s5], $0x2800  }
0x60: {  	s6 =	sadd.s32 $0x1, s6;
	[sflag:s5] =	ssyncset.done $0x0;
	s8 =	sshrl.u32 s7, $0x2  }
0x61: {  	s10 =	sshrl.u32 s9, $0x2;
	[sflag:s5] =	ssyncadd.s32 $0xFFFFD800;
	s5 =	sor.u32 $0x4000, s8  }
0x62: {  	[tilespmem:s5], [sflag:s6] =	stream.linear.gather [hbm4b:s1+s3], $0x2800, $0x38;
	[tilespmem:$0x1C880] =	vst v63  }
0x63: {  	s1 =	sor.u32 $0x4000, s10  }
0x64: {  	[spmem:s2] =	stream.indirect.scatter.add.f32 [tilespmem:s1], [sflag:$0x3], $0x80, s30, s28, $0xb8;
	[tilespmem:$0x1C880] =	vst v63  }
0x65: {  	_ =	swait.ge [sflag:s26], $0x2800  }
0x66: {  	[sflag:s26] =	ssyncset.done $0x0  }
0x67: {  	[sflag:s26] =	ssyncadd.s32 $0xFFFFD800  }
0x68: {  	_ =	swait.ge [sflag:s29], $0x2800  }
0x69: {  	[sflag:s29] =	ssyncset.done $0x0  }
0x6a: {  	s4 =	simm.s32 $0x3E00;
	[sflag:s29] =	ssyncadd.s32 $0xFFFFD800  }
0x6b: {  	[spmem:s2] =	stream.indirect.scatter.add.f32 [tilespmem:s25], [sflag:$0x3], $0x80, s4, s28, $0xb8;
	[tilespmem:$0x1C880] =	vst v63  }
0x6c: {  	_ =	swait.ge [sflag:s26], $0x2800  }
0x6d: {  	[sflag:s26] =	ssyncset.done $0x0  }
0x6e: {  	[sflag:s26] =	ssyncadd.s32 $0xFFFFD800  }
0x6f: {  	[bflag:$0x0] =	sbarrier.arrive $0xFFFF  }
0x70: {  	[tilespmem:s25], [sflag:$0x4] =	stream.linear.gather [spmem:s16], $0x2800, $0x38;
	[tilespmem:$0x1C880] =	vst v63  }
0x71: {  	_ =	swait.ge [sflag:s31], $0x2800  }
0x72: {  	[sflag:s31] =	ssyncset.done $0x0  }
0x73: {  	s5 =	rddreg [dreg:$0x3];
	[sflag:s31] =	ssyncadd.s32 $0xFFFFD800  }
0x74: {  	[hbm4b:s5+s3] =	stream.linear.scatter [tilespmem:s25], [sflag:$0x3], $0x2800, $0x38;
	[tilespmem:$0x1C880] =	vst v63  }
0x75: {  	_ =	swait.ge [sflag:s26], $0x2800  }
0x76: {  	[sflag:s26] =	ssyncset.done $0x0  }
0x77: {  	[sflag:s26] =	ssyncadd.s32 $0xFFFFD800  }
0x78: {  	[tilespmem:s25], [sflag:$0x4] =	stream.linear.gather [spmem:s17], $0x2800, $0x38;
	[tilespmem:$0x1C880] =	vst v63  }
0x79: {  	_ =	swait.ge [sflag:s31], $0x2800  }
0x7a: {  	[sflag:s31] =	ssyncset.done $0x0  }
0x7b: {  	s6 =	rddreg [dreg:$0x4];
	[sflag:s31] =	ssyncadd.s32 $0xFFFFD800  }
0x7c: {  	[hbm4b:s6+s3] =	stream.linear.scatter [tilespmem:s25], [sflag:$0x3], $0x2800, $0x38;
	[tilespmem:$0x1C880] =	vst v63  }
0x7d: {  	_ =	swait.ge [sflag:s26], $0x2800  }
0x7e: {  	[sflag:s26] =	ssyncset.done $0x0  }
0x7f: {  	[sflag:s26] =	ssyncadd.s32 $0xFFFFD800  }
0x80: {  	[tilespmem:s25], [sflag:$0x4] =	stream.linear.gather [spmem:s18], $0x2800, $0x38;
	[tilespmem:$0x1C880] =	vst v63  }
0x81: {  	_ =	swait.ge [sflag:s31], $0x2800  }
0x82: {  	[sflag:s31] =	ssyncset.done $0x0  }
0x83: {  	s7 =	rddreg [dreg:$0x5];
	[sflag:s31] =	ssyncadd.s32 $0xFFFFD800  }
0x84: {  	[hbm4b:s7+s3] =	stream.linear.scatter [tilespmem:s25], [sflag:$0x3], $0x2800, $0x38;
	[tilespmem:$0x1C880] =	vst v63  }
0x85: {  	_ =	swait.ge [sflag:s26], $0x2800  }
0x86: {  	[sflag:s26] =	ssyncset.done $0x0  }
0x87: {  	[sflag:s26] =	ssyncadd.s32 $0xFFFFD800  }
0x88: {  	[tilespmem:s25], [sflag:$0x4] =	stream.linear.gather [spmem:s19], $0x2800, $0x38;
	[tilespmem:$0x1C880] =	vst v63  }
0x89: {  	_ =	swait.ge [sflag:s31], $0x2800  }
0x8a: {  	[sflag:s31] =	ssyncset.done $0x0  }
0x8b: {  	s8 =	rddreg [dreg:$0x6];
	[sflag:s31] =	ssyncadd.s32 $0xFFFFD800  }
0x8c: {  	[hbm4b:s8+s3] =	stream.linear.scatter [tilespmem:s25], [sflag:$0x3], $0x2800, $0x38;
	[tilespmem:$0x1C880] =	vst v63  }
0x8d: {  	_ =	swait.ge [sflag:s26], $0x2800  }
0x8e: {  	[sflag:s26] =	ssyncset.done $0x0  }
0x8f: {  	[sflag:s26] =	ssyncadd.s32 $0xFFFFD800  }
0x90: {  	[tilespmem:s25], [sflag:$0x4] =	stream.linear.gather [spmem:s20], $0x2800, $0x38;
	[tilespmem:$0x1C880] =	vst v63  }
0x91: {  	_ =	swait.ge [sflag:s31], $0x2800  }
0x92: {  	[sflag:s31] =	ssyncset.done $0x0  }
0x93: {  	s9 =	rddreg [dreg:$0x7];
	[sflag:s31] =	ssyncadd.s32 $0xFFFFD800  }
0x94: {  	[hbm4b:s9+s3] =	stream.linear.scatter [tilespmem:s25], [sflag:$0x3], $0x2800, $0x38;
	[tilespmem:$0x1C880] =	vst v63  }
0x95: {  	_ =	swait.ge [sflag:s26], $0x2800  }
0x96: {  	[sflag:s26] =	ssyncset.done $0x0  }
0x97: {  	[sflag:s26] =	ssyncadd.s32 $0xFFFFD800  }
0x98: {  	[tilespmem:s25], [sflag:$0x4] =	stream.linear.gather [spmem:s21], $0x2800, $0x38;
	[tilespmem:$0x1C880] =	vst v63  }
0x99: {  	_ =	swait.ge [sflag:s31], $0x2800  }
0x9a: {  	[sflag:s31] =	ssyncset.done $0x0  }
0x9b: {  	s10 =	rddreg [dreg:$0x8];
	[sflag:s31] =	ssyncadd.s32 $0xFFFFD800  }
0x9c: {  	[hbm4b:s10+s3] =	stream.linear.scatter [tilespmem:s25], [sflag:$0x3], $0x2800, $0x38;
	[tilespmem:$0x1C880] =	vst v63  }
0x9d: {  	_ =	swait.ge [sflag:s26], $0x2800  }
0x9e: {  	[sflag:s26] =	ssyncset.done $0x0  }
0x9f: {  	[sflag:s26] =	ssyncadd.s32 $0xFFFFD800  }
0xa0: {  	[tilespmem:s25], [sflag:$0x4] =	stream.linear.gather [spmem:s22], $0x2800, $0x38;
	[tilespmem:$0x1C880] =	vst v63  }
0xa1: {  	_ =	swait.ge [sflag:s31], $0x2800  }
0xa2: {  	[sflag:s31] =	ssyncset.done $0x0  }
0xa3: {  	s30 =	rddreg [dreg:$0x9];
	[sflag:s31] =	ssyncadd.s32 $0xFFFFD800  }
0xa4: {  	[hbm4b:s30+s3] =	stream.linear.scatter [tilespmem:s25], [sflag:$0x3], $0x2800, $0x38;
	[tilespmem:$0x1C880] =	vst v63  }
0xa5: {  	_ =	swait.ge [sflag:s26], $0x2800  }
0xa6: {  	[sflag:s26] =	ssyncset.done $0x0  }
0xa7: {  	s1 =	simm.s32 @!p0 $0x4000;
	s4 =	simm.s32 @!p0 $0x4;
	[sflag:s26] =	ssyncadd.s32 $0xFFFFD800  }
0xa8: {  	[tilespmem:s1], [sflag:$0x4] =	stream.linear.gather @!p0 [spmem:s23], $0x2800, $0x38;
	[tilespmem:$0x1C880] =	vst v63  }
0xa9: {  	_ =	swait.ge @!p0 [sflag:s4], $0x2800  }
0xaa: {  	s0 =	sadd.s32 $0x1, s0;
	[sflag:s4] =	ssyncset.done @!p0 $0x0  }
0xab: {  	p1 =	sne.s32 s0, s15;
	[sflag:s4] =	ssyncadd.s32 @!p0 $0xFFFFD800;
	s4 =	simm.s32 @!p0 $0x0  }
0xac: {  	[hbm4b:s11+s4] =	stream.linear.scatter @!p0 [tilespmem:s1], [sflag:$0x3], $0x2800, $0x38;
	[tilespmem:$0x1C880] =	vst v63  }
.Ltmp1:
0xad: {  	_ = 	snop;
	(pc) =	sbr.rel @p1 .LBB2_1-.Ltmp1, $4  }
0xae: {  	s1 =	simm.s32 @!p0 $0x3  }
0xaf: {  	_ =	swait.ge @!p0 [sflag:s1], $0x2800  }
0xb0: {  	[sflag:s1] =	ssyncset.done @!p0 $0x0  }
0xb1: {  	[sflag:s1] =	ssyncadd.s32 @!p0 $0xFFFFD800  }
0xb2: {  	_ =	sfence.sel $0x180000  }
0xb3: {  	[bflag:$0x0] =	sbarrier.arrive $0xFFFF  }
0xb4: {  	_ =	strace $0x90000050  }
0xb5: {  	s0 =	stileid.u32;
	[bflag:$0x2] =	sbarrier.arrive $0xFFFF  }
0xb6: {  	p0 =	sne.s32 s0, $0x0;
	s0 =	rddreg [dreg:$0x2]  }
0xb7: {  	s0 =	sadd.s32 @!p0 $0x100000, s0  }
0xb8: {  	[sflag:s0] =	ssyncadd.tile.s32 @!p0 $0x1;
	_ =	shalt  }
.Lfunc_end2:
_tile_overlayer_lowered:
.L_overlay_start_2:
0xb9: {  	(tag) =	ssettag $0x2  }
0xba: {  	s0 =	rddreg [dreg:$0x0];
	s2 =	stileid.u32  }
0xbb: {  	s1 =	rddreg [dreg:$0x1];
	p0 =	sne.s32 s2, $0x0  }
0xbc: {  	s3 =	rddreg [dreg:$0x2];
	[bflag:$0x3] =	sbarrier.arrive $0xFFFF;
	s2 =	simm.s32 @!p0 $0x1C03  }
0xbd: {  	[timem:s3], [sflag:s2] =	dma.local @!p0 [hbm:s0], s1  }
0xbe: {  	s0 =	simm.s32 @!p0 $0x3  }
0xbf: {  	_ =	swait.ge @!p0 [sflag:s0], s1  }
0xc0: {  	s1 =	ssub.s32 @!p0 $0x0, s1;
	[sflag:s0] =	ssyncset.done @!p0 $0x0  }
0xc1: {  	[sflag:s0] =	ssyncadd.s32 @!p0 s1  }
0xc2: {  	[bflag:$0x3] =	sbarrier.arrive $0xFFFF  }
0xc3: {  	_ =	shalt  }

// kernel: kernel.30.cloned.1.call-start
scs
__scs_entry_jumppad:
0x0: {  	(pc) =	sbr.rel $0x88, $3  }
0x1: {  	(tag) =	ssettag $0x0;
	lr =	simm.s32 $0x1  }
0x2: {  	[smem:$0x3F82] =	sst lr;
	_ =	strace $0xD0000000  }
0x3: {  	_ = 	snop  }
0x4: {  	_ = 	snop  }
0x5: {  	_ = 	snop  }
0x6: {  	_ = 	snop  }
0x7: {  	_ = 	snop  }
__scs_overlays_trampoline_lowered:
0x8: {  	[smem:$0x3F91] =	sst s0  }
0x9: {  	[smem:$0x3F92] =	sst s1  }
0xa: {  	[smem:$0x3F93] =	sst s2  }
0xb: {  	[smem:$0x3F94] =	sst s3  }
0xc: {  	[smem:$0x3F95] =	sst s4  }
0xd: {  	[smem:$0x3F96] =	sst s5  }
0xe: {  	[smem:$0x3F97] =	sst s6  }
0xf: {  	[smem:$0x3F98] =	sst s7  }
0x10: {  	[smem:$0x3F99] =	sst s8  }
0x11: {  	[smem:$0x3F9A] =	sst s9;
	s0 =	simm.s32 @!p0 $0x0  }
0x12: {  	s1 =	sld [smem:$0x3F80];
	s0 =	simm.s32 @p0 $0x1  }
0x13: {  	[smem:$0x3F9B] =	sst s0;
	s0 =	simm.s32 @!p1 $0x0  }
0x14: {  	s2 =	sld [smem:$0x3F7F];
	s0 =	simm.s32 @p1 $0x1  }
0x15: {  	[smem:$0x3F9C] =	sst s0;
	s0 =	simm.s32 @!p2 $0x0  }
0x16: {  	s3 =	sld [smem:$0x3FDB];
	s0 =	simm.s32 @p2 $0x1  }
0x17: {  	s4 =	simm.s32 $0x1BF5;
	[smem:$0x3F9E] =	sst s0  }
0x18: {  	s0 =	sld [smem:$0x3F81];
	_ =	swait.ge [sflag:s4], $0x0  }
0x19: {  	s7 =	sld [smem:$0x3F82]  }
0x1a: {  	s8 =	sadd.s32 $0xFFFFE003, lr  }
0x1b: {  	s9 =	sadd.s32 $0xFFFFFEF7, lr;
	s5 =	simm.s32 $0xFFFFFFFF;
	p2 =	slt.u32 s8, $0xFFFFF086  }
0x1c: {  	p1 =	slt.u32 s9, $0xF7A;
	s5 =	simm.s32 @!p2 $0x0  }
0x1d: {  	s5 =	simm.s32 @p1 $0x1;
	p0 =	seq.s32 s7, s2  }
0x1e: {  	s7 =	smul.u32 @!p0 $0xF7A, s2;
	p2 =	seq.s32 @!p0 s5, $0x0  }
0x1f: {  	s9 =	smul.u32 $0xF7A, s1;
	s8 =	simm.s32 @!p0 $0x1BF5;
	p2 =	por !p2, p0  }
0x20: {  	[sflag:s8] =	ssyncset.s32 @!p0 $0xFFFFF086;
	s6 =	sadd.s32 @!p0 s3, s7;
	s7 =	simm.s32 @!p0 $0x108  }
0x21: {  	s3 =	sadd.s32 s3, s9;
	s6 =	sadd.s32 @!p0 $0x88, s6;
	s7 =	simm.s32 @p2 $0x1082  }
0x22: {  	[simem:s7], [sflag:s8] =	dma.local @!p0 [hbm:s6], $0xF7A  }
0x23: {  	s9 =	sor.u32 $0xD0000000, s2;
	s6 =	simm.s32 $0x108;
	_ =	swait.ge @!p0 [sflag:s8], $0x0  }
0x24: {  	s3 =	sadd.s32 $0x88, s3;
	s6 =	simm.s32 @!p1 $0x1082;
	[sflag:s4] =	ssyncset.s32 $0xFFFFF086  }
0x25: {  	[simem:s6], [sflag:s4] =	dma.local [hbm:s3], $0xF7A  }
0x26: {  	[smem:$0x3F82] =	sst s1;
	(tag) =	ssettag s2;
	_ =	strace s9  }
0x27: {  	s1 =	sld [smem:$0x3F92]  }
0x28: {  	s2 =	sld [smem:$0x3F93]  }
0x29: {  	s4 =	sld [smem:$0x3F95]  }
0x2a: {  	p0 =	seq.s32 s5, $0x0;
	s5 =	sld [smem:$0x3F96]  }
0x2b: {  	s6 =	sld [smem:$0x3F97]  }
0x2c: {  	s7 =	sld [smem:$0x3F98]  }
0x2d: {  	s3 =	simm.s32 $0x108;
	s8 =	sld [smem:$0x3F99]  }
0x2e: {  	s3 =	simm.s32 @!p0 $0x1082;
	s9 =	sld [smem:$0x3F9A]  }
0x2f: {  	lr =	sadd.s32 s0, s3;
	s0 =	sld [smem:$0x3F91]  }
0x30: {  	s3 =	sld [smem:$0x3F94]  }
0x31: {  	[smem:$0x3F9D] =	sst s10  }
0x32: {  	s10 =	sld [smem:$0x3F9B];
	_ =	sdelay $0x3  }
0x33: {  	p0 =	seq.s32 s10, $0x1;
	s10 =	sld [smem:$0x3F9D];
	_ =	sdelay $0x3  }
0x34: {  	[smem:$0x3F9D] =	sst s10  }
0x35: {  	s10 =	sld [smem:$0x3F9C];
	_ =	sdelay $0x3  }
0x36: {  	p1 =	seq.s32 s10, $0x1;
	s10 =	sld [smem:$0x3F9D];
	_ =	sdelay $0x3  }
0x37: {  	[smem:$0x3F9D] =	sst s10  }
0x38: {  	s10 =	sld [smem:$0x3F9E]  }
0x39: {  	_ = 	snop;
	(pc) =	sbr.ind lr, $3  }
0x3a: {  	_ = 	snop  }
0x3b: {  	_ = 	snop  }
0x3c: {  	p2 =	seq.s32 s10, $0x1;
	s10 =	sld [smem:$0x3F9D]  }
0x3d: {  	_ =	shalt  }
0x3e: {  	_ =	shalt  }
0x3f: {  	_ =	shalt  }
0x40: {  	_ =	shalt  }
0x41: {  	_ =	shalt  }
0x42: {  	_ =	shalt  }
0x43: {  	_ =	shalt  }
0x44: {  	_ =	shalt  }
0x45: {  	_ =	shalt  }
0x46: {  	_ =	shalt  }
0x47: {  	_ =	shalt  }
0x48: {  	_ =	shalt  }
0x49: {  	_ =	shalt  }
0x4a: {  	_ =	shalt  }
0x4b: {  	_ =	shalt  }
0x4c: {  	_ =	shalt  }
0x4d: {  	_ =	shalt  }
0x4e: {  	_ =	shalt  }
0x4f: {  	_ =	shalt  }
0x50: {  	_ =	shalt  }
0x51: {  	_ =	shalt  }
0x52: {  	_ =	shalt  }
0x53: {  	_ =	shalt  }
0x54: {  	_ =	shalt  }
0x55: {  	_ =	shalt  }
0x56: {  	_ =	shalt  }
0x57: {  	_ =	shalt  }
0x58: {  	_ =	shalt  }
0x59: {  	_ =	shalt  }
0x5a: {  	_ =	shalt  }
0x5b: {  	_ =	shalt  }
0x5c: {  	_ =	shalt  }
0x5d: {  	_ =	shalt  }
0x5e: {  	_ =	shalt  }
0x5f: {  	_ =	shalt  }
0x60: {  	_ =	shalt  }
0x61: {  	_ =	shalt  }
0x62: {  	_ =	shalt  }
0x63: {  	_ =	shalt  }
0x64: {  	_ =	shalt  }
0x65: {  	_ =	shalt  }
0x66: {  	_ =	shalt  }
0x67: {  	_ =	shalt  }
0x68: {  	_ =	shalt  }
0x69: {  	_ =	shalt  }
0x6a: {  	_ =	shalt  }
0x6b: {  	_ =	shalt  }
0x6c: {  	_ =	shalt  }
0x6d: {  	_ =	shalt  }
0x6e: {  	_ =	shalt  }
0x6f: {  	_ =	shalt  }
0x70: {  	_ =	shalt  }
0x71: {  	_ =	shalt  }
0x72: {  	_ =	shalt  }
0x73: {  	_ =	shalt  }
0x74: {  	_ =	shalt  }
0x75: {  	_ =	shalt  }
0x76: {  	_ =	shalt  }
0x77: {  	_ =	shalt  }
0x78: {  	_ =	shalt  }
0x79: {  	_ =	shalt  }
0x7a: {  	_ =	shalt  }
0x7b: {  	_ =	shalt  }
0x7c: {  	_ =	shalt  }
0x7d: {  	_ =	shalt  }
0x7e: {  	_ =	shalt  }
0x7f: {  	_ =	shalt  }
0x80: {  	_ =	shalt  }
0x81: {  	_ =	shalt  }
0x82: {  	_ =	shalt  }
0x83: {  	_ =	shalt  }
0x84: {  	_ =	shalt  }
0x85: {  	_ =	shalt  }
0x86: {  	_ =	shalt  }
0x87: {  	_ =	shalt  }
.Lfunc_end0:
.L_simem_size_0:
called_computation.4_lowered:
.L_overlay_start_0:
0x88: {  	s2 =	sld [smem:$0x3FD9]  }
0x89: {  	s3 =	sld [smem:$0x3FFE];
	_ =	sdelay $0x1  }
0x8a: {  	s1 =	srdreg.scid  }
0x8b: {  	s0 =	sand.u32 $0x1, s1  }
0x8c: {  	s16 =	sshll.u32 s0, $0xA;
	s2 =	sadd.s32 s3, s2  }
0x8d: {  	s2 =	sadd.s32 s2, s16  }
0x8e: {  	[smem:$0x3FA9] =	sst s2  }
0x8f: {  	_ = 	snop  }
0x90: {  	(tm) =	ssettm $0x1  }
0x91: {  	s17 =	sld [smem:$0x3FFB];
	_ =	sdelay $0x3  }
0x92: {  	_ =	strace s17  }
0x93: {  	s2 =	sld [smem:$0x3FFC];
	_ =	sdelay $0x3  }
0x94: {  	_ =	strace s2  }
0x95: {  	s2 =	sld [smem:$0x3FFD];
	_ =	sdelay $0x3  }
0x96: {  	_ =	strace s2  }
0x97: {  	_ =	strace $0x8FFFFFFF  }
0x98: {  	s18 =	sld [smem:$0x3FDB];
	_ =	sdelay $0x1  }
0x99: {  	s19 =	simm.s32 $_scs_section_size  }
0x9a: {  	s4 =	simm.s32 $_size__tile_overlayer_lowered;
	s5 =	simm.s32 $_tile_overlayer_lowered  }
0x9b: {  	s22 =	simm.s32 $0x1BFF;
	s21 =	sshll.u32 s5, $0x1;
	s2 =	sadd.s32 s19, s18  }
0x9c: {  	s6 =	simm.s32 $0x0;
	s20 =	sshll.u32 s4, $0x1;
	s4 =	sadd.s32 s21, s2  }
0x9d: {  	[timem:s6], [sflag:s22] =	dma.local [hbm:s4], s20  }
0x9e: {  	_ =	swait.ge [sflag:s22], s20  }
0x9f: {  	s3 =	ssub.s32 $0x0, s20;
	[sflag:s22] =	ssyncset.done $0x0  }
0xa0: {  	[sflag:s22] =	ssyncadd.s32 s3;
	_ =	sdelay $0x1  }
0xa1: {  	s23 =	simm.s32 $0x1B8B  }
0xa2: {  	_ =	swait.ge [sflag:s23], $0x1  }
0xa3: {  	[sflag:s23] =	ssyncset.done $0x0  }
0xa4: {  	s25 =	simm.s32 $0x1B8E;
	s24 =	sld [smem:$0x3FFE];
	[sflag:s23] =	ssyncadd.s32 $0xFFFFFFFF  }
0xa5: {  	s26 =	simm.s32 $execute0_lowered;
	[smem:$0x3FD2] =	sst s25  }
0xa6: {  	s4 =	sshll.u32 s26, $0x1;
	_ =	strace $0x80000052;
	[dreg:$0x1] =	wrdreg $0xFFFFFFFF  }
0xa7: {  	s28 =	simm.s32 $_size_execute0_lowered;
	s2 =	sadd.s32 s2, s4;
	[dreg:$0x0] =	wrdreg $0x0  }
0xa8: {  	s4 =	sshll.u32 s28, $0x1;
	[dreg:$0x2] =	wrdreg s2  }
0xa9: {  	[dreg:$0x3] =	wrdreg s4  }
0xaa: {  	[dreg:$0x4] =	wrdreg $0xC0  }
0xab: {  	_ =	task [dreg:s6], $0x5FFFF  }
0xac: {  	[dreg:$0x1] =	wrdreg $0xFFFFFFFF  }
0xad: {  	[dreg:$0x0] =	wrdreg $0x60  }
0xae: {  	[dreg:$0x2] =	wrdreg s24  }
0xaf: {  	[dreg:$0x3] =	wrdreg $0x9  }
0xb0: {  	_ =	task.clear_ibuf [dreg:s6], $0x4FFFF;
	_ =	strace $0x90000052  }
0xb1: {  	s29 =	simm.s32 $0x9;
	_ =	strace $0x80000054  }
0xb2: {  	_ =	swait.ge [sflag:s29], $0x1  }
0xb3: {  	[sflag:s29] =	ssyncadd.s32 $0xFFFFFFFF  }
0xb4: {  	_ =	strace $0x90000054  }
0xb5: {  	_ =	sfence  }
0xb6: {  	s30 =	sld [smem:$0x0];
	_ =	sdelay $0x2  }
0xb7: {  	s31 =	sshll.u32 s1, $0xD;
	s1 =	sshrl.u32 s1, $0x2  }
0xb8: {  	s3 =	sand.u32 $0x4000, s31;
	s1 =	sadd.s32 s1, s30  }
0xb9: {  	s0 =	sor.u32 s3, s0;
	s1 =	sshll.u32 s1, $0x11  }
0xba: {  	s0 =	sor.u32 s1, s0  }
0xbb: {  	s0 =	sadd.s32 $0x8F2B, s0  }
0xbc: {  	[sflag:s0] =	ssyncadd.remote.s32 $0x1  }
0xbd: {  	_ =	sfence.sel $0xFFFF  }
0xbe: {  	[dreg:$0x0] =	wrdreg $0xFFFFFFFF;
	(pc) =	sbr.abs _section_cstart, $3  }
0xbf: {  	[dreg:$0x1] =	wrdreg $0xFFFFFFFF  }
0xc0: {  	_ =	task.clear_ibuf [dreg:s6], $0x2FFFF;
	_ =	strace $0x9FFFFFFF  }
0xc1: {  	(tm) =	ssettm $0x7FFFFFFF  }
tec
execute0_lowered:
.L_overlay_start_1:
0x0: {  	(tag) =	ssettag $0x1  }
0x1: {  	s0 =	rddreg [dreg:$0x0];
	s2 =	simm.s32 $0x0  }
0x2: {  	s1 =	srdreg.scid;
	s3 =	stileid.u32;
	s10 =	simm.s32 $0x5  }
0x3: {  	s19 =	simm.s32 $0xB800;
	s20 =	simm.s32 $0xC000;
	s21 =	simm.s32 $0xC800  }
0x4: {  	s22 =	simm.s32 $0x12000;
	s23 =	simm.s32 $0x12800;
	s24 =	simm.s32 $0x13000  }
0x5: {  	s25 =	simm.s32 $0x13800;
	s28 =	simm.s32 $0x14800;
	s29 =	simm.s32 $0x15000  }
0x6: {  	s30 =	simm.s32 $0x15800;
	s31 =	simm.s32 $0x16000;
	s11 =	simm.s32 $0x0  }
0x7: {  	[smem:$0x7FF] =	sst s2;
	s1 =	sand.u32 $0x1, s1;
	s3 =	sshll.u32 s3, $0x1  }
0x8: {  	s5 =	sadd.s32 $0xA3AC00, s0;
	_ =	strace $0x80000053;
	s6 =	sor.u32 s1, s3  }
.Ltmp0:
0x9: {  	s3 =	sadd.s32 $0x28A00, s0;
	s1 =	ssub.s32 $0x2, s1;
	(pc) =	sbr.rel .LBB2_1-.Ltmp0, $4  }
0xa: {  	s4 =	sshll.u32 s6, $0xB;
	s7 =	sshrl.u32 s1, $0x1;
	s6 =	smul.u32 $0x2710, s6  }
0xb: {  	v2 =	vlaneseq.u32;
	s8 =	sadd.s32 s4, s0;
	s4 =	sadd.s32 $0x76C00, s0;
	s26 =	ssub.s32 s1, s7  }
0xc: {  	vm0 =	vmmov $0xffff;
	v1 =	vshrl.u32 v2, $0x3;
	s0 =	simm.s32 $0x16800;
	s1 =	simm.s32 $0x3;
	s7 =	sadd.s32 $0x18400, s8  }
0xd: {  	v0 =	vand.u32 $0x7, v2;
	v2 =	vor.u32 $0x8, v2;
	v1 =	vmul.u32 $0x8, v1;
	s8 =	sadd.s32 $0x8400, s8;
	s9 =	smax.u32 s26, $0x1;
	s26 =	simm.s32 $0x14000  }
.LBB2_5:
0xe: {  	s11 =	sadd.s32 $0x1, s11  }
0xf: {  	_ =	swait.ge [sflag:s1], $0x5000;
	p0 =	sne.s32 s11, s9  }
.Ltmp1:
0x10: {  	[sflag:s1] =	ssyncset.done $0x0;
	(pc) =	sbr.rel @!p0 .LBB2_6-.Ltmp1, $4  }
0x11: {  	[sflag:s1] =	ssyncadd.s32 $0xFFFFB000  }
0x12: {  	_ =	swait.ge [sflag:s1], $0x5000  }
0x13: {  	[sflag:s1] =	ssyncset.done $0x0  }
0x14: {  	[sflag:s1] =	ssyncadd.s32 $0xFFFFB000  }
.LBB2_1:
0x15: {  	[tilespmem:s2], [sflag:$0x5] =	stream.linear.gather [hbm4b:s7+s2], $0x3E80, $0x38;
	[tilespmem:$0x1C000] =	vst v63  }
0x16: {  	_ =	swait.ge [sflag:s10], $0x3E80  }
0x17: {  	[sflag:s10] =	ssyncset.done $0x0  }
0x18: {  	s12 =	simm.s32 $0x4000;
	[sflag:s10] =	ssyncadd.s32 $0xFFFFC180  }
0x19: {  	[tilespmem:s12], [sflag:$0x5] =	stream.linear.gather [hbm4b:s8+s2], $0x3E80, $0x38;
	[tilespmem:$0x1C000] =	vst v63  }
0x1a: {  	_ =	swait.ge [sflag:s10], $0x3E80  }
0x1b: {  	[sflag:s10] =	ssyncset.done $0x0  }
0x1c: {  	[sflag:s10] =	ssyncadd.s32 $0xFFFFC180  }
0x1d: {  	v3 =	vld [tilespmem:$0x0];
	_ =	sdelay $0x4  }
0x1e: {  	v4 =	vshll.u32 v3, $0x1  }
0x1f: {  	v3 =	vand.u32 $0x7, v3;
	v4 =	vand.u32 $0xFFFFFFF0, v4  }
0x20: {  	v3 =	vor.u32 v3, v4  }
0x21: {  	v4 =	vperm.xlane v3, v0;
	_ =	sdelay $0x1  }
0x22: {  	v3 =	vperm.xlane v3, v2;
	v4 =	vadd.s32 v1, v4;
	_ =	sdelay $0x1  }
0x23: {  	v3 =	vadd.s32 v1, v3;
	_ =	sdelay $0x1  }
0x24: {  	s18 =	simm.s32 $0x8000  }
0x25: {  	[tilespmem:s18], [sflag:$0x1] =	stream.indirect_vreg.gather [hbm4b:s3+s2], $0x80, v4, vm0, $0xb8;
	[tilespmem:$0x1C000] =	vst v63  }
0x26: {  	s13 =	simm.s32 $0x8800  }
0x27: {  	[tilespmem:s13], [sflag:$0x1] =	stream.indirect_vreg.gather [hbm4b:s3+s2], $0x80, v3, vm0, $0xb8;
	[tilespmem:$0x1C000] =	vst v63  }
0x28: {  	v3 =	vld [tilespmem:$0x10];
	_ =	sdelay $0x4  }
0x29: {  	v55 =	vshll.u32 v3, $0x1  }
0x2a: {  	v3 =	vand.u32 $0x7, v3;
	v4 =	vand.u32 $0xFFFFFFF0, v55  }
0x2b: {  	v3 =	vor.u32 v3, v4  }
0x2c: {  	v4 =	vperm.xlane v3, v0;
	_ =	sdelay $0x1  }
0x2d: {  	v3 =	vperm.xlane v3, v2;
	v4 =	vadd.s32 v1, v4;
	_ =	sdelay $0x1  }
0x2e: {  	v3 =	vadd.s32 v1, v3;
	_ =	sdelay $0x1  }
0x2f: {  	s14 =	simm.s32 $0x9000  }
0x30: {  	[tilespmem:s14], [sflag:$0x1] =	stream.indirect_vreg.gather [hbm4b:s3+s2], $0x80, v4, vm0, $0xb8;
	[tilespmem:$0x1C000] =	vst v63  }
0x31: {  	s15 =	simm.s32 $0x9800  }
0x32: {  	[tilespmem:s15], [sflag:$0x1] =	stream.indirect_vreg.gather [hbm4b:s3+s2], $0x80, v3, vm0, $0xb8;
	[tilespmem:$0x1C000] =	vst v63  }
0x33: {  	v3 =	vld [tilespmem:$0x20];
	_ =	sdelay $0x4  }
0x34: {  	v56 =	vshll.u32 v3, $0x1  }
0x35: {  	v3 =	vand.u32 $0x7, v3;
	v4 =	vand.u32 $0xFFFFFFF0, v56  }
0x36: {  	v3 =	vor.u32 v3, v4  }
0x37: {  	v4 =	vperm.xlane v3, v0;
	_ =	sdelay $0x1  }
0x38: {  	v3 =	vperm.xlane v3, v2;
	v4 =	vadd.s32 v1, v4;
	_ =	sdelay $0x1  }
0x39: {  	v3 =	vadd.s32 v1, v3;
	_ =	sdelay $0x1  }
0x3a: {  	s16 =	simm.s32 $0xA000  }
0x3b: {  	[tilespmem:s16], [sflag:$0x1] =	stream.indirect_vreg.gather [hbm4b:s3+s2], $0x80, v4, vm0, $0xb8;
	[tilespmem:$0x1C000] =	vst v63  }
0x3c: {  	s17 =	simm.s32 $0xA800  }
0x3d: {  	[tilespmem:s17], [sflag:$0x1] =	stream.indirect_vreg.gather [hbm4b:s3+s2], $0x80, v3, vm0, $0xb8;
	[tilespmem:$0x1C000] =	vst v63  }
0x3e: {  	v3 =	vld [tilespmem:$0x30];
	_ =	sdelay $0x4  }
0x3f: {  	v57 =	vshll.u32 v3, $0x1  }
0x40: {  	v3 =	vand.u32 $0x7, v3;
	v4 =	vand.u32 $0xFFFFFFF0, v57  }
0x41: {  	v3 =	vor.u32 v3, v4  }
0x42: {  	v4 =	vperm.xlane v3, v0;
	_ =	sdelay $0x1  }
0x43: {  	v3 =	vperm.xlane v3, v2;
	v4 =	vadd.s32 v1, v4;
	_ =	sdelay $0x1  }
0x44: {  	v3 =	vadd.s32 v1, v3;
	_ =	sdelay $0x1  }
0x45: {  	s18 =	simm.s32 $0xB000  }
0x46: {  	[tilespmem:s18], [sflag:$0x1] =	stream.indirect_vreg.gather [hbm4b:s3+s2], $0x80, v4, vm0, $0xb8;
	[tilespmem:$0x1C000] =	vst v63  }
0x47: {  	_ = 	snop  }
0x48: {  	[tilespmem:s19], [sflag:$0x1] =	stream.indirect_vreg.gather [hbm4b:s3+s2], $0x80, v3, vm0, $0xb8;
	[tilespmem:$0x1C000] =	vst v63  }
0x49: {  	v3 =	vld [tilespmem:$0x40];
	_ =	sdelay $0x4  }
0x4a: {  	v58 =	vshll.u32 v3, $0x1  }
0x4b: {  	v3 =	vand.u32 $0x7, v3;
	v4 =	vand.u32 $0xFFFFFFF0, v58  }
0x4c: {  	v3 =	vor.u32 v3, v4  }
0x4d: {  	v4 =	vperm.xlane v3, v0;
	_ =	sdelay $0x1  }
0x4e: {  	v3 =	vperm.xlane v3, v2;
	v4 =	vadd.s32 v1, v4;
	_ =	sdelay $0x1  }
0x4f: {  	v3 =	vadd.s32 v1, v3;
	_ =	sdelay $0x2  }
0x50: {  	[tilespmem:s20], [sflag:$0x1] =	stream.indirect_vreg.gather [hbm4b:s3+s2], $0x80, v4, vm0, $0xb8;
	[tilespmem:$0x1C000] =	vst v63  }
0x51: {  	_ = 	snop  }
0x52: {  	[tilespmem:s21], [sflag:$0x1] =	stream.indirect_vreg.gather [hbm4b:s3+s2], $0x80, v3, vm0, $0xb8;
	[tilespmem:$0x1C000] =	vst v63  }
0x53: {  	v3 =	vld [tilespmem:$0x4000];
	_ =	sdelay $0x4  }
0x54: {  	v59 =	vshll.u32 v3, $0x1  }
0x55: {  	v3 =	vand.u32 $0x7, v3;
	v4 =	vand.u32 $0xFFFFFFF0, v59  }
0x56: {  	v3 =	vor.u32 v3, v4  }
0x57: {  	v4 =	vperm.xlane v3, v0;
	_ =	sdelay $0x1  }
0x58: {  	v3 =	vperm.xlane v3, v2;
	v4 =	vadd.s32 v1, v4;
	_ =	sdelay $0x1  }
0x59: {  	v3 =	vadd.s32 v1, v3;
	_ =	sdelay $0x2  }
0x5a: {  	[tilespmem:s22], [sflag:$0x1] =	stream.indirect_vreg.gather [hbm4b:s3+s2], $0x80, v4, vm0, $0xb8;
	[tilespmem:$0x1C000] =	vst v63  }
0x5b: {  	_ = 	snop  }
0x5c: {  	[tilespmem:s23], [sflag:$0x1] =	stream.indirect_vreg.gather [hbm4b:s3+s2], $0x80, v3, vm0, $0xb8;
	[tilespmem:$0x1C000] =	vst v63  }
0x5d: {  	v3 =	vld [tilespmem:$0x4010];
	_ =	sdelay $0x4  }
0x5e: {  	v60 =	vshll.u32 v3, $0x1  }
0x5f: {  	v3 =	vand.u32 $0x7, v3;
	v4 =	vand.u32 $0xFFFFFFF0, v60  }
0x60: {  	v3 =	vor.u32 v3, v4  }
0x61: {  	v4 =	vperm.xlane v3, v0;
	_ =	sdelay $0x1  }
0x62: {  	v3 =	vperm.xlane v3, v2;
	v4 =	vadd.s32 v1, v4;
	_ =	sdelay $0x1  }
0x63: {  	v3 =	vadd.s32 v1, v3;
	_ =	sdelay $0x2  }
0x64: {  	[tilespmem:s24], [sflag:$0x1] =	stream.indirect_vreg.gather [hbm4b:s3+s2], $0x80, v4, vm0, $0xb8;
	[tilespmem:$0x1C000] =	vst v63  }
0x65: {  	_ = 	snop  }
0x66: {  	[tilespmem:s25], [sflag:$0x1] =	stream.indirect_vreg.gather [hbm4b:s3+s2], $0x80, v3, vm0, $0xb8;
	[tilespmem:$0x1C000] =	vst v63  }
0x67: {  	v3 =	vld [tilespmem:$0x4020];
	_ =	sdelay $0x4  }
0x68: {  	v61 =	vshll.u32 v3, $0x1  }
0x69: {  	v3 =	vand.u32 $0x7, v3;
	v4 =	vand.u32 $0xFFFFFFF0, v61  }
0x6a: {  	v3 =	vor.u32 v3, v4  }
0x6b: {  	v4 =	vperm.xlane v3, v0;
	_ =	sdelay $0x1  }
0x6c: {  	v3 =	vperm.xlane v3, v2;
	v4 =	vadd.s32 v1, v4;
	_ =	sdelay $0x1  }
0x6d: {  	v3 =	vadd.s32 v1, v3;
	_ =	sdelay $0x2  }
0x6e: {  	[tilespmem:s26], [sflag:$0x1] =	stream.indirect_vreg.gather [hbm4b:s3+s2], $0x80, v4, vm0, $0xb8;
	[tilespmem:$0x1C000] =	vst v63  }
0x6f: {  	_ = 	snop  }
0x70: {  	[tilespmem:s28], [sflag:$0x1] =	stream.indirect_vreg.gather [hbm4b:s3+s2], $0x80, v3, vm0, $0xb8;
	[tilespmem:$0x1C000] =	vst v63  }
0x71: {  	v3 =	vld [tilespmem:$0x4030];
	_ =	sdelay $0x4  }
0x72: {  	v62 =	vshll.u32 v3, $0x1  }
0x73: {  	v3 =	vand.u32 $0x7, v3;
	v4 =	vand.u32 $0xFFFFFFF0, v62  }
0x74: {  	v3 =	vor.u32 v3, v4  }
0x75: {  	v4 =	vperm.xlane v3, v0;
	_ =	sdelay $0x1  }
0x76: {  	v3 =	vperm.xlane v3, v2;
	v4 =	vadd.s32 v1, v4;
	_ =	sdelay $0x1  }
0x77: {  	v3 =	vadd.s32 v1, v3;
	_ =	sdelay $0x2  }
0x78: {  	[tilespmem:s29], [sflag:$0x1] =	stream.indirect_vreg.gather [hbm4b:s3+s2], $0x80, v4, vm0, $0xb8;
	[tilespmem:$0x1C000] =	vst v63  }
0x79: {  	_ = 	snop  }
0x7a: {  	[tilespmem:s30], [sflag:$0x1] =	stream.indirect_vreg.gather [hbm4b:s3+s2], $0x80, v3, vm0, $0xb8;
	[tilespmem:$0x1C000] =	vst v63  }
0x7b: {  	v3 =	vld [tilespmem:$0x4040];
	_ =	sdelay $0x4  }
0x7c: {  	v63 =	vshll.u32 v3, $0x1  }
0x7d: {  	v3 =	vand.u32 $0x7, v3;
	v4 =	vand.u32 $0xFFFFFFF0, v63  }
0x7e: {  	v3 =	vor.u32 v3, v4  }
0x7f: {  	v4 =	vperm.xlane v3, v0;
	_ =	sdelay $0x1  }
0x80: {  	v3 =	vperm.xlane v3, v2;
	v4 =	vadd.s32 v1, v4;
	_ =	sdelay $0x1  }
0x81: {  	v3 =	vadd.s32 v1, v3  }
.Ltmp2:
0x82: {  	_ = 	snop;
	(pc) =	sbr.rel .LBB2_2-.Ltmp2, $4  }
0x83: {  	_ = 	snop  }
0x84: {  	[tilespmem:s31], [sflag:$0x1] =	stream.indirect_vreg.gather [hbm4b:s3+s2], $0x80, v4, vm0, $0xb8;
	[tilespmem:$0x1C000] =	vst v63  }
0x85: {  	s13 =	simm.s32 $0x0  }
0x86: {  	[tilespmem:s0], [sflag:$0x1] =	stream.indirect_vreg.gather [hbm4b:s3+s2], $0x80, v3, vm0, $0xb8;
	[tilespmem:$0x1C000] =	vst v63  }
.LBB2_4:
0x87: {  	s15 =	sadd.s32 $0x1, s12  }
0x88: {  	_ =	swait.ge [sflag:s15], $0x5000  }
0x89: {  	s13 =	smul.u32 $0x50, s13;
	[sflag:s15] =	ssyncset.done $0x0  }
0x8a: {  	s16 =	smul.u32 $0x5000, s12;
	s12 =	sadd.s32 $0x3, s12;
	[sflag:s15] =	ssyncadd.s32 $0xFFFFB000  }
0x8b: {  	p0 =	slt.u32 s14, $0x7D;
	s13 =	sadd.s32 s6, s13;
	_ =	swait.ge [sflag:s15], $0x5000  }
0x8c: {  	s18 =	sor.u32 $0x8000, s16;
	s13 =	sshll.u32 s13, $0x5;
	[sflag:s15] =	ssyncset.done $0x0  }
.Ltmp3:
0x8d: {  	s17 =	sadd.s32 s4, s13;
	[sflag:s15] =	ssyncadd.s32 $0xFFFFB000;
	(pc) =	sbr.rel @!p0 .LBB2_5-.Ltmp3, $4  }
0x8e: {  	[hbm4b:s17+s2] =	stream.linear.scatter [tilespmem:s18], [sflag:s12], $0x5000, $0x38;
	[tilespmem:$0x1C000] =	vst v63  }
0x8f: {  	s13 =	sadd.s32 s5, s13;
	s18 =	sadd.s32 $0x12000, s16  }
0x90: {  	[hbm4b:s13+s2] =	stream.linear.scatter [tilespmem:s18], [sflag:s12], $0x5000, $0x38;
	[tilespmem:$0x1C000] =	vst v63  }
0x91: {  	s13 =	smov.u32 s14  }
.LBB2_2:
0x92: {  	s12 =	sand.u32 $0x1, s13  }
0x93: {  	p0 =	seq.s32 s13, $0x0;
	s17 =	sxor.u32 $0x1, s12  }
0x94: {  	p1 =	seq.s32 @!p0 s13, $0x7C;
	s14 =	sadd.s32 @!p0 $0x3, s17  }
0x95: {  	p1 =	por p0, !p1;
	_ =	swait.ge @!p0 [sflag:s14], $0x5000  }
.Ltmp4:
0x96: {  	[sflag:s14] =	ssyncset.done @!p0 $0x0;
	(pc) =	sbr.rel @!p1 .LBB2_4-.Ltmp4, $4  }
0x97: {  	[sflag:s14] =	ssyncadd.s32 @!p0 $0xFFFFB000  }
0x98: {  	_ =	swait.ge @!p0 [sflag:s14], $0x5000  }
0x99: {  	[sflag:s14] =	ssyncset.done @!p0 $0x0  }
0x9a: {  	[sflag:s14] =	ssyncadd.s32 @!p0 $0xFFFFB000;
	s14 =	simm.s32 @!p0 $0x7D  }
0x9b: {  	s14 =	sadd.s32 @!p0 $0x1, s13  }
0x9c: {  	s14 =	simm.s32 @p0 $0x1  }
0x9d: {  	s16 =	sshll.u32 s14, $0x7  }
0x9e: {  	v3 =	vld [tilespmem:s16+$0x0];
	_ =	sdelay $0x4  }
0x9f: {  	v4 =	vshll.u32 v3, $0x1  }
0xa0: {  	v3 =	vand.u32 $0x7, v3;
	v4 =	vand.u32 $0xFFFFFFF0, v4  }
0xa1: {  	v3 =	vor.u32 v3, v4  }
0xa2: {  	v4 =	vperm.xlane v3, v0;
	_ =	sdelay $0x1  }
0xa3: {  	v3 =	vperm.xlane v3, v2;
	v4 =	vadd.s32 v1, v4;
	_ =	sdelay $0x1  }
0xa4: {  	s15 =	smul.u32 $0x5000, s17;
	v3 =	vadd.s32 v1, v3;
	_ =	sdelay $0x1  }
0xa5: {  	s17 =	sadd.s32 $0x1, s17;
	s18 =	sor.u32 $0x8000, s15  }
0xa6: {  	[tilespmem:s18], [sflag:s17] =	stream.indirect_vreg.gather [hbm4b:s3+s2], $0x80, v4, vm0, $0xb8;
	[tilespmem:$0x1C000] =	vst v63  }
0xa7: {  	s18 =	sor.u32 $0x8800, s15  }
0xa8: {  	[tilespmem:s18], [sflag:s17] =	stream.indirect_vreg.gather [hbm4b:s3+s2], $0x80, v3, vm0, $0xb8;
	[tilespmem:$0x1C000] =	vst v63  }
0xa9: {  	v3 =	vld [tilespmem:s16+$0x10];
	_ =	sdelay $0x4  }
0xaa: {  	v55 =	vshll.u32 v3, $0x1  }
0xab: {  	v3 =	vand.u32 $0x7, v3;
	v4 =	vand.u32 $0xFFFFFFF0, v55  }
0xac: {  	v3 =	vor.u32 v3, v4  }
0xad: {  	v4 =	vperm.xlane v3, v0;
	_ =	sdelay $0x1  }
0xae: {  	v3 =	vperm.xlane v3, v2;
	v4 =	vadd.s32 v1, v4;
	_ =	sdelay $0x1  }
0xaf: {  	v3 =	vadd.s32 v1, v3;
	_ =	sdelay $0x1  }
0xb0: {  	s18 =	sadd.s32 $0x9000, s15  }
0xb1: {  	[tilespmem:s18], [sflag:s17] =	stream.indirect_vreg.gather [hbm4b:s3+s2], $0x80, v4, vm0, $0xb8;
	[tilespmem:$0x1C000] =	vst v63  }
0xb2: {  	s18 =	sadd.s32 $0x9800, s15  }
0xb3: {  	[tilespmem:s18], [sflag:s17] =	stream.indirect_vreg.gather [hbm4b:s3+s2], $0x80, v3, vm0, $0xb8;
	[tilespmem:$0x1C000] =	vst v63  }
0xb4: {  	v3 =	vld [tilespmem:s16+$0x20];
	_ =	sdelay $0x4  }
0xb5: {  	v56 =	vshll.u32 v3, $0x1  }
0xb6: {  	v3 =	vand.u32 $0x7, v3;
	v4 =	vand.u32 $0xFFFFFFF0, v56  }
0xb7: {  	v3 =	vor.u32 v3, v4  }
0xb8: {  	v4 =	vperm.xlane v3, v0;
	_ =	sdelay $0x1  }
0xb9: {  	v3 =	vperm.xlane v3, v2;
	v4 =	vadd.s32 v1, v4;
	_ =	sdelay $0x1  }
0xba: {  	v3 =	vadd.s32 v1, v3;
	_ =	sdelay $0x1  }
0xbb: {  	s18 =	sadd.s32 $0xA000, s15  }
0xbc: {  	[tilespmem:s18], [sflag:s17] =	stream.indirect_vreg.gather [hbm4b:s3+s2], $0x80, v4, vm0, $0xb8;
	[tilespmem:$0x1C000] =	vst v63  }
0xbd: {  	s18 =	sadd.s32 $0xA800, s15  }
0xbe: {  	[tilespmem:s18], [sflag:s17] =	stream.indirect_vreg.gather [hbm4b:s3+s2], $0x80, v3, vm0, $0xb8;
	[tilespmem:$0x1C000] =	vst v63  }
0xbf: {  	v3 =	vld [tilespmem:s16+$0x30];
	_ =	sdelay $0x4  }
0xc0: {  	v57 =	vshll.u32 v3, $0x1  }
0xc1: {  	v3 =	vand.u32 $0x7, v3;
	v4 =	vand.u32 $0xFFFFFFF0, v57  }
0xc2: {  	v3 =	vor.u32 v3, v4  }
0xc3: {  	v4 =	vperm.xlane v3, v0;
	_ =	sdelay $0x1  }
0xc4: {  	v3 =	vperm.xlane v3, v2;
	v4 =	vadd.s32 v1, v4;
	_ =	sdelay $0x1  }
0xc5: {  	v3 =	vadd.s32 v1, v3;
	_ =	sdelay $0x1  }
0xc6: {  	s18 =	sadd.s32 $0xB000, s15  }
0xc7: {  	[tilespmem:s18], [sflag:s17] =	stream.indirect_vreg.gather [hbm4b:s3+s2], $0x80, v4, vm0, $0xb8;
	[tilespmem:$0x1C000] =	vst v63  }
0xc8: {  	s18 =	sadd.s32 $0xB800, s15  }
0xc9: {  	[tilespmem:s18], [sflag:s17] =	stream.indirect_vreg.gather [hbm4b:s3+s2], $0x80, v3, vm0, $0xb8;
	[tilespmem:$0x1C000] =	vst v63  }
0xca: {  	v3 =	vld [tilespmem:s16+$0x40];
	_ =	sdelay $0x4  }
0xcb: {  	v58 =	vshll.u32 v3, $0x1  }
0xcc: {  	v3 =	vand.u32 $0x7, v3;
	v4 =	vand.u32 $0xFFFFFFF0, v58  }
0xcd: {  	v3 =	vor.u32 v3, v4  }
0xce: {  	v4 =	vperm.xlane v3, v0;
	_ =	sdelay $0x1  }
0xcf: {  	v3 =	vperm.xlane v3, v2;
	v4 =	vadd.s32 v1, v4;
	_ =	sdelay $0x1  }
0xd0: {  	v3 =	vadd.s32 v1, v3;
	_ =	sdelay $0x1  }
0xd1: {  	s18 =	sadd.s32 $0xC000, s15  }
0xd2: {  	[tilespmem:s18], [sflag:s17] =	stream.indirect_vreg.gather [hbm4b:s3+s2], $0x80, v4, vm0, $0xb8;
	[tilespmem:$0x1C000] =	vst v63  }
0xd3: {  	s18 =	sadd.s32 $0xC800, s15  }
0xd4: {  	[tilespmem:s18], [sflag:s17] =	stream.indirect_vreg.gather [hbm4b:s3+s2], $0x80, v3, vm0, $0xb8;
	[tilespmem:$0x1C000] =	vst v63  }
0xd5: {  	v3 =	vld [tilespmem:s16+$0x4000];
	_ =	sdelay $0x4  }
0xd6: {  	v59 =	vshll.u32 v3, $0x1  }
0xd7: {  	v3 =	vand.u32 $0x7, v3;
	v4 =	vand.u32 $0xFFFFFFF0, v59  }
0xd8: {  	v3 =	vor.u32 v3, v4  }
0xd9: {  	v4 =	vperm.xlane v3, v0;
	_ =	sdelay $0x1  }
0xda: {  	v3 =	vperm.xlane v3, v2;
	v4 =	vadd.s32 v1, v4;
	_ =	sdelay $0x1  }
0xdb: {  	v3 =	vadd.s32 v1, v3;
	_ =	sdelay $0x1  }
0xdc: {  	s18 =	sadd.s32 $0x12000, s15  }
0xdd: {  	[tilespmem:s18], [sflag:s17] =	stream.indirect_vreg.gather [hbm4b:s3+s2], $0x80, v4, vm0, $0xb8;
	[tilespmem:$0x1C000] =	vst v63  }
0xde: {  	s18 =	sadd.s32 $0x12800, s15  }
0xdf: {  	[tilespmem:s18], [sflag:s17] =	stream.indirect_vreg.gather [hbm4b:s3+s2], $0x80, v3, vm0, $0xb8;
	[tilespmem:$0x1C000] =	vst v63  }
0xe0: {  	v3 =	vld [tilespmem:s16+$0x4010];
	_ =	sdelay $0x4  }
0xe1: {  	v60 =	vshll.u32 v3, $0x1  }
0xe2: {  	v3 =	vand.u32 $0x7, v3;
	v4 =	vand.u32 $0xFFFFFFF0, v60  }
0xe3: {  	v3 =	vor.u32 v3, v4  }
0xe4: {  	v4 =	vperm.xlane v3, v0;
	_ =	sdelay $0x1  }
0xe5: {  	v3 =	vperm.xlane v3, v2;
	v4 =	vadd.s32 v1, v4;
	_ =	sdelay $0x1  }
0xe6: {  	v3 =	vadd.s32 v1, v3;
	_ =	sdelay $0x1  }
0xe7: {  	s18 =	sadd.s32 $0x13000, s15  }
0xe8: {  	[tilespmem:s18], [sflag:s17] =	stream.indirect_vreg.gather [hbm4b:s3+s2], $0x80, v4, vm0, $0xb8;
	[tilespmem:$0x1C000] =	vst v63  }
0xe9: {  	s18 =	sadd.s32 $0x13800, s15  }
0xea: {  	[tilespmem:s18], [sflag:s17] =	stream.indirect_vreg.gather [hbm4b:s3+s2], $0x80, v3, vm0, $0xb8;
	[tilespmem:$0x1C000] =	vst v63  }
0xeb: {  	v3 =	vld [tilespmem:s16+$0x4020];
	_ =	sdelay $0x4  }
0xec: {  	v61 =	vshll.u32 v3, $0x1  }
0xed: {  	v3 =	vand.u32 $0x7, v3;
	v4 =	vand.u32 $0xFFFFFFF0, v61  }
0xee: {  	v3 =	vor.u32 v3, v4  }
0xef: {  	v4 =	vperm.xlane v3, v0;
	_ =	sdelay $0x1  }
0xf0: {  	v3 =	vperm.xlane v3, v2;
	v4 =	vadd.s32 v1, v4;
	_ =	sdelay $0x1  }
0xf1: {  	v3 =	vadd.s32 v1, v3;
	_ =	sdelay $0x1  }
0xf2: {  	s18 =	sadd.s32 $0x14000, s15  }
0xf3: {  	[tilespmem:s18], [sflag:s17] =	stream.indirect_vreg.gather [hbm4b:s3+s2], $0x80, v4, vm0, $0xb8;
	[tilespmem:$0x1C000] =	vst v63  }
0xf4: {  	s18 =	sadd.s32 $0x14800, s15  }
0xf5: {  	[tilespmem:s18], [sflag:s17] =	stream.indirect_vreg.gather [hbm4b:s3+s2], $0x80, v3, vm0, $0xb8;
	[tilespmem:$0x1C000] =	vst v63  }
0xf6: {  	v3 =	vld [tilespmem:s16+$0x4030];
	_ =	sdelay $0x4  }
0xf7: {  	v62 =	vshll.u32 v3, $0x1  }
0xf8: {  	v3 =	vand.u32 $0x7, v3;
	v4 =	vand.u32 $0xFFFFFFF0, v62  }
0xf9: {  	v3 =	vor.u32 v3, v4  }
0xfa: {  	v4 =	vperm.xlane v3, v0;
	_ =	sdelay $0x1  }
0xfb: {  	v3 =	vperm.xlane v3, v2;
	v4 =	vadd.s32 v1, v4;
	_ =	sdelay $0x1  }
0xfc: {  	v3 =	vadd.s32 v1, v3;
	_ =	sdelay $0x1  }
0xfd: {  	s18 =	sadd.s32 $0x15000, s15  }
0xfe: {  	[tilespmem:s18], [sflag:s17] =	stream.indirect_vreg.gather [hbm4b:s3+s2], $0x80, v4, vm0, $0xb8;
	[tilespmem:$0x1C000] =	vst v63  }
0xff: {  	s18 =	sadd.s32 $0x15800, s15  }
0x100: {  	[tilespmem:s18], [sflag:s17] =	stream.indirect_vreg.gather [hbm4b:s3+s2], $0x80, v3, vm0, $0xb8;
	[tilespmem:$0x1C000] =	vst v63  }
0x101: {  	v3 =	vld [tilespmem:s16+$0x4040];
	_ =	sdelay $0x4  }
0x102: {  	v63 =	vshll.u32 v3, $0x1  }
0x103: {  	v3 =	vand.u32 $0x7, v3;
	v4 =	vand.u32 $0xFFFFFFF0, v63  }
0x104: {  	v3 =	vor.u32 v3, v4  }
0x105: {  	v4 =	vperm.xlane v3, v0;
	_ =	sdelay $0x1  }
0x106: {  	v3 =	vperm.xlane v3, v2;
	v4 =	vadd.s32 v1, v4;
	_ =	sdelay $0x1  }
0x107: {  	v3 =	vadd.s32 v1, v3  }
.Ltmp5:
0x108: {  	_ = 	snop;
	(pc) =	sbr.rel .LBB2_4-.Ltmp5, $4  }
0x109: {  	s18 =	sadd.s32 $0x16000, s15  }
0x10a: {  	[tilespmem:s18], [sflag:s17] =	stream.indirect_vreg.gather [hbm4b:s3+s2], $0x80, v4, vm0, $0xb8;
	[tilespmem:$0x1C000] =	vst v63  }
0x10b: {  	s15 =	sadd.s32 $0x16800, s15  }
0x10c: {  	[tilespmem:s15], [sflag:s17] =	stream.indirect_vreg.gather [hbm4b:s3+s2], $0x80, v3, vm0, $0xb8;
	[tilespmem:$0x1C000] =	vst v63  }
.LBB2_6:
0x10d: {  	_ =	sfence.sel $0x180000  }
0x10e: {  	[bflag:$0x0] =	sbarrier.arrive $0xFFFF  }
0x10f: {  	_ =	strace $0x90000053  }
0x110: {  	s0 =	stileid.u32;
	[bflag:$0x2] =	sbarrier.arrive $0xFFFF  }
0x111: {  	p0 =	sne.s32 s0, $0x0;
	s0 =	rddreg [dreg:$0x1]  }
0x112: {  	s0 =	sadd.s32 @!p0 $0x100000, s0  }
0x113: {  	[sflag:s0] =	ssyncadd.tile.s32 @!p0 $0x1;
	_ =	shalt  }
.Lfunc_end2:
_tile_overlayer_lowered:
.L_overlay_start_2:
0x114: {  	(tag) =	ssettag $0x2  }
0x115: {  	s0 =	rddreg [dreg:$0x0];
	s2 =	stileid.u32  }
0x116: {  	s1 =	rddreg [dreg:$0x1];
	p0 =	sne.s32 s2, $0x0  }
0x117: {  	s3 =	rddreg [dreg:$0x2];
	[bflag:$0x3] =	sbarrier.arrive $0xFFFF;
	s2 =	simm.s32 @!p0 $0x1C05  }
0x118: {  	[timem:s3], [sflag:s2] =	dma.local @!p0 [hbm:s0], s1  }
0x119: {  	s0 =	simm.s32 @!p0 $0x5  }
0x11a: {  	_ =	swait.ge @!p0 [sflag:s0], s1  }
0x11b: {  	s1 =	ssub.s32 @!p0 $0x0, s1;
	[sflag:s0] =	ssyncset.done @!p0 $0x0  }
0x11c: {  	[sflag:s0] =	ssyncadd.s32 @!p0 s1  }
0x11d: {  	[bflag:$0x3] =	sbarrier.arrive $0xFFFF  }
0x11e: {  	_ =	shalt  }

// kernel: kernel.33.cloned.1.call-start
scs
__scs_entry_jumppad:
0x0: {  	(pc) =	sbr.rel $0x88, $3  }
0x1: {  	(tag) =	ssettag $0x0;
	lr =	simm.s32 $0x1  }
0x2: {  	[smem:$0x3F82] =	sst lr;
	_ =	strace $0xD0000000  }
0x3: {  	_ = 	snop  }
0x4: {  	_ = 	snop  }
0x5: {  	_ = 	snop  }
0x6: {  	_ = 	snop  }
0x7: {  	_ = 	snop  }
__scs_overlays_trampoline_lowered:
0x8: {  	[smem:$0x3F91] =	sst s0  }
0x9: {  	[smem:$0x3F92] =	sst s1  }
0xa: {  	[smem:$0x3F93] =	sst s2  }
0xb: {  	[smem:$0x3F94] =	sst s3  }
0xc: {  	[smem:$0x3F95] =	sst s4  }
0xd: {  	[smem:$0x3F96] =	sst s5  }
0xe: {  	[smem:$0x3F97] =	sst s6  }
0xf: {  	[smem:$0x3F98] =	sst s7  }
0x10: {  	[smem:$0x3F99] =	sst s8  }
0x11: {  	[smem:$0x3F9A] =	sst s9;
	s0 =	simm.s32 @!p0 $0x0  }
0x12: {  	s1 =	sld [smem:$0x3F80];
	s0 =	simm.s32 @p0 $0x1  }
0x13: {  	[smem:$0x3F9B] =	sst s0;
	s0 =	simm.s32 @!p1 $0x0  }
0x14: {  	s2 =	sld [smem:$0x3F7F];
	s0 =	simm.s32 @p1 $0x1  }
0x15: {  	[smem:$0x3F9C] =	sst s0;
	s0 =	simm.s32 @!p2 $0x0  }
0x16: {  	s3 =	sld [smem:$0x3FDB];
	s0 =	simm.s32 @p2 $0x1  }
0x17: {  	s4 =	simm.s32 $0x1BF5;
	[smem:$0x3F9E] =	sst s0  }
0x18: {  	s0 =	sld [smem:$0x3F81];
	_ =	swait.ge [sflag:s4], $0x0  }
0x19: {  	s7 =	sld [smem:$0x3F82]  }
0x1a: {  	s8 =	sadd.s32 $0xFFFFE003, lr  }
0x1b: {  	s9 =	sadd.s32 $0xFFFFFEF7, lr;
	s5 =	simm.s32 $0xFFFFFFFF;
	p2 =	slt.u32 s8, $0xFFFFF086  }
0x1c: {  	p1 =	slt.u32 s9, $0xF7A;
	s5 =	simm.s32 @!p2 $0x0  }
0x1d: {  	s5 =	simm.s32 @p1 $0x1;
	p0 =	seq.s32 s7, s2  }
0x1e: {  	s7 =	smul.u32 @!p0 $0xF7A, s2;
	p2 =	seq.s32 @!p0 s5, $0x0  }
0x1f: {  	s9 =	smul.u32 $0xF7A, s1;
	s8 =	simm.s32 @!p0 $0x1BF5;
	p2 =	por !p2, p0  }
0x20: {  	[sflag:s8] =	ssyncset.s32 @!p0 $0xFFFFF086;
	s6 =	sadd.s32 @!p0 s3, s7;
	s7 =	simm.s32 @!p0 $0x108  }
0x21: {  	s3 =	sadd.s32 s3, s9;
	s6 =	sadd.s32 @!p0 $0x88, s6;
	s7 =	simm.s32 @p2 $0x1082  }
0x22: {  	[simem:s7], [sflag:s8] =	dma.local @!p0 [hbm:s6], $0xF7A  }
0x23: {  	s9 =	sor.u32 $0xD0000000, s2;
	s6 =	simm.s32 $0x108;
	_ =	swait.ge @!p0 [sflag:s8], $0x0  }
0x24: {  	s3 =	sadd.s32 $0x88, s3;
	s6 =	simm.s32 @!p1 $0x1082;
	[sflag:s4] =	ssyncset.s32 $0xFFFFF086  }
0x25: {  	[simem:s6], [sflag:s4] =	dma.local [hbm:s3], $0xF7A  }
0x26: {  	[smem:$0x3F82] =	sst s1;
	(tag) =	ssettag s2;
	_ =	strace s9  }
0x27: {  	s1 =	sld [smem:$0x3F92]  }
0x28: {  	s2 =	sld [smem:$0x3F93]  }
0x29: {  	s4 =	sld [smem:$0x3F95]  }
0x2a: {  	p0 =	seq.s32 s5, $0x0;
	s5 =	sld [smem:$0x3F96]  }
0x2b: {  	s6 =	sld [smem:$0x3F97]  }
0x2c: {  	s7 =	sld [smem:$0x3F98]  }
0x2d: {  	s3 =	simm.s32 $0x108;
	s8 =	sld [smem:$0x3F99]  }
0x2e: {  	s3 =	simm.s32 @!p0 $0x1082;
	s9 =	sld [smem:$0x3F9A]  }
0x2f: {  	lr =	sadd.s32 s0, s3;
	s0 =	sld [smem:$0x3F91]  }
0x30: {  	s3 =	sld [smem:$0x3F94]  }
0x31: {  	[smem:$0x3F9D] =	sst s10  }
0x32: {  	s10 =	sld [smem:$0x3F9B];
	_ =	sdelay $0x3  }
0x33: {  	p0 =	seq.s32 s10, $0x1;
	s10 =	sld [smem:$0x3F9D];
	_ =	sdelay $0x3  }
0x34: {  	[smem:$0x3F9D] =	sst s10  }
0x35: {  	s10 =	sld [smem:$0x3F9C];
	_ =	sdelay $0x3  }
0x36: {  	p1 =	seq.s32 s10, $0x1;
	s10 =	sld [smem:$0x3F9D];
	_ =	sdelay $0x3  }
0x37: {  	[smem:$0x3F9D] =	sst s10  }
0x38: {  	s10 =	sld [smem:$0x3F9E]  }
0x39: {  	_ = 	snop;
	(pc) =	sbr.ind lr, $3  }
0x3a: {  	_ = 	snop  }
0x3b: {  	_ = 	snop  }
0x3c: {  	p2 =	seq.s32 s10, $0x1;
	s10 =	sld [smem:$0x3F9D]  }
0x3d: {  	_ =	shalt  }
0x3e: {  	_ =	shalt  }
0x3f: {  	_ =	shalt  }
0x40: {  	_ =	shalt  }
0x41: {  	_ =	shalt  }
0x42: {  	_ =	shalt  }
0x43: {  	_ =	shalt  }
0x44: {  	_ =	shalt  }
0x45: {  	_ =	shalt  }
0x46: {  	_ =	shalt  }
0x47: {  	_ =	shalt  }
0x48: {  	_ =	shalt  }
0x49: {  	_ =	shalt  }
0x4a: {  	_ =	shalt  }
0x4b: {  	_ =	shalt  }
0x4c: {  	_ =	shalt  }
0x4d: {  	_ =	shalt  }
0x4e: {  	_ =	shalt  }
0x4f: {  	_ =	shalt  }
0x50: {  	_ =	shalt  }
0x51: {  	_ =	shalt  }
0x52: {  	_ =	shalt  }
0x53: {  	_ =	shalt  }
0x54: {  	_ =	shalt  }
0x55: {  	_ =	shalt  }
0x56: {  	_ =	shalt  }
0x57: {  	_ =	shalt  }
0x58: {  	_ =	shalt  }
0x59: {  	_ =	shalt  }
0x5a: {  	_ =	shalt  }
0x5b: {  	_ =	shalt  }
0x5c: {  	_ =	shalt  }
0x5d: {  	_ =	shalt  }
0x5e: {  	_ =	shalt  }
0x5f: {  	_ =	shalt  }
0x60: {  	_ =	shalt  }
0x61: {  	_ =	shalt  }
0x62: {  	_ =	shalt  }
0x63: {  	_ =	shalt  }
0x64: {  	_ =	shalt  }
0x65: {  	_ =	shalt  }
0x66: {  	_ =	shalt  }
0x67: {  	_ =	shalt  }
0x68: {  	_ =	shalt  }
0x69: {  	_ =	shalt  }
0x6a: {  	_ =	shalt  }
0x6b: {  	_ =	shalt  }
0x6c: {  	_ =	shalt  }
0x6d: {  	_ =	shalt  }
0x6e: {  	_ =	shalt  }
0x6f: {  	_ =	shalt  }
0x70: {  	_ =	shalt  }
0x71: {  	_ =	shalt  }
0x72: {  	_ =	shalt  }
0x73: {  	_ =	shalt  }
0x74: {  	_ =	shalt  }
0x75: {  	_ =	shalt  }
0x76: {  	_ =	shalt  }
0x77: {  	_ =	shalt  }
0x78: {  	_ =	shalt  }
0x79: {  	_ =	shalt  }
0x7a: {  	_ =	shalt  }
0x7b: {  	_ =	shalt  }
0x7c: {  	_ =	shalt  }
0x7d: {  	_ =	shalt  }
0x7e: {  	_ =	shalt  }
0x7f: {  	_ =	shalt  }
0x80: {  	_ =	shalt  }
0x81: {  	_ =	shalt  }
0x82: {  	_ =	shalt  }
0x83: {  	_ =	shalt  }
0x84: {  	_ =	shalt  }
0x85: {  	_ =	shalt  }
0x86: {  	_ =	shalt  }
0x87: {  	_ =	shalt  }
.Lfunc_end0:
.L_simem_size_0:
called_computation.5_lowered:
.L_overlay_start_0:
0x88: {  	s2 =	sld [smem:$0x3FD9]  }
0x89: {  	s3 =	sld [smem:$0x3FFE];
	_ =	sdelay $0x1  }
0x8a: {  	s1 =	srdreg.scid  }
0x8b: {  	s0 =	sand.u32 $0x1, s1  }
0x8c: {  	s16 =	sshll.u32 s0, $0xA;
	s2 =	sadd.s32 s3, s2  }
0x8d: {  	s2 =	sadd.s32 s2, s16  }
0x8e: {  	[smem:$0x3FA9] =	sst s2  }
0x8f: {  	_ = 	snop  }
0x90: {  	(tm) =	ssettm $0x1  }
0x91: {  	s17 =	sld [smem:$0x3FFB];
	_ =	sdelay $0x3  }
0x92: {  	_ =	strace s17  }
0x93: {  	s2 =	sld [smem:$0x3FFC];
	_ =	sdelay $0x3  }
0x94: {  	_ =	strace s2  }
0x95: {  	s2 =	sld [smem:$0x3FFD];
	_ =	sdelay $0x3  }
0x96: {  	_ =	strace s2  }
0x97: {  	_ =	strace $0x8FFFFFFF  }
0x98: {  	s18 =	sld [smem:$0x3FDB];
	_ =	sdelay $0x1  }
0x99: {  	s19 =	simm.s32 $_scs_section_size  }
0x9a: {  	s4 =	simm.s32 $_size__tile_overlayer_lowered;
	s5 =	simm.s32 $_tile_overlayer_lowered  }
0x9b: {  	s22 =	simm.s32 $0x1BFF;
	s21 =	sshll.u32 s5, $0x1;
	s2 =	sadd.s32 s19, s18  }
0x9c: {  	s6 =	simm.s32 $0x0;
	s20 =	sshll.u32 s4, $0x1;
	s4 =	sadd.s32 s21, s2  }
0x9d: {  	[timem:s6], [sflag:s22] =	dma.local [hbm:s4], s20  }
0x9e: {  	_ =	swait.ge [sflag:s22], s20  }
0x9f: {  	s3 =	ssub.s32 $0x0, s20;
	[sflag:s22] =	ssyncset.done $0x0  }
0xa0: {  	[sflag:s22] =	ssyncadd.s32 s3;
	_ =	sdelay $0x1  }
0xa1: {  	s23 =	simm.s32 $0x1B8B  }
0xa2: {  	_ =	swait.ge [sflag:s23], $0x1  }
0xa3: {  	[sflag:s23] =	ssyncset.done $0x0  }
0xa4: {  	s25 =	simm.s32 $0x1B8E;
	s24 =	sld [smem:$0x3FFE];
	[sflag:s23] =	ssyncadd.s32 $0xFFFFFFFF  }
0xa5: {  	s26 =	simm.s32 $execute0_lowered;
	[smem:$0x3FD2] =	sst s25  }
0xa6: {  	s4 =	sshll.u32 s26, $0x1;
	_ =	strace $0x80000055;
	[dreg:$0x1] =	wrdreg $0xFFFFFFFF  }
0xa7: {  	s28 =	simm.s32 $_size_execute0_lowered;
	s2 =	sadd.s32 s2, s4;
	[dreg:$0x0] =	wrdreg $0x0  }
0xa8: {  	s4 =	sshll.u32 s28, $0x1;
	[dreg:$0x2] =	wrdreg s2  }
0xa9: {  	[dreg:$0x3] =	wrdreg s4  }
0xaa: {  	[dreg:$0x4] =	wrdreg $0xC0  }
0xab: {  	_ =	task [dreg:s6], $0x5FFFF  }
0xac: {  	[dreg:$0x1] =	wrdreg $0xFFFFFFFF  }
0xad: {  	[dreg:$0x0] =	wrdreg $0x60  }
0xae: {  	[dreg:$0x2] =	wrdreg s24  }
0xaf: {  	[dreg:$0x3] =	wrdreg $0x90000  }
0xb0: {  	[dreg:$0x4] =	wrdreg $0x9  }
0xb1: {  	_ =	task.clear_ibuf [dreg:s6], $0x5FFFF;
	_ =	strace $0x90000055  }
0xb2: {  	s29 =	simm.s32 $0x9;
	_ =	strace $0x80000057  }
0xb3: {  	_ =	swait.ge [sflag:s29], $0x1  }
0xb4: {  	[sflag:s29] =	ssyncadd.s32 $0xFFFFFFFF  }
0xb5: {  	_ =	strace $0x90000057  }
0xb6: {  	_ =	sfence  }
0xb7: {  	s30 =	sld [smem:$0x0];
	_ =	sdelay $0x2  }
0xb8: {  	s31 =	sshll.u32 s1, $0xD;
	s1 =	sshrl.u32 s1, $0x2  }
0xb9: {  	s3 =	sand.u32 $0x4000, s31;
	s1 =	sadd.s32 s1, s30  }
0xba: {  	s0 =	sor.u32 s3, s0;
	s1 =	sshll.u32 s1, $0x11  }
0xbb: {  	s0 =	sor.u32 s1, s0  }
0xbc: {  	s0 =	sadd.s32 $0x8F2B, s0  }
0xbd: {  	[sflag:s0] =	ssyncadd.remote.s32 $0x1  }
0xbe: {  	_ =	sfence.sel $0xFFFF  }
0xbf: {  	[dreg:$0x0] =	wrdreg $0xFFFFFFFF;
	(pc) =	sbr.abs _section_cstart, $3  }
0xc0: {  	[dreg:$0x1] =	wrdreg $0xFFFFFFFF  }
0xc1: {  	_ =	task.clear_ibuf [dreg:s6], $0x2FFFF;
	_ =	strace $0x9FFFFFFF  }
0xc2: {  	(tm) =	ssettm $0x7FFFFFFF  }
0xc3: {  	_ =	shalt  }
tec
execute0_lowered:
.L_overlay_start_1:
0x0: {  	(tag) =	ssettag $0x1  }
0x1: {  	s1 =	srdreg.scid;
	s23 =	stileid.u32  }
0x2: {  	s0 =	rddreg [dreg:$0x0];
	s1 =	sand.u32 $0x1, s1;
	s7 =	smul.u32 $0x500, s23  }
0x3: {  	s2 =	rddreg [dreg:$0x1];
	s13 =	sor.u32 $0x10, s23;
	s5 =	smul.u32 $0x27100, s1  }
0x4: {  	s3 =	simm.s32 $0x0;
	s14 =	sor.u32 $0x20, s23;
	s8 =	smul.u32 $0x500, s13  }
0x5: {  	s28 =	simm.s32 $0x50;
	s16 =	sor.u32 $0x30, s23;
	s10 =	smul.u32 $0x500, s14  }
0x6: {  	s29 =	simm.s32 $0x1;
	s17 =	sor.u32 $0x40, s23;
	s24 =	smul.u32 $0x500, s16  }
0x7: {  	s31 =	simm.s32 $0x4;
	s18 =	sor.u32 $0x50, s23;
	s15 =	smul.u32 $0x500, s17  }
0x8: {  	s4 =	sshll.u32 s23, $0x1;
	s19 =	sor.u32 $0x60, s23;
	s20 =	smul.u32 $0x500, s18  }
0x9: {  	[smem:$0x7FF] =	sst s3;
	s25 =	sor.u32 $0x70, s23;
	s21 =	smul.u32 $0x500, s19  }
0xa: {  	s4 =	sor.u32 s1, s4;
	s1 =	ssub.s32 $0x2, s1;
	s22 =	smul.u32 $0x500, s25  }
0xb: {  	p0 =	sgt.u32 s25, $0x7C;
	s12 =	smul.u32 $0x27100, s4;
	s6 =	sadd.s32 s5, s0  }
0xc: {  	s9 =	sshrl.u32 s1, $0x1;
	s4 =	sshll.u32 s4, $0xB;
	s11 =	sadd.s32 $0x76C00, s6  }
0xd: {  	s1 =	ssub.s32 s1, s9;
	s6 =	sadd.s32 s11, s7;
	s26 =	sadd.s32 s11, s8  }
0xe: {  	s30 =	sadd.s32 s11, s10;
	s7 =	sadd.s32 s11, s24;
	s8 =	sadd.s32 s11, s15  }
0xf: {  	s9 =	sadd.s32 s11, s20;
	s10 =	smul.u32 $0x4E200, s23;
	s20 =	sadd.s32 s11, s21  }
0x10: {  	s11 =	sadd.s32 s11, s22;
	s22 =	smul.u32 $0xA000, s23;
	[dreg:$0x3] =	wrdreg s6  }
0x11: {  	s4 =	sadd.s32 s4, s0;
	s23 =	smul.u32 $0xA000, s13;
	[dreg:$0x4] =	wrdreg s26  }
0x12: {  	s21 =	sadd.s32 $0x1D74400, s0;
	s24 =	smul.u32 $0xA000, s14;
	[dreg:$0x5] =	wrdreg s30  }
0x13: {  	s13 =	sadd.s32 $0x28400, s0;
	[dreg:$0x6] =	wrdreg s7;
	s26 =	smul.u32 $0xA000, s16  }
0x14: {  	s14 =	sadd.s32 $0x8400, s4;
	[dreg:$0x7] =	wrdreg s8;
	s7 =	smul.u32 $0xA000, s17  }
0x15: {  	s15 =	smax.u32 s1, $0x1;
	[dreg:$0x8] =	wrdreg s9;
	s8 =	smul.u32 $0xA000, s18  }
0x16: {  	[dreg:$0x9] =	wrdreg s20;
	s12 =	sadd.s32 s21, s12;
	s9 =	smul.u32 $0xA000, s19  }
0x17: {  	s20 =	sadd.s32 s10, s21;
	_ =	strace $0x80000056;
	s30 =	sshrl.u32 s22, $0x2  }
0x18: {  	s6 =	sshrl.u32 s23, $0x2;
	s0 =	sshrl.u32 s24, $0x2;
	s10 =	smul.u32 $0xA000, s25  }
0x19: {  	s25 =	simm.s32 $0x4000;
	s16 =	sadd.s32 s30, s2;
	s17 =	sadd.s32 s6, s2  }
0x1a: {  	s1 =	sshrl.u32 s26, $0x2;
	s22 =	sshrl.u32 s7, $0x2;
	s5 =	sadd.s32 s5, s20  }
0x1b: {  	s18 =	sadd.s32 s0, s2;
	s24 =	sshrl.u32 s8, $0x2;
	s26 =	sshrl.u32 s9, $0x2  }
0x1c: {  	s0 =	simm.s32 $0x0;
	s19 =	sadd.s32 s1, s2;
	s20 =	sadd.s32 s22, s2  }
0x1d: {  	s30 =	sshrl.u32 s10, $0x2;
	s21 =	sadd.s32 s24, s2;
	s22 =	sadd.s32 s26, s2  }
0x1e: {  	s24 =	sadd.s32 $0x500, s5;
	s26 =	simm.s32 $0x3;
	s23 =	sadd.s32 s30, s2  }
.LBB2_1:
0x1f: {  	[tilespmem:s25], [sflag:$0x3] =	stream.linear.gather [hbm4b:s13+s3], $0x2800, $0x38;
	[tilespmem:$0x1C880] =	vst v63  }
0x20: {  	_ =	swait.ge [sflag:s26], $0x2800  }
0x21: {  	[sflag:s26] =	ssyncset.done $0x0  }
0x22: {  	[sflag:s26] =	ssyncadd.s32 $0xFFFFD800  }
0x23: {  	[spmem:s16] =	stream.linear.scatter [tilespmem:s25], [sflag:$0x3], $0x2800, $0x38;
	[tilespmem:$0x1C880] =	vst v63  }
0x24: {  	_ =	swait.ge [sflag:s26], $0x2800  }
0x25: {  	[sflag:s26] =	ssyncset.done $0x0  }
0x26: {  	[sflag:s26] =	ssyncadd.s32 $0xFFFFD800  }
0x27: {  	[spmem:s17] =	stream.linear.scatter [tilespmem:s25], [sflag:$0x3], $0x2800, $0x38;
	[tilespmem:$0x1C880] =	vst v63  }
0x28: {  	_ =	swait.ge [sflag:s26], $0x2800  }
0x29: {  	[sflag:s26] =	ssyncset.done $0x0  }
0x2a: {  	[sflag:s26] =	ssyncadd.s32 $0xFFFFD800  }
0x2b: {  	[spmem:s18] =	stream.linear.scatter [tilespmem:s25], [sflag:$0x3], $0x2800, $0x38;
	[tilespmem:$0x1C880] =	vst v63  }
0x2c: {  	_ =	swait.ge [sflag:s26], $0x2800  }
0x2d: {  	[sflag:s26] =	ssyncset.done $0x0  }
0x2e: {  	[sflag:s26] =	ssyncadd.s32 $0xFFFFD800  }
0x2f: {  	[spmem:s19] =	stream.linear.scatter [tilespmem:s25], [sflag:$0x3], $0x2800, $0x38;
	[tilespmem:$0x1C880] =	vst v63  }
0x30: {  	_ =	swait.ge [sflag:s26], $0x2800  }
0x31: {  	[sflag:s26] =	ssyncset.done $0x0  }
0x32: {  	[sflag:s26] =	ssyncadd.s32 $0xFFFFD800  }
0x33: {  	[spmem:s20] =	stream.linear.scatter [tilespmem:s25], [sflag:$0x3], $0x2800, $0x38;
	[tilespmem:$0x1C880] =	vst v63  }
0x34: {  	_ =	swait.ge [sflag:s26], $0x2800  }
0x35: {  	[sflag:s26] =	ssyncset.done $0x0  }
0x36: {  	[sflag:s26] =	ssyncadd.s32 $0xFFFFD800  }
0x37: {  	[spmem:s21] =	stream.linear.scatter [tilespmem:s25], [sflag:$0x3], $0x2800, $0x38;
	[tilespmem:$0x1C880] =	vst v63  }
0x38: {  	_ =	swait.ge [sflag:s26], $0x2800  }
0x39: {  	[sflag:s26] =	ssyncset.done $0x0  }
0x3a: {  	[sflag:s26] =	ssyncadd.s32 $0xFFFFD800  }
0x3b: {  	[spmem:s22] =	stream.linear.scatter [tilespmem:s25], [sflag:$0x3], $0x2800, $0x38;
	[tilespmem:$0x1C880] =	vst v63  }
0x3c: {  	_ =	swait.ge [sflag:s26], $0x2800  }
0x3d: {  	[sflag:s26] =	ssyncset.done $0x0  }
0x3e: {  	s1 =	simm.s32 @!p0 $0x4000;
	[sflag:s26] =	ssyncadd.s32 $0xFFFFD800  }
0x3f: {  	[spmem:s23] =	stream.linear.scatter @!p0 [tilespmem:s1], [sflag:$0x3], $0x2800, $0x38;
	[tilespmem:$0x1C880] =	vst v63  }
0x40: {  	s1 =	simm.s32 @!p0 $0x3  }
0x41: {  	_ =	swait.ge @!p0 [sflag:s1], $0x2800  }
0x42: {  	[sflag:s1] =	ssyncset.done @!p0 $0x0  }
0x43: {  	[sflag:s1] =	ssyncadd.s32 @!p0 $0xFFFFD800  }
0x44: {  	[tilespmem:s3], [sflag:$0x3] =	stream.linear.gather [hbm4b:s14+s3], $0x3E80, $0x38;
	[tilespmem:$0x1C880] =	vst v63  }
0x45: {  	_ =	swait.ge [sflag:s26], $0x3E80  }
0x46: {  	s8 =	sand.u32 $0x1, s3;
	[sflag:s26] =	ssyncset.done $0x0  }
0x47: {  	s4 =	sxor.u32 $0x1, s8;
	[sflag:s26] =	ssyncadd.s32 $0xFFFFC180  }
0x48: {  	s5 =	sadd.s32 $0x1, s8;
	s30 =	smul.u32 $0xA000, s4;
	[bflag:$0x0] =	sbarrier.arrive $0xFFFF  }
0x49: {  	[tilespmem:s25], [sflag:$0x1] =	stream.linear.gather [hbm4b:s12+s3], $0x2800, $0x38;
	[tilespmem:$0x1C880] =	vst v63  }
0x4a: {  	s10 =	simm.s32 $0x1;
	s1 =	smul.u32 $0xA000, s8;
	_ =	swait.ge [sflag:s5], $0x2800  }
0x4b: {  	s4 =	sadd.s32 $0x1, s4;
	s30 =	sshrl.u32 s30, $0x2;
	[sflag:s5] =	ssyncset.done $0x0  }
0x4c: {  	s9 =	sor.u32 $0x4000, s30;
	s1 =	sshrl.u32 s1, $0x2;
	[sflag:s5] =	ssyncadd.s32 $0xFFFFD800  }
0x4d: {  	[tilespmem:s9], [sflag:s4] =	stream.linear.gather [hbm4b:s24+s3], $0x2800, $0x38;
	[tilespmem:$0x1C880] =	vst v63  }
0x4e: {  	s30 =	simm.s32 $0x80;
	s1 =	sor.u32 $0x4000, s1;
	s5 =	simm.s32 $0x2  }
0x4f: {  	[spmem:s2] =	stream.indirect.scatter.add.f32 [tilespmem:s1], [sflag:$0x3], $0x80, s3, s28, $0xb8;
	[tilespmem:$0x1C880] =	vst v63  }
0x50: {  	s4 =	sand.u32 $0x1, s10;
	s1 =	sadd.s32 $0x500, s24;
	_ =	swait.ge [sflag:s26], $0x2800  }
.LBB2_2:
0x51: {  	s6 =	sadd.s32 $0x1, s4  }
0x52: {  	s7 =	sxor.u32 $0x1, s4;
	[sflag:s26] =	ssyncset.done $0x0;
	s8 =	smov.u32 s5  }
0x53: {  	s9 =	sadd.s32 $0x1, s5;
	s10 =	smul.u32 $0xA000, s7;
	[sflag:s26] =	ssyncadd.s32 $0xFFFFD800  }
0x54: {  	p1 =	sne.s32 s5, $0x7B;
	_ =	swait.ge [sflag:s6], $0x2800  }
0x55: {  	s4 =	smul.u32 $0xA000, s4;
	[sflag:s6] =	ssyncset.done $0x0;
	s5 =	sshrl.u32 s10, $0x2  }
0x56: {  	[sflag:s6] =	ssyncadd.s32 $0xFFFFD800;
	s5 =	sor.u32 $0x4000, s5;
	s6 =	sadd.s32 $0x1, s7  }
0x57: {  	[tilespmem:s5], [sflag:s6] =	stream.linear.gather [hbm4b:s1+s3], $0x2800, $0x38;
	[tilespmem:$0x1C880] =	vst v63  }
.Ltmp0:
0x58: {  	_ = 	snop;
	(pc) =	sbr.rel @p1 .LBB2_2-.Ltmp0, $4  }
0x59: {  	s4 =	sshrl.u32 s4, $0x2  }
0x5a: {  	s4 =	sor.u32 $0x4000, s4;
	s1 =	sadd.s32 $0x500, s1;
	s5 =	smov.u32 s9  }
0x5b: {  	[spmem:s2] =	stream.indirect.scatter.add.f32 [tilespmem:s4], [sflag:$0x3], $0x80, s30, s28, $0xb8;
	[tilespmem:$0x1C880] =	vst v63  }
0x5c: {  	s4 =	sand.u32 $0x1, s8;
	s30 =	sadd.s32 $0x80, s30;
	_ =	swait.ge [sflag:s26], $0x2800  }
0x5d: {  	[sflag:s26] =	ssyncset.done $0x0;
	s6 =	sxor.u32 $0x1, s4  }
0x5e: {  	s5 =	sadd.s32 $0x1, s4;
	[sflag:s26] =	ssyncadd.s32 $0xFFFFD800;
	s7 =	smul.u32 $0xA000, s6  }
0x5f: {  	s9 =	smul.u32 $0xA000, s4;
	_ =	swait.ge [sflag:s5], $0x2800  }
0x60: {  	s6 =	sadd.s32 $0x1, s6;
	[sflag:s5] =	ssyncset.done $0x0;
	s8 =	sshrl.u32 s7, $0x2  }
0x61: {  	s10 =	sshrl.u32 s9, $0x2;
	[sflag:s5] =	ssyncadd.s32 $0xFFFFD800;
	s5 =	sor.u32 $0x4000, s8  }
0x62: {  	[tilespmem:s5], [sflag:s6] =	stream.linear.gather [hbm4b:s1+s3], $0x2800, $0x38;
	[tilespmem:$0x1C880] =	vst v63  }
0x63: {  	s1 =	sor.u32 $0x4000, s10  }
0x64: {  	[spmem:s2] =	stream.indirect.scatter.add.f32 [tilespmem:s1], [sflag:$0x3], $0x80, s30, s28, $0xb8;
	[tilespmem:$0x1C880] =	vst v63  }
0x65: {  	_ =	swait.ge [sflag:s26], $0x2800  }
0x66: {  	[sflag:s26] =	ssyncset.done $0x0  }
0x67: {  	[sflag:s26] =	ssyncadd.s32 $0xFFFFD800  }
0x68: {  	_ =	swait.ge [sflag:s29], $0x2800  }
0x69: {  	[sflag:s29] =	ssyncset.done $0x0  }
0x6a: {  	s4 =	simm.s32 $0x3E00;
	[sflag:s29] =	ssyncadd.s32 $0xFFFFD800  }
0x6b: {  	[spmem:s2] =	stream.indirect.scatter.add.f32 [tilespmem:s25], [sflag:$0x3], $0x80, s4, s28, $0xb8;
	[tilespmem:$0x1C880] =	vst v63  }
0x6c: {  	_ =	swait.ge [sflag:s26], $0x2800  }
0x6d: {  	[sflag:s26] =	ssyncset.done $0x0  }
0x6e: {  	[sflag:s26] =	ssyncadd.s32 $0xFFFFD800  }
0x6f: {  	[bflag:$0x0] =	sbarrier.arrive $0xFFFF  }
0x70: {  	[tilespmem:s25], [sflag:$0x4] =	stream.linear.gather [spmem:s16], $0x2800, $0x38;
	[tilespmem:$0x1C880] =	vst v63  }
0x71: {  	_ =	swait.ge [sflag:s31], $0x2800  }
0x72: {  	[sflag:s31] =	ssyncset.done $0x0  }
0x73: {  	s5 =	rddreg [dreg:$0x3];
	[sflag:s31] =	ssyncadd.s32 $0xFFFFD800  }
0x74: {  	[hbm4b:s5+s3] =	stream.linear.scatter [tilespmem:s25], [sflag:$0x3], $0x2800, $0x38;
	[tilespmem:$0x1C880] =	vst v63  }
0x75: {  	_ =	swait.ge [sflag:s26], $0x2800  }
0x76: {  	[sflag:s26] =	ssyncset.done $0x0  }
0x77: {  	[sflag:s26] =	ssyncadd.s32 $0xFFFFD800  }
0x78: {  	[tilespmem:s25], [sflag:$0x4] =	stream.linear.gather [spmem:s17], $0x2800, $0x38;
	[tilespmem:$0x1C880] =	vst v63  }
0x79: {  	_ =	swait.ge [sflag:s31], $0x2800  }
0x7a: {  	[sflag:s31] =	ssyncset.done $0x0  }
0x7b: {  	s6 =	rddreg [dreg:$0x4];
	[sflag:s31] =	ssyncadd.s32 $0xFFFFD800  }
0x7c: {  	[hbm4b:s6+s3] =	stream.linear.scatter [tilespmem:s25], [sflag:$0x3], $0x2800, $0x38;
	[tilespmem:$0x1C880] =	vst v63  }
0x7d: {  	_ =	swait.ge [sflag:s26], $0x2800  }
0x7e: {  	[sflag:s26] =	ssyncset.done $0x0  }
0x7f: {  	[sflag:s26] =	ssyncadd.s32 $0xFFFFD800  }
0x80: {  	[tilespmem:s25], [sflag:$0x4] =	stream.linear.gather [spmem:s18], $0x2800, $0x38;
	[tilespmem:$0x1C880] =	vst v63  }
0x81: {  	_ =	swait.ge [sflag:s31], $0x2800  }
0x82: {  	[sflag:s31] =	ssyncset.done $0x0  }
0x83: {  	s7 =	rddreg [dreg:$0x5];
	[sflag:s31] =	ssyncadd.s32 $0xFFFFD800  }
0x84: {  	[hbm4b:s7+s3] =	stream.linear.scatter [tilespmem:s25], [sflag:$0x3], $0x2800, $0x38;
	[tilespmem:$0x1C880] =	vst v63  }
0x85: {  	_ =	swait.ge [sflag:s26], $0x2800  }
0x86: {  	[sflag:s26] =	ssyncset.done $0x0  }
0x87: {  	[sflag:s26] =	ssyncadd.s32 $0xFFFFD800  }
0x88: {  	[tilespmem:s25], [sflag:$0x4] =	stream.linear.gather [spmem:s19], $0x2800, $0x38;
	[tilespmem:$0x1C880] =	vst v63  }
0x89: {  	_ =	swait.ge [sflag:s31], $0x2800  }
0x8a: {  	[sflag:s31] =	ssyncset.done $0x0  }
0x8b: {  	s8 =	rddreg [dreg:$0x6];
	[sflag:s31] =	ssyncadd.s32 $0xFFFFD800  }
0x8c: {  	[hbm4b:s8+s3] =	stream.linear.scatter [tilespmem:s25], [sflag:$0x3], $0x2800, $0x38;
	[tilespmem:$0x1C880] =	vst v63  }
0x8d: {  	_ =	swait.ge [sflag:s26], $0x2800  }
0x8e: {  	[sflag:s26] =	ssyncset.done $0x0  }
0x8f: {  	[sflag:s26] =	ssyncadd.s32 $0xFFFFD800  }
0x90: {  	[tilespmem:s25], [sflag:$0x4] =	stream.linear.gather [spmem:s20], $0x2800, $0x38;
	[tilespmem:$0x1C880] =	vst v63  }
0x91: {  	_ =	swait.ge [sflag:s31], $0x2800  }
0x92: {  	[sflag:s31] =	ssyncset.done $0x0  }
0x93: {  	s9 =	rddreg [dreg:$0x7];
	[sflag:s31] =	ssyncadd.s32 $0xFFFFD800  }
0x94: {  	[hbm4b:s9+s3] =	stream.linear.scatter [tilespmem:s25], [sflag:$0x3], $0x2800, $0x38;
	[tilespmem:$0x1C880] =	vst v63  }
0x95: {  	_ =	swait.ge [sflag:s26], $0x2800  }
0x96: {  	[sflag:s26] =	ssyncset.done $0x0  }
0x97: {  	[sflag:s26] =	ssyncadd.s32 $0xFFFFD800  }
0x98: {  	[tilespmem:s25], [sflag:$0x4] =	stream.linear.gather [spmem:s21], $0x2800, $0x38;
	[tilespmem:$0x1C880] =	vst v63  }
0x99: {  	_ =	swait.ge [sflag:s31], $0x2800  }
0x9a: {  	[sflag:s31] =	ssyncset.done $0x0  }
0x9b: {  	s10 =	rddreg [dreg:$0x8];
	[sflag:s31] =	ssyncadd.s32 $0xFFFFD800  }
0x9c: {  	[hbm4b:s10+s3] =	stream.linear.scatter [tilespmem:s25], [sflag:$0x3], $0x2800, $0x38;
	[tilespmem:$0x1C880] =	vst v63  }
0x9d: {  	_ =	swait.ge [sflag:s26], $0x2800  }
0x9e: {  	[sflag:s26] =	ssyncset.done $0x0  }
0x9f: {  	[sflag:s26] =	ssyncadd.s32 $0xFFFFD800  }
0xa0: {  	[tilespmem:s25], [sflag:$0x4] =	stream.linear.gather [spmem:s22], $0x2800, $0x38;
	[tilespmem:$0x1C880] =	vst v63  }
0xa1: {  	_ =	swait.ge [sflag:s31], $0x2800  }
0xa2: {  	[sflag:s31] =	ssyncset.done $0x0  }
0xa3: {  	s30 =	rddreg [dreg:$0x9];
	[sflag:s31] =	ssyncadd.s32 $0xFFFFD800  }
0xa4: {  	[hbm4b:s30+s3] =	stream.linear.scatter [tilespmem:s25], [sflag:$0x3], $0x2800, $0x38;
	[tilespmem:$0x1C880] =	vst v63  }
0xa5: {  	_ =	swait.ge [sflag:s26], $0x2800  }
0xa6: {  	[sflag:s26] =	ssyncset.done $0x0  }
0xa7: {  	s1 =	simm.s32 @!p0 $0x4000;
	s4 =	simm.s32 @!p0 $0x4;
	[sflag:s26] =	ssyncadd.s32 $0xFFFFD800  }
0xa8: {  	[tilespmem:s1], [sflag:$0x4] =	stream.linear.gather @!p0 [spmem:s23], $0x2800, $0x38;
	[tilespmem:$0x1C880] =	vst v63  }
0xa9: {  	_ =	swait.ge @!p0 [sflag:s4], $0x2800  }
0xaa: {  	s0 =	sadd.s32 $0x1, s0;
	[sflag:s4] =	ssyncset.done @!p0 $0x0  }
0xab: {  	p1 =	sne.s32 s0, s15;
	[sflag:s4] =	ssyncadd.s32 @!p0 $0xFFFFD800;
	s4 =	simm.s32 @!p0 $0x0  }
0xac: {  	[hbm4b:s11+s4] =	stream.linear.scatter @!p0 [tilespmem:s1], [sflag:$0x3], $0x2800, $0x38;
	[tilespmem:$0x1C880] =	vst v63  }
.Ltmp1:
0xad: {  	_ = 	snop;
	(pc) =	sbr.rel @p1 .LBB2_1-.Ltmp1, $4  }
0xae: {  	s1 =	simm.s32 @!p0 $0x3  }
0xaf: {  	_ =	swait.ge @!p0 [sflag:s1], $0x2800  }
0xb0: {  	[sflag:s1] =	ssyncset.done @!p0 $0x0  }
0xb1: {  	[sflag:s1] =	ssyncadd.s32 @!p0 $0xFFFFD800  }
0xb2: {  	_ =	sfence.sel $0x180000  }
0xb3: {  	[bflag:$0x0] =	sbarrier.arrive $0xFFFF  }
0xb4: {  	_ =	strace $0x90000056  }
0xb5: {  	s0 =	stileid.u32;
	[bflag:$0x2] =	sbarrier.arrive $0xFFFF  }
0xb6: {  	p0 =	sne.s32 s0, $0x0;
	s0 =	rddreg [dreg:$0x2]  }
0xb7: {  	s0 =	sadd.s32 @!p0 $0x100000, s0  }
0xb8: {  	[sflag:s0] =	ssyncadd.tile.s32 @!p0 $0x1;
	_ =	shalt  }
.Lfunc_end2:
_tile_overlayer_lowered:
.L_overlay_start_2:
0xb9: {  	(tag) =	ssettag $0x2  }
0xba: {  	s0 =	rddreg [dreg:$0x0];
	s2 =	stileid.u32  }
0xbb: {  	s1 =	rddreg [dreg:$0x1];
	p0 =	sne.s32 s2, $0x0  }
0xbc: {  	s3 =	rddreg [dreg:$0x2];
	[bflag:$0x3] =	sbarrier.arrive $0xFFFF;
	s2 =	simm.s32 @!p0 $0x1C03  }
0xbd: {  	[timem:s3], [sflag:s2] =	dma.local @!p0 [hbm:s0], s1  }
0xbe: {  	s0 =	simm.s32 @!p0 $0x3  }
0xbf: {  	_ =	swait.ge @!p0 [sflag:s0], s1  }
0xc0: {  	s1 =	ssub.s32 @!p0 $0x0, s1;
	[sflag:s0] =	ssyncset.done @!p0 $0x0  }
0xc1: {  	[sflag:s0] =	ssyncadd.s32 @!p0 s1  }
0xc2: {  	[bflag:$0x3] =	sbarrier.arrive $0xFFFF  }
0xc3: {  	_ =	shalt  }

// kernel: kernel.36.cloned.1.call-start
scs
__scs_entry_jumppad:
0x0: {  	(pc) =	sbr.rel $0x88, $3  }
0x1: {  	(tag) =	ssettag $0x0;
	lr =	simm.s32 $0x1  }
0x2: {  	[smem:$0x3F82] =	sst lr;
	_ =	strace $0xD0000000  }
0x3: {  	_ = 	snop  }
0x4: {  	_ = 	snop  }
0x5: {  	_ = 	snop  }
0x6: {  	_ = 	snop  }
0x7: {  	_ = 	snop  }
__scs_overlays_trampoline_lowered:
0x8: {  	[smem:$0x3F91] =	sst s0  }
0x9: {  	[smem:$0x3F92] =	sst s1  }
0xa: {  	[smem:$0x3F93] =	sst s2  }
0xb: {  	[smem:$0x3F94] =	sst s3  }
0xc: {  	[smem:$0x3F95] =	sst s4  }
0xd: {  	[smem:$0x3F96] =	sst s5  }
0xe: {  	[smem:$0x3F97] =	sst s6  }
0xf: {  	[smem:$0x3F98] =	sst s7  }
0x10: {  	[smem:$0x3F99] =	sst s8  }
0x11: {  	[smem:$0x3F9A] =	sst s9;
	s0 =	simm.s32 @!p0 $0x0  }
0x12: {  	s1 =	sld [smem:$0x3F80];
	s0 =	simm.s32 @p0 $0x1  }
0x13: {  	[smem:$0x3F9B] =	sst s0;
	s0 =	simm.s32 @!p1 $0x0  }
0x14: {  	s2 =	sld [smem:$0x3F7F];
	s0 =	simm.s32 @p1 $0x1  }
0x15: {  	[smem:$0x3F9C] =	sst s0;
	s0 =	simm.s32 @!p2 $0x0  }
0x16: {  	s3 =	sld [smem:$0x3FDB];
	s0 =	simm.s32 @p2 $0x1  }
0x17: {  	s4 =	simm.s32 $0x1BF5;
	[smem:$0x3F9E] =	sst s0  }
0x18: {  	s0 =	sld [smem:$0x3F81];
	_ =	swait.ge [sflag:s4], $0x0  }
0x19: {  	s7 =	sld [smem:$0x3F82]  }
0x1a: {  	s8 =	sadd.s32 $0xFFFFE003, lr  }
0x1b: {  	s9 =	sadd.s32 $0xFFFFFEF7, lr;
	s5 =	simm.s32 $0xFFFFFFFF;
	p2 =	slt.u32 s8, $0xFFFFF086  }
0x1c: {  	p1 =	slt.u32 s9, $0xF7A;
	s5 =	simm.s32 @!p2 $0x0  }
0x1d: {  	s5 =	simm.s32 @p1 $0x1;
	p0 =	seq.s32 s7, s2  }
0x1e: {  	s7 =	smul.u32 @!p0 $0xF7A, s2;
	p2 =	seq.s32 @!p0 s5, $0x0  }
0x1f: {  	s9 =	smul.u32 $0xF7A, s1;
	s8 =	simm.s32 @!p0 $0x1BF5;
	p2 =	por !p2, p0  }
0x20: {  	[sflag:s8] =	ssyncset.s32 @!p0 $0xFFFFF086;
	s6 =	sadd.s32 @!p0 s3, s7;
	s7 =	simm.s32 @!p0 $0x108  }
0x21: {  	s3 =	sadd.s32 s3, s9;
	s6 =	sadd.s32 @!p0 $0x88, s6;
	s7 =	simm.s32 @p2 $0x1082  }
0x22: {  	[simem:s7], [sflag:s8] =	dma.local @!p0 [hbm:s6], $0xF7A  }
0x23: {  	s9 =	sor.u32 $0xD0000000, s2;
	s6 =	simm.s32 $0x108;
	_ =	swait.ge @!p0 [sflag:s8], $0x0  }
0x24: {  	s3 =	sadd.s32 $0x88, s3;
	s6 =	simm.s32 @!p1 $0x1082;
	[sflag:s4] =	ssyncset.s32 $0xFFFFF086  }
0x25: {  	[simem:s6], [sflag:s4] =	dma.local [hbm:s3], $0xF7A  }
0x26: {  	[smem:$0x3F82] =	sst s1;
	(tag) =	ssettag s2;
	_ =	strace s9  }
0x27: {  	s1 =	sld [smem:$0x3F92]  }
0x28: {  	s2 =	sld [smem:$0x3F93]  }
0x29: {  	s4 =	sld [smem:$0x3F95]  }
0x2a: {  	p0 =	seq.s32 s5, $0x0;
	s5 =	sld [smem:$0x3F96]  }
0x2b: {  	s6 =	sld [smem:$0x3F97]  }
0x2c: {  	s7 =	sld [smem:$0x3F98]  }
0x2d: {  	s3 =	simm.s32 $0x108;
	s8 =	sld [smem:$0x3F99]  }
0x2e: {  	s3 =	simm.s32 @!p0 $0x1082;
	s9 =	sld [smem:$0x3F9A]  }
0x2f: {  	lr =	sadd.s32 s0, s3;
	s0 =	sld [smem:$0x3F91]  }
0x30: {  	s3 =	sld [smem:$0x3F94]  }
0x31: {  	[smem:$0x3F9D] =	sst s10  }
0x32: {  	s10 =	sld [smem:$0x3F9B];
	_ =	sdelay $0x3  }
0x33: {  	p0 =	seq.s32 s10, $0x1;
	s10 =	sld [smem:$0x3F9D];
	_ =	sdelay $0x3  }
0x34: {  	[smem:$0x3F9D] =	sst s10  }
0x35: {  	s10 =	sld [smem:$0x3F9C];
	_ =	sdelay $0x3  }
0x36: {  	p1 =	seq.s32 s10, $0x1;
	s10 =	sld [smem:$0x3F9D];
	_ =	sdelay $0x3  }
0x37: {  	[smem:$0x3F9D] =	sst s10  }
0x38: {  	s10 =	sld [smem:$0x3F9E]  }
0x39: {  	_ = 	snop;
	(pc) =	sbr.ind lr, $3  }
0x3a: {  	_ = 	snop  }
0x3b: {  	_ = 	snop  }
0x3c: {  	p2 =	seq.s32 s10, $0x1;
	s10 =	sld [smem:$0x3F9D]  }
0x3d: {  	_ =	shalt  }
0x3e: {  	_ =	shalt  }
0x3f: {  	_ =	shalt  }
0x40: {  	_ =	shalt  }
0x41: {  	_ =	shalt  }
0x42: {  	_ =	shalt  }
0x43: {  	_ =	shalt  }
0x44: {  	_ =	shalt  }
0x45: {  	_ =	shalt  }
0x46: {  	_ =	shalt  }
0x47: {  	_ =	shalt  }
0x48: {  	_ =	shalt  }
0x49: {  	_ =	shalt  }
0x4a: {  	_ =	shalt  }
0x4b: {  	_ =	shalt  }
0x4c: {  	_ =	shalt  }
0x4d: {  	_ =	shalt  }
0x4e: {  	_ =	shalt  }
0x4f: {  	_ =	shalt  }
0x50: {  	_ =	shalt  }
0x51: {  	_ =	shalt  }
0x52: {  	_ =	shalt  }
0x53: {  	_ =	shalt  }
0x54: {  	_ =	shalt  }
0x55: {  	_ =	shalt  }
0x56: {  	_ =	shalt  }
0x57: {  	_ =	shalt  }
0x58: {  	_ =	shalt  }
0x59: {  	_ =	shalt  }
0x5a: {  	_ =	shalt  }
0x5b: {  	_ =	shalt  }
0x5c: {  	_ =	shalt  }
0x5d: {  	_ =	shalt  }
0x5e: {  	_ =	shalt  }
0x5f: {  	_ =	shalt  }
0x60: {  	_ =	shalt  }
0x61: {  	_ =	shalt  }
0x62: {  	_ =	shalt  }
0x63: {  	_ =	shalt  }
0x64: {  	_ =	shalt  }
0x65: {  	_ =	shalt  }
0x66: {  	_ =	shalt  }
0x67: {  	_ =	shalt  }
0x68: {  	_ =	shalt  }
0x69: {  	_ =	shalt  }
0x6a: {  	_ =	shalt  }
0x6b: {  	_ =	shalt  }
0x6c: {  	_ =	shalt  }
0x6d: {  	_ =	shalt  }
0x6e: {  	_ =	shalt  }
0x6f: {  	_ =	shalt  }
0x70: {  	_ =	shalt  }
0x71: {  	_ =	shalt  }
0x72: {  	_ =	shalt  }
0x73: {  	_ =	shalt  }
0x74: {  	_ =	shalt  }
0x75: {  	_ =	shalt  }
0x76: {  	_ =	shalt  }
0x77: {  	_ =	shalt  }
0x78: {  	_ =	shalt  }
0x79: {  	_ =	shalt  }
0x7a: {  	_ =	shalt  }
0x7b: {  	_ =	shalt  }
0x7c: {  	_ =	shalt  }
0x7d: {  	_ =	shalt  }
0x7e: {  	_ =	shalt  }
0x7f: {  	_ =	shalt  }
0x80: {  	_ =	shalt  }
0x81: {  	_ =	shalt  }
0x82: {  	_ =	shalt  }
0x83: {  	_ =	shalt  }
0x84: {  	_ =	shalt  }
0x85: {  	_ =	shalt  }
0x86: {  	_ =	shalt  }
0x87: {  	_ =	shalt  }
.Lfunc_end0:
.L_simem_size_0:
called_computation.6_lowered:
.L_overlay_start_0:
0x88: {  	s2 =	sld [smem:$0x3FD9]  }
0x89: {  	s3 =	sld [smem:$0x3FFE];
	_ =	sdelay $0x1  }
0x8a: {  	s1 =	srdreg.scid  }
0x8b: {  	s0 =	sand.u32 $0x1, s1  }
0x8c: {  	s14 =	sshll.u32 s0, $0xA;
	s2 =	sadd.s32 s3, s2  }
0x8d: {  	s2 =	sadd.s32 s2, s14  }
0x8e: {  	[smem:$0x3FA9] =	sst s2  }
0x8f: {  	_ = 	snop  }
0x90: {  	s2 =	sld [smem:$0x3FD0];
	_ =	sdelay $0x2  }
0x91: {  	s15 =	simm.s32 $0xA;
	s4 =	simm.s32 $0x10  }
0x92: {  	[smem:s4], [sflag:s15] =	dma.local [hbm:s2], $0x1  }
0x93: {  	_ =	swait.eq [sflag:s15], $0x1  }
0x94: {  	[sflag:s15] =	ssyncset.done $0x0  }
0x95: {  	[sflag:s15] =	ssyncadd.s32 $0xFFFFFFFF  }
0x96: {  	s16 =	sld [smem:$0x10];
	(tm) =	ssettm $0x1  }
0x97: {  	s17 =	sld [smem:$0x3FFB];
	_ =	sdelay $0x3  }
0x98: {  	_ =	strace s17  }
0x99: {  	s3 =	sld [smem:$0x3FFC];
	_ =	sdelay $0x3  }
0x9a: {  	_ =	strace s3  }
0x9b: {  	s3 =	sld [smem:$0x3FFD];
	_ =	sdelay $0x3  }
0x9c: {  	_ =	strace s3  }
0x9d: {  	_ =	strace $0x8FFFFFFF  }
0x9e: {  	s18 =	sld [smem:$0x3FDB];
	_ =	sdelay $0x1  }
0x9f: {  	s19 =	simm.s32 $_scs_section_size  }
0xa0: {  	s5 =	simm.s32 $_size__tile_overlayer_lowered;
	s6 =	simm.s32 $_tile_overlayer_lowered  }
0xa1: {  	s22 =	simm.s32 $0x1BFF;
	s21 =	sshll.u32 s6, $0x1;
	s3 =	sadd.s32 s19, s18  }
0xa2: {  	s7 =	simm.s32 $0x0;
	s20 =	sshll.u32 s5, $0x1;
	s5 =	sadd.s32 s21, s3  }
0xa3: {  	[timem:s7], [sflag:s22] =	dma.local [hbm:s5], s20  }
0xa4: {  	_ =	swait.ge [sflag:s22], s20  }
0xa5: {  	s4 =	ssub.s32 $0x0, s20;
	[sflag:s22] =	ssyncset.done $0x0  }
0xa6: {  	[sflag:s22] =	ssyncadd.s32 s4;
	_ =	sdelay $0x1  }
0xa7: {  	s23 =	simm.s32 $0x1B8B  }
0xa8: {  	_ =	swait.ge [sflag:s23], $0x1  }
0xa9: {  	[sflag:s23] =	ssyncset.done $0x0  }
0xaa: {  	s25 =	simm.s32 $0x1B8E;
	s24 =	sld [smem:$0x3FFE];
	[sflag:s23] =	ssyncadd.s32 $0xFFFFFFFF  }
0xab: {  	s26 =	simm.s32 $execute0_lowered;
	[smem:$0x3FD2] =	sst s25  }
0xac: {  	s5 =	sshll.u32 s26, $0x1;
	_ =	strace $0x80000058;
	[dreg:$0x1] =	wrdreg $0xFFFFFFFF  }
0xad: {  	s28 =	simm.s32 $_size_execute0_lowered;
	s3 =	sadd.s32 s3, s5;
	[dreg:$0x0] =	wrdreg $0x0  }
0xae: {  	s5 =	sshll.u32 s28, $0x1;
	[dreg:$0x2] =	wrdreg s3  }
0xaf: {  	[dreg:$0x3] =	wrdreg s5  }
0xb0: {  	[dreg:$0x4] =	wrdreg $0xC0  }
0xb1: {  	_ =	task [dreg:s7], $0x5FFFF  }
0xb2: {  	[dreg:$0x1] =	wrdreg $0xFFFFFFFF  }
0xb3: {  	[dreg:$0x0] =	wrdreg $0x60  }
0xb4: {  	[dreg:$0x2] =	wrdreg s16  }
0xb5: {  	[dreg:$0x3] =	wrdreg s24  }
0xb6: {  	[dreg:$0x4] =	wrdreg $0x9  }
0xb7: {  	_ =	task.clear_ibuf [dreg:s7], $0x5FFFF;
	_ =	strace $0x90000058  }
0xb8: {  	s29 =	simm.s32 $0x9;
	_ =	strace $0x8000005A  }
0xb9: {  	_ =	swait.ge [sflag:s29], $0x1  }
0xba: {  	[sflag:s29] =	ssyncadd.s32 $0xFFFFFFFF  }
0xbb: {  	_ =	strace $0x9000005A  }
0xbc: {  	_ =	sfence  }
0xbd: {  	s30 =	sld [smem:$0x0];
	_ =	sdelay $0x2  }
0xbe: {  	s31 =	sshll.u32 s1, $0xD;
	s1 =	sshrl.u32 s1, $0x2  }
0xbf: {  	s3 =	sand.u32 $0x4000, s31;
	s1 =	sadd.s32 s1, s30  }
0xc0: {  	s0 =	sor.u32 s3, s0;
	s1 =	sshll.u32 s1, $0x11  }
0xc1: {  	s0 =	sor.u32 s1, s0  }
0xc2: {  	s0 =	sadd.s32 $0x8F2B, s0  }
0xc3: {  	[sflag:s0] =	ssyncadd.remote.s32 $0x1  }
0xc4: {  	_ =	sfence.sel $0xFFFF  }
0xc5: {  	[dreg:$0x0] =	wrdreg $0xFFFFFFFF;
	(pc) =	sbr.abs _section_cstart, $3  }
0xc6: {  	[dreg:$0x1] =	wrdreg $0xFFFFFFFF  }
0xc7: {  	_ =	task.clear_ibuf [dreg:s7], $0x2FFFF;
	_ =	strace $0x9FFFFFFF  }
0xc8: {  	(tm) =	ssettm $0x7FFFFFFF  }
0xc9: {  	_ =	shalt  }
tec
execute0_lowered:
.L_overlay_start_1:
0x0: {  	(tag) =	ssettag $0x1  }
0x1: {  	s2 =	rddreg [dreg:$0x0]  }
0x2: {  	s1 =	srdreg.scid;
	s0 =	stileid.u32  }
0x3: {  	s5 =	rddreg [dreg:$0x1];
	s3 =	simm.s32 $0x0;
	s10 =	simm.s32 $0x5  }
0x4: {  	s11 =	simm.s32 $0x4000;
	s12 =	simm.s32 $0x50;
	s13 =	simm.s32 $0x8000  }
0x5: {  	s14 =	simm.s32 $0xD000;
	s15 =	simm.s32 $0x3;
	s16 =	simm.s32 $0x0  }
0x6: {  	s4 =	sand.u32 $0x1, s1;
	s6 =	sshll.u32 s0, $0x1;
	s1 =	rddreg [dreg:$0x2]  }
.Ltmp0:
0x7: {  	[smem:$0x7FF] =	sst s3;
	s6 =	sor.u32 s4, s6;
	(pc) =	sbr.rel .LBB2_1-.Ltmp0, $4  }
0x8: {  	_ =	strace $0x80000059;
	s31 =	ssub.s32 $0x2, s4;
	s4 =	sadd.s32 $0x4FC00, s5  }
0x9: {  	s7 =	sshll.u32 s6, $0xB;
	s9 =	sshrl.u32 s31, $0x1;
	s6 =	smul.u32 $0x2710, s6  }
0xa: {  	s8 =	sadd.s32 s7, s5;
	s5 =	sadd.s32 $0x531C00, s5;
	s9 =	ssub.s32 s31, s9  }
0xb: {  	s7 =	sadd.s32 $0x18400, s8;
	s8 =	sadd.s32 $0x8400, s8;
	s9 =	smax.u32 s9, $0x1  }
.LBB2_5:
0xc: {  	s16 =	sadd.s32 $0x1, s16  }
0xd: {  	_ =	swait.ge [sflag:s15], $0x2800;
	p0 =	sne.s32 s16, s9  }
.Ltmp1:
0xe: {  	[sflag:s15] =	ssyncset.done $0x0;
	(pc) =	sbr.rel @!p0 .LBB2_6-.Ltmp1, $4  }
0xf: {  	[sflag:s15] =	ssyncadd.s32 $0xFFFFD800  }
0x10: {  	_ =	swait.ge [sflag:s15], $0x2800  }
0x11: {  	[sflag:s15] =	ssyncset.done $0x0  }
0x12: {  	[sflag:s15] =	ssyncadd.s32 $0xFFFFD800  }
.LBB2_1:
0x13: {  	[tilespmem:s3], [sflag:$0x5] =	stream.linear.gather [hbm4b:s7+s3], $0x3E80, $0x38;
	[tilespmem:$0x12000] =	vst v63  }
0x14: {  	_ =	swait.ge [sflag:s10], $0x3E80  }
0x15: {  	[sflag:s10] =	ssyncset.done $0x0  }
0x16: {  	[sflag:s10] =	ssyncadd.s32 $0xFFFFC180  }
0x17: {  	[tilespmem:s11], [sflag:$0x5] =	stream.linear.gather [hbm4b:s8+s3], $0x3E80, $0x38;
	[tilespmem:$0x12000] =	vst v63  }
0x18: {  	_ =	swait.ge [sflag:s10], $0x3E80  }
.Ltmp2:
0x19: {  	[sflag:s10] =	ssyncset.done $0x0;
	(pc) =	sbr.rel .LBB2_2-.Ltmp2, $4  }
0x1a: {  	[sflag:s10] =	ssyncadd.s32 $0xFFFFC180  }
0x1b: {  	[tilespmem:s13], [sflag:$0x1] =	stream.indirect.gather [hbm4b:s2+s12], $0x80, s3, s12, $0xb8;
	[tilespmem:$0x12000] =	vst v63  }
0x1c: {  	s18 =	simm.s32 $0x0  }
0x1d: {  	[tilespmem:s14], [sflag:$0x1] =	stream.indirect.gather [hbm4b:s2+s12], $0x80, s11, s12, $0xb8;
	[tilespmem:$0x12000] =	vst v63  }
.LBB2_4:
0x1e: {  	s20 =	sadd.s32 $0x1, s17  }
0x1f: {  	_ =	swait.ge [sflag:s20], $0x2800  }
0x20: {  	s18 =	smul.u32 $0x50, s18;
	[sflag:s20] =	ssyncset.done $0x0  }
0x21: {  	s21 =	smul.u32 $0x2800, s17;
	s29 =	sadd.s32 $0x3, s17;
	[sflag:s20] =	ssyncadd.s32 $0xFFFFD800  }
0x22: {  	p0 =	slt.u32 s19, $0x7D;
	s18 =	sadd.s32 s6, s18;
	_ =	swait.ge [sflag:s20], $0x2800  }
0x23: {  	s30 =	sor.u32 $0x8000, s21;
	s18 =	sshll.u32 s18, $0x4;
	[sflag:s20] =	ssyncset.done $0x0  }
.Ltmp3:
0x24: {  	s22 =	sadd.s32 s4, s18;
	[sflag:s20] =	ssyncadd.s32 $0xFFFFD800;
	(pc) =	sbr.rel @!p0 .LBB2_5-.Ltmp3, $4  }
0x25: {  	[hbm4b:s22+s3] =	stream.linear.scatter [tilespmem:s30], [sflag:s29], $0x2800, $0x38;
	[tilespmem:$0x12000] =	vst v63  }
0x26: {  	s31 =	sadd.s32 $0xD000, s21;
	s18 =	sadd.s32 s5, s18  }
0x27: {  	[hbm4b:s18+s3] =	stream.linear.scatter [tilespmem:s31], [sflag:s29], $0x2800, $0x38;
	[tilespmem:$0x12000] =	vst v63  }
0x28: {  	s18 =	smov.u32 s19  }
.LBB2_2:
0x29: {  	s17 =	sand.u32 $0x1, s18  }
0x2a: {  	p0 =	seq.s32 s18, $0x0;
	s20 =	sxor.u32 $0x1, s17  }
0x2b: {  	p1 =	seq.s32 @!p0 s18, $0x7C;
	s19 =	sadd.s32 @!p0 $0x3, s20  }
0x2c: {  	p1 =	por p0, !p1;
	_ =	swait.ge @!p0 [sflag:s19], $0x2800  }
.Ltmp4:
0x2d: {  	[sflag:s19] =	ssyncset.done @!p0 $0x0;
	(pc) =	sbr.rel @!p1 .LBB2_4-.Ltmp4, $4  }
0x2e: {  	[sflag:s19] =	ssyncadd.s32 @!p0 $0xFFFFD800  }
0x2f: {  	_ =	swait.ge @!p0 [sflag:s19], $0x2800  }
0x30: {  	[sflag:s19] =	ssyncset.done @!p0 $0x0  }
0x31: {  	[sflag:s19] =	ssyncadd.s32 @!p0 $0xFFFFD800;
	s19 =	simm.s32 @!p0 $0x7D  }
0x32: {  	s19 =	sadd.s32 @!p0 $0x1, s18;
	s21 =	smul.u32 $0x2800, s20  }
.Ltmp5:
0x33: {  	s19 =	simm.s32 @p0 $0x1;
	(pc) =	sbr.rel .LBB2_4-.Ltmp5, $4  }
0x34: {  	s30 =	sadd.s32 $0x1, s20;
	s22 =	sor.u32 $0x8000, s21;
	s23 =	sshll.u32 s19, $0x7  }
0x35: {  	[tilespmem:s22], [sflag:s30] =	stream.indirect.gather [hbm4b:s2+s12], $0x80, s23, s12, $0xb8;
	[tilespmem:$0x12000] =	vst v63  }
0x36: {  	s21 =	sadd.s32 $0xD000, s21;
	s31 =	sadd.s32 $0x4000, s23  }
0x37: {  	[tilespmem:s21], [sflag:s30] =	stream.indirect.gather [hbm4b:s2+s12], $0x80, s31, s12, $0xb8;
	[tilespmem:$0x12000] =	vst v63  }
.LBB2_6:
0x38: {  	_ =	sfence.sel $0x180000  }
0x39: {  	[bflag:$0x0] =	sbarrier.arrive $0xFFFF  }
0x3a: {  	p0 =	sne.s32 s0, $0x0;
	_ =	strace $0x90000059  }
0x3b: {  	s0 =	sadd.s32 @!p0 $0x100000, s1;
	[bflag:$0x2] =	sbarrier.arrive $0xFFFF  }
0x3c: {  	[sflag:s0] =	ssyncadd.tile.s32 @!p0 $0x1;
	_ =	shalt  }
.Lfunc_end2:
_tile_overlayer_lowered:
.L_overlay_start_2:
0x3d: {  	(tag) =	ssettag $0x2  }
0x3e: {  	s0 =	rddreg [dreg:$0x0];
	s2 =	stileid.u32  }
0x3f: {  	s1 =	rddreg [dreg:$0x1];
	p0 =	sne.s32 s2, $0x0  }
0x40: {  	s3 =	rddreg [dreg:$0x2];
	[bflag:$0x3] =	sbarrier.arrive $0xFFFF;
	s2 =	simm.s32 @!p0 $0x1C05  }
0x41: {  	[timem:s3], [sflag:s2] =	dma.local @!p0 [hbm:s0], s1  }
0x42: {  	s0 =	simm.s32 @!p0 $0x5  }
0x43: {  	_ =	swait.ge @!p0 [sflag:s0], s1  }
0x44: {  	s1 =	ssub.s32 @!p0 $0x0, s1;
	[sflag:s0] =	ssyncset.done @!p0 $0x0  }
0x45: {  	[sflag:s0] =	ssyncadd.s32 @!p0 s1  }
0x46: {  	[bflag:$0x3] =	sbarrier.arrive $0xFFFF  }
0x47: {  	_ =	shalt  }

// kernel: kernel.39.cloned.1.call-start
scs
__scs_entry_jumppad:
0x0: {  	(pc) =	sbr.rel $0x88, $3  }
0x1: {  	(tag) =	ssettag $0x0;
	lr =	simm.s32 $0x1  }
0x2: {  	[smem:$0x3F82] =	sst lr;
	_ =	strace $0xD0000000  }
0x3: {  	_ = 	snop  }
0x4: {  	_ = 	snop  }
0x5: {  	_ = 	snop  }
0x6: {  	_ = 	snop  }
0x7: {  	_ = 	snop  }
__scs_overlays_trampoline_lowered:
0x8: {  	[smem:$0x3F91] =	sst s0  }
0x9: {  	[smem:$0x3F92] =	sst s1  }
0xa: {  	[smem:$0x3F93] =	sst s2  }
0xb: {  	[smem:$0x3F94] =	sst s3  }
0xc: {  	[smem:$0x3F95] =	sst s4  }
0xd: {  	[smem:$0x3F96] =	sst s5  }
0xe: {  	[smem:$0x3F97] =	sst s6  }
0xf: {  	[smem:$0x3F98] =	sst s7  }
0x10: {  	[smem:$0x3F99] =	sst s8  }
0x11: {  	[smem:$0x3F9A] =	sst s9;
	s0 =	simm.s32 @!p0 $0x0  }
0x12: {  	s1 =	sld [smem:$0x3F80];
	s0 =	simm.s32 @p0 $0x1  }
0x13: {  	[smem:$0x3F9B] =	sst s0;
	s0 =	simm.s32 @!p1 $0x0  }
0x14: {  	s2 =	sld [smem:$0x3F7F];
	s0 =	simm.s32 @p1 $0x1  }
0x15: {  	[smem:$0x3F9C] =	sst s0;
	s0 =	simm.s32 @!p2 $0x0  }
0x16: {  	s3 =	sld [smem:$0x3FDB];
	s0 =	simm.s32 @p2 $0x1  }
0x17: {  	s4 =	simm.s32 $0x1BF5;
	[smem:$0x3F9E] =	sst s0  }
0x18: {  	s0 =	sld [smem:$0x3F81];
	_ =	swait.ge [sflag:s4], $0x0  }
0x19: {  	s7 =	sld [smem:$0x3F82]  }
0x1a: {  	s8 =	sadd.s32 $0xFFFFE003, lr  }
0x1b: {  	s9 =	sadd.s32 $0xFFFFFEF7, lr;
	s5 =	simm.s32 $0xFFFFFFFF;
	p2 =	slt.u32 s8, $0xFFFFF086  }
0x1c: {  	p1 =	slt.u32 s9, $0xF7A;
	s5 =	simm.s32 @!p2 $0x0  }
0x1d: {  	s5 =	simm.s32 @p1 $0x1;
	p0 =	seq.s32 s7, s2  }
0x1e: {  	s7 =	smul.u32 @!p0 $0xF7A, s2;
	p2 =	seq.s32 @!p0 s5, $0x0  }
0x1f: {  	s9 =	smul.u32 $0xF7A, s1;
	s8 =	simm.s32 @!p0 $0x1BF5;
	p2 =	por !p2, p0  }
0x20: {  	[sflag:s8] =	ssyncset.s32 @!p0 $0xFFFFF086;
	s6 =	sadd.s32 @!p0 s3, s7;
	s7 =	simm.s32 @!p0 $0x108  }
0x21: {  	s3 =	sadd.s32 s3, s9;
	s6 =	sadd.s32 @!p0 $0x88, s6;
	s7 =	simm.s32 @p2 $0x1082  }
0x22: {  	[simem:s7], [sflag:s8] =	dma.local @!p0 [hbm:s6], $0xF7A  }
0x23: {  	s9 =	sor.u32 $0xD0000000, s2;
	s6 =	simm.s32 $0x108;
	_ =	swait.ge @!p0 [sflag:s8], $0x0  }
0x24: {  	s3 =	sadd.s32 $0x88, s3;
	s6 =	simm.s32 @!p1 $0x1082;
	[sflag:s4] =	ssyncset.s32 $0xFFFFF086  }
0x25: {  	[simem:s6], [sflag:s4] =	dma.local [hbm:s3], $0xF7A  }
0x26: {  	[smem:$0x3F82] =	sst s1;
	(tag) =	ssettag s2;
	_ =	strace s9  }
0x27: {  	s1 =	sld [smem:$0x3F92]  }
0x28: {  	s2 =	sld [smem:$0x3F93]  }
0x29: {  	s4 =	sld [smem:$0x3F95]  }
0x2a: {  	p0 =	seq.s32 s5, $0x0;
	s5 =	sld [smem:$0x3F96]  }
0x2b: {  	s6 =	sld [smem:$0x3F97]  }
0x2c: {  	s7 =	sld [smem:$0x3F98]  }
0x2d: {  	s3 =	simm.s32 $0x108;
	s8 =	sld [smem:$0x3F99]  }
0x2e: {  	s3 =	simm.s32 @!p0 $0x1082;
	s9 =	sld [smem:$0x3F9A]  }
0x2f: {  	lr =	sadd.s32 s0, s3;
	s0 =	sld [smem:$0x3F91]  }
0x30: {  	s3 =	sld [smem:$0x3F94]  }
0x31: {  	[smem:$0x3F9D] =	sst s10  }
0x32: {  	s10 =	sld [smem:$0x3F9B];
	_ =	sdelay $0x3  }
0x33: {  	p0 =	seq.s32 s10, $0x1;
	s10 =	sld [smem:$0x3F9D];
	_ =	sdelay $0x3  }
0x34: {  	[smem:$0x3F9D] =	sst s10  }
0x35: {  	s10 =	sld [smem:$0x3F9C];
	_ =	sdelay $0x3  }
0x36: {  	p1 =	seq.s32 s10, $0x1;
	s10 =	sld [smem:$0x3F9D];
	_ =	sdelay $0x3  }
0x37: {  	[smem:$0x3F9D] =	sst s10  }
0x38: {  	s10 =	sld [smem:$0x3F9E]  }
0x39: {  	_ = 	snop;
	(pc) =	sbr.ind lr, $3  }
0x3a: {  	_ = 	snop  }
0x3b: {  	_ = 	snop  }
0x3c: {  	p2 =	seq.s32 s10, $0x1;
	s10 =	sld [smem:$0x3F9D]  }
0x3d: {  	_ =	shalt  }
0x3e: {  	_ =	shalt  }
0x3f: {  	_ =	shalt  }
0x40: {  	_ =	shalt  }
0x41: {  	_ =	shalt  }
0x42: {  	_ =	shalt  }
0x43: {  	_ =	shalt  }
0x44: {  	_ =	shalt  }
0x45: {  	_ =	shalt  }
0x46: {  	_ =	shalt  }
0x47: {  	_ =	shalt  }
0x48: {  	_ =	shalt  }
0x49: {  	_ =	shalt  }
0x4a: {  	_ =	shalt  }
0x4b: {  	_ =	shalt  }
0x4c: {  	_ =	shalt  }
0x4d: {  	_ =	shalt  }
0x4e: {  	_ =	shalt  }
0x4f: {  	_ =	shalt  }
0x50: {  	_ =	shalt  }
0x51: {  	_ =	shalt  }
0x52: {  	_ =	shalt  }
0x53: {  	_ =	shalt  }
0x54: {  	_ =	shalt  }
0x55: {  	_ =	shalt  }
0x56: {  	_ =	shalt  }
0x57: {  	_ =	shalt  }
0x58: {  	_ =	shalt  }
0x59: {  	_ =	shalt  }
0x5a: {  	_ =	shalt  }
0x5b: {  	_ =	shalt  }
0x5c: {  	_ =	shalt  }
0x5d: {  	_ =	shalt  }
0x5e: {  	_ =	shalt  }
0x5f: {  	_ =	shalt  }
0x60: {  	_ =	shalt  }
0x61: {  	_ =	shalt  }
0x62: {  	_ =	shalt  }
0x63: {  	_ =	shalt  }
0x64: {  	_ =	shalt  }
0x65: {  	_ =	shalt  }
0x66: {  	_ =	shalt  }
0x67: {  	_ =	shalt  }
0x68: {  	_ =	shalt  }
0x69: {  	_ =	shalt  }
0x6a: {  	_ =	shalt  }
0x6b: {  	_ =	shalt  }
0x6c: {  	_ =	shalt  }
0x6d: {  	_ =	shalt  }
0x6e: {  	_ =	shalt  }
0x6f: {  	_ =	shalt  }
0x70: {  	_ =	shalt  }
0x71: {  	_ =	shalt  }
0x72: {  	_ =	shalt  }
0x73: {  	_ =	shalt  }
0x74: {  	_ =	shalt  }
0x75: {  	_ =	shalt  }
0x76: {  	_ =	shalt  }
0x77: {  	_ =	shalt  }
0x78: {  	_ =	shalt  }
0x79: {  	_ =	shalt  }
0x7a: {  	_ =	shalt  }
0x7b: {  	_ =	shalt  }
0x7c: {  	_ =	shalt  }
0x7d: {  	_ =	shalt  }
0x7e: {  	_ =	shalt  }
0x7f: {  	_ =	shalt  }
0x80: {  	_ =	shalt  }
0x81: {  	_ =	shalt  }
0x82: {  	_ =	shalt  }
0x83: {  	_ =	shalt  }
0x84: {  	_ =	shalt  }
0x85: {  	_ =	shalt  }
0x86: {  	_ =	shalt  }
0x87: {  	_ =	shalt  }
.Lfunc_end0:
.L_simem_size_0:
called_computation.7_lowered:
.L_overlay_start_0:
0x88: {  	s2 =	sld [smem:$0x3FD9]  }
0x89: {  	s3 =	sld [smem:$0x3FFE];
	_ =	sdelay $0x1  }
0x8a: {  	s1 =	srdreg.scid  }
0x8b: {  	s0 =	sand.u32 $0x1, s1  }
0x8c: {  	s16 =	sshll.u32 s0, $0xA;
	s2 =	sadd.s32 s3, s2  }
0x8d: {  	s2 =	sadd.s32 s2, s16  }
0x8e: {  	[smem:$0x3FA9] =	sst s2  }
0x8f: {  	_ = 	snop  }
0x90: {  	(tm) =	ssettm $0x1  }
0x91: {  	s17 =	sld [smem:$0x3FFB];
	_ =	sdelay $0x3  }
0x92: {  	_ =	strace s17  }
0x93: {  	s2 =	sld [smem:$0x3FFC];
	_ =	sdelay $0x3  }
0x94: {  	_ =	strace s2  }
0x95: {  	s2 =	sld [smem:$0x3FFD];
	_ =	sdelay $0x3  }
0x96: {  	_ =	strace s2  }
0x97: {  	_ =	strace $0x8FFFFFFF  }
0x98: {  	s18 =	sld [smem:$0x3FDB];
	_ =	sdelay $0x1  }
0x99: {  	s19 =	simm.s32 $_scs_section_size  }
0x9a: {  	s4 =	simm.s32 $_size__tile_overlayer_lowered;
	s5 =	simm.s32 $_tile_overlayer_lowered  }
0x9b: {  	s22 =	simm.s32 $0x1BFF;
	s21 =	sshll.u32 s5, $0x1;
	s2 =	sadd.s32 s19, s18  }
0x9c: {  	s6 =	simm.s32 $0x0;
	s20 =	sshll.u32 s4, $0x1;
	s4 =	sadd.s32 s21, s2  }
0x9d: {  	[timem:s6], [sflag:s22] =	dma.local [hbm:s4], s20  }
0x9e: {  	_ =	swait.ge [sflag:s22], s20  }
0x9f: {  	s3 =	ssub.s32 $0x0, s20;
	[sflag:s22] =	ssyncset.done $0x0  }
0xa0: {  	[sflag:s22] =	ssyncadd.s32 s3;
	_ =	sdelay $0x1  }
0xa1: {  	s23 =	simm.s32 $0x1B8B  }
0xa2: {  	_ =	swait.ge [sflag:s23], $0x1  }
0xa3: {  	[sflag:s23] =	ssyncset.done $0x0  }
0xa4: {  	s25 =	simm.s32 $0x1B8E;
	s24 =	sld [smem:$0x3FFE];
	[sflag:s23] =	ssyncadd.s32 $0xFFFFFFFF  }
0xa5: {  	s26 =	simm.s32 $execute0_lowered;
	[smem:$0x3FD2] =	sst s25  }
0xa6: {  	s4 =	sshll.u32 s26, $0x1;
	_ =	strace $0x8000005B;
	[dreg:$0x1] =	wrdreg $0xFFFFFFFF  }
0xa7: {  	s28 =	simm.s32 $_size_execute0_lowered;
	s2 =	sadd.s32 s2, s4;
	[dreg:$0x0] =	wrdreg $0x0  }
0xa8: {  	s4 =	sshll.u32 s28, $0x1;
	[dreg:$0x2] =	wrdreg s2  }
0xa9: {  	[dreg:$0x3] =	wrdreg s4  }
0xaa: {  	[dreg:$0x4] =	wrdreg $0xC0  }
0xab: {  	_ =	task [dreg:s6], $0x5FFFF  }
0xac: {  	[dreg:$0x1] =	wrdreg $0xFFFFFFFF  }
0xad: {  	[dreg:$0x0] =	wrdreg $0x60  }
0xae: {  	[dreg:$0x2] =	wrdreg s24  }
0xaf: {  	[dreg:$0x3] =	wrdreg $0x90000  }
0xb0: {  	[dreg:$0x4] =	wrdreg $0x9  }
0xb1: {  	_ =	task.clear_ibuf [dreg:s6], $0x5FFFF;
	_ =	strace $0x9000005B  }
0xb2: {  	s29 =	simm.s32 $0x9;
	_ =	strace $0x8000005D  }
0xb3: {  	_ =	swait.ge [sflag:s29], $0x1  }
0xb4: {  	[sflag:s29] =	ssyncadd.s32 $0xFFFFFFFF  }
0xb5: {  	_ =	strace $0x9000005D  }
0xb6: {  	_ =	sfence  }
0xb7: {  	s30 =	sld [smem:$0x0];
	_ =	sdelay $0x2  }
0xb8: {  	s31 =	sshll.u32 s1, $0xD;
	s1 =	sshrl.u32 s1, $0x2  }
0xb9: {  	s3 =	sand.u32 $0x4000, s31;
	s1 =	sadd.s32 s1, s30  }
0xba: {  	s0 =	sor.u32 s3, s0;
	s1 =	sshll.u32 s1, $0x11  }
0xbb: {  	s0 =	sor.u32 s1, s0  }
0xbc: {  	s0 =	sadd.s32 $0x8F2B, s0  }
0xbd: {  	[sflag:s0] =	ssyncadd.remote.s32 $0x1  }
0xbe: {  	_ =	sfence.sel $0xFFFF  }
0xbf: {  	[dreg:$0x0] =	wrdreg $0xFFFFFFFF;
	(pc) =	sbr.abs _section_cstart, $3  }
0xc0: {  	[dreg:$0x1] =	wrdreg $0xFFFFFFFF  }
0xc1: {  	_ =	task.clear_ibuf [dreg:s6], $0x2FFFF;
	_ =	strace $0x9FFFFFFF  }
0xc2: {  	(tm) =	ssettm $0x7FFFFFFF  }
0xc3: {  	_ =	shalt  }
tec
execute0_lowered:
.L_overlay_start_1:
0x0: {  	(tag) =	ssettag $0x1  }
0x1: {  	s1 =	srdreg.scid;
	s23 =	stileid.u32  }
0x2: {  	s0 =	rddreg [dreg:$0x0];
	s1 =	sand.u32 $0x1, s1;
	s7 =	smul.u32 $0x500, s23  }
0x3: {  	s2 =	rddreg [dreg:$0x1];
	s13 =	sor.u32 $0x10, s23;
	s5 =	smul.u32 $0x27100, s1  }
0x4: {  	s3 =	simm.s32 $0x0;
	s14 =	sor.u32 $0x20, s23;
	s8 =	smul.u32 $0x500, s13  }
0x5: {  	s28 =	simm.s32 $0x50;
	s16 =	sor.u32 $0x30, s23;
	s10 =	smul.u32 $0x500, s14  }
0x6: {  	s29 =	simm.s32 $0x1;
	s17 =	sor.u32 $0x40, s23;
	s24 =	smul.u32 $0x500, s16  }
0x7: {  	s31 =	simm.s32 $0x4;
	s18 =	sor.u32 $0x50, s23;
	s15 =	smul.u32 $0x500, s17  }
0x8: {  	s4 =	sshll.u32 s23, $0x1;
	s19 =	sor.u32 $0x60, s23;
	s20 =	smul.u32 $0x500, s18  }
0x9: {  	[smem:$0x7FF] =	sst s3;
	s25 =	sor.u32 $0x70, s23;
	s21 =	smul.u32 $0x500, s19  }
0xa: {  	s4 =	sor.u32 s1, s4;
	s1 =	ssub.s32 $0x2, s1;
	s22 =	smul.u32 $0x500, s25  }
0xb: {  	p0 =	sgt.u32 s25, $0x7C;
	s12 =	smul.u32 $0x27100, s4;
	s6 =	sadd.s32 s5, s0  }
0xc: {  	s9 =	sshrl.u32 s1, $0x1;
	s4 =	sshll.u32 s4, $0xB;
	s11 =	sadd.s32 $0x4FC00, s6  }
0xd: {  	s1 =	ssub.s32 s1, s9;
	s6 =	sadd.s32 s11, s7;
	s26 =	sadd.s32 s11, s8  }
0xe: {  	s30 =	sadd.s32 s11, s10;
	s7 =	sadd.s32 s11, s24;
	s8 =	sadd.s32 s11, s15  }
0xf: {  	s9 =	sadd.s32 s11, s20;
	s10 =	smul.u32 $0x4E200, s23;
	s20 =	sadd.s32 s11, s21  }
0x10: {  	s11 =	sadd.s32 s11, s22;
	s22 =	smul.u32 $0xA000, s23;
	[dreg:$0x3] =	wrdreg s6  }
0x11: {  	s4 =	sadd.s32 s4, s0;
	s23 =	smul.u32 $0xA000, s13;
	[dreg:$0x4] =	wrdreg s26  }
0x12: {  	s21 =	sadd.s32 $0xEF5C00, s0;
	s24 =	smul.u32 $0xA000, s14;
	[dreg:$0x5] =	wrdreg s30  }
0x13: {  	s13 =	sadd.s32 $0x28400, s0;
	[dreg:$0x6] =	wrdreg s7;
	s26 =	smul.u32 $0xA000, s16  }
0x14: {  	s14 =	sadd.s32 $0x8400, s4;
	[dreg:$0x7] =	wrdreg s8;
	s7 =	smul.u32 $0xA000, s17  }
0x15: {  	s15 =	smax.u32 s1, $0x1;
	[dreg:$0x8] =	wrdreg s9;
	s8 =	smul.u32 $0xA000, s18  }
0x16: {  	[dreg:$0x9] =	wrdreg s20;
	s12 =	sadd.s32 s21, s12;
	s9 =	smul.u32 $0xA000, s19  }
0x17: {  	s20 =	sadd.s32 s10, s21;
	_ =	strace $0x8000005C;
	s30 =	sshrl.u32 s22, $0x2  }
0x18: {  	s6 =	sshrl.u32 s23, $0x2;
	s0 =	sshrl.u32 s24, $0x2;
	s10 =	smul.u32 $0xA000, s25  }
0x19: {  	s25 =	simm.s32 $0x4000;
	s16 =	sadd.s32 s30, s2;
	s17 =	sadd.s32 s6, s2  }
0x1a: {  	s1 =	sshrl.u32 s26, $0x2;
	s22 =	sshrl.u32 s7, $0x2;
	s5 =	sadd.s32 s5, s20  }
0x1b: {  	s18 =	sadd.s32 s0, s2;
	s24 =	sshrl.u32 s8, $0x2;
	s26 =	sshrl.u32 s9, $0x2  }
0x1c: {  	s0 =	simm.s32 $0x0;
	s19 =	sadd.s32 s1, s2;
	s20 =	sadd.s32 s22, s2  }
0x1d: {  	s30 =	sshrl.u32 s10, $0x2;
	s21 =	sadd.s32 s24, s2;
	s22 =	sadd.s32 s26, s2  }
0x1e: {  	s24 =	sadd.s32 $0x500, s5;
	s26 =	simm.s32 $0x3;
	s23 =	sadd.s32 s30, s2  }
.LBB2_1:
0x1f: {  	[tilespmem:s25], [sflag:$0x3] =	stream.linear.gather [hbm4b:s13+s3], $0x2800, $0x38;
	[tilespmem:$0x1C880] =	vst v63  }
0x20: {  	_ =	swait.ge [sflag:s26], $0x2800  }
0x21: {  	[sflag:s26] =	ssyncset.done $0x0  }
0x22: {  	[sflag:s26] =	ssyncadd.s32 $0xFFFFD800  }
0x23: {  	[spmem:s16] =	stream.linear.scatter [tilespmem:s25], [sflag:$0x3], $0x2800, $0x38;
	[tilespmem:$0x1C880] =	vst v63  }
0x24: {  	_ =	swait.ge [sflag:s26], $0x2800  }
0x25: {  	[sflag:s26] =	ssyncset.done $0x0  }
0x26: {  	[sflag:s26] =	ssyncadd.s32 $0xFFFFD800  }
0x27: {  	[spmem:s17] =	stream.linear.scatter [tilespmem:s25], [sflag:$0x3], $0x2800, $0x38;
	[tilespmem:$0x1C880] =	vst v63  }
0x28: {  	_ =	swait.ge [sflag:s26], $0x2800  }
0x29: {  	[sflag:s26] =	ssyncset.done $0x0  }
0x2a: {  	[sflag:s26] =	ssyncadd.s32 $0xFFFFD800  }
0x2b: {  	[spmem:s18] =	stream.linear.scatter [tilespmem:s25], [sflag:$0x3], $0x2800, $0x38;
	[tilespmem:$0x1C880] =	vst v63  }
0x2c: {  	_ =	swait.ge [sflag:s26], $0x2800  }
0x2d: {  	[sflag:s26] =	ssyncset.done $0x0  }
0x2e: {  	[sflag:s26] =	ssyncadd.s32 $0xFFFFD800  }
0x2f: {  	[spmem:s19] =	stream.linear.scatter [tilespmem:s25], [sflag:$0x3], $0x2800, $0x38;
	[tilespmem:$0x1C880] =	vst v63  }
0x30: {  	_ =	swait.ge [sflag:s26], $0x2800  }
0x31: {  	[sflag:s26] =	ssyncset.done $0x0  }
0x32: {  	[sflag:s26] =	ssyncadd.s32 $0xFFFFD800  }
0x33: {  	[spmem:s20] =	stream.linear.scatter [tilespmem:s25], [sflag:$0x3], $0x2800, $0x38;
	[tilespmem:$0x1C880] =	vst v63  }
0x34: {  	_ =	swait.ge [sflag:s26], $0x2800  }
0x35: {  	[sflag:s26] =	ssyncset.done $0x0  }
0x36: {  	[sflag:s26] =	ssyncadd.s32 $0xFFFFD800  }
0x37: {  	[spmem:s21] =	stream.linear.scatter [tilespmem:s25], [sflag:$0x3], $0x2800, $0x38;
	[tilespmem:$0x1C880] =	vst v63  }
0x38: {  	_ =	swait.ge [sflag:s26], $0x2800  }
0x39: {  	[sflag:s26] =	ssyncset.done $0x0  }
0x3a: {  	[sflag:s26] =	ssyncadd.s32 $0xFFFFD800  }
0x3b: {  	[spmem:s22] =	stream.linear.scatter [tilespmem:s25], [sflag:$0x3], $0x2800, $0x38;
	[tilespmem:$0x1C880] =	vst v63  }
0x3c: {  	_ =	swait.ge [sflag:s26], $0x2800  }
0x3d: {  	[sflag:s26] =	ssyncset.done $0x0  }
0x3e: {  	s1 =	simm.s32 @!p0 $0x4000;
	[sflag:s26] =	ssyncadd.s32 $0xFFFFD800  }
0x3f: {  	[spmem:s23] =	stream.linear.scatter @!p0 [tilespmem:s1], [sflag:$0x3], $0x2800, $0x38;
	[tilespmem:$0x1C880] =	vst v63  }
0x40: {  	s1 =	simm.s32 @!p0 $0x3  }
0x41: {  	_ =	swait.ge @!p0 [sflag:s1], $0x2800  }
0x42: {  	[sflag:s1] =	ssyncset.done @!p0 $0x0  }
0x43: {  	[sflag:s1] =	ssyncadd.s32 @!p0 $0xFFFFD800  }
0x44: {  	[tilespmem:s3], [sflag:$0x3] =	stream.linear.gather [hbm4b:s14+s3], $0x3E80, $0x38;
	[tilespmem:$0x1C880] =	vst v63  }
0x45: {  	_ =	swait.ge [sflag:s26], $0x3E80  }
0x46: {  	s8 =	sand.u32 $0x1, s3;
	[sflag:s26] =	ssyncset.done $0x0  }
0x47: {  	s4 =	sxor.u32 $0x1, s8;
	[sflag:s26] =	ssyncadd.s32 $0xFFFFC180  }
0x48: {  	s5 =	sadd.s32 $0x1, s8;
	s30 =	smul.u32 $0xA000, s4;
	[bflag:$0x0] =	sbarrier.arrive $0xFFFF  }
0x49: {  	[tilespmem:s25], [sflag:$0x1] =	stream.linear.gather [hbm4b:s12+s3], $0x2800, $0x38;
	[tilespmem:$0x1C880] =	vst v63  }
0x4a: {  	s10 =	simm.s32 $0x1;
	s1 =	smul.u32 $0xA000, s8;
	_ =	swait.ge [sflag:s5], $0x2800  }
0x4b: {  	s4 =	sadd.s32 $0x1, s4;
	s30 =	sshrl.u32 s30, $0x2;
	[sflag:s5] =	ssyncset.done $0x0  }
0x4c: {  	s9 =	sor.u32 $0x4000, s30;
	s1 =	sshrl.u32 s1, $0x2;
	[sflag:s5] =	ssyncadd.s32 $0xFFFFD800  }
0x4d: {  	[tilespmem:s9], [sflag:s4] =	stream.linear.gather [hbm4b:s24+s3], $0x2800, $0x38;
	[tilespmem:$0x1C880] =	vst v63  }
0x4e: {  	s30 =	simm.s32 $0x80;
	s1 =	sor.u32 $0x4000, s1;
	s5 =	simm.s32 $0x2  }
0x4f: {  	[spmem:s2] =	stream.indirect.scatter.add.f32 [tilespmem:s1], [sflag:$0x3], $0x80, s3, s28, $0xb8;
	[tilespmem:$0x1C880] =	vst v63  }
0x50: {  	s4 =	sand.u32 $0x1, s10;
	s1 =	sadd.s32 $0x500, s24;
	_ =	swait.ge [sflag:s26], $0x2800  }
.LBB2_2:
0x51: {  	s6 =	sadd.s32 $0x1, s4  }
0x52: {  	s7 =	sxor.u32 $0x1, s4;
	[sflag:s26] =	ssyncset.done $0x0;
	s8 =	smov.u32 s5  }
0x53: {  	s9 =	sadd.s32 $0x1, s5;
	s10 =	smul.u32 $0xA000, s7;
	[sflag:s26] =	ssyncadd.s32 $0xFFFFD800  }
0x54: {  	p1 =	sne.s32 s5, $0x7B;
	_ =	swait.ge [sflag:s6], $0x2800  }
0x55: {  	s4 =	smul.u32 $0xA000, s4;
	[sflag:s6] =	ssyncset.done $0x0;
	s5 =	sshrl.u32 s10, $0x2  }
0x56: {  	[sflag:s6] =	ssyncadd.s32 $0xFFFFD800;
	s5 =	sor.u32 $0x4000, s5;
	s6 =	sadd.s32 $0x1, s7  }
0x57: {  	[tilespmem:s5], [sflag:s6] =	stream.linear.gather [hbm4b:s1+s3], $0x2800, $0x38;
	[tilespmem:$0x1C880] =	vst v63  }
.Ltmp0:
0x58: {  	_ = 	snop;
	(pc) =	sbr.rel @p1 .LBB2_2-.Ltmp0, $4  }
0x59: {  	s4 =	sshrl.u32 s4, $0x2  }
0x5a: {  	s4 =	sor.u32 $0x4000, s4;
	s1 =	sadd.s32 $0x500, s1;
	s5 =	smov.u32 s9  }
0x5b: {  	[spmem:s2] =	stream.indirect.scatter.add.f32 [tilespmem:s4], [sflag:$0x3], $0x80, s30, s28, $0xb8;
	[tilespmem:$0x1C880] =	vst v63  }
0x5c: {  	s4 =	sand.u32 $0x1, s8;
	s30 =	sadd.s32 $0x80, s30;
	_ =	swait.ge [sflag:s26], $0x2800  }
0x5d: {  	[sflag:s26] =	ssyncset.done $0x0;
	s6 =	sxor.u32 $0x1, s4  }
0x5e: {  	s5 =	sadd.s32 $0x1, s4;
	[sflag:s26] =	ssyncadd.s32 $0xFFFFD800;
	s7 =	smul.u32 $0xA000, s6  }
0x5f: {  	s9 =	smul.u32 $0xA000, s4;
	_ =	swait.ge [sflag:s5], $0x2800  }
0x60: {  	s6 =	sadd.s32 $0x1, s6;
	[sflag:s5] =	ssyncset.done $0x0;
	s8 =	sshrl.u32 s7, $0x2  }
0x61: {  	s10 =	sshrl.u32 s9, $0x2;
	[sflag:s5] =	ssyncadd.s32 $0xFFFFD800;
	s5 =	sor.u32 $0x4000, s8  }
0x62: {  	[tilespmem:s5], [sflag:s6] =	stream.linear.gather [hbm4b:s1+s3], $0x2800, $0x38;
	[tilespmem:$0x1C880] =	vst v63  }
0x63: {  	s1 =	sor.u32 $0x4000, s10  }
0x64: {  	[spmem:s2] =	stream.indirect.scatter.add.f32 [tilespmem:s1], [sflag:$0x3], $0x80, s30, s28, $0xb8;
	[tilespmem:$0x1C880] =	vst v63  }
0x65: {  	_ =	swait.ge [sflag:s26], $0x2800  }
0x66: {  	[sflag:s26] =	ssyncset.done $0x0  }
0x67: {  	[sflag:s26] =	ssyncadd.s32 $0xFFFFD800  }
0x68: {  	_ =	swait.ge [sflag:s29], $0x2800  }
0x69: {  	[sflag:s29] =	ssyncset.done $0x0  }
0x6a: {  	s4 =	simm.s32 $0x3E00;
	[sflag:s29] =	ssyncadd.s32 $0xFFFFD800  }
0x6b: {  	[spmem:s2] =	stream.indirect.scatter.add.f32 [tilespmem:s25], [sflag:$0x3], $0x80, s4, s28, $0xb8;
	[tilespmem:$0x1C880] =	vst v63  }
0x6c: {  	_ =	swait.ge [sflag:s26], $0x2800  }
0x6d: {  	[sflag:s26] =	ssyncset.done $0x0  }
0x6e: {  	[sflag:s26] =	ssyncadd.s32 $0xFFFFD800  }
0x6f: {  	[bflag:$0x0] =	sbarrier.arrive $0xFFFF  }
0x70: {  	[tilespmem:s25], [sflag:$0x4] =	stream.linear.gather [spmem:s16], $0x2800, $0x38;
	[tilespmem:$0x1C880] =	vst v63  }
0x71: {  	_ =	swait.ge [sflag:s31], $0x2800  }
0x72: {  	[sflag:s31] =	ssyncset.done $0x0  }
0x73: {  	s5 =	rddreg [dreg:$0x3];
	[sflag:s31] =	ssyncadd.s32 $0xFFFFD800  }
0x74: {  	[hbm4b:s5+s3] =	stream.linear.scatter [tilespmem:s25], [sflag:$0x3], $0x2800, $0x38;
	[tilespmem:$0x1C880] =	vst v63  }
0x75: {  	_ =	swait.ge [sflag:s26], $0x2800  }
0x76: {  	[sflag:s26] =	ssyncset.done $0x0  }
0x77: {  	[sflag:s26] =	ssyncadd.s32 $0xFFFFD800  }
0x78: {  	[tilespmem:s25], [sflag:$0x4] =	stream.linear.gather [spmem:s17], $0x2800, $0x38;
	[tilespmem:$0x1C880] =	vst v63  }
0x79: {  	_ =	swait.ge [sflag:s31], $0x2800  }
0x7a: {  	[sflag:s31] =	ssyncset.done $0x0  }
0x7b: {  	s6 =	rddreg [dreg:$0x4];
	[sflag:s31] =	ssyncadd.s32 $0xFFFFD800  }
0x7c: {  	[hbm4b:s6+s3] =	stream.linear.scatter [tilespmem:s25], [sflag:$0x3], $0x2800, $0x38;
	[tilespmem:$0x1C880] =	vst v63  }
0x7d: {  	_ =	swait.ge [sflag:s26], $0x2800  }
0x7e: {  	[sflag:s26] =	ssyncset.done $0x0  }
0x7f: {  	[sflag:s26] =	ssyncadd.s32 $0xFFFFD800  }
0x80: {  	[tilespmem:s25], [sflag:$0x4] =	stream.linear.gather [spmem:s18], $0x2800, $0x38;
	[tilespmem:$0x1C880] =	vst v63  }
0x81: {  	_ =	swait.ge [sflag:s31], $0x2800  }
0x82: {  	[sflag:s31] =	ssyncset.done $0x0  }
0x83: {  	s7 =	rddreg [dreg:$0x5];
	[sflag:s31] =	ssyncadd.s32 $0xFFFFD800  }
0x84: {  	[hbm4b:s7+s3] =	stream.linear.scatter [tilespmem:s25], [sflag:$0x3], $0x2800, $0x38;
	[tilespmem:$0x1C880] =	vst v63  }
0x85: {  	_ =	swait.ge [sflag:s26], $0x2800  }
0x86: {  	[sflag:s26] =	ssyncset.done $0x0  }
0x87: {  	[sflag:s26] =	ssyncadd.s32 $0xFFFFD800  }
0x88: {  	[tilespmem:s25], [sflag:$0x4] =	stream.linear.gather [spmem:s19], $0x2800, $0x38;
	[tilespmem:$0x1C880] =	vst v63  }
0x89: {  	_ =	swait.ge [sflag:s31], $0x2800  }
0x8a: {  	[sflag:s31] =	ssyncset.done $0x0  }
0x8b: {  	s8 =	rddreg [dreg:$0x6];
	[sflag:s31] =	ssyncadd.s32 $0xFFFFD800  }
0x8c: {  	[hbm4b:s8+s3] =	stream.linear.scatter [tilespmem:s25], [sflag:$0x3], $0x2800, $0x38;
	[tilespmem:$0x1C880] =	vst v63  }
0x8d: {  	_ =	swait.ge [sflag:s26], $0x2800  }
0x8e: {  	[sflag:s26] =	ssyncset.done $0x0  }
0x8f: {  	[sflag:s26] =	ssyncadd.s32 $0xFFFFD800  }
0x90: {  	[tilespmem:s25], [sflag:$0x4] =	stream.linear.gather [spmem:s20], $0x2800, $0x38;
	[tilespmem:$0x1C880] =	vst v63  }
0x91: {  	_ =	swait.ge [sflag:s31], $0x2800  }
0x92: {  	[sflag:s31] =	ssyncset.done $0x0  }
0x93: {  	s9 =	rddreg [dreg:$0x7];
	[sflag:s31] =	ssyncadd.s32 $0xFFFFD800  }
0x94: {  	[hbm4b:s9+s3] =	stream.linear.scatter [tilespmem:s25], [sflag:$0x3], $0x2800, $0x38;
	[tilespmem:$0x1C880] =	vst v63  }
0x95: {  	_ =	swait.ge [sflag:s26], $0x2800  }
0x96: {  	[sflag:s26] =	ssyncset.done $0x0  }
0x97: {  	[sflag:s26] =	ssyncadd.s32 $0xFFFFD800  }
0x98: {  	[tilespmem:s25], [sflag:$0x4] =	stream.linear.gather [spmem:s21], $0x2800, $0x38;
	[tilespmem:$0x1C880] =	vst v63  }
0x99: {  	_ =	swait.ge [sflag:s31], $0x2800  }
0x9a: {  	[sflag:s31] =	ssyncset.done $0x0  }
0x9b: {  	s10 =	rddreg [dreg:$0x8];
	[sflag:s31] =	ssyncadd.s32 $0xFFFFD800  }
0x9c: {  	[hbm4b:s10+s3] =	stream.linear.scatter [tilespmem:s25], [sflag:$0x3], $0x2800, $0x38;
	[tilespmem:$0x1C880] =	vst v63  }
0x9d: {  	_ =	swait.ge [sflag:s26], $0x2800  }
0x9e: {  	[sflag:s26] =	ssyncset.done $0x0  }
0x9f: {  	[sflag:s26] =	ssyncadd.s32 $0xFFFFD800  }
0xa0: {  	[tilespmem:s25], [sflag:$0x4] =	stream.linear.gather [spmem:s22], $0x2800, $0x38;
	[tilespmem:$0x1C880] =	vst v63  }
0xa1: {  	_ =	swait.ge [sflag:s31], $0x2800  }
0xa2: {  	[sflag:s31] =	ssyncset.done $0x0  }
0xa3: {  	s30 =	rddreg [dreg:$0x9];
	[sflag:s31] =	ssyncadd.s32 $0xFFFFD800  }
0xa4: {  	[hbm4b:s30+s3] =	stream.linear.scatter [tilespmem:s25], [sflag:$0x3], $0x2800, $0x38;
	[tilespmem:$0x1C880] =	vst v63  }
0xa5: {  	_ =	swait.ge [sflag:s26], $0x2800  }
0xa6: {  	[sflag:s26] =	ssyncset.done $0x0  }
0xa7: {  	s1 =	simm.s32 @!p0 $0x4000;
	s4 =	simm.s32 @!p0 $0x4;
	[sflag:s26] =	ssyncadd.s32 $0xFFFFD800  }
0xa8: {  	[tilespmem:s1], [sflag:$0x4] =	stream.linear.gather @!p0 [spmem:s23], $0x2800, $0x38;
	[tilespmem:$0x1C880] =	vst v63  }
0xa9: {  	_ =	swait.ge @!p0 [sflag:s4], $0x2800  }
0xaa: {  	s0 =	sadd.s32 $0x1, s0;
	[sflag:s4] =	ssyncset.done @!p0 $0x0  }
0xab: {  	p1 =	sne.s32 s0, s15;
	[sflag:s4] =	ssyncadd.s32 @!p0 $0xFFFFD800;
	s4 =	simm.s32 @!p0 $0x0  }
0xac: {  	[hbm4b:s11+s4] =	stream.linear.scatter @!p0 [tilespmem:s1], [sflag:$0x3], $0x2800, $0x38;
	[tilespmem:$0x1C880] =	vst v63  }
.Ltmp1:
0xad: {  	_ = 	snop;
	(pc) =	sbr.rel @p1 .LBB2_1-.Ltmp1, $4  }
0xae: {  	s1 =	simm.s32 @!p0 $0x3  }
0xaf: {  	_ =	swait.ge @!p0 [sflag:s1], $0x2800  }
0xb0: {  	[sflag:s1] =	ssyncset.done @!p0 $0x0  }
0xb1: {  	[sflag:s1] =	ssyncadd.s32 @!p0 $0xFFFFD800  }
0xb2: {  	_ =	sfence.sel $0x180000  }
0xb3: {  	[bflag:$0x0] =	sbarrier.arrive $0xFFFF  }
0xb4: {  	_ =	strace $0x9000005C  }
0xb5: {  	s0 =	stileid.u32;
	[bflag:$0x2] =	sbarrier.arrive $0xFFFF  }
0xb6: {  	p0 =	sne.s32 s0, $0x0;
	s0 =	rddreg [dreg:$0x2]  }
0xb7: {  	s0 =	sadd.s32 @!p0 $0x100000, s0  }
0xb8: {  	[sflag:s0] =	ssyncadd.tile.s32 @!p0 $0x1;
	_ =	shalt  }
.Lfunc_end2:
_tile_overlayer_lowered:
.L_overlay_start_2:
0xb9: {  	(tag) =	ssettag $0x2  }
0xba: {  	s0 =	rddreg [dreg:$0x0];
	s2 =	stileid.u32  }
0xbb: {  	s1 =	rddreg [dreg:$0x1];
	p0 =	sne.s32 s2, $0x0  }
0xbc: {  	s3 =	rddreg [dreg:$0x2];
	[bflag:$0x3] =	sbarrier.arrive $0xFFFF;
	s2 =	simm.s32 @!p0 $0x1C03  }
0xbd: {  	[timem:s3], [sflag:s2] =	dma.local @!p0 [hbm:s0], s1  }
0xbe: {  	s0 =	simm.s32 @!p0 $0x3  }
0xbf: {  	_ =	swait.ge @!p0 [sflag:s0], s1  }
0xc0: {  	s1 =	ssub.s32 @!p0 $0x0, s1;
	[sflag:s0] =	ssyncset.done @!p0 $0x0  }
0xc1: {  	[sflag:s0] =	ssyncadd.s32 @!p0 s1  }
0xc2: {  	[bflag:$0x3] =	sbarrier.arrive $0xFFFF  }
0xc3: {  	_ =	shalt  }

</sc_bundles>
